<compile_context>
chip_gen: v7x
topology: tpu7x:2x2x1
jax: 0.10.2.dev20260603
libtpu: 0.0.44.dev20260713+nightly
codegen_flags: <defaults>
</compile_context>

<pallas_src>
import functools

import jax
import jax.numpy as jnp
from jax import lax
from jax.experimental import pallas as pl
from jax.experimental.pallas import tpu as pltpu
from jax.experimental.pallas import tpu_sc as plsc

NC = 2
NS = 16
NW = NC * NS
LANES = 16

F32 = jnp.float32



def _sc_edge_scatter(n_nodes, n_edges, d, chunk, has_edge_term):
    ept = n_edges // NW
    n_chunks = ept // chunk
    assert ept % chunk == 0 and chunk % 8 == 0 and chunk <= 128
    rpt = (n_nodes // NS) // 8 * 8
    extra = n_nodes - NS * rpt
    vecs = d // LANES

    mesh = plsc.VectorSubcoreMesh(
        core_axis_name="c", subcore_axis_name="s",
        num_cores=NC, num_subcores=NS)

    def body(*refs):
        if has_edge_term:
            (x_hbm, e_hbm, src_hbm, dst_hbm, out_hbm,
             acc, src_v, dst_v, xg, ev, msg, sem) = refs
        else:
            (x_hbm, src_hbm, dst_hbm, out_hbm,
             acc, src_v, dst_v, xg, msg, sem) = refs
            ev = None
        cid = lax.axis_index("c")
        sid = lax.axis_index("s")
        wid = cid * NS + sid

        def zero_row(i, _):
            for j in range(vecs):
                msg[i, pl.ds(j * LANES, LANES)] = jnp.zeros((LANES,), F32)
            return 0
        lax.fori_loop(0, chunk, zero_row, 0)
        zbase = sid * rpt
        full, rem = divmod(rpt, chunk)
        for t in range(full):
            pltpu.sync_copy(msg.at[pl.ds(0, chunk)],
                            acc.at[pl.ds(zbase + t * chunk, chunk)])
        if rem:
            pltpu.sync_copy(msg.at[pl.ds(0, rem)],
                            acc.at[pl.ds(zbase + full * chunk, rem)])
        if extra:
            @pl.when(sid == NS - 1)
            def _():
                pltpu.sync_copy(msg.at[pl.ds(0, extra)],
                                acc.at[pl.ds(NS * rpt, extra)])
        plsc.subcore_barrier()

        def chunk_body(g, _):
            ebase = wid * ept + g * chunk
            pltpu.sync_copy(src_hbm.at[pl.ds(ebase, chunk)], src_v)
            pltpu.sync_copy(dst_hbm.at[pl.ds(ebase, chunk)], dst_v)
            pltpu.async_copy(x_hbm.at[src_v], xg, sem).wait()
            if ev is not None:
                pltpu.sync_copy(e_hbm.at[pl.ds(ebase, chunk)], ev)

            def row_body(i, _):
                for j in range(vecs):
                    s = pl.ds(j * LANES, LANES)
                    m = xg[i, s] if ev is None else xg[i, s] + ev[i, s]
                    msg[i, s] = jnp.maximum(m, 0.0)
                return 0
            lax.fori_loop(0, chunk, row_body, 0)
            pltpu.sync_copy(msg, acc.at[dst_v], add=True)
            return 0
        lax.fori_loop(0, n_chunks, chunk_body, 0)

        plsc.subcore_barrier()
        pltpu.sync_copy(acc.at[pl.ds(sid * rpt, rpt)],
                        out_hbm.at[cid, pl.ds(sid * rpt, rpt)])
        if extra:
            @pl.when(sid == NS - 1)
            def _():
                pltpu.sync_copy(acc.at[pl.ds(NS * rpt, extra)],
                                out_hbm.at[cid, pl.ds(NS * rpt, extra)])

    scratch = [
        pltpu.VMEM_SHARED((n_nodes, d), F32),
        pltpu.VMEM((chunk,), jnp.int32),
        pltpu.VMEM((chunk,), jnp.int32),
        pltpu.VMEM((chunk, d), F32),
    ]
    if has_edge_term:
        scratch.append(pltpu.VMEM((chunk, d), F32))
    scratch += [
        pltpu.VMEM((chunk, d), F32),
        pltpu.SemaphoreType.DMA,
    ]

    return pl.kernel(
        body,
        out_type=jax.ShapeDtypeStruct((NC, n_nodes, d), F32),
        mesh=mesh,
        scratch_types=scratch,
    )



def _edge_encode(edge_attr, We):
    la, de, d = We.shape
    e_total = edge_attr.shape[0]
    blk = 4000
    nblk = e_total // blk

    def body(ea_ref, we_ref, out_ref):
        out_ref[0] = jnp.dot(ea_ref[...], we_ref[0],
                             preferred_element_type=F32)

    return pl.pallas_call(
        body,
        grid=(la, nblk),
        in_specs=[
            pl.BlockSpec((blk, de), lambda l, i: (i, 0)),
            pl.BlockSpec((1, de, d), lambda l, i: (l, 0, 0)),
        ],
        out_specs=pl.BlockSpec((1, blk, d), lambda l, i: (l, i, 0)),
        out_shape=jax.ShapeDtypeStruct((la, e_total, d), F32),
    )(edge_attr, We)



def _mlp(x, pA, pB, W1, b1, W2, b2, relu_out, blk):
    n, d = x.shape
    nblk = n // blk

    def body(x_ref, pa_ref, pb_ref, w1_ref, b1_ref, w2_ref, b2_ref, out_ref):
        t = x_ref[...] + pa_ref[...] + pb_ref[...]
        h = jnp.maximum(jnp.dot(t, w1_ref[...], preferred_element_type=F32)
                        + b1_ref[...], 0.0)
        y = jnp.dot(h, w2_ref[...], preferred_element_type=F32) + b2_ref[...]
        if relu_out:
            y = jnp.maximum(y, 0.0)
        out_ref[...] = y

    row = lambda i: (i, 0)
    fixed = lambda i: (0, 0)
    return pl.pallas_call(
        body,
        grid=(nblk,),
        in_specs=[
            pl.BlockSpec((blk, d), row),
            pl.BlockSpec((blk, d), row),
            pl.BlockSpec((blk, d), row),
            pl.BlockSpec(W1.shape, fixed),
            pl.BlockSpec(b1.shape, fixed),
            pl.BlockSpec(W2.shape, fixed),
            pl.BlockSpec(b2.shape, fixed),
        ],
        out_specs=pl.BlockSpec((blk, d), row),
        out_shape=jax.ShapeDtypeStruct((n, d), F32),
    )(x, pA, pB, W1, b1, W2, b2)


def _mlp_pool(x, pA, pB, W1, b1, W2, b2, seg2d, nseg, blk):
    n, d = x.shape
    nblk = n // blk

    def body(x_ref, pa_ref, pb_ref, w1_ref, b1_ref, w2_ref, b2_ref,
             seg_ref, out_ref):
        i = pl.program_id(0)
        t = x_ref[...] + pa_ref[...] + pb_ref[...]
        h = jnp.maximum(jnp.dot(t, w1_ref[...], preferred_element_type=F32)
                        + b1_ref[...], 0.0)
        y = jnp.dot(h, w2_ref[...], preferred_element_type=F32) + b2_ref[...]
        seg = seg_ref[0, 0, :]
        rows = lax.broadcasted_iota(jnp.int32, (nseg, blk), 0)
        P = (rows == seg[None, :]).astype(F32)
        aug = jnp.concatenate([y, jnp.ones((blk, d), F32)], axis=1)
        contrib = jnp.dot(P, aug, preferred_element_type=F32)

        @pl.when(i == 0)
        def _():
            out_ref[...] = jnp.zeros_like(out_ref)
        out_ref[...] += contrib

    row = lambda i: (i, 0)
    fixed = lambda i: (0, 0)
    return pl.pallas_call(
        body,
        grid=(nblk,),
        in_specs=[
            pl.BlockSpec((blk, d), row),
            pl.BlockSpec((blk, d), row),
            pl.BlockSpec((blk, d), row),
            pl.BlockSpec(W1.shape, fixed),
            pl.BlockSpec(b1.shape, fixed),
            pl.BlockSpec(W2.shape, fixed),
            pl.BlockSpec(b2.shape, fixed),
            pl.BlockSpec((1, 1, blk), lambda i: (i, 0, 0)),
        ],
        out_specs=pl.BlockSpec((nseg, 2 * d), fixed),
        out_shape=jax.ShapeDtypeStruct((nseg, 2 * d), F32),
    )(x, pA, pB, W1, b1, W2, b2, seg2d)


def _finalize(pa, pf, d):
    nseg = pa.shape[0]

    def body(pa_ref, pf_ref, out_ref):
        out_ref[:, :d] = pa_ref[:, :d] / jnp.maximum(pa_ref[:, d:], 1.0)
        out_ref[:, d:] = pf_ref[:, :d] / jnp.maximum(pf_ref[:, d:], 1.0)

    return pl.pallas_call(
        body,
        out_shape=jax.ShapeDtypeStruct((nseg, 2 * d), F32),
    )(pa, pf)



def kernel(atom_node_attribute, atom_edge, atom_edge_attribute, atom_batch,
           frag_node_attribute, frag_edge, node_batch,
           atom_We, atom_W1, atom_b1, atom_W2, atom_b2,
           frag_W1, frag_b1, frag_W2, frag_b2):
    n_atom, d = atom_node_attribute.shape
    e_atom = atom_edge.shape[1]
    n_frag = frag_node_attribute.shape[0]
    e_frag = frag_edge.shape[1]
    la = atom_We.shape[0]
    lf = frag_W1.shape[0]
    nseg = 512

    e_all = _edge_encode(atom_edge_attribute, atom_We)

    a_src, a_dst = atom_edge[0], atom_edge[1]
    f_src, f_dst = frag_edge[0], frag_edge[1]

    atom_scatter = _sc_edge_scatter(n_atom, e_atom, d, chunk=80,
                                    has_edge_term=True)
    frag_scatter = _sc_edge_scatter(n_frag, e_frag, d, chunk=128,
                                    has_edge_term=False)

    atom_blk = 1000
    frag_blk = 1024
    atom_seg2d = atom_batch.reshape(n_atom // atom_blk, 1, atom_blk)
    frag_seg2d = node_batch.reshape(n_frag // frag_blk, 1, frag_blk)

    x = atom_node_attribute
    for l in range(la):
        partials = atom_scatter(x, e_all[l], a_src, a_dst)
        w1, b1 = atom_W1[l], atom_b1[l].reshape(1, -1)
        w2, b2 = atom_W2[l], atom_b2[l].reshape(1, -1)
        if l < la - 1:
            x = _mlp(x, partials[0], partials[1], w1, b1, w2, b2,
                     relu_out=True, blk=atom_blk)
        else:
            pa = _mlp_pool(x, partials[0], partials[1], w1, b1, w2, b2,
                           atom_seg2d, nseg, blk=atom_blk)

    y = frag_node_attribute
    for l in range(lf):
        partials = frag_scatter(y, f_src, f_dst)
        w1, b1 = frag_W1[l], frag_b1[l].reshape(1, -1)
        w2, b2 = frag_W2[l], frag_b2[l].reshape(1, -1)
        if l < lf - 1:
            y = _mlp(y, partials[0], partials[1], w1, b1, w2, b2,
                     relu_out=True, blk=frag_blk)
        else:
            pf = _mlp_pool(y, partials[0], partials[1], w1, b1, w2, b2,
                           frag_seg2d, nseg, blk=frag_blk)

    return _finalize(pa, pf, d)

# --- scband reference (transcript-rebuilt; emitter-appended) ---
"""Pipeline reference for scband-graph-fpfeature-extractor-1503238553660 (READ-ONLY COPY).

The authoritative reference and input builder live on the scoring server;
editing this copy changes nothing except your own understanding.
"""

import jax, jax.numpy as jnp
import numpy as np

N_ATOM = 10000
E_ATOM = 320000
N_FRAG = 4096
E_FRAG = 8192
D = 128
DE = 16
B = 512
LA = 3
LF = 2


def setup_inputs(seed: int = 0) -> dict:
    key = jax.random.key(seed)
    ks = jax.random.split(key, 16)
    inp = {}
    inp["atom_node_attribute"] = jax.random.normal(ks[0], (N_ATOM, D), dtype=jnp.float32)
    inp["atom_edge"] = jax.random.randint(ks[1], (2, E_ATOM), 0, N_ATOM, dtype=jnp.int32)
    inp["atom_edge_attribute"] = jax.random.normal(ks[2], (E_ATOM, DE), dtype=jnp.float32)
    inp["atom_batch"] = jnp.sort(jax.random.randint(ks[3], (N_ATOM,), 0, B, dtype=jnp.int32))
    inp["frag_node_attribute"] = jax.random.normal(ks[4], (N_FRAG, D), dtype=jnp.float32)
    inp["frag_edge"] = jax.random.randint(ks[5], (2, E_FRAG), 0, N_FRAG, dtype=jnp.int32)
    inp["node_batch"] = jnp.sort(jax.random.randint(ks[6], (N_FRAG,), 0, B, dtype=jnp.int32))
    # Learned parameters (stacked per layer), GIN-style MLPs + edge encoders
    inp["atom_We"] = jax.random.normal(ks[7], (LA, DE, D), dtype=jnp.float32) * 0.05
    inp["atom_W1"] = jax.random.normal(ks[8], (LA, D, 2 * D), dtype=jnp.float32) * 0.05
    inp["atom_b1"] = jnp.zeros((LA, 2 * D), dtype=jnp.float32)
    inp["atom_W2"] = jax.random.normal(ks[9], (LA, 2 * D, D), dtype=jnp.float32) * 0.05
    inp["atom_b2"] = jnp.zeros((LA, D), dtype=jnp.float32)
    inp["frag_W1"] = jax.random.normal(ks[10], (LF, D, 2 * D), dtype=jnp.float32) * 0.05
    inp["frag_b1"] = jnp.zeros((LF, 2 * D), dtype=jnp.float32)
    inp["frag_W2"] = jax.random.normal(ks[11], (LF, 2 * D, D), dtype=jnp.float32) * 0.05
    inp["frag_b2"] = jnp.zeros((LF, D), dtype=jnp.float32)
    return inp


def _atom_gin(x, edge, edge_attr, We, W1, b1, W2, b2):
    src = edge[0]
    dst = edge[1]
    for l in range(LA):
        msg = jax.nn.relu(x[src] + edge_attr @ We[l])
        agg = jax.ops.segment_sum(msg, dst, num_segments=N_ATOM)
        h = jax.nn.relu((x + agg) @ W1[l] + b1[l])
        x = h @ W2[l] + b2[l]
        if l < LA - 1:
            x = jax.nn.relu(x)
    return x


def _frag_gin(y, edge, W1, b1, W2, b2):
    src = edge[0]
    dst = edge[1]
    for l in range(LF):
        msg = jax.nn.relu(y[src])
        agg = jax.ops.segment_sum(msg, dst, num_segments=N_FRAG)
        h = jax.nn.relu((y + agg) @ W1[l] + b1[l])
        y = h @ W2[l] + b2[l]
        if l < LF - 1:
            y = jax.nn.relu(y)
    return y


def _mean_pool(x, seg, nseg):
    s = jax.ops.segment_sum(x, seg, num_segments=nseg)
    cnt = jax.ops.segment_sum(jnp.ones((x.shape[0],), dtype=x.dtype), seg, num_segments=nseg)
    return s / jnp.clip(cnt, 1.0)[:, None]


def reference(atom_node_attribute, atom_edge, atom_edge_attribute, atom_batch,
              frag_node_attribute, frag_edge, node_batch,
              atom_We, atom_W1, atom_b1, atom_W2, atom_b2,
              frag_W1, frag_b1, frag_W2, frag_b2):
    atom_emb = _atom_gin(atom_node_attribute, atom_edge, atom_edge_attribute,
                         atom_We, atom_W1, atom_b1, atom_W2, atom_b2)
    frag_emb = _frag_gin(frag_node_attribute, frag_edge, frag_W1, frag_b1, frag_W2, frag_b2)
    atom_pool = _mean_pool(atom_emb, atom_batch, B)
    frag_pool = _mean_pool(frag_emb, node_batch, B)
    return jnp.concatenate([atom_pool, frag_pool], axis=-1)

if __name__ == "__main__":
    import jax
    _d = setup_inputs()
    print(jax.jit(kernel)(*tuple(_d.values())))

</pallas_src>

<mosaic_0001>
#map = affine_map<(d0, d1) -> (0, 0)>
#map1 = affine_map<(d0, d1) -> (0)>
#map2 = affine_map<(d0, d1) -> (0, 0, 0)>
module attributes {stable_mosaic.version = 14 : i64} {
  func.func @body(%arg0: i32, %arg1: i32, %arg2: memref<4096x128xf32, #tpu.memory_space<hbm>>, %arg3: memref<8192xi32, #tpu.memory_space<hbm>>, %arg4: memref<8192xi32, #tpu.memory_space<hbm>>, %arg5: memref<2x4096x128xf32, #tpu.memory_space<hbm>>, %arg6: memref<4096x128xf32, #tpu.memory_space<vmem_shared>>, %arg7: memref<128xi32, #tpu.memory_space<vmem>>, %arg8: memref<128xi32, #tpu.memory_space<vmem>>, %arg9: memref<128x128xf32, #tpu.memory_space<vmem>>, %arg10: memref<128x128xf32, #tpu.memory_space<vmem>>, %arg11: memref<!tpu.dma_semaphore, #tpu.memory_space<semaphore_mem>>) attributes {dimension_semantics = [#tpu.dimension_semantics<core_parallel>, #tpu.dimension_semantics<subcore_parallel>], iteration_bounds = array<i64: 2, 16>, scalar_prefetch = 0 : i64, scratch_operands = 6 : i64, tpu.core_type = #tpu.core_type<sc_vector_subcore>, window_params = [{transform_indices = #map}, {transform_indices = #map1}, {transform_indices = #map1}, {transform_indices = #map2}]} {
    %mul3A = arith.constant 16 : i32
    %mul3A_0 = arith.muli %arg0, %mul3A : i32
    %add3A = arith.addi %mul3A_0, %arg1 : i32
    %scan3A = arith.constant 0 : i32
    %scan3A_1 = arith.constant 0 : i32
    %scan3A_2 = arith.constant 128 : i32
    %scan3A_3 = arith.addi %scan3A_1, %scan3A_2 : i32
    %scan3A_4 = arith.constant 1 : i32
    %scan3A_5 = scf.for %scan3A_25 = %scan3A_1 to %scan3A_3 step %scan3A_4 iter_args(%scan3A_26 = %scan3A) -> (i32)  : i32 {
      %broadcast_in_dim3A = arith.constant 0.000000e+00 : f32
      %broadcast_in_dim3A_27 = vector.broadcast %broadcast_in_dim3A : f32 to vector<16xf32>
      %swap3A = arith.index_cast %scan3A_25 : i32 to index
      %swap3A_28 = arith.constant 0 : index
      %swap3A_29 = tpu.vector_load %arg10[%swap3A, %swap3A_28] {strides = array<i32>} : memref<128x128xf32, #tpu.memory_space<vmem>>, vector<1x16xf32>,
      %swap3A_30 = vector.shape_cast %swap3A_29 : vector<1x16xf32> to vector<16xf32>
      %swap3A_31 = vector.shape_cast %broadcast_in_dim3A_27 : vector<16xf32> to vector<1x16xf32>
      tpu.vector_store %arg10[%swap3A, %swap3A_28], %swap3A_31 {strides = array<i32>} : memref<128x128xf32, #tpu.memory_space<vmem>>, vector<1x16xf32>,
      %broadcast_in_dim3A_32 = arith.constant 0.000000e+00 : f32
      %broadcast_in_dim3A_33 = vector.broadcast %broadcast_in_dim3A_32 : f32 to vector<16xf32>
      %swap3A_34 = arith.index_cast %scan3A_25 : i32 to index
      %swap3A_35 = arith.constant 16 : index
      %swap3A_36 = tpu.vector_load %arg10[%swap3A_34, %swap3A_35] {strides = array<i32>} : memref<128x128xf32, #tpu.memory_space<vmem>>, vector<1x16xf32>,
      %swap3A_37 = vector.shape_cast %swap3A_36 : vector<1x16xf32> to vector<16xf32>
      %swap3A_38 = vector.shape_cast %broadcast_in_dim3A_33 : vector<16xf32> to vector<1x16xf32>
      tpu.vector_store %arg10[%swap3A_34, %swap3A_35], %swap3A_38 {strides = array<i32>} : memref<128x128xf32, #tpu.memory_space<vmem>>, vector<1x16xf32>,
      %broadcast_in_dim3A_39 = arith.constant 0.000000e+00 : f32
      %broadcast_in_dim3A_40 = vector.broadcast %broadcast_in_dim3A_39 : f32 to vector<16xf32>
      %swap3A_41 = arith.index_cast %scan3A_25 : i32 to index
      %swap3A_42 = arith.constant 32 : index
      %swap3A_43 = tpu.vector_load %arg10[%swap3A_41, %swap3A_42] {strides = array<i32>} : memref<128x128xf32, #tpu.memory_space<vmem>>, vector<1x16xf32>,
      %swap3A_44 = vector.shape_cast %swap3A_43 : vector<1x16xf32> to vector<16xf32>
      %swap3A_45 = vector.shape_cast %broadcast_in_dim3A_40 : vector<16xf32> to vector<1x16xf32>
      tpu.vector_store %arg10[%swap3A_41, %swap3A_42], %swap3A_45 {strides = array<i32>} : memref<128x128xf32, #tpu.memory_space<vmem>>, vector<1x16xf32>,
      %broadcast_in_dim3A_46 = arith.constant 0.000000e+00 : f32
      %broadcast_in_dim3A_47 = vector.broadcast %broadcast_in_dim3A_46 : f32 to vector<16xf32>
      %swap3A_48 = arith.index_cast %scan3A_25 : i32 to index
      %swap3A_49 = arith.constant 48 : index
      %swap3A_50 = tpu.vector_load %arg10[%swap3A_48, %swap3A_49] {strides = array<i32>} : memref<128x128xf32, #tpu.memory_space<vmem>>, vector<1x16xf32>,
      %swap3A_51 = vector.shape_cast %swap3A_50 : vector<1x16xf32> to vector<16xf32>
      %swap3A_52 = vector.shape_cast %broadcast_in_dim3A_47 : vector<16xf32> to vector<1x16xf32>
      tpu.vector_store %arg10[%swap3A_48, %swap3A_49], %swap3A_52 {strides = array<i32>} : memref<128x128xf32, #tpu.memory_space<vmem>>, vector<1x16xf32>,
      %broadcast_in_dim3A_53 = arith.constant 0.000000e+00 : f32
      %broadcast_in_dim3A_54 = vector.broadcast %broadcast_in_dim3A_53 : f32 to vector<16xf32>
      %swap3A_55 = arith.index_cast %scan3A_25 : i32 to index
      %swap3A_56 = arith.constant 64 : index
      %swap3A_57 = tpu.vector_load %arg10[%swap3A_55, %swap3A_56] {strides = array<i32>} : memref<128x128xf32, #tpu.memory_space<vmem>>, vector<1x16xf32>,
      %swap3A_58 = vector.shape_cast %swap3A_57 : vector<1x16xf32> to vector<16xf32>
      %swap3A_59 = vector.shape_cast %broadcast_in_dim3A_54 : vector<16xf32> to vector<1x16xf32>
      tpu.vector_store %arg10[%swap3A_55, %swap3A_56], %swap3A_59 {strides = array<i32>} : memref<128x128xf32, #tpu.memory_space<vmem>>, vector<1x16xf32>,
      %broadcast_in_dim3A_60 = arith.constant 0.000000e+00 : f32
      %broadcast_in_dim3A_61 = vector.broadcast %broadcast_in_dim3A_60 : f32 to vector<16xf32>
      %swap3A_62 = arith.index_cast %scan3A_25 : i32 to index
      %swap3A_63 = arith.constant 80 : index
      %swap3A_64 = tpu.vector_load %arg10[%swap3A_62, %swap3A_63] {strides = array<i32>} : memref<128x128xf32, #tpu.memory_space<vmem>>, vector<1x16xf32>,
      %swap3A_65 = vector.shape_cast %swap3A_64 : vector<1x16xf32> to vector<16xf32>
      %swap3A_66 = vector.shape_cast %broadcast_in_dim3A_61 : vector<16xf32> to vector<1x16xf32>
      tpu.vector_store %arg10[%swap3A_62, %swap3A_63], %swap3A_66 {strides = array<i32>} : memref<128x128xf32, #tpu.memory_space<vmem>>, vector<1x16xf32>,
      %broadcast_in_dim3A_67 = arith.constant 0.000000e+00 : f32
      %broadcast_in_dim3A_68 = vector.broadcast %broadcast_in_dim3A_67 : f32 to vector<16xf32>
      %swap3A_69 = arith.index_cast %scan3A_25 : i32 to index
      %swap3A_70 = arith.constant 96 : index
      %swap3A_71 = tpu.vector_load %arg10[%swap3A_69, %swap3A_70] {strides = array<i32>} : memref<128x128xf32, #tpu.memory_space<vmem>>, vector<1x16xf32>,
      %swap3A_72 = vector.shape_cast %swap3A_71 : vector<1x16xf32> to vector<16xf32>
      %swap3A_73 = vector.shape_cast %broadcast_in_dim3A_68 : vector<16xf32> to vector<1x16xf32>
      tpu.vector_store %arg10[%swap3A_69, %swap3A_70], %swap3A_73 {strides = array<i32>} : memref<128x128xf32, #tpu.memory_space<vmem>>, vector<1x16xf32>,
      %broadcast_in_dim3A_74 = arith.constant 0.000000e+00 : f32
      %broadcast_in_dim3A_75 = vector.broadcast %broadcast_in_dim3A_74 : f32 to vector<16xf32>
      %swap3A_76 = arith.index_cast %scan3A_25 : i32 to index
      %swap3A_77 = arith.constant 112 : index
      %swap3A_78 = tpu.vector_load %arg10[%swap3A_76, %swap3A_77] {strides = array<i32>} : memref<128x128xf32, #tpu.memory_space<vmem>>, vector<1x16xf32>,
      %swap3A_79 = vector.shape_cast %swap3A_78 : vector<1x16xf32> to vector<16xf32>
      %swap3A_80 = vector.shape_cast %broadcast_in_dim3A_75 : vector<16xf32> to vector<1x16xf32>
      tpu.vector_store %arg10[%swap3A_76, %swap3A_77], %swap3A_80 {strides = array<i32>} : memref<128x128xf32, #tpu.memory_space<vmem>>, vector<1x16xf32>,
      %scan3A_81 = arith.constant 0 : i32
      scf.yield %scan3A_81 : i32
    }
    %scan3A_6 = arith.constant 128 : i32
    %mul3A_7 = arith.constant 256 : i32
    %mul3A_8 = arith.muli %arg1, %mul3A_7 : i32
    %add3A_9 = arith.constant 0 : i32
    %add3A_10 = arith.addi %mul3A_8, %add3A_9 : i32
    "tpu.region"() ({
      %run_scoped3A = tpu.sem_alloc : memref<!tpu.dma_semaphore, #tpu.memory_space<semaphore_mem>>
      %dma_start3A = arith.constant 0 : i32
      %dma_start3A_25 = arith.constant 0 : i32
      %dma_start3A_26 = tpu.memref_slice %arg10[%dma_start3A, %dma_start3A_25] : memref<128x128xf32, #tpu.memory_space<vmem>> -> memref<128x128xf32, #tpu.memory_space<vmem>>
      %dma_start3A_27 = arith.constant 0 : i32
      %dma_start3A_28 = tpu.memref_slice %arg6[%add3A_10, %dma_start3A_27] : memref<4096x128xf32, #tpu.memory_space<vmem_shared>> -> memref<128x128xf32, #tpu.memory_space<vmem_shared>>
      %dma_start3A_29 = arith.constant 0 : i32
      %dma_start3A_30 = tpu.memref_slice %arg6[%add3A_10, %dma_start3A_29] : memref<4096x128xf32, #tpu.memory_space<vmem_shared>> -> memref<128x128xf32, #tpu.memory_space<vmem_shared>>
      %dma_start3A_31 = arith.constant 0 : i32
      %dma_start3A_32 = arith.constant 0 : i32
      %dma_start3A_33 = tpu.memref_slice %arg10[%dma_start3A_31, %dma_start3A_32] : memref<128x128xf32, #tpu.memory_space<vmem>> -> memref<128x128xf32, #tpu.memory_space<vmem>>
      tpu.enqueue_dma source(%dma_start3A_33 : memref<128x128xf32, #tpu.memory_space<vmem>>) target(%dma_start3A_30 : memref<128x128xf32, #tpu.memory_space<vmem_shared>>) target_semaphore(%run_scoped3A : memref<!tpu.dma_semaphore, #tpu.memory_space<semaphore_mem>>)
      %dma_wait3A = arith.constant 0 : i32
      %dma_wait3A_34 = arith.constant 0 : i32
      %dma_wait3A_35 = tpu.memref_slice %arg10[%dma_wait3A, %dma_wait3A_34] : memref<128x128xf32, #tpu.memory_space<vmem>> -> memref<128x128xf32, #tpu.memory_space<vmem>>
      %dma_wait3A_36 = arith.constant 0 : i32
      %dma_wait3A_37 = tpu.memref_slice %arg6[%add3A_10, %dma_wait3A_36] : memref<4096x128xf32, #tpu.memory_space<vmem_shared>> -> memref<128x128xf32, #tpu.memory_space<vmem_shared>>
      %dma_wait3A_38 = arith.constant 0 : i32
      %dma_wait3A_39 = tpu.memref_slice %arg6[%add3A_10, %dma_wait3A_38] : memref<4096x128xf32, #tpu.memory_space<vmem_shared>> -> memref<128x128xf32, #tpu.memory_space<vmem_shared>>
      %dma_wait3A_40 = arith.constant 0 : i32
      %dma_wait3A_41 = arith.constant 0 : i32
      %dma_wait3A_42 = tpu.memref_slice %arg10[%dma_wait3A_40, %dma_wait3A_41] : memref<128x128xf32, #tpu.memory_space<vmem>> -> memref<128x128xf32, #tpu.memory_space<vmem>>
      tpu.wait_dma2 semaphore(%run_scoped3A : memref<!tpu.dma_semaphore, #tpu.memory_space<semaphore_mem>>) src(%dma_wait3A_42 : memref<128x128xf32, #tpu.memory_space<vmem>>) dst(%dma_wait3A_39 : memref<128x128xf32, #tpu.memory_space<vmem_shared>>)
      tpu.yield
    }) : () -> ()
    %add3A_11 = arith.constant 128 : i32
    %add3A_12 = arith.addi %mul3A_8, %add3A_11 : i32
    "tpu.region"() ({
      %run_scoped3A = tpu.sem_alloc : memref<!tpu.dma_semaphore, #tpu.memory_space<semaphore_mem>>
      %dma_start3A = arith.constant 0 : i32
      %dma_start3A_25 = arith.constant 0 : i32
      %dma_start3A_26 = tpu.memref_slice %arg10[%dma_start3A, %dma_start3A_25] : memref<128x128xf32, #tpu.memory_space<vmem>> -> memref<128x128xf32, #tpu.memory_space<vmem>>
      %dma_start3A_27 = arith.constant 0 : i32
      %dma_start3A_28 = tpu.memref_slice %arg6[%add3A_12, %dma_start3A_27] : memref<4096x128xf32, #tpu.memory_space<vmem_shared>> -> memref<128x128xf32, #tpu.memory_space<vmem_shared>>
      %dma_start3A_29 = arith.constant 0 : i32
      %dma_start3A_30 = tpu.memref_slice %arg6[%add3A_12, %dma_start3A_29] : memref<4096x128xf32, #tpu.memory_space<vmem_shared>> -> memref<128x128xf32, #tpu.memory_space<vmem_shared>>
      %dma_start3A_31 = arith.constant 0 : i32
      %dma_start3A_32 = arith.constant 0 : i32
      %dma_start3A_33 = tpu.memref_slice %arg10[%dma_start3A_31, %dma_start3A_32] : memref<128x128xf32, #tpu.memory_space<vmem>> -> memref<128x128xf32, #tpu.memory_space<vmem>>
      tpu.enqueue_dma source(%dma_start3A_33 : memref<128x128xf32, #tpu.memory_space<vmem>>) target(%dma_start3A_30 : memref<128x128xf32, #tpu.memory_space<vmem_shared>>) target_semaphore(%run_scoped3A : memref<!tpu.dma_semaphore, #tpu.memory_space<semaphore_mem>>)
      %dma_wait3A = arith.constant 0 : i32
      %dma_wait3A_34 = arith.constant 0 : i32
      %dma_wait3A_35 = tpu.memref_slice %arg10[%dma_wait3A, %dma_wait3A_34] : memref<128x128xf32, #tpu.memory_space<vmem>> -> memref<128x128xf32, #tpu.memory_space<vmem>>
      %dma_wait3A_36 = arith.constant 0 : i32
      %dma_wait3A_37 = tpu.memref_slice %arg6[%add3A_12, %dma_wait3A_36] : memref<4096x128xf32, #tpu.memory_space<vmem_shared>> -> memref<128x128xf32, #tpu.memory_space<vmem_shared>>
      %dma_wait3A_38 = arith.constant 0 : i32
      %dma_wait3A_39 = tpu.memref_slice %arg6[%add3A_12, %dma_wait3A_38] : memref<4096x128xf32, #tpu.memory_space<vmem_shared>> -> memref<128x128xf32, #tpu.memory_space<vmem_shared>>
      %dma_wait3A_40 = arith.constant 0 : i32
      %dma_wait3A_41 = arith.constant 0 : i32
      %dma_wait3A_42 = tpu.memref_slice %arg10[%dma_wait3A_40, %dma_wait3A_41] : memref<128x128xf32, #tpu.memory_space<vmem>> -> memref<128x128xf32, #tpu.memory_space<vmem>>
      tpu.wait_dma2 semaphore(%run_scoped3A : memref<!tpu.dma_semaphore, #tpu.memory_space<semaphore_mem>>) src(%dma_wait3A_42 : memref<128x128xf32, #tpu.memory_space<vmem>>) dst(%dma_wait3A_39 : memref<128x128xf32, #tpu.memory_space<vmem_shared>>)
      tpu.yield
    }) : () -> ()
    %barrier3A = arith.constant 0 : index
    tpu.barrier barrier_id(%barrier3A)
    %scan3A_13 = arith.constant 0 : i32
    %scan3A_14 = arith.constant 0 : i32
    %scan3A_15 = arith.constant 2 : i32
    %scan3A_16 = arith.addi %scan3A_14, %scan3A_15 : i32
    %scan3A_17 = arith.constant 1 : i32
    %scan3A_18 = scf.for %scan3A_25 = %scan3A_14 to %scan3A_16 step %scan3A_17 iter_args(%scan3A_26 = %scan3A_13) -> (i32)  : i32 {
      %mul3A_27 = arith.constant 256 : i32
      %mul3A_28 = arith.muli %add3A, %mul3A_27 : i32
      %mul3A_29 = arith.constant 128 : i32
      %mul3A_30 = arith.muli %scan3A_25, %mul3A_29 : i32
      %add3A_31 = arith.addi %mul3A_28, %mul3A_30 : i32
      "tpu.region"() ({
        %run_scoped3A = tpu.sem_alloc : memref<!tpu.dma_semaphore, #tpu.memory_space<semaphore_mem>>
        %dma_start3A_44 = tpu.memref_slice %arg3[%add3A_31] : memref<8192xi32, #tpu.memory_space<hbm>> -> memref<128xi32, #tpu.memory_space<hbm>>
        %dma_start3A_45 = tpu.memref_slice %arg3[%add3A_31] : memref<8192xi32, #tpu.memory_space<hbm>> -> memref<128xi32, #tpu.memory_space<hbm>>
        tpu.enqueue_dma source(%dma_start3A_45 : memref<128xi32, #tpu.memory_space<hbm>>) target(%arg7 : memref<128xi32, #tpu.memory_space<vmem>>) target_semaphore(%run_scoped3A : memref<!tpu.dma_semaphore, #tpu.memory_space<semaphore_mem>>)
        %dma_wait3A_46 = tpu.memref_slice %arg3[%add3A_31] : memref<8192xi32, #tpu.memory_space<hbm>> -> memref<128xi32, #tpu.memory_space<hbm>>
        %dma_wait3A_47 = tpu.memref_slice %arg3[%add3A_31] : memref<8192xi32, #tpu.memory_space<hbm>> -> memref<128xi32, #tpu.memory_space<hbm>>
        tpu.wait_dma2 semaphore(%run_scoped3A : memref<!tpu.dma_semaphore, #tpu.memory_space<semaphore_mem>>) src(%dma_wait3A_47 : memref<128xi32, #tpu.memory_space<hbm>>) dst(%arg7 : memref<128xi32, #tpu.memory_space<vmem>>)
        tpu.yield
      }) : () -> ()
      "tpu.region"() ({
        %run_scoped3A = tpu.sem_alloc : memref<!tpu.dma_semaphore, #tpu.memory_space<semaphore_mem>>
        %dma_start3A_44 = tpu.memref_slice %arg4[%add3A_31] : memref<8192xi32, #tpu.memory_space<hbm>> -> memref<128xi32, #tpu.memory_space<hbm>>
        %dma_start3A_45 = tpu.memref_slice %arg4[%add3A_31] : memref<8192xi32, #tpu.memory_space<hbm>> -> memref<128xi32, #tpu.memory_space<hbm>>
        tpu.enqueue_dma source(%dma_start3A_45 : memref<128xi32, #tpu.memory_space<hbm>>) target(%arg8 : memref<128xi32, #tpu.memory_space<vmem>>) target_semaphore(%run_scoped3A : memref<!tpu.dma_semaphore, #tpu.memory_space<semaphore_mem>>)
        %dma_wait3A_46 = tpu.memref_slice %arg4[%add3A_31] : memref<8192xi32, #tpu.memory_space<hbm>> -> memref<128xi32, #tpu.memory_space<hbm>>
        %dma_wait3A_47 = tpu.memref_slice %arg4[%add3A_31] : memref<8192xi32, #tpu.memory_space<hbm>> -> memref<128xi32, #tpu.memory_space<hbm>>
        tpu.wait_dma2 semaphore(%run_scoped3A : memref<!tpu.dma_semaphore, #tpu.memory_space<semaphore_mem>>) src(%dma_wait3A_47 : memref<128xi32, #tpu.memory_space<hbm>>) dst(%arg8 : memref<128xi32, #tpu.memory_space<vmem>>)
        tpu.yield
      }) : () -> ()
      %dma_start3A = arith.constant 0 : i32
      %dma_start3A_32 = arith.constant 0 : i32
      %dma_start3A_33 = tpu.memref_slice %arg2[%dma_start3A, %dma_start3A_32] : memref<4096x128xf32, #tpu.memory_space<hbm>> -> memref<4096x128xf32, #tpu.memory_space<hbm>>
      tpu.enqueue_indirect_dma source(%dma_start3A_33 : memref<4096x128xf32, #tpu.memory_space<hbm>>) target(%arg9 : memref<128x128xf32, #tpu.memory_space<vmem>>) offsets(%arg7 : memref<128xi32, #tpu.memory_space<vmem>>) semaphore(%arg11 : memref<!tpu.dma_semaphore, #tpu.memory_space<semaphore_mem>>)
      %dma_wait3A = arith.constant 0 : i32
      %dma_wait3A_34 = arith.constant 0 : i32
      %dma_wait3A_35 = tpu.memref_slice %arg2[%dma_wait3A, %dma_wait3A_34] : memref<4096x128xf32, #tpu.memory_space<hbm>> -> memref<4096x128xf32, #tpu.memory_space<hbm>>
      tpu.wait_indirect_dma semaphore(%arg11 : memref<!tpu.dma_semaphore, #tpu.memory_space<semaphore_mem>>) src(%dma_wait3A_35 : memref<4096x128xf32, #tpu.memory_space<hbm>>) dst(%arg9 : memref<128x128xf32, #tpu.memory_space<vmem>>)
      %scan3A_36 = arith.constant 0 : i32
      %scan3A_37 = arith.constant 0 : i32
      %scan3A_38 = arith.constant 128 : i32
      %scan3A_39 = arith.addi %scan3A_37, %scan3A_38 : i32
      %scan3A_40 = arith.constant 1 : i32
      %scan3A_41 = scf.for %scan3A_44 = %scan3A_37 to %scan3A_39 step %scan3A_40 iter_args(%scan3A_45 = %scan3A_36) -> (i32)  : i32 {
        %get3A = arith.index_cast %scan3A_44 : i32 to index
        %get3A_46 = arith.constant 0 : index
        %get3A_47 = tpu.vector_load %arg9[%get3A, %get3A_46] {strides = array<i32>} : memref<128x128xf32, #tpu.memory_space<vmem>>, vector<1x16xf32>,
        %get3A_48 = vector.shape_cast %get3A_47 : vector<1x16xf32> to vector<16xf32>
        %max3A = arith.constant 0.000000e+00 : f32
        %max3A_49 = vector.broadcast %max3A : f32 to vector<16xf32>
        %max3A_50 = arith.maximumf %get3A_48, %max3A_49 : vector<16xf32>
        %swap3A = arith.index_cast %scan3A_44 : i32 to index
        %swap3A_51 = arith.constant 0 : index
        %swap3A_52 = tpu.vector_load %arg10[%swap3A, %swap3A_51] {strides = array<i32>} : memref<128x128xf32, #tpu.memory_space<vmem>>, vector<1x16xf32>,
        %swap3A_53 = vector.shape_cast %swap3A_52 : vector<1x16xf32> to vector<16xf32>
        %swap3A_54 = vector.shape_cast %max3A_50 : vector<16xf32> to vector<1x16xf32>
        tpu.vector_store %arg10[%swap3A, %swap3A_51], %swap3A_54 {strides = array<i32>} : memref<128x128xf32, #tpu.memory_space<vmem>>, vector<1x16xf32>,
        %get3A_55 = arith.index_cast %scan3A_44 : i32 to index
        %get3A_56 = arith.constant 16 : index
        %get3A_57 = tpu.vector_load %arg9[%get3A_55, %get3A_56] {strides = array<i32>} : memref<128x128xf32, #tpu.memory_space<vmem>>, vector<1x16xf32>,
        %get3A_58 = vector.shape_cast %get3A_57 : vector<1x16xf32> to vector<16xf32>
        %max3A_59 = arith.constant 0.000000e+00 : f32
        %max3A_60 = vector.broadcast %max3A_59 : f32 to vector<16xf32>
        %max3A_61 = arith.maximumf %get3A_58, %max3A_60 : vector<16xf32>
        %swap3A_62 = arith.index_cast %scan3A_44 : i32 to index
        %swap3A_63 = arith.constant 16 : index
        %swap3A_64 = tpu.vector_load %arg10[%swap3A_62, %swap3A_63] {strides = array<i32>} : memref<128x128xf32, #tpu.memory_space<vmem>>, vector<1x16xf32>,
        %swap3A_65 = vector.shape_cast %swap3A_64 : vector<1x16xf32> to vector<16xf32>
        %swap3A_66 = vector.shape_cast %max3A_61 : vector<16xf32> to vector<1x16xf32>
        tpu.vector_store %arg10[%swap3A_62, %swap3A_63], %swap3A_66 {strides = array<i32>} : memref<128x128xf32, #tpu.memory_space<vmem>>, vector<1x16xf32>,
        %get3A_67 = arith.index_cast %scan3A_44 : i32 to index
        %get3A_68 = arith.constant 32 : index
        %get3A_69 = tpu.vector_load %arg9[%get3A_67, %get3A_68] {strides = array<i32>} : memref<128x128xf32, #tpu.memory_space<vmem>>, vector<1x16xf32>,
        %get3A_70 = vector.shape_cast %get3A_69 : vector<1x16xf32> to vector<16xf32>
        %max3A_71 = arith.constant 0.000000e+00 : f32
        %max3A_72 = vector.broadcast %max3A_71 : f32 to vector<16xf32>
        %max3A_73 = arith.maximumf %get3A_70, %max3A_72 : vector<16xf32>
        %swap3A_74 = arith.index_cast %scan3A_44 : i32 to index
        %swap3A_75 = arith.constant 32 : index
        %swap3A_76 = tpu.vector_load %arg10[%swap3A_74, %swap3A_75] {strides = array<i32>} : memref<128x128xf32, #tpu.memory_space<vmem>>, vector<1x16xf32>,
        %swap3A_77 = vector.shape_cast %swap3A_76 : vector<1x16xf32> to vector<16xf32>
        %swap3A_78 = vector.shape_cast %max3A_73 : vector<16xf32> to vector<1x16xf32>
        tpu.vector_store %arg10[%swap3A_74, %swap3A_75], %swap3A_78 {strides = array<i32>} : memref<128x128xf32, #tpu.memory_space<vmem>>, vector<1x16xf32>,
        %get3A_79 = arith.index_cast %scan3A_44 : i32 to index
        %get3A_80 = arith.constant 48 : index
        %get3A_81 = tpu.vector_load %arg9[%get3A_79, %get3A_80] {strides = array<i32>} : memref<128x128xf32, #tpu.memory_space<vmem>>, vector<1x16xf32>,
        %get3A_82 = vector.shape_cast %get3A_81 : vector<1x16xf32> to vector<16xf32>
        %max3A_83 = arith.constant 0.000000e+00 : f32
        %max3A_84 = vector.broadcast %max3A_83 : f32 to vector<16xf32>
        %max3A_85 = arith.maximumf %get3A_82, %max3A_84 : vector<16xf32>
        %swap3A_86 = arith.index_cast %scan3A_44 : i32 to index
        %swap3A_87 = arith.constant 48 : index
        %swap3A_88 = tpu.vector_load %arg10[%swap3A_86, %swap3A_87] {strides = array<i32>} : memref<128x128xf32, #tpu.memory_space<vmem>>, vector<1x16xf32>,
        %swap3A_89 = vector.shape_cast %swap3A_88 : vector<1x16xf32> to vector<16xf32>
        %swap3A_90 = vector.shape_cast %max3A_85 : vector<16xf32> to vector<1x16xf32>
        tpu.vector_store %arg10[%swap3A_86, %swap3A_87], %swap3A_90 {strides = array<i32>} : memref<128x128xf32, #tpu.memory_space<vmem>>, vector<1x16xf32>,
        %get3A_91 = arith.index_cast %scan3A_44 : i32 to index
        %get3A_92 = arith.constant 64 : index
        %get3A_93 = tpu.vector_load %arg9[%get3A_91, %get3A_92] {strides = array<i32>} : memref<128x128xf32, #tpu.memory_space<vmem>>, vector<1x16xf32>,
        %get3A_94 = vector.shape_cast %get3A_93 : vector<1x16xf32> to vector<16xf32>
        %max3A_95 = arith.constant 0.000000e+00 : f32
        %max3A_96 = vector.broadcast %max3A_95 : f32 to vector<16xf32>
        %max3A_97 = arith.maximumf %get3A_94, %max3A_96 : vector<16xf32>
        %swap3A_98 = arith.index_cast %scan3A_44 : i32 to index
        %swap3A_99 = arith.constant 64 : index
        %swap3A_100 = tpu.vector_load %arg10[%swap3A_98, %swap3A_99] {strides = array<i32>} : memref<128x128xf32, #tpu.memory_space<vmem>>, vector<1x16xf32>,
        %swap3A_101 = vector.shape_cast %swap3A_100 : vector<1x16xf32> to vector<16xf32>
        %swap3A_102 = vector.shape_cast %max3A_97 : vector<16xf32> to vector<1x16xf32>
        tpu.vector_store %arg10[%swap3A_98, %swap3A_99], %swap3A_102 {strides = array<i32>} : memref<128x128xf32, #tpu.memory_space<vmem>>, vector<1x16xf32>,
        %get3A_103 = arith.index_cast %scan3A_44 : i32 to index
        %get3A_104 = arith.constant 80 : index
        %get3A_105 = tpu.vector_load %arg9[%get3A_103, %get3A_104] {strides = array<i32>} : memref<128x128xf32, #tpu.memory_space<vmem>>, vector<1x16xf32>,
        %get3A_106 = vector.shape_cast %get3A_105 : vector<1x16xf32> to vector<16xf32>
        %max3A_107 = arith.constant 0.000000e+00 : f32
        %max3A_108 = vector.broadcast %max3A_107 : f32 to vector<16xf32>
        %max3A_109 = arith.maximumf %get3A_106, %max3A_108 : vector<16xf32>
        %swap3A_110 = arith.index_cast %scan3A_44 : i32 to index
        %swap3A_111 = arith.constant 80 : index
        %swap3A_112 = tpu.vector_load %arg10[%swap3A_110, %swap3A_111] {strides = array<i32>} : memref<128x128xf32, #tpu.memory_space<vmem>>, vector<1x16xf32>,
        %swap3A_113 = vector.shape_cast %swap3A_112 : vector<1x16xf32> to vector<16xf32>
        %swap3A_114 = vector.shape_cast %max3A_109 : vector<16xf32> to vector<1x16xf32>
        tpu.vector_store %arg10[%swap3A_110, %swap3A_111], %swap3A_114 {strides = array<i32>} : memref<128x128xf32, #tpu.memory_space<vmem>>, vector<1x16xf32>,
        %get3A_115 = arith.index_cast %scan3A_44 : i32 to index
        %get3A_116 = arith.constant 96 : index
        %get3A_117 = tpu.vector_load %arg9[%get3A_115, %get3A_116] {strides = array<i32>} : memref<128x128xf32, #tpu.memory_space<vmem>>, vector<1x16xf32>,
        %get3A_118 = vector.shape_cast %get3A_117 : vector<1x16xf32> to vector<16xf32>
        %max3A_119 = arith.constant 0.000000e+00 : f32
        %max3A_120 = vector.broadcast %max3A_119 : f32 to vector<16xf32>
        %max3A_121 = arith.maximumf %get3A_118, %max3A_120 : vector<16xf32>
        %swap3A_122 = arith.index_cast %scan3A_44 : i32 to index
        %swap3A_123 = arith.constant 96 : index
        %swap3A_124 = tpu.vector_load %arg10[%swap3A_122, %swap3A_123] {strides = array<i32>} : memref<128x128xf32, #tpu.memory_space<vmem>>, vector<1x16xf32>,
        %swap3A_125 = vector.shape_cast %swap3A_124 : vector<1x16xf32> to vector<16xf32>
        %swap3A_126 = vector.shape_cast %max3A_121 : vector<16xf32> to vector<1x16xf32>
        tpu.vector_store %arg10[%swap3A_122, %swap3A_123], %swap3A_126 {strides = array<i32>} : memref<128x128xf32, #tpu.memory_space<vmem>>, vector<1x16xf32>,
        %get3A_127 = arith.index_cast %scan3A_44 : i32 to index
        %get3A_128 = arith.constant 112 : index
        %get3A_129 = tpu.vector_load %arg9[%get3A_127, %get3A_128] {strides = array<i32>} : memref<128x128xf32, #tpu.memory_space<vmem>>, vector<1x16xf32>,
        %get3A_130 = vector.shape_cast %get3A_129 : vector<1x16xf32> to vector<16xf32>
        %max3A_131 = arith.constant 0.000000e+00 : f32
        %max3A_132 = vector.broadcast %max3A_131 : f32 to vector<16xf32>
        %max3A_133 = arith.maximumf %get3A_130, %max3A_132 : vector<16xf32>
        %swap3A_134 = arith.index_cast %scan3A_44 : i32 to index
        %swap3A_135 = arith.constant 112 : index
        %swap3A_136 = tpu.vector_load %arg10[%swap3A_134, %swap3A_135] {strides = array<i32>} : memref<128x128xf32, #tpu.memory_space<vmem>>, vector<1x16xf32>,
        %swap3A_137 = vector.shape_cast %swap3A_136 : vector<1x16xf32> to vector<16xf32>
        %swap3A_138 = vector.shape_cast %max3A_133 : vector<16xf32> to vector<1x16xf32>
        tpu.vector_store %arg10[%swap3A_134, %swap3A_135], %swap3A_138 {strides = array<i32>} : memref<128x128xf32, #tpu.memory_space<vmem>>, vector<1x16xf32>,
        %scan3A_139 = arith.constant 0 : i32
        scf.yield %scan3A_139 : i32
      }
      %scan3A_42 = arith.constant 128 : i32
      "tpu.region"() ({
        %run_scoped3A = tpu.sem_alloc : memref<!tpu.dma_semaphore, #tpu.memory_space<semaphore_mem>>
        %dma_start3A_44 = arith.constant 0 : i32
        %dma_start3A_45 = arith.constant 0 : i32
        %dma_start3A_46 = tpu.memref_slice %arg6[%dma_start3A_44, %dma_start3A_45] : memref<4096x128xf32, #tpu.memory_space<vmem_shared>> -> memref<4096x128xf32, #tpu.memory_space<vmem_shared>>
        tpu.enqueue_indirect_dma source(%arg10 : memref<128x128xf32, #tpu.memory_space<vmem>>) target(%dma_start3A_46 : memref<4096x128xf32, #tpu.memory_space<vmem_shared>>) offsets(%arg8 : memref<128xi32, #tpu.memory_space<vmem>>) semaphore(%run_scoped3A : memref<!tpu.dma_semaphore, #tpu.memory_space<semaphore_mem>>) {add = true}
        %dma_wait3A_47 = arith.constant 0 : i32
        %dma_wait3A_48 = arith.constant 0 : i32
        %dma_wait3A_49 = tpu.memref_slice %arg6[%dma_wait3A_47, %dma_wait3A_48] : memref<4096x128xf32, #tpu.memory_space<vmem_shared>> -> memref<4096x128xf32, #tpu.memory_space<vmem_shared>>
        tpu.wait_indirect_dma semaphore(%run_scoped3A : memref<!tpu.dma_semaphore, #tpu.memory_space<semaphore_mem>>) src(%arg10 : memref<128x128xf32, #tpu.memory_space<vmem>>) dst(%dma_wait3A_49 : memref<4096x128xf32, #tpu.memory_space<vmem_shared>>)
        tpu.yield
      }) : () -> ()
      %scan3A_43 = arith.constant 0 : i32
      scf.yield %scan3A_43 : i32
    }
    %scan3A_19 = arith.constant 2 : i32
    %barrier3A_20 = arith.constant 0 : index
    tpu.barrier barrier_id(%barrier3A_20)
    %mul3A_21 = arith.constant 256 : i32
    %mul3A_22 = arith.muli %arg1, %mul3A_21 : i32
    %mul3A_23 = arith.constant 256 : i32
    %mul3A_24 = arith.muli %arg1, %mul3A_23 : i32
    "tpu.region"() ({
      %run_scoped3A = tpu.sem_alloc : memref<!tpu.dma_semaphore, #tpu.memory_space<semaphore_mem>>
      %dma_start3A = arith.constant 0 : i32
      %dma_start3A_25 = tpu.memref_slice %arg5[%arg0, %mul3A_24, %dma_start3A] : memref<2x4096x128xf32, #tpu.memory_space<hbm>> -> memref<1x256x128xf32, #tpu.memory_space<hbm>>
      %dma_start3A_26 = tpu.memref_squeeze %dma_start3A_25 : memref<1x256x128xf32, #tpu.memory_space<hbm>> -> memref<256x128xf32, #tpu.memory_space<hbm>>
      %dma_start3A_27 = arith.constant 0 : i32
      %dma_start3A_28 = tpu.memref_slice %arg6[%mul3A_22, %dma_start3A_27] : memref<4096x128xf32, #tpu.memory_space<vmem_shared>> -> memref<256x128xf32, #tpu.memory_space<vmem_shared>>
      tpu.enqueue_dma source(%dma_start3A_28 : memref<256x128xf32, #tpu.memory_space<vmem_shared>>) target(%dma_start3A_26 : memref<256x128xf32, #tpu.memory_space<hbm>>) target_semaphore(%run_scoped3A : memref<!tpu.dma_semaphore, #tpu.memory_space<semaphore_mem>>)
      %dma_wait3A = arith.constant 0 : i32
      %dma_wait3A_29 = tpu.memref_slice %arg5[%arg0, %mul3A_24, %dma_wait3A] : memref<2x4096x128xf32, #tpu.memory_space<hbm>> -> memref<1x256x128xf32, #tpu.memory_space<hbm>>
      %dma_wait3A_30 = tpu.memref_squeeze %dma_wait3A_29 : memref<1x256x128xf32, #tpu.memory_space<hbm>> -> memref<256x128xf32, #tpu.memory_space<hbm>>
      %dma_wait3A_31 = arith.constant 0 : i32
      %dma_wait3A_32 = tpu.memref_slice %arg6[%mul3A_22, %dma_wait3A_31] : memref<4096x128xf32, #tpu.memory_space<vmem_shared>> -> memref<256x128xf32, #tpu.memory_space<vmem_shared>>
      tpu.wait_dma2 semaphore(%run_scoped3A : memref<!tpu.dma_semaphore, #tpu.memory_space<semaphore_mem>>) src(%dma_wait3A_32 : memref<256x128xf32, #tpu.memory_space<vmem_shared>>) dst(%dma_wait3A_30 : memref<256x128xf32, #tpu.memory_space<hbm>>)
      tpu.yield
    }) : () -> ()
    return
  }
}

#map = affine_map<(d0, d1) -> (0, 0)>
#map1 = affine_map<(d0, d1) -> (0)>
#map2 = affine_map<(d0, d1) -> (0, 0, 0)>
module attributes {stable_mosaic.version = 14 : i64} {
  func.func @body(%arg0: i32, %arg1: i32, %arg2: memref<10000x128xf32, #tpu.memory_space<hbm>>, %arg3: memref<320000x128xf32, #tpu.memory_space<hbm>>, %arg4: memref<320000xi32, #tpu.memory_space<hbm>>, %arg5: memref<320000xi32, #tpu.memory_space<hbm>>, %arg6: memref<2x10000x128xf32, #tpu.memory_space<hbm>>, %arg7: memref<10000x128xf32, #tpu.memory_space<vmem_shared>>, %arg8: memref<80xi32, #tpu.memory_space<vmem>>, %arg9: memref<80xi32, #tpu.memory_space<vmem>>, %arg10: memref<80x128xf32, #tpu.memory_space<vmem>>, %arg11: memref<80x128xf32, #tpu.memory_space<vmem>>, %arg12: memref<80x128xf32, #tpu.memory_space<vmem>>, %arg13: memref<!tpu.dma_semaphore, #tpu.memory_space<semaphore_mem>>) attributes {dimension_semantics = [#tpu.dimension_semantics<core_parallel>, #tpu.dimension_semantics<subcore_parallel>], iteration_bounds = array<i64: 2, 16>, scalar_prefetch = 0 : i64, scratch_operands = 7 : i64, tpu.core_type = #tpu.core_type<sc_vector_subcore>, window_params = [{transform_indices = #map}, {transform_indices = #map}, {transform_indices = #map1}, {transform_indices = #map1}, {transform_indices = #map2}]} {
    %mul3A = arith.constant 16 : i32
    %mul3A_0 = arith.muli %arg0, %mul3A : i32
    %add3A = arith.addi %mul3A_0, %arg1 : i32
    %scan3A = arith.constant 0 : i32
    %scan3A_1 = arith.constant 0 : i32
    %scan3A_2 = arith.constant 80 : i32
    %scan3A_3 = arith.addi %scan3A_1, %scan3A_2 : i32
    %scan3A_4 = arith.constant 1 : i32
    %scan3A_5 = scf.for %scan3A_44 = %scan3A_1 to %scan3A_3 step %scan3A_4 iter_args(%scan3A_45 = %scan3A) -> (i32)  : i32 {
      %broadcast_in_dim3A = arith.constant 0.000000e+00 : f32
      %broadcast_in_dim3A_46 = vector.broadcast %broadcast_in_dim3A : f32 to vector<16xf32>
      %swap3A = arith.index_cast %scan3A_44 : i32 to index
      %swap3A_47 = arith.constant 0 : index
      %swap3A_48 = tpu.vector_load %arg12[%swap3A, %swap3A_47] {strides = array<i32>} : memref<80x128xf32, #tpu.memory_space<vmem>>, vector<1x16xf32>,
      %swap3A_49 = vector.shape_cast %swap3A_48 : vector<1x16xf32> to vector<16xf32>
      %swap3A_50 = vector.shape_cast %broadcast_in_dim3A_46 : vector<16xf32> to vector<1x16xf32>
      tpu.vector_store %arg12[%swap3A, %swap3A_47], %swap3A_50 {strides = array<i32>} : memref<80x128xf32, #tpu.memory_space<vmem>>, vector<1x16xf32>,
      %broadcast_in_dim3A_51 = arith.constant 0.000000e+00 : f32
      %broadcast_in_dim3A_52 = vector.broadcast %broadcast_in_dim3A_51 : f32 to vector<16xf32>
      %swap3A_53 = arith.index_cast %scan3A_44 : i32 to index
      %swap3A_54 = arith.constant 16 : index
      %swap3A_55 = tpu.vector_load %arg12[%swap3A_53, %swap3A_54] {strides = array<i32>} : memref<80x128xf32, #tpu.memory_space<vmem>>, vector<1x16xf32>,
      %swap3A_56 = vector.shape_cast %swap3A_55 : vector<1x16xf32> to vector<16xf32>
      %swap3A_57 = vector.shape_cast %broadcast_in_dim3A_52 : vector<16xf32> to vector<1x16xf32>
      tpu.vector_store %arg12[%swap3A_53, %swap3A_54], %swap3A_57 {strides = array<i32>} : memref<80x128xf32, #tpu.memory_space<vmem>>, vector<1x16xf32>,
      %broadcast_in_dim3A_58 = arith.constant 0.000000e+00 : f32
      %broadcast_in_dim3A_59 = vector.broadcast %broadcast_in_dim3A_58 : f32 to vector<16xf32>
      %swap3A_60 = arith.index_cast %scan3A_44 : i32 to index
      %swap3A_61 = arith.constant 32 : index
      %swap3A_62 = tpu.vector_load %arg12[%swap3A_60, %swap3A_61] {strides = array<i32>} : memref<80x128xf32, #tpu.memory_space<vmem>>, vector<1x16xf32>,
      %swap3A_63 = vector.shape_cast %swap3A_62 : vector<1x16xf32> to vector<16xf32>
      %swap3A_64 = vector.shape_cast %broadcast_in_dim3A_59 : vector<16xf32> to vector<1x16xf32>
      tpu.vector_store %arg12[%swap3A_60, %swap3A_61], %swap3A_64 {strides = array<i32>} : memref<80x128xf32, #tpu.memory_space<vmem>>, vector<1x16xf32>,
      %broadcast_in_dim3A_65 = arith.constant 0.000000e+00 : f32
      %broadcast_in_dim3A_66 = vector.broadcast %broadcast_in_dim3A_65 : f32 to vector<16xf32>
      %swap3A_67 = arith.index_cast %scan3A_44 : i32 to index
      %swap3A_68 = arith.constant 48 : index
      %swap3A_69 = tpu.vector_load %arg12[%swap3A_67, %swap3A_68] {strides = array<i32>} : memref<80x128xf32, #tpu.memory_space<vmem>>, vector<1x16xf32>,
      %swap3A_70 = vector.shape_cast %swap3A_69 : vector<1x16xf32> to vector<16xf32>
      %swap3A_71 = vector.shape_cast %broadcast_in_dim3A_66 : vector<16xf32> to vector<1x16xf32>
      tpu.vector_store %arg12[%swap3A_67, %swap3A_68], %swap3A_71 {strides = array<i32>} : memref<80x128xf32, #tpu.memory_space<vmem>>, vector<1x16xf32>,
      %broadcast_in_dim3A_72 = arith.constant 0.000000e+00 : f32
      %broadcast_in_dim3A_73 = vector.broadcast %broadcast_in_dim3A_72 : f32 to vector<16xf32>
      %swap3A_74 = arith.index_cast %scan3A_44 : i32 to index
      %swap3A_75 = arith.constant 64 : index
      %swap3A_76 = tpu.vector_load %arg12[%swap3A_74, %swap3A_75] {strides = array<i32>} : memref<80x128xf32, #tpu.memory_space<vmem>>, vector<1x16xf32>,
      %swap3A_77 = vector.shape_cast %swap3A_76 : vector<1x16xf32> to vector<16xf32>
      %swap3A_78 = vector.shape_cast %broadcast_in_dim3A_73 : vector<16xf32> to vector<1x16xf32>
      tpu.vector_store %arg12[%swap3A_74, %swap3A_75], %swap3A_78 {strides = array<i32>} : memref<80x128xf32, #tpu.memory_space<vmem>>, vector<1x16xf32>,
      %broadcast_in_dim3A_79 = arith.constant 0.000000e+00 : f32
      %broadcast_in_dim3A_80 = vector.broadcast %broadcast_in_dim3A_79 : f32 to vector<16xf32>
      %swap3A_81 = arith.index_cast %scan3A_44 : i32 to index
      %swap3A_82 = arith.constant 80 : index
      %swap3A_83 = tpu.vector_load %arg12[%swap3A_81, %swap3A_82] {strides = array<i32>} : memref<80x128xf32, #tpu.memory_space<vmem>>, vector<1x16xf32>,
      %swap3A_84 = vector.shape_cast %swap3A_83 : vector<1x16xf32> to vector<16xf32>
      %swap3A_85 = vector.shape_cast %broadcast_in_dim3A_80 : vector<16xf32> to vector<1x16xf32>
      tpu.vector_store %arg12[%swap3A_81, %swap3A_82], %swap3A_85 {strides = array<i32>} : memref<80x128xf32, #tpu.memory_space<vmem>>, vector<1x16xf32>,
      %broadcast_in_dim3A_86 = arith.constant 0.000000e+00 : f32
      %broadcast_in_dim3A_87 = vector.broadcast %broadcast_in_dim3A_86 : f32 to vector<16xf32>
      %swap3A_88 = arith.index_cast %scan3A_44 : i32 to index
      %swap3A_89 = arith.constant 96 : index
      %swap3A_90 = tpu.vector_load %arg12[%swap3A_88, %swap3A_89] {strides = array<i32>} : memref<80x128xf32, #tpu.memory_space<vmem>>, vector<1x16xf32>,
      %swap3A_91 = vector.shape_cast %swap3A_90 : vector<1x16xf32> to vector<16xf32>
      %swap3A_92 = vector.shape_cast %broadcast_in_dim3A_87 : vector<16xf32> to vector<1x16xf32>
      tpu.vector_store %arg12[%swap3A_88, %swap3A_89], %swap3A_92 {strides = array<i32>} : memref<80x128xf32, #tpu.memory_space<vmem>>, vector<1x16xf32>,
      %broadcast_in_dim3A_93 = arith.constant 0.000000e+00 : f32
      %broadcast_in_dim3A_94 = vector.broadcast %broadcast_in_dim3A_93 : f32 to vector<16xf32>
      %swap3A_95 = arith.index_cast %scan3A_44 : i32 to index
      %swap3A_96 = arith.constant 112 : index
      %swap3A_97 = tpu.vector_load %arg12[%swap3A_95, %swap3A_96] {strides = array<i32>} : memref<80x128xf32, #tpu.memory_space<vmem>>, vector<1x16xf32>,
      %swap3A_98 = vector.shape_cast %swap3A_97 : vector<1x16xf32> to vector<16xf32>
      %swap3A_99 = vector.shape_cast %broadcast_in_dim3A_94 : vector<16xf32> to vector<1x16xf32>
      tpu.vector_store %arg12[%swap3A_95, %swap3A_96], %swap3A_99 {strides = array<i32>} : memref<80x128xf32, #tpu.memory_space<vmem>>, vector<1x16xf32>,
      %scan3A_100 = arith.constant 0 : i32
      scf.yield %scan3A_100 : i32
    }
    %scan3A_6 = arith.constant 80 : i32
    %mul3A_7 = arith.constant 624 : i32
    %mul3A_8 = arith.muli %arg1, %mul3A_7 : i32
    %add3A_9 = arith.constant 0 : i32
    %add3A_10 = arith.addi %mul3A_8, %add3A_9 : i32
    "tpu.region"() ({
      %run_scoped3A = tpu.sem_alloc : memref<!tpu.dma_semaphore, #tpu.memory_space<semaphore_mem>>
      %dma_start3A = arith.constant 0 : i32
      %dma_start3A_44 = arith.constant 0 : i32
      %dma_start3A_45 = tpu.memref_slice %arg12[%dma_start3A, %dma_start3A_44] : memref<80x128xf32, #tpu.memory_space<vmem>> -> memref<80x128xf32, #tpu.memory_space<vmem>>
      %dma_start3A_46 = arith.constant 0 : i32
      %dma_start3A_47 = tpu.memref_slice %arg7[%add3A_10, %dma_start3A_46] : memref<10000x128xf32, #tpu.memory_space<vmem_shared>> -> memref<80x128xf32, #tpu.memory_space<vmem_shared>>
      %dma_start3A_48 = arith.constant 0 : i32
      %dma_start3A_49 = tpu.memref_slice %arg7[%add3A_10, %dma_start3A_48] : memref<10000x128xf32, #tpu.memory_space<vmem_shared>> -> memref<80x128xf32, #tpu.memory_space<vmem_shared>>
      %dma_start3A_50 = arith.constant 0 : i32
      %dma_start3A_51 = arith.constant 0 : i32
      %dma_start3A_52 = tpu.memref_slice %arg12[%dma_start3A_50, %dma_start3A_51] : memref<80x128xf32, #tpu.memory_space<vmem>> -> memref<80x128xf32, #tpu.memory_space<vmem>>
      tpu.enqueue_dma source(%dma_start3A_52 : memref<80x128xf32, #tpu.memory_space<vmem>>) target(%dma_start3A_49 : memref<80x128xf32, #tpu.memory_space<vmem_shared>>) target_semaphore(%run_scoped3A : memref<!tpu.dma_semaphore, #tpu.memory_space<semaphore_mem>>)
      %dma_wait3A = arith.constant 0 : i32
      %dma_wait3A_53 = arith.constant 0 : i32
      %dma_wait3A_54 = tpu.memref_slice %arg12[%dma_wait3A, %dma_wait3A_53] : memref<80x128xf32, #tpu.memory_space<vmem>> -> memref<80x128xf32, #tpu.memory_space<vmem>>
      %dma_wait3A_55 = arith.constant 0 : i32
      %dma_wait3A_56 = tpu.memref_slice %arg7[%add3A_10, %dma_wait3A_55] : memref<10000x128xf32, #tpu.memory_space<vmem_shared>> -> memref<80x128xf32, #tpu.memory_space<vmem_shared>>
      %dma_wait3A_57 = arith.constant 0 : i32
      %dma_wait3A_58 = tpu.memref_slice %arg7[%add3A_10, %dma_wait3A_57] : memref<10000x128xf32, #tpu.memory_space<vmem_shared>> -> memref<80x128xf32, #tpu.memory_space<vmem_shared>>
      %dma_wait3A_59 = arith.constant 0 : i32
      %dma_wait3A_60 = arith.constant 0 : i32
      %dma_wait3A_61 = tpu.memref_slice %arg12[%dma_wait3A_59, %dma_wait3A_60] : memref<80x128xf32, #tpu.memory_space<vmem>> -> memref<80x128xf32, #tpu.memory_space<vmem>>
      tpu.wait_dma2 semaphore(%run_scoped3A : memref<!tpu.dma_semaphore, #tpu.memory_space<semaphore_mem>>) src(%dma_wait3A_61 : memref<80x128xf32, #tpu.memory_space<vmem>>) dst(%dma_wait3A_58 : memref<80x128xf32, #tpu.memory_space<vmem_shared>>)
      tpu.yield
    }) : () -> ()
    %add3A_11 = arith.constant 80 : i32
    %add3A_12 = arith.addi %mul3A_8, %add3A_11 : i32
    "tpu.region"() ({
      %run_scoped3A = tpu.sem_alloc : memref<!tpu.dma_semaphore, #tpu.memory_space<semaphore_mem>>
      %dma_start3A = arith.constant 0 : i32
      %dma_start3A_44 = arith.constant 0 : i32
      %dma_start3A_45 = tpu.memref_slice %arg12[%dma_start3A, %dma_start3A_44] : memref<80x128xf32, #tpu.memory_space<vmem>> -> memref<80x128xf32, #tpu.memory_space<vmem>>
      %dma_start3A_46 = arith.constant 0 : i32
      %dma_start3A_47 = tpu.memref_slice %arg7[%add3A_12, %dma_start3A_46] : memref<10000x128xf32, #tpu.memory_space<vmem_shared>> -> memref<80x128xf32, #tpu.memory_space<vmem_shared>>
      %dma_start3A_48 = arith.constant 0 : i32
      %dma_start3A_49 = tpu.memref_slice %arg7[%add3A_12, %dma_start3A_48] : memref<10000x128xf32, #tpu.memory_space<vmem_shared>> -> memref<80x128xf32, #tpu.memory_space<vmem_shared>>
      %dma_start3A_50 = arith.constant 0 : i32
      %dma_start3A_51 = arith.constant 0 : i32
      %dma_start3A_52 = tpu.memref_slice %arg12[%dma_start3A_50, %dma_start3A_51] : memref<80x128xf32, #tpu.memory_space<vmem>> -> memref<80x128xf32, #tpu.memory_space<vmem>>
      tpu.enqueue_dma source(%dma_start3A_52 : memref<80x128xf32, #tpu.memory_space<vmem>>) target(%dma_start3A_49 : memref<80x128xf32, #tpu.memory_space<vmem_shared>>) target_semaphore(%run_scoped3A : memref<!tpu.dma_semaphore, #tpu.memory_space<semaphore_mem>>)
      %dma_wait3A = arith.constant 0 : i32
      %dma_wait3A_53 = arith.constant 0 : i32
      %dma_wait3A_54 = tpu.memref_slice %arg12[%dma_wait3A, %dma_wait3A_53] : memref<80x128xf32, #tpu.memory_space<vmem>> -> memref<80x128xf32, #tpu.memory_space<vmem>>
      %dma_wait3A_55 = arith.constant 0 : i32
      %dma_wait3A_56 = tpu.memref_slice %arg7[%add3A_12, %dma_wait3A_55] : memref<10000x128xf32, #tpu.memory_space<vmem_shared>> -> memref<80x128xf32, #tpu.memory_space<vmem_shared>>
      %dma_wait3A_57 = arith.constant 0 : i32
      %dma_wait3A_58 = tpu.memref_slice %arg7[%add3A_12, %dma_wait3A_57] : memref<10000x128xf32, #tpu.memory_space<vmem_shared>> -> memref<80x128xf32, #tpu.memory_space<vmem_shared>>
      %dma_wait3A_59 = arith.constant 0 : i32
      %dma_wait3A_60 = arith.constant 0 : i32
      %dma_wait3A_61 = tpu.memref_slice %arg12[%dma_wait3A_59, %dma_wait3A_60] : memref<80x128xf32, #tpu.memory_space<vmem>> -> memref<80x128xf32, #tpu.memory_space<vmem>>
      tpu.wait_dma2 semaphore(%run_scoped3A : memref<!tpu.dma_semaphore, #tpu.memory_space<semaphore_mem>>) src(%dma_wait3A_61 : memref<80x128xf32, #tpu.memory_space<vmem>>) dst(%dma_wait3A_58 : memref<80x128xf32, #tpu.memory_space<vmem_shared>>)
      tpu.yield
    }) : () -> ()
    %add3A_13 = arith.constant 160 : i32
    %add3A_14 = arith.addi %mul3A_8, %add3A_13 : i32
    "tpu.region"() ({
      %run_scoped3A = tpu.sem_alloc : memref<!tpu.dma_semaphore, #tpu.memory_space<semaphore_mem>>
      %dma_start3A = arith.constant 0 : i32
      %dma_start3A_44 = arith.constant 0 : i32
      %dma_start3A_45 = tpu.memref_slice %arg12[%dma_start3A, %dma_start3A_44] : memref<80x128xf32, #tpu.memory_space<vmem>> -> memref<80x128xf32, #tpu.memory_space<vmem>>
      %dma_start3A_46 = arith.constant 0 : i32
      %dma_start3A_47 = tpu.memref_slice %arg7[%add3A_14, %dma_start3A_46] : memref<10000x128xf32, #tpu.memory_space<vmem_shared>> -> memref<80x128xf32, #tpu.memory_space<vmem_shared>>
      %dma_start3A_48 = arith.constant 0 : i32
      %dma_start3A_49 = tpu.memref_slice %arg7[%add3A_14, %dma_start3A_48] : memref<10000x128xf32, #tpu.memory_space<vmem_shared>> -> memref<80x128xf32, #tpu.memory_space<vmem_shared>>
      %dma_start3A_50 = arith.constant 0 : i32
      %dma_start3A_51 = arith.constant 0 : i32
      %dma_start3A_52 = tpu.memref_slice %arg12[%dma_start3A_50, %dma_start3A_51] : memref<80x128xf32, #tpu.memory_space<vmem>> -> memref<80x128xf32, #tpu.memory_space<vmem>>
      tpu.enqueue_dma source(%dma_start3A_52 : memref<80x128xf32, #tpu.memory_space<vmem>>) target(%dma_start3A_49 : memref<80x128xf32, #tpu.memory_space<vmem_shared>>) target_semaphore(%run_scoped3A : memref<!tpu.dma_semaphore, #tpu.memory_space<semaphore_mem>>)
      %dma_wait3A = arith.constant 0 : i32
      %dma_wait3A_53 = arith.constant 0 : i32
      %dma_wait3A_54 = tpu.memref_slice %arg12[%dma_wait3A, %dma_wait3A_53] : memref<80x128xf32, #tpu.memory_space<vmem>> -> memref<80x128xf32, #tpu.memory_space<vmem>>
      %dma_wait3A_55 = arith.constant 0 : i32
      %dma_wait3A_56 = tpu.memref_slice %arg7[%add3A_14, %dma_wait3A_55] : memref<10000x128xf32, #tpu.memory_space<vmem_shared>> -> memref<80x128xf32, #tpu.memory_space<vmem_shared>>
      %dma_wait3A_57 = arith.constant 0 : i32
      %dma_wait3A_58 = tpu.memref_slice %arg7[%add3A_14, %dma_wait3A_57] : memref<10000x128xf32, #tpu.memory_space<vmem_shared>> -> memref<80x128xf32, #tpu.memory_space<vmem_shared>>
      %dma_wait3A_59 = arith.constant 0 : i32
      %dma_wait3A_60 = arith.constant 0 : i32
      %dma_wait3A_61 = tpu.memref_slice %arg12[%dma_wait3A_59, %dma_wait3A_60] : memref<80x128xf32, #tpu.memory_space<vmem>> -> memref<80x128xf32, #tpu.memory_space<vmem>>
      tpu.wait_dma2 semaphore(%run_scoped3A : memref<!tpu.dma_semaphore, #tpu.memory_space<semaphore_mem>>) src(%dma_wait3A_61 : memref<80x128xf32, #tpu.memory_space<vmem>>) dst(%dma_wait3A_58 : memref<80x128xf32, #tpu.memory_space<vmem_shared>>)
      tpu.yield
    }) : () -> ()
    %add3A_15 = arith.constant 240 : i32
    %add3A_16 = arith.addi %mul3A_8, %add3A_15 : i32
    "tpu.region"() ({
      %run_scoped3A = tpu.sem_alloc : memref<!tpu.dma_semaphore, #tpu.memory_space<semaphore_mem>>
      %dma_start3A = arith.constant 0 : i32
      %dma_start3A_44 = arith.constant 0 : i32
      %dma_start3A_45 = tpu.memref_slice %arg12[%dma_start3A, %dma_start3A_44] : memref<80x128xf32, #tpu.memory_space<vmem>> -> memref<80x128xf32, #tpu.memory_space<vmem>>
      %dma_start3A_46 = arith.constant 0 : i32
      %dma_start3A_47 = tpu.memref_slice %arg7[%add3A_16, %dma_start3A_46] : memref<10000x128xf32, #tpu.memory_space<vmem_shared>> -> memref<80x128xf32, #tpu.memory_space<vmem_shared>>
      %dma_start3A_48 = arith.constant 0 : i32
      %dma_start3A_49 = tpu.memref_slice %arg7[%add3A_16, %dma_start3A_48] : memref<10000x128xf32, #tpu.memory_space<vmem_shared>> -> memref<80x128xf32, #tpu.memory_space<vmem_shared>>
      %dma_start3A_50 = arith.constant 0 : i32
      %dma_start3A_51 = arith.constant 0 : i32
      %dma_start3A_52 = tpu.memref_slice %arg12[%dma_start3A_50, %dma_start3A_51] : memref<80x128xf32, #tpu.memory_space<vmem>> -> memref<80x128xf32, #tpu.memory_space<vmem>>
      tpu.enqueue_dma source(%dma_start3A_52 : memref<80x128xf32, #tpu.memory_space<vmem>>) target(%dma_start3A_49 : memref<80x128xf32, #tpu.memory_space<vmem_shared>>) target_semaphore(%run_scoped3A : memref<!tpu.dma_semaphore, #tpu.memory_space<semaphore_mem>>)
      %dma_wait3A = arith.constant 0 : i32
      %dma_wait3A_53 = arith.constant 0 : i32
      %dma_wait3A_54 = tpu.memref_slice %arg12[%dma_wait3A, %dma_wait3A_53] : memref<80x128xf32, #tpu.memory_space<vmem>> -> memref<80x128xf32, #tpu.memory_space<vmem>>
      %dma_wait3A_55 = arith.constant 0 : i32
      %dma_wait3A_56 = tpu.memref_slice %arg7[%add3A_16, %dma_wait3A_55] : memref<10000x128xf32, #tpu.memory_space<vmem_shared>> -> memref<80x128xf32, #tpu.memory_space<vmem_shared>>
      %dma_wait3A_57 = arith.constant 0 : i32
      %dma_wait3A_58 = tpu.memref_slice %arg7[%add3A_16, %dma_wait3A_57] : memref<10000x128xf32, #tpu.memory_space<vmem_shared>> -> memref<80x128xf32, #tpu.memory_space<vmem_shared>>
      %dma_wait3A_59 = arith.constant 0 : i32
      %dma_wait3A_60 = arith.constant 0 : i32
      %dma_wait3A_61 = tpu.memref_slice %arg12[%dma_wait3A_59, %dma_wait3A_60] : memref<80x128xf32, #tpu.memory_space<vmem>> -> memref<80x128xf32, #tpu.memory_space<vmem>>
      tpu.wait_dma2 semaphore(%run_scoped3A : memref<!tpu.dma_semaphore, #tpu.memory_space<semaphore_mem>>) src(%dma_wait3A_61 : memref<80x128xf32, #tpu.memory_space<vmem>>) dst(%dma_wait3A_58 : memref<80x128xf32, #tpu.memory_space<vmem_shared>>)
      tpu.yield
    }) : () -> ()
    %add3A_17 = arith.constant 320 : i32
    %add3A_18 = arith.addi %mul3A_8, %add3A_17 : i32
    "tpu.region"() ({
      %run_scoped3A = tpu.sem_alloc : memref<!tpu.dma_semaphore, #tpu.memory_space<semaphore_mem>>
      %dma_start3A = arith.constant 0 : i32
      %dma_start3A_44 = arith.constant 0 : i32
      %dma_start3A_45 = tpu.memref_slice %arg12[%dma_start3A, %dma_start3A_44] : memref<80x128xf32, #tpu.memory_space<vmem>> -> memref<80x128xf32, #tpu.memory_space<vmem>>
      %dma_start3A_46 = arith.constant 0 : i32
      %dma_start3A_47 = tpu.memref_slice %arg7[%add3A_18, %dma_start3A_46] : memref<10000x128xf32, #tpu.memory_space<vmem_shared>> -> memref<80x128xf32, #tpu.memory_space<vmem_shared>>
      %dma_start3A_48 = arith.constant 0 : i32
      %dma_start3A_49 = tpu.memref_slice %arg7[%add3A_18, %dma_start3A_48] : memref<10000x128xf32, #tpu.memory_space<vmem_shared>> -> memref<80x128xf32, #tpu.memory_space<vmem_shared>>
      %dma_start3A_50 = arith.constant 0 : i32
      %dma_start3A_51 = arith.constant 0 : i32
      %dma_start3A_52 = tpu.memref_slice %arg12[%dma_start3A_50, %dma_start3A_51] : memref<80x128xf32, #tpu.memory_space<vmem>> -> memref<80x128xf32, #tpu.memory_space<vmem>>
      tpu.enqueue_dma source(%dma_start3A_52 : memref<80x128xf32, #tpu.memory_space<vmem>>) target(%dma_start3A_49 : memref<80x128xf32, #tpu.memory_space<vmem_shared>>) target_semaphore(%run_scoped3A : memref<!tpu.dma_semaphore, #tpu.memory_space<semaphore_mem>>)
      %dma_wait3A = arith.constant 0 : i32
      %dma_wait3A_53 = arith.constant 0 : i32
      %dma_wait3A_54 = tpu.memref_slice %arg12[%dma_wait3A, %dma_wait3A_53] : memref<80x128xf32, #tpu.memory_space<vmem>> -> memref<80x128xf32, #tpu.memory_space<vmem>>
      %dma_wait3A_55 = arith.constant 0 : i32
      %dma_wait3A_56 = tpu.memref_slice %arg7[%add3A_18, %dma_wait3A_55] : memref<10000x128xf32, #tpu.memory_space<vmem_shared>> -> memref<80x128xf32, #tpu.memory_space<vmem_shared>>
      %dma_wait3A_57 = arith.constant 0 : i32
      %dma_wait3A_58 = tpu.memref_slice %arg7[%add3A_18, %dma_wait3A_57] : memref<10000x128xf32, #tpu.memory_space<vmem_shared>> -> memref<80x128xf32, #tpu.memory_space<vmem_shared>>
      %dma_wait3A_59 = arith.constant 0 : i32
      %dma_wait3A_60 = arith.constant 0 : i32
      %dma_wait3A_61 = tpu.memref_slice %arg12[%dma_wait3A_59, %dma_wait3A_60] : memref<80x128xf32, #tpu.memory_space<vmem>> -> memref<80x128xf32, #tpu.memory_space<vmem>>
      tpu.wait_dma2 semaphore(%run_scoped3A : memref<!tpu.dma_semaphore, #tpu.memory_space<semaphore_mem>>) src(%dma_wait3A_61 : memref<80x128xf32, #tpu.memory_space<vmem>>) dst(%dma_wait3A_58 : memref<80x128xf32, #tpu.memory_space<vmem_shared>>)
      tpu.yield
    }) : () -> ()
    %add3A_19 = arith.constant 400 : i32
    %add3A_20 = arith.addi %mul3A_8, %add3A_19 : i32
    "tpu.region"() ({
      %run_scoped3A = tpu.sem_alloc : memref<!tpu.dma_semaphore, #tpu.memory_space<semaphore_mem>>
      %dma_start3A = arith.constant 0 : i32
      %dma_start3A_44 = arith.constant 0 : i32
      %dma_start3A_45 = tpu.memref_slice %arg12[%dma_start3A, %dma_start3A_44] : memref<80x128xf32, #tpu.memory_space<vmem>> -> memref<80x128xf32, #tpu.memory_space<vmem>>
      %dma_start3A_46 = arith.constant 0 : i32
      %dma_start3A_47 = tpu.memref_slice %arg7[%add3A_20, %dma_start3A_46] : memref<10000x128xf32, #tpu.memory_space<vmem_shared>> -> memref<80x128xf32, #tpu.memory_space<vmem_shared>>
      %dma_start3A_48 = arith.constant 0 : i32
      %dma_start3A_49 = tpu.memref_slice %arg7[%add3A_20, %dma_start3A_48] : memref<10000x128xf32, #tpu.memory_space<vmem_shared>> -> memref<80x128xf32, #tpu.memory_space<vmem_shared>>
      %dma_start3A_50 = arith.constant 0 : i32
      %dma_start3A_51 = arith.constant 0 : i32
      %dma_start3A_52 = tpu.memref_slice %arg12[%dma_start3A_50, %dma_start3A_51] : memref<80x128xf32, #tpu.memory_space<vmem>> -> memref<80x128xf32, #tpu.memory_space<vmem>>
      tpu.enqueue_dma source(%dma_start3A_52 : memref<80x128xf32, #tpu.memory_space<vmem>>) target(%dma_start3A_49 : memref<80x128xf32, #tpu.memory_space<vmem_shared>>) target_semaphore(%run_scoped3A : memref<!tpu.dma_semaphore, #tpu.memory_space<semaphore_mem>>)
      %dma_wait3A = arith.constant 0 : i32
      %dma_wait3A_53 = arith.constant 0 : i32
      %dma_wait3A_54 = tpu.memref_slice %arg12[%dma_wait3A, %dma_wait3A_53] : memref<80x128xf32, #tpu.memory_space<vmem>> -> memref<80x128xf32, #tpu.memory_space<vmem>>
      %dma_wait3A_55 = arith.constant 0 : i32
      %dma_wait3A_56 = tpu.memref_slice %arg7[%add3A_20, %dma_wait3A_55] : memref<10000x128xf32, #tpu.memory_space<vmem_shared>> -> memref<80x128xf32, #tpu.memory_space<vmem_shared>>
      %dma_wait3A_57 = arith.constant 0 : i32
      %dma_wait3A_58 = tpu.memref_slice %arg7[%add3A_20, %dma_wait3A_57] : memref<10000x128xf32, #tpu.memory_space<vmem_shared>> -> memref<80x128xf32, #tpu.memory_space<vmem_shared>>
      %dma_wait3A_59 = arith.constant 0 : i32
      %dma_wait3A_60 = arith.constant 0 : i32
      %dma_wait3A_61 = tpu.memref_slice %arg12[%dma_wait3A_59, %dma_wait3A_60] : memref<80x128xf32, #tpu.memory_space<vmem>> -> memref<80x128xf32, #tpu.memory_space<vmem>>
      tpu.wait_dma2 semaphore(%run_scoped3A : memref<!tpu.dma_semaphore, #tpu.memory_space<semaphore_mem>>) src(%dma_wait3A_61 : memref<80x128xf32, #tpu.memory_space<vmem>>) dst(%dma_wait3A_58 : memref<80x128xf32, #tpu.memory_space<vmem_shared>>)
      tpu.yield
    }) : () -> ()
    %add3A_21 = arith.constant 480 : i32
    %add3A_22 = arith.addi %mul3A_8, %add3A_21 : i32
    "tpu.region"() ({
      %run_scoped3A = tpu.sem_alloc : memref<!tpu.dma_semaphore, #tpu.memory_space<semaphore_mem>>
      %dma_start3A = arith.constant 0 : i32
      %dma_start3A_44 = arith.constant 0 : i32
      %dma_start3A_45 = tpu.memref_slice %arg12[%dma_start3A, %dma_start3A_44] : memref<80x128xf32, #tpu.memory_space<vmem>> -> memref<80x128xf32, #tpu.memory_space<vmem>>
      %dma_start3A_46 = arith.constant 0 : i32
      %dma_start3A_47 = tpu.memref_slice %arg7[%add3A_22, %dma_start3A_46] : memref<10000x128xf32, #tpu.memory_space<vmem_shared>> -> memref<80x128xf32, #tpu.memory_space<vmem_shared>>
      %dma_start3A_48 = arith.constant 0 : i32
      %dma_start3A_49 = tpu.memref_slice %arg7[%add3A_22, %dma_start3A_48] : memref<10000x128xf32, #tpu.memory_space<vmem_shared>> -> memref<80x128xf32, #tpu.memory_space<vmem_shared>>
      %dma_start3A_50 = arith.constant 0 : i32
      %dma_start3A_51 = arith.constant 0 : i32
      %dma_start3A_52 = tpu.memref_slice %arg12[%dma_start3A_50, %dma_start3A_51] : memref<80x128xf32, #tpu.memory_space<vmem>> -> memref<80x128xf32, #tpu.memory_space<vmem>>
      tpu.enqueue_dma source(%dma_start3A_52 : memref<80x128xf32, #tpu.memory_space<vmem>>) target(%dma_start3A_49 : memref<80x128xf32, #tpu.memory_space<vmem_shared>>) target_semaphore(%run_scoped3A : memref<!tpu.dma_semaphore, #tpu.memory_space<semaphore_mem>>)
      %dma_wait3A = arith.constant 0 : i32
      %dma_wait3A_53 = arith.constant 0 : i32
      %dma_wait3A_54 = tpu.memref_slice %arg12[%dma_wait3A, %dma_wait3A_53] : memref<80x128xf32, #tpu.memory_space<vmem>> -> memref<80x128xf32, #tpu.memory_space<vmem>>
      %dma_wait3A_55 = arith.constant 0 : i32
      %dma_wait3A_56 = tpu.memref_slice %arg7[%add3A_22, %dma_wait3A_55] : memref<10000x128xf32, #tpu.memory_space<vmem_shared>> -> memref<80x128xf32, #tpu.memory_space<vmem_shared>>
      %dma_wait3A_57 = arith.constant 0 : i32
      %dma_wait3A_58 = tpu.memref_slice %arg7[%add3A_22, %dma_wait3A_57] : memref<10000x128xf32, #tpu.memory_space<vmem_shared>> -> memref<80x128xf32, #tpu.memory_space<vmem_shared>>
      %dma_wait3A_59 = arith.constant 0 : i32
      %dma_wait3A_60 = arith.constant 0 : i32
      %dma_wait3A_61 = tpu.memref_slice %arg12[%dma_wait3A_59, %dma_wait3A_60] : memref<80x128xf32, #tpu.memory_space<vmem>> -> memref<80x128xf32, #tpu.memory_space<vmem>>
      tpu.wait_dma2 semaphore(%run_scoped3A : memref<!tpu.dma_semaphore, #tpu.memory_space<semaphore_mem>>) src(%dma_wait3A_61 : memref<80x128xf32, #tpu.memory_space<vmem>>) dst(%dma_wait3A_58 : memref<80x128xf32, #tpu.memory_space<vmem_shared>>)
      tpu.yield
    }) : () -> ()
    %add3A_23 = arith.constant 560 : i32
    %add3A_24 = arith.addi %mul3A_8, %add3A_23 : i32
    "tpu.region"() ({
      %run_scoped3A = tpu.sem_alloc : memref<!tpu.dma_semaphore, #tpu.memory_space<semaphore_mem>>
      %dma_start3A = arith.constant 0 : i32
      %dma_start3A_44 = arith.constant 0 : i32
      %dma_start3A_45 = tpu.memref_slice %arg12[%dma_start3A, %dma_start3A_44] : memref<80x128xf32, #tpu.memory_space<vmem>> -> memref<64x128xf32, #tpu.memory_space<vmem>>
      %dma_start3A_46 = arith.constant 0 : i32
      %dma_start3A_47 = tpu.memref_slice %arg7[%add3A_24, %dma_start3A_46] : memref<10000x128xf32, #tpu.memory_space<vmem_shared>> -> memref<64x128xf32, #tpu.memory_space<vmem_shared>>
      %dma_start3A_48 = arith.constant 0 : i32
      %dma_start3A_49 = tpu.memref_slice %arg7[%add3A_24, %dma_start3A_48] : memref<10000x128xf32, #tpu.memory_space<vmem_shared>> -> memref<64x128xf32, #tpu.memory_space<vmem_shared>>
      %dma_start3A_50 = arith.constant 0 : i32
      %dma_start3A_51 = arith.constant 0 : i32
      %dma_start3A_52 = tpu.memref_slice %arg12[%dma_start3A_50, %dma_start3A_51] : memref<80x128xf32, #tpu.memory_space<vmem>> -> memref<64x128xf32, #tpu.memory_space<vmem>>
      tpu.enqueue_dma source(%dma_start3A_52 : memref<64x128xf32, #tpu.memory_space<vmem>>) target(%dma_start3A_49 : memref<64x128xf32, #tpu.memory_space<vmem_shared>>) target_semaphore(%run_scoped3A : memref<!tpu.dma_semaphore, #tpu.memory_space<semaphore_mem>>)
      %dma_wait3A = arith.constant 0 : i32
      %dma_wait3A_53 = arith.constant 0 : i32
      %dma_wait3A_54 = tpu.memref_slice %arg12[%dma_wait3A, %dma_wait3A_53] : memref<80x128xf32, #tpu.memory_space<vmem>> -> memref<64x128xf32, #tpu.memory_space<vmem>>
      %dma_wait3A_55 = arith.constant 0 : i32
      %dma_wait3A_56 = tpu.memref_slice %arg7[%add3A_24, %dma_wait3A_55] : memref<10000x128xf32, #tpu.memory_space<vmem_shared>> -> memref<64x128xf32, #tpu.memory_space<vmem_shared>>
      %dma_wait3A_57 = arith.constant 0 : i32
      %dma_wait3A_58 = tpu.memref_slice %arg7[%add3A_24, %dma_wait3A_57] : memref<10000x128xf32, #tpu.memory_space<vmem_shared>> -> memref<64x128xf32, #tpu.memory_space<vmem_shared>>
      %dma_wait3A_59 = arith.constant 0 : i32
      %dma_wait3A_60 = arith.constant 0 : i32
      %dma_wait3A_61 = tpu.memref_slice %arg12[%dma_wait3A_59, %dma_wait3A_60] : memref<80x128xf32, #tpu.memory_space<vmem>> -> memref<64x128xf32, #tpu.memory_space<vmem>>
      tpu.wait_dma2 semaphore(%run_scoped3A : memref<!tpu.dma_semaphore, #tpu.memory_space<semaphore_mem>>) src(%dma_wait3A_61 : memref<64x128xf32, #tpu.memory_space<vmem>>) dst(%dma_wait3A_58 : memref<64x128xf32, #tpu.memory_space<vmem_shared>>)
      tpu.yield
    }) : () -> ()
    %eq3A = arith.constant 15 : i32
    %eq3A_25 = arith.cmpi eq, %arg1, %eq3A : i32
    %convert_element_type3A = arith.extui %eq3A_25 : i1 to i32
    %cond3A = arith.constant 0 : i32
    %cond3A_26 = arith.cmpi ne, %convert_element_type3A, %cond3A : i32
    scf.if %cond3A_26 {
      "tpu.region"() ({
        %run_scoped3A = tpu.sem_alloc : memref<!tpu.dma_semaphore, #tpu.memory_space<semaphore_mem>>
        %dma_start3A = arith.constant 0 : i32
        %dma_start3A_44 = arith.constant 0 : i32
        %dma_start3A_45 = tpu.memref_slice %arg12[%dma_start3A, %dma_start3A_44] : memref<80x128xf32, #tpu.memory_space<vmem>> -> memref<16x128xf32, #tpu.memory_space<vmem>>
        %dma_start3A_46 = arith.constant 9984 : i32
        %dma_start3A_47 = arith.constant 0 : i32
        %dma_start3A_48 = tpu.memref_slice %arg7[%dma_start3A_46, %dma_start3A_47] : memref<10000x128xf32, #tpu.memory_space<vmem_shared>> -> memref<16x128xf32, #tpu.memory_space<vmem_shared>>
        %dma_start3A_49 = arith.constant 9984 : i32
        %dma_start3A_50 = arith.constant 0 : i32
        %dma_start3A_51 = tpu.memref_slice %arg7[%dma_start3A_49, %dma_start3A_50] : memref<10000x128xf32, #tpu.memory_space<vmem_shared>> -> memref<16x128xf32, #tpu.memory_space<vmem_shared>>
        %dma_start3A_52 = arith.constant 0 : i32
        %dma_start3A_53 = arith.constant 0 : i32
        %dma_start3A_54 = tpu.memref_slice %arg12[%dma_start3A_52, %dma_start3A_53] : memref<80x128xf32, #tpu.memory_space<vmem>> -> memref<16x128xf32, #tpu.memory_space<vmem>>
        tpu.enqueue_dma source(%dma_start3A_54 : memref<16x128xf32, #tpu.memory_space<vmem>>) target(%dma_start3A_51 : memref<16x128xf32, #tpu.memory_space<vmem_shared>>) target_semaphore(%run_scoped3A : memref<!tpu.dma_semaphore, #tpu.memory_space<semaphore_mem>>)
        %dma_wait3A = arith.constant 0 : i32
        %dma_wait3A_55 = arith.constant 0 : i32
        %dma_wait3A_56 = tpu.memref_slice %arg12[%dma_wait3A, %dma_wait3A_55] : memref<80x128xf32, #tpu.memory_space<vmem>> -> memref<16x128xf32, #tpu.memory_space<vmem>>
        %dma_wait3A_57 = arith.constant 9984 : i32
        %dma_wait3A_58 = arith.constant 0 : i32
        %dma_wait3A_59 = tpu.memref_slice %arg7[%dma_wait3A_57, %dma_wait3A_58] : memref<10000x128xf32, #tpu.memory_space<vmem_shared>> -> memref<16x128xf32, #tpu.memory_space<vmem_shared>>
        %dma_wait3A_60 = arith.constant 9984 : i32
        %dma_wait3A_61 = arith.constant 0 : i32
        %dma_wait3A_62 = tpu.memref_slice %arg7[%dma_wait3A_60, %dma_wait3A_61] : memref<10000x128xf32, #tpu.memory_space<vmem_shared>> -> memref<16x128xf32, #tpu.memory_space<vmem_shared>>
        %dma_wait3A_63 = arith.constant 0 : i32
        %dma_wait3A_64 = arith.constant 0 : i32
        %dma_wait3A_65 = tpu.memref_slice %arg12[%dma_wait3A_63, %dma_wait3A_64] : memref<80x128xf32, #tpu.memory_space<vmem>> -> memref<16x128xf32, #tpu.memory_space<vmem>>
        tpu.wait_dma2 semaphore(%run_scoped3A : memref<!tpu.dma_semaphore, #tpu.memory_space<semaphore_mem>>) src(%dma_wait3A_65 : memref<16x128xf32, #tpu.memory_space<vmem>>) dst(%dma_wait3A_62 : memref<16x128xf32, #tpu.memory_space<vmem_shared>>)
        tpu.yield
      }) : () -> ()
    } else {
    }
    %barrier3A = arith.constant 0 : index
    tpu.barrier barrier_id(%barrier3A)
    %scan3A_27 = arith.constant 0 : i32
    %scan3A_28 = arith.constant 0 : i32
    %scan3A_29 = arith.constant 125 : i32
    %scan3A_30 = arith.addi %scan3A_28, %scan3A_29 : i32
    %scan3A_31 = arith.constant 1 : i32
    %scan3A_32 = scf.for %scan3A_44 = %scan3A_28 to %scan3A_30 step %scan3A_31 iter_args(%scan3A_45 = %scan3A_27) -> (i32)  : i32 {
      %mul3A_46 = arith.constant 10000 : i32
      %mul3A_47 = arith.muli %add3A, %mul3A_46 : i32
      %mul3A_48 = arith.constant 80 : i32
      %mul3A_49 = arith.muli %scan3A_44, %mul3A_48 : i32
      %add3A_50 = arith.addi %mul3A_47, %mul3A_49 : i32
      "tpu.region"() ({
        %run_scoped3A = tpu.sem_alloc : memref<!tpu.dma_semaphore, #tpu.memory_space<semaphore_mem>>
        %dma_start3A_63 = tpu.memref_slice %arg4[%add3A_50] : memref<320000xi32, #tpu.memory_space<hbm>> -> memref<80xi32, #tpu.memory_space<hbm>>
        %dma_start3A_64 = tpu.memref_slice %arg4[%add3A_50] : memref<320000xi32, #tpu.memory_space<hbm>> -> memref<80xi32, #tpu.memory_space<hbm>>
        tpu.enqueue_dma source(%dma_start3A_64 : memref<80xi32, #tpu.memory_space<hbm>>) target(%arg8 : memref<80xi32, #tpu.memory_space<vmem>>) target_semaphore(%run_scoped3A : memref<!tpu.dma_semaphore, #tpu.memory_space<semaphore_mem>>)
        %dma_wait3A_65 = tpu.memref_slice %arg4[%add3A_50] : memref<320000xi32, #tpu.memory_space<hbm>> -> memref<80xi32, #tpu.memory_space<hbm>>
        %dma_wait3A_66 = tpu.memref_slice %arg4[%add3A_50] : memref<320000xi32, #tpu.memory_space<hbm>> -> memref<80xi32, #tpu.memory_space<hbm>>
        tpu.wait_dma2 semaphore(%run_scoped3A : memref<!tpu.dma_semaphore, #tpu.memory_space<semaphore_mem>>) src(%dma_wait3A_66 : memref<80xi32, #tpu.memory_space<hbm>>) dst(%arg8 : memref<80xi32, #tpu.memory_space<vmem>>)
        tpu.yield
      }) : () -> ()
      "tpu.region"() ({
        %run_scoped3A = tpu.sem_alloc : memref<!tpu.dma_semaphore, #tpu.memory_space<semaphore_mem>>
        %dma_start3A_63 = tpu.memref_slice %arg5[%add3A_50] : memref<320000xi32, #tpu.memory_space<hbm>> -> memref<80xi32, #tpu.memory_space<hbm>>
        %dma_start3A_64 = tpu.memref_slice %arg5[%add3A_50] : memref<320000xi32, #tpu.memory_space<hbm>> -> memref<80xi32, #tpu.memory_space<hbm>>
        tpu.enqueue_dma source(%dma_start3A_64 : memref<80xi32, #tpu.memory_space<hbm>>) target(%arg9 : memref<80xi32, #tpu.memory_space<vmem>>) target_semaphore(%run_scoped3A : memref<!tpu.dma_semaphore, #tpu.memory_space<semaphore_mem>>)
        %dma_wait3A_65 = tpu.memref_slice %arg5[%add3A_50] : memref<320000xi32, #tpu.memory_space<hbm>> -> memref<80xi32, #tpu.memory_space<hbm>>
        %dma_wait3A_66 = tpu.memref_slice %arg5[%add3A_50] : memref<320000xi32, #tpu.memory_space<hbm>> -> memref<80xi32, #tpu.memory_space<hbm>>
        tpu.wait_dma2 semaphore(%run_scoped3A : memref<!tpu.dma_semaphore, #tpu.memory_space<semaphore_mem>>) src(%dma_wait3A_66 : memref<80xi32, #tpu.memory_space<hbm>>) dst(%arg9 : memref<80xi32, #tpu.memory_space<vmem>>)
        tpu.yield
      }) : () -> ()
      %dma_start3A = arith.constant 0 : i32
      %dma_start3A_51 = arith.constant 0 : i32
      %dma_start3A_52 = tpu.memref_slice %arg2[%dma_start3A, %dma_start3A_51] : memref<10000x128xf32, #tpu.memory_space<hbm>> -> memref<10000x128xf32, #tpu.memory_space<hbm>>
      tpu.enqueue_indirect_dma source(%dma_start3A_52 : memref<10000x128xf32, #tpu.memory_space<hbm>>) target(%arg10 : memref<80x128xf32, #tpu.memory_space<vmem>>) offsets(%arg8 : memref<80xi32, #tpu.memory_space<vmem>>) semaphore(%arg13 : memref<!tpu.dma_semaphore, #tpu.memory_space<semaphore_mem>>)
      %dma_wait3A = arith.constant 0 : i32
      %dma_wait3A_53 = arith.constant 0 : i32
      %dma_wait3A_54 = tpu.memref_slice %arg2[%dma_wait3A, %dma_wait3A_53] : memref<10000x128xf32, #tpu.memory_space<hbm>> -> memref<10000x128xf32, #tpu.memory_space<hbm>>
      tpu.wait_indirect_dma semaphore(%arg13 : memref<!tpu.dma_semaphore, #tpu.memory_space<semaphore_mem>>) src(%dma_wait3A_54 : memref<10000x128xf32, #tpu.memory_space<hbm>>) dst(%arg10 : memref<80x128xf32, #tpu.memory_space<vmem>>)
      "tpu.region"() ({
        %run_scoped3A = tpu.sem_alloc : memref<!tpu.dma_semaphore, #tpu.memory_space<semaphore_mem>>
        %dma_start3A_63 = arith.constant 0 : i32
        %dma_start3A_64 = tpu.memref_slice %arg3[%add3A_50, %dma_start3A_63] : memref<320000x128xf32, #tpu.memory_space<hbm>> -> memref<80x128xf32, #tpu.memory_space<hbm>>
        %dma_start3A_65 = arith.constant 0 : i32
        %dma_start3A_66 = tpu.memref_slice %arg3[%add3A_50, %dma_start3A_65] : memref<320000x128xf32, #tpu.memory_space<hbm>> -> memref<80x128xf32, #tpu.memory_space<hbm>>
        tpu.enqueue_dma source(%dma_start3A_66 : memref<80x128xf32, #tpu.memory_space<hbm>>) target(%arg11 : memref<80x128xf32, #tpu.memory_space<vmem>>) target_semaphore(%run_scoped3A : memref<!tpu.dma_semaphore, #tpu.memory_space<semaphore_mem>>)
        %dma_wait3A_67 = arith.constant 0 : i32
        %dma_wait3A_68 = tpu.memref_slice %arg3[%add3A_50, %dma_wait3A_67] : memref<320000x128xf32, #tpu.memory_space<hbm>> -> memref<80x128xf32, #tpu.memory_space<hbm>>
        %dma_wait3A_69 = arith.constant 0 : i32
        %dma_wait3A_70 = tpu.memref_slice %arg3[%add3A_50, %dma_wait3A_69] : memref<320000x128xf32, #tpu.memory_space<hbm>> -> memref<80x128xf32, #tpu.memory_space<hbm>>
        tpu.wait_dma2 semaphore(%run_scoped3A : memref<!tpu.dma_semaphore, #tpu.memory_space<semaphore_mem>>) src(%dma_wait3A_70 : memref<80x128xf32, #tpu.memory_space<hbm>>) dst(%arg11 : memref<80x128xf32, #tpu.memory_space<vmem>>)
        tpu.yield
      }) : () -> ()
      %scan3A_55 = arith.constant 0 : i32
      %scan3A_56 = arith.constant 0 : i32
      %scan3A_57 = arith.constant 80 : i32
      %scan3A_58 = arith.addi %scan3A_56, %scan3A_57 : i32
      %scan3A_59 = arith.constant 1 : i32
      %scan3A_60 = scf.for %scan3A_63 = %scan3A_56 to %scan3A_58 step %scan3A_59 iter_args(%scan3A_64 = %scan3A_55) -> (i32)  : i32 {
        %get3A = arith.index_cast %scan3A_63 : i32 to index
        %get3A_65 = arith.constant 0 : index
        %get3A_66 = tpu.vector_load %arg10[%get3A, %get3A_65] {strides = array<i32>} : memref<80x128xf32, #tpu.memory_space<vmem>>, vector<1x16xf32>,
        %get3A_67 = vector.shape_cast %get3A_66 : vector<1x16xf32> to vector<16xf32>
        %get3A_68 = arith.index_cast %scan3A_63 : i32 to index
        %get3A_69 = arith.constant 0 : index
        %get3A_70 = tpu.vector_load %arg11[%get3A_68, %get3A_69] {strides = array<i32>} : memref<80x128xf32, #tpu.memory_space<vmem>>, vector<1x16xf32>,
        %get3A_71 = vector.shape_cast %get3A_70 : vector<1x16xf32> to vector<16xf32>
        %add3A_72 = arith.addf %get3A_67, %get3A_71 : vector<16xf32>
        %max3A = arith.constant 0.000000e+00 : f32
        %max3A_73 = vector.broadcast %max3A : f32 to vector<16xf32>
        %max3A_74 = arith.maximumf %add3A_72, %max3A_73 : vector<16xf32>
        %swap3A = arith.index_cast %scan3A_63 : i32 to index
        %swap3A_75 = arith.constant 0 : index
        %swap3A_76 = tpu.vector_load %arg12[%swap3A, %swap3A_75] {strides = array<i32>} : memref<80x128xf32, #tpu.memory_space<vmem>>, vector<1x16xf32>,
        %swap3A_77 = vector.shape_cast %swap3A_76 : vector<1x16xf32> to vector<16xf32>
        %swap3A_78 = vector.shape_cast %max3A_74 : vector<16xf32> to vector<1x16xf32>
        tpu.vector_store %arg12[%swap3A, %swap3A_75], %swap3A_78 {strides = array<i32>} : memref<80x128xf32, #tpu.memory_space<vmem>>, vector<1x16xf32>,
        %get3A_79 = arith.index_cast %scan3A_63 : i32 to index
        %get3A_80 = arith.constant 16 : index
        %get3A_81 = tpu.vector_load %arg10[%get3A_79, %get3A_80] {strides = array<i32>} : memref<80x128xf32, #tpu.memory_space<vmem>>, vector<1x16xf32>,
        %get3A_82 = vector.shape_cast %get3A_81 : vector<1x16xf32> to vector<16xf32>
        %get3A_83 = arith.index_cast %scan3A_63 : i32 to index
        %get3A_84 = arith.constant 16 : index
        %get3A_85 = tpu.vector_load %arg11[%get3A_83, %get3A_84] {strides = array<i32>} : memref<80x128xf32, #tpu.memory_space<vmem>>, vector<1x16xf32>,
        %get3A_86 = vector.shape_cast %get3A_85 : vector<1x16xf32> to vector<16xf32>
        %add3A_87 = arith.addf %get3A_82, %get3A_86 : vector<16xf32>
        %max3A_88 = arith.constant 0.000000e+00 : f32
        %max3A_89 = vector.broadcast %max3A_88 : f32 to vector<16xf32>
        %max3A_90 = arith.maximumf %add3A_87, %max3A_89 : vector<16xf32>
        %swap3A_91 = arith.index_cast %scan3A_63 : i32 to index
        %swap3A_92 = arith.constant 16 : index
        %swap3A_93 = tpu.vector_load %arg12[%swap3A_91, %swap3A_92] {strides = array<i32>} : memref<80x128xf32, #tpu.memory_space<vmem>>, vector<1x16xf32>,
        %swap3A_94 = vector.shape_cast %swap3A_93 : vector<1x16xf32> to vector<16xf32>
        %swap3A_95 = vector.shape_cast %max3A_90 : vector<16xf32> to vector<1x16xf32>
        tpu.vector_store %arg12[%swap3A_91, %swap3A_92], %swap3A_95 {strides = array<i32>} : memref<80x128xf32, #tpu.memory_space<vmem>>, vector<1x16xf32>,
        %get3A_96 = arith.index_cast %scan3A_63 : i32 to index
        %get3A_97 = arith.constant 32 : index
        %get3A_98 = tpu.vector_load %arg10[%get3A_96, %get3A_97] {strides = array<i32>} : memref<80x128xf32, #tpu.memory_space<vmem>>, vector<1x16xf32>,
        %get3A_99 = vector.shape_cast %get3A_98 : vector<1x16xf32> to vector<16xf32>
        %get3A_100 = arith.index_cast %scan3A_63 : i32 to index
        %get3A_101 = arith.constant 32 : index
        %get3A_102 = tpu.vector_load %arg11[%get3A_100, %get3A_101] {strides = array<i32>} : memref<80x128xf32, #tpu.memory_space<vmem>>, vector<1x16xf32>,
        %get3A_103 = vector.shape_cast %get3A_102 : vector<1x16xf32> to vector<16xf32>
        %add3A_104 = arith.addf %get3A_99, %get3A_103 : vector<16xf32>
        %max3A_105 = arith.constant 0.000000e+00 : f32
        %max3A_106 = vector.broadcast %max3A_105 : f32 to vector<16xf32>
        %max3A_107 = arith.maximumf %add3A_104, %max3A_106 : vector<16xf32>
        %swap3A_108 = arith.index_cast %scan3A_63 : i32 to index
        %swap3A_109 = arith.constant 32 : index
        %swap3A_110 = tpu.vector_load %arg12[%swap3A_108, %swap3A_109] {strides = array<i32>} : memref<80x128xf32, #tpu.memory_space<vmem>>, vector<1x16xf32>,
        %swap3A_111 = vector.shape_cast %swap3A_110 : vector<1x16xf32> to vector<16xf32>
        %swap3A_112 = vector.shape_cast %max3A_107 : vector<16xf32> to vector<1x16xf32>
        tpu.vector_store %arg12[%swap3A_108, %swap3A_109], %swap3A_112 {strides = array<i32>} : memref<80x128xf32, #tpu.memory_space<vmem>>, vector<1x16xf32>,
        %get3A_113 = arith.index_cast %scan3A_63 : i32 to index
        %get3A_114 = arith.constant 48 : index
        %get3A_115 = tpu.vector_load %arg10[%get3A_113, %get3A_114] {strides = array<i32>} : memref<80x128xf32, #tpu.memory_space<vmem>>, vector<1x16xf32>,
        %get3A_116 = vector.shape_cast %get3A_115 : vector<1x16xf32> to vector<16xf32>
        %get3A_117 = arith.index_cast %scan3A_63 : i32 to index
        %get3A_118 = arith.constant 48 : index
        %get3A_119 = tpu.vector_load %arg11[%get3A_117, %get3A_118] {strides = array<i32>} : memref<80x128xf32, #tpu.memory_space<vmem>>, vector<1x16xf32>,
        %get3A_120 = vector.shape_cast %get3A_119 : vector<1x16xf32> to vector<16xf32>
        %add3A_121 = arith.addf %get3A_116, %get3A_120 : vector<16xf32>
        %max3A_122 = arith.constant 0.000000e+00 : f32
        %max3A_123 = vector.broadcast %max3A_122 : f32 to vector<16xf32>
        %max3A_124 = arith.maximumf %add3A_121, %max3A_123 : vector<16xf32>
        %swap3A_125 = arith.index_cast %scan3A_63 : i32 to index
        %swap3A_126 = arith.constant 48 : index
        %swap3A_127 = tpu.vector_load %arg12[%swap3A_125, %swap3A_126] {strides = array<i32>} : memref<80x128xf32, #tpu.memory_space<vmem>>, vector<1x16xf32>,
        %swap3A_128 = vector.shape_cast %swap3A_127 : vector<1x16xf32> to vector<16xf32>
        %swap3A_129 = vector.shape_cast %max3A_124 : vector<16xf32> to vector<1x16xf32>
        tpu.vector_store %arg12[%swap3A_125, %swap3A_126], %swap3A_129 {strides = array<i32>} : memref<80x128xf32, #tpu.memory_space<vmem>>, vector<1x16xf32>,
        %get3A_130 = arith.index_cast %scan3A_63 : i32 to index
        %get3A_131 = arith.constant 64 : index
        %get3A_132 = tpu.vector_load %arg10[%get3A_130, %get3A_131] {strides = array<i32>} : memref<80x128xf32, #tpu.memory_space<vmem>>, vector<1x16xf32>,
        %get3A_133 = vector.shape_cast %get3A_132 : vector<1x16xf32> to vector<16xf32>
        %get3A_134 = arith.index_cast %scan3A_63 : i32 to index
        %get3A_135 = arith.constant 64 : index
        %get3A_136 = tpu.vector_load %arg11[%get3A_134, %get3A_135] {strides = array<i32>} : memref<80x128xf32, #tpu.memory_space<vmem>>, vector<1x16xf32>,
        %get3A_137 = vector.shape_cast %get3A_136 : vector<1x16xf32> to vector<16xf32>
        %add3A_138 = arith.addf %get3A_133, %get3A_137 : vector<16xf32>
        %max3A_139 = arith.constant 0.000000e+00 : f32
        %max3A_140 = vector.broadcast %max3A_139 : f32 to vector<16xf32>
        %max3A_141 = arith.maximumf %add3A_138, %max3A_140 : vector<16xf32>
        %swap3A_142 = arith.index_cast %scan3A_63 : i32 to index
        %swap3A_143 = arith.constant 64 : index
        %swap3A_144 = tpu.vector_load %arg12[%swap3A_142, %swap3A_143] {strides = array<i32>} : memref<80x128xf32, #tpu.memory_space<vmem>>, vector<1x16xf32>,
        %swap3A_145 = vector.shape_cast %swap3A_144 : vector<1x16xf32> to vector<16xf32>
        %swap3A_146 = vector.shape_cast %max3A_141 : vector<16xf32> to vector<1x16xf32>
        tpu.vector_store %arg12[%swap3A_142, %swap3A_143], %swap3A_146 {strides = array<i32>} : memref<80x128xf32, #tpu.memory_space<vmem>>, vector<1x16xf32>,
        %get3A_147 = arith.index_cast %scan3A_63 : i32 to index
        %get3A_148 = arith.constant 80 : index
        %get3A_149 = tpu.vector_load %arg10[%get3A_147, %get3A_148] {strides = array<i32>} : memref<80x128xf32, #tpu.memory_space<vmem>>, vector<1x16xf32>,
        %get3A_150 = vector.shape_cast %get3A_149 : vector<1x16xf32> to vector<16xf32>
        %get3A_151 = arith.index_cast %scan3A_63 : i32 to index
        %get3A_152 = arith.constant 80 : index
        %get3A_153 = tpu.vector_load %arg11[%get3A_151, %get3A_152] {strides = array<i32>} : memref<80x128xf32, #tpu.memory_space<vmem>>, vector<1x16xf32>,
        %get3A_154 = vector.shape_cast %get3A_153 : vector<1x16xf32> to vector<16xf32>
        %add3A_155 = arith.addf %get3A_150, %get3A_154 : vector<16xf32>
        %max3A_156 = arith.constant 0.000000e+00 : f32
        %max3A_157 = vector.broadcast %max3A_156 : f32 to vector<16xf32>
        %max3A_158 = arith.maximumf %add3A_155, %max3A_157 : vector<16xf32>
        %swap3A_159 = arith.index_cast %scan3A_63 : i32 to index
        %swap3A_160 = arith.constant 80 : index
        %swap3A_161 = tpu.vector_load %arg12[%swap3A_159, %swap3A_160] {strides = array<i32>} : memref<80x128xf32, #tpu.memory_space<vmem>>, vector<1x16xf32>,
        %swap3A_162 = vector.shape_cast %swap3A_161 : vector<1x16xf32> to vector<16xf32>
        %swap3A_163 = vector.shape_cast %max3A_158 : vector<16xf32> to vector<1x16xf32>
        tpu.vector_store %arg12[%swap3A_159, %swap3A_160], %swap3A_163 {strides = array<i32>} : memref<80x128xf32, #tpu.memory_space<vmem>>, vector<1x16xf32>,
        %get3A_164 = arith.index_cast %scan3A_63 : i32 to index
        %get3A_165 = arith.constant 96 : index
        %get3A_166 = tpu.vector_load %arg10[%get3A_164, %get3A_165] {strides = array<i32>} : memref<80x128xf32, #tpu.memory_space<vmem>>, vector<1x16xf32>,
        %get3A_167 = vector.shape_cast %get3A_166 : vector<1x16xf32> to vector<16xf32>
        %get3A_168 = arith.index_cast %scan3A_63 : i32 to index
        %get3A_169 = arith.constant 96 : index
        %get3A_170 = tpu.vector_load %arg11[%get3A_168, %get3A_169] {strides = array<i32>} : memref<80x128xf32, #tpu.memory_space<vmem>>, vector<1x16xf32>,
        %get3A_171 = vector.shape_cast %get3A_170 : vector<1x16xf32> to vector<16xf32>
        %add3A_172 = arith.addf %get3A_167, %get3A_171 : vector<16xf32>
        %max3A_173 = arith.constant 0.000000e+00 : f32
        %max3A_174 = vector.broadcast %max3A_173 : f32 to vector<16xf32>
        %max3A_175 = arith.maximumf %add3A_172, %max3A_174 : vector<16xf32>
        %swap3A_176 = arith.index_cast %scan3A_63 : i32 to index
        %swap3A_177 = arith.constant 96 : index
        %swap3A_178 = tpu.vector_load %arg12[%swap3A_176, %swap3A_177] {strides = array<i32>} : memref<80x128xf32, #tpu.memory_space<vmem>>, vector<1x16xf32>,
        %swap3A_179 = vector.shape_cast %swap3A_178 : vector<1x16xf32> to vector<16xf32>
        %swap3A_180 = vector.shape_cast %max3A_175 : vector<16xf32> to vector<1x16xf32>
        tpu.vector_store %arg12[%swap3A_176, %swap3A_177], %swap3A_180 {strides = array<i32>} : memref<80x128xf32, #tpu.memory_space<vmem>>, vector<1x16xf32>,
        %get3A_181 = arith.index_cast %scan3A_63 : i32 to index
        %get3A_182 = arith.constant 112 : index
        %get3A_183 = tpu.vector_load %arg10[%get3A_181, %get3A_182] {strides = array<i32>} : memref<80x128xf32, #tpu.memory_space<vmem>>, vector<1x16xf32>,
        %get3A_184 = vector.shape_cast %get3A_183 : vector<1x16xf32> to vector<16xf32>
        %get3A_185 = arith.index_cast %scan3A_63 : i32 to index
        %get3A_186 = arith.constant 112 : index
        %get3A_187 = tpu.vector_load %arg11[%get3A_185, %get3A_186] {strides = array<i32>} : memref<80x128xf32, #tpu.memory_space<vmem>>, vector<1x16xf32>,
        %get3A_188 = vector.shape_cast %get3A_187 : vector<1x16xf32> to vector<16xf32>
        %add3A_189 = arith.addf %get3A_184, %get3A_188 : vector<16xf32>
        %max3A_190 = arith.constant 0.000000e+00 : f32
        %max3A_191 = vector.broadcast %max3A_190 : f32 to vector<16xf32>
        %max3A_192 = arith.maximumf %add3A_189, %max3A_191 : vector<16xf32>
        %swap3A_193 = arith.index_cast %scan3A_63 : i32 to index
        %swap3A_194 = arith.constant 112 : index
        %swap3A_195 = tpu.vector_load %arg12[%swap3A_193, %swap3A_194] {strides = array<i32>} : memref<80x128xf32, #tpu.memory_space<vmem>>, vector<1x16xf32>,
        %swap3A_196 = vector.shape_cast %swap3A_195 : vector<1x16xf32> to vector<16xf32>
        %swap3A_197 = vector.shape_cast %max3A_192 : vector<16xf32> to vector<1x16xf32>
        tpu.vector_store %arg12[%swap3A_193, %swap3A_194], %swap3A_197 {strides = array<i32>} : memref<80x128xf32, #tpu.memory_space<vmem>>, vector<1x16xf32>,
        %scan3A_198 = arith.constant 0 : i32
        scf.yield %scan3A_198 : i32
      }
      %scan3A_61 = arith.constant 80 : i32
      "tpu.region"() ({
        %run_scoped3A = tpu.sem_alloc : memref<!tpu.dma_semaphore, #tpu.memory_space<semaphore_mem>>
        %dma_start3A_63 = arith.constant 0 : i32
        %dma_start3A_64 = arith.constant 0 : i32
        %dma_start3A_65 = tpu.memref_slice %arg7[%dma_start3A_63, %dma_start3A_64] : memref<10000x128xf32, #tpu.memory_space<vmem_shared>> -> memref<10000x128xf32, #tpu.memory_space<vmem_shared>>
        tpu.enqueue_indirect_dma source(%arg12 : memref<80x128xf32, #tpu.memory_space<vmem>>) target(%dma_start3A_65 : memref<10000x128xf32, #tpu.memory_space<vmem_shared>>) offsets(%arg9 : memref<80xi32, #tpu.memory_space<vmem>>) semaphore(%run_scoped3A : memref<!tpu.dma_semaphore, #tpu.memory_space<semaphore_mem>>) {add = true}
        %dma_wait3A_66 = arith.constant 0 : i32
        %dma_wait3A_67 = arith.constant 0 : i32
        %dma_wait3A_68 = tpu.memref_slice %arg7[%dma_wait3A_66, %dma_wait3A_67] : memref<10000x128xf32, #tpu.memory_space<vmem_shared>> -> memref<10000x128xf32, #tpu.memory_space<vmem_shared>>
        tpu.wait_indirect_dma semaphore(%run_scoped3A : memref<!tpu.dma_semaphore, #tpu.memory_space<semaphore_mem>>) src(%arg12 : memref<80x128xf32, #tpu.memory_space<vmem>>) dst(%dma_wait3A_68 : memref<10000x128xf32, #tpu.memory_space<vmem_shared>>)
        tpu.yield
      }) : () -> ()
      %scan3A_62 = arith.constant 0 : i32
      scf.yield %scan3A_62 : i32
    }
    %scan3A_33 = arith.constant 125 : i32
    %barrier3A_34 = arith.constant 0 : index
    tpu.barrier barrier_id(%barrier3A_34)
    %mul3A_35 = arith.constant 624 : i32
    %mul3A_36 = arith.muli %arg1, %mul3A_35 : i32
    %mul3A_37 = arith.constant 624 : i32
    %mul3A_38 = arith.muli %arg1, %mul3A_37 : i32
    "tpu.region"() ({
      %run_scoped3A = tpu.sem_alloc : memref<!tpu.dma_semaphore, #tpu.memory_space<semaphore_mem>>
      %dma_start3A = arith.constant 0 : i32
      %dma_start3A_44 = tpu.memref_slice %arg6[%arg0, %mul3A_38, %dma_start3A] : memref<2x10000x128xf32, #tpu.memory_space<hbm>> -> memref<1x624x128xf32, #tpu.memory_space<hbm>>
      %dma_start3A_45 = tpu.memref_squeeze %dma_start3A_44 : memref<1x624x128xf32, #tpu.memory_space<hbm>> -> memref<624x128xf32, #tpu.memory_space<hbm>>
      %dma_start3A_46 = arith.constant 0 : i32
      %dma_start3A_47 = tpu.memref_slice %arg7[%mul3A_36, %dma_start3A_46] : memref<10000x128xf32, #tpu.memory_space<vmem_shared>> -> memref<624x128xf32, #tpu.memory_space<vmem_shared>>
      tpu.enqueue_dma source(%dma_start3A_47 : memref<624x128xf32, #tpu.memory_space<vmem_shared>>) target(%dma_start3A_45 : memref<624x128xf32, #tpu.memory_space<hbm>>) target_semaphore(%run_scoped3A : memref<!tpu.dma_semaphore, #tpu.memory_space<semaphore_mem>>)
      %dma_wait3A = arith.constant 0 : i32
      %dma_wait3A_48 = tpu.memref_slice %arg6[%arg0, %mul3A_38, %dma_wait3A] : memref<2x10000x128xf32, #tpu.memory_space<hbm>> -> memref<1x624x128xf32, #tpu.memory_space<hbm>>
      %dma_wait3A_49 = tpu.memref_squeeze %dma_wait3A_48 : memref<1x624x128xf32, #tpu.memory_space<hbm>> -> memref<624x128xf32, #tpu.memory_space<hbm>>
      %dma_wait3A_50 = arith.constant 0 : i32
      %dma_wait3A_51 = tpu.memref_slice %arg7[%mul3A_36, %dma_wait3A_50] : memref<10000x128xf32, #tpu.memory_space<vmem_shared>> -> memref<624x128xf32, #tpu.memory_space<vmem_shared>>
      tpu.wait_dma2 semaphore(%run_scoped3A : memref<!tpu.dma_semaphore, #tpu.memory_space<semaphore_mem>>) src(%dma_wait3A_51 : memref<624x128xf32, #tpu.memory_space<vmem_shared>>) dst(%dma_wait3A_49 : memref<624x128xf32, #tpu.memory_space<hbm>>)
      tpu.yield
    }) : () -> ()
    %eq3A_39 = arith.constant 15 : i32
    %eq3A_40 = arith.cmpi eq, %arg1, %eq3A_39 : i32
    %convert_element_type3A_41 = arith.extui %eq3A_40 : i1 to i32
    %cond3A_42 = arith.constant 0 : i32
    %cond3A_43 = arith.cmpi ne, %convert_element_type3A_41, %cond3A_42 : i32
    scf.if %cond3A_43 {
      "tpu.region"() ({
        %run_scoped3A = tpu.sem_alloc : memref<!tpu.dma_semaphore, #tpu.memory_space<semaphore_mem>>
        %dma_start3A = arith.constant 9984 : i32
        %dma_start3A_44 = arith.constant 0 : i32
        %dma_start3A_45 = tpu.memref_slice %arg6[%arg0, %dma_start3A, %dma_start3A_44] : memref<2x10000x128xf32, #tpu.memory_space<hbm>> -> memref<1x16x128xf32, #tpu.memory_space<hbm>>
        %dma_start3A_46 = tpu.memref_squeeze %dma_start3A_45 : memref<1x16x128xf32, #tpu.memory_space<hbm>> -> memref<16x128xf32, #tpu.memory_space<hbm>>
        %dma_start3A_47 = arith.constant 9984 : i32
        %dma_start3A_48 = arith.constant 0 : i32
        %dma_start3A_49 = tpu.memref_slice %arg7[%dma_start3A_47, %dma_start3A_48] : memref<10000x128xf32, #tpu.memory_space<vmem_shared>> -> memref<16x128xf32, #tpu.memory_space<vmem_shared>>
        tpu.enqueue_dma source(%dma_start3A_49 : memref<16x128xf32, #tpu.memory_space<vmem_shared>>) target(%dma_start3A_46 : memref<16x128xf32, #tpu.memory_space<hbm>>) target_semaphore(%run_scoped3A : memref<!tpu.dma_semaphore, #tpu.memory_space<semaphore_mem>>)
        %dma_wait3A = arith.constant 9984 : i32
        %dma_wait3A_50 = arith.constant 0 : i32
        %dma_wait3A_51 = tpu.memref_slice %arg6[%arg0, %dma_wait3A, %dma_wait3A_50] : memref<2x10000x128xf32, #tpu.memory_space<hbm>> -> memref<1x16x128xf32, #tpu.memory_space<hbm>>
        %dma_wait3A_52 = tpu.memref_squeeze %dma_wait3A_51 : memref<1x16x128xf32, #tpu.memory_space<hbm>> -> memref<16x128xf32, #tpu.memory_space<hbm>>
        %dma_wait3A_53 = arith.constant 9984 : i32
        %dma_wait3A_54 = arith.constant 0 : i32
        %dma_wait3A_55 = tpu.memref_slice %arg7[%dma_wait3A_53, %dma_wait3A_54] : memref<10000x128xf32, #tpu.memory_space<vmem_shared>> -> memref<16x128xf32, #tpu.memory_space<vmem_shared>>
        tpu.wait_dma2 semaphore(%run_scoped3A : memref<!tpu.dma_semaphore, #tpu.memory_space<semaphore_mem>>) src(%dma_wait3A_55 : memref<16x128xf32, #tpu.memory_space<vmem_shared>>) dst(%dma_wait3A_52 : memref<16x128xf32, #tpu.memory_space<hbm>>)
        tpu.yield
      }) : () -> ()
    } else {
    }
    return
  }
}

#map = affine_map<(d0, d1) -> (0, 0)>
#map1 = affine_map<(d0, d1) -> (0)>
#map2 = affine_map<(d0, d1) -> (0, 0, 0)>
module attributes {stable_mosaic.version = 14 : i64} {
  func.func @body(%arg0: i32, %arg1: i32, %arg2: memref<4096x128xf32, #tpu.memory_space<hbm>>, %arg3: memref<8192xi32, #tpu.memory_space<hbm>>, %arg4: memref<8192xi32, #tpu.memory_space<hbm>>, %arg5: memref<2x4096x128xf32, #tpu.memory_space<hbm>>, %arg6: memref<4096x128xf32, #tpu.memory_space<vmem_shared>>, %arg7: memref<128xi32, #tpu.memory_space<vmem>>, %arg8: memref<128xi32, #tpu.memory_space<vmem>>, %arg9: memref<128x128xf32, #tpu.memory_space<vmem>>, %arg10: memref<128x128xf32, #tpu.memory_space<vmem>>, %arg11: memref<!tpu.dma_semaphore, #tpu.memory_space<semaphore_mem>>) attributes {dimension_semantics = [#tpu.dimension_semantics<core_parallel>, #tpu.dimension_semantics<subcore_parallel>], iteration_bounds = array<i64: 2, 16>, scalar_prefetch = 0 : i64, scratch_operands = 6 : i64, tpu.core_type = #tpu.core_type<sc_vector_subcore>, window_params = [{transform_indices = #map}, {transform_indices = #map1}, {transform_indices = #map1}, {transform_indices = #map2}]} {
    %mul3A = arith.constant 16 : i32
    %mul3A_0 = arith.muli %arg0, %mul3A : i32
    %add3A = arith.addi %mul3A_0, %arg1 : i32
    %scan3A = arith.constant 0 : i32
    %scan3A_1 = arith.constant 0 : i32
    %scan3A_2 = arith.constant 128 : i32
    %scan3A_3 = arith.addi %scan3A_1, %scan3A_2 : i32
    %scan3A_4 = arith.constant 1 : i32
    %scan3A_5 = scf.for %scan3A_25 = %scan3A_1 to %scan3A_3 step %scan3A_4 iter_args(%scan3A_26 = %scan3A) -> (i32)  : i32 {
      %broadcast_in_dim3A = arith.constant 0.000000e+00 : f32
      %broadcast_in_dim3A_27 = vector.broadcast %broadcast_in_dim3A : f32 to vector<16xf32>
      %swap3A = arith.index_cast %scan3A_25 : i32 to index
      %swap3A_28 = arith.constant 0 : index
      %swap3A_29 = tpu.vector_load %arg10[%swap3A, %swap3A_28] {strides = array<i32>} : memref<128x128xf32, #tpu.memory_space<vmem>>, vector<1x16xf32>,
      %swap3A_30 = vector.shape_cast %swap3A_29 : vector<1x16xf32> to vector<16xf32>
      %swap3A_31 = vector.shape_cast %broadcast_in_dim3A_27 : vector<16xf32> to vector<1x16xf32>
      tpu.vector_store %arg10[%swap3A, %swap3A_28], %swap3A_31 {strides = array<i32>} : memref<128x128xf32, #tpu.memory_space<vmem>>, vector<1x16xf32>,
      %broadcast_in_dim3A_32 = arith.constant 0.000000e+00 : f32
      %broadcast_in_dim3A_33 = vector.broadcast %broadcast_in_dim3A_32 : f32 to vector<16xf32>
      %swap3A_34 = arith.index_cast %scan3A_25 : i32 to index
      %swap3A_35 = arith.constant 16 : index
      %swap3A_36 = tpu.vector_load %arg10[%swap3A_34, %swap3A_35] {strides = array<i32>} : memref<128x128xf32, #tpu.memory_space<vmem>>, vector<1x16xf32>,
      %swap3A_37 = vector.shape_cast %swap3A_36 : vector<1x16xf32> to vector<16xf32>
      %swap3A_38 = vector.shape_cast %broadcast_in_dim3A_33 : vector<16xf32> to vector<1x16xf32>
      tpu.vector_store %arg10[%swap3A_34, %swap3A_35], %swap3A_38 {strides = array<i32>} : memref<128x128xf32, #tpu.memory_space<vmem>>, vector<1x16xf32>,
      %broadcast_in_dim3A_39 = arith.constant 0.000000e+00 : f32
      %broadcast_in_dim3A_40 = vector.broadcast %broadcast_in_dim3A_39 : f32 to vector<16xf32>
      %swap3A_41 = arith.index_cast %scan3A_25 : i32 to index
      %swap3A_42 = arith.constant 32 : index
      %swap3A_43 = tpu.vector_load %arg10[%swap3A_41, %swap3A_42] {strides = array<i32>} : memref<128x128xf32, #tpu.memory_space<vmem>>, vector<1x16xf32>,
      %swap3A_44 = vector.shape_cast %swap3A_43 : vector<1x16xf32> to vector<16xf32>
      %swap3A_45 = vector.shape_cast %broadcast_in_dim3A_40 : vector<16xf32> to vector<1x16xf32>
      tpu.vector_store %arg10[%swap3A_41, %swap3A_42], %swap3A_45 {strides = array<i32>} : memref<128x128xf32, #tpu.memory_space<vmem>>, vector<1x16xf32>,
      %broadcast_in_dim3A_46 = arith.constant 0.000000e+00 : f32
      %broadcast_in_dim3A_47 = vector.broadcast %broadcast_in_dim3A_46 : f32 to vector<16xf32>
      %swap3A_48 = arith.index_cast %scan3A_25 : i32 to index
      %swap3A_49 = arith.constant 48 : index
      %swap3A_50 = tpu.vector_load %arg10[%swap3A_48, %swap3A_49] {strides = array<i32>} : memref<128x128xf32, #tpu.memory_space<vmem>>, vector<1x16xf32>,
      %swap3A_51 = vector.shape_cast %swap3A_50 : vector<1x16xf32> to vector<16xf32>
      %swap3A_52 = vector.shape_cast %broadcast_in_dim3A_47 : vector<16xf32> to vector<1x16xf32>
      tpu.vector_store %arg10[%swap3A_48, %swap3A_49], %swap3A_52 {strides = array<i32>} : memref<128x128xf32, #tpu.memory_space<vmem>>, vector<1x16xf32>,
      %broadcast_in_dim3A_53 = arith.constant 0.000000e+00 : f32
      %broadcast_in_dim3A_54 = vector.broadcast %broadcast_in_dim3A_53 : f32 to vector<16xf32>
      %swap3A_55 = arith.index_cast %scan3A_25 : i32 to index
      %swap3A_56 = arith.constant 64 : index
      %swap3A_57 = tpu.vector_load %arg10[%swap3A_55, %swap3A_56] {strides = array<i32>} : memref<128x128xf32, #tpu.memory_space<vmem>>, vector<1x16xf32>,
      %swap3A_58 = vector.shape_cast %swap3A_57 : vector<1x16xf32> to vector<16xf32>
      %swap3A_59 = vector.shape_cast %broadcast_in_dim3A_54 : vector<16xf32> to vector<1x16xf32>
      tpu.vector_store %arg10[%swap3A_55, %swap3A_56], %swap3A_59 {strides = array<i32>} : memref<128x128xf32, #tpu.memory_space<vmem>>, vector<1x16xf32>,
      %broadcast_in_dim3A_60 = arith.constant 0.000000e+00 : f32
      %broadcast_in_dim3A_61 = vector.broadcast %broadcast_in_dim3A_60 : f32 to vector<16xf32>
      %swap3A_62 = arith.index_cast %scan3A_25 : i32 to index
      %swap3A_63 = arith.constant 80 : index
      %swap3A_64 = tpu.vector_load %arg10[%swap3A_62, %swap3A_63] {strides = array<i32>} : memref<128x128xf32, #tpu.memory_space<vmem>>, vector<1x16xf32>,
      %swap3A_65 = vector.shape_cast %swap3A_64 : vector<1x16xf32> to vector<16xf32>
      %swap3A_66 = vector.shape_cast %broadcast_in_dim3A_61 : vector<16xf32> to vector<1x16xf32>
      tpu.vector_store %arg10[%swap3A_62, %swap3A_63], %swap3A_66 {strides = array<i32>} : memref<128x128xf32, #tpu.memory_space<vmem>>, vector<1x16xf32>,
      %broadcast_in_dim3A_67 = arith.constant 0.000000e+00 : f32
      %broadcast_in_dim3A_68 = vector.broadcast %broadcast_in_dim3A_67 : f32 to vector<16xf32>
      %swap3A_69 = arith.index_cast %scan3A_25 : i32 to index
      %swap3A_70 = arith.constant 96 : index
      %swap3A_71 = tpu.vector_load %arg10[%swap3A_69, %swap3A_70] {strides = array<i32>} : memref<128x128xf32, #tpu.memory_space<vmem>>, vector<1x16xf32>,
      %swap3A_72 = vector.shape_cast %swap3A_71 : vector<1x16xf32> to vector<16xf32>
      %swap3A_73 = vector.shape_cast %broadcast_in_dim3A_68 : vector<16xf32> to vector<1x16xf32>
      tpu.vector_store %arg10[%swap3A_69, %swap3A_70], %swap3A_73 {strides = array<i32>} : memref<128x128xf32, #tpu.memory_space<vmem>>, vector<1x16xf32>,
      %broadcast_in_dim3A_74 = arith.constant 0.000000e+00 : f32
      %broadcast_in_dim3A_75 = vector.broadcast %broadcast_in_dim3A_74 : f32 to vector<16xf32>
      %swap3A_76 = arith.index_cast %scan3A_25 : i32 to index
      %swap3A_77 = arith.constant 112 : index
      %swap3A_78 = tpu.vector_load %arg10[%swap3A_76, %swap3A_77] {strides = array<i32>} : memref<128x128xf32, #tpu.memory_space<vmem>>, vector<1x16xf32>,
      %swap3A_79 = vector.shape_cast %swap3A_78 : vector<1x16xf32> to vector<16xf32>
      %swap3A_80 = vector.shape_cast %broadcast_in_dim3A_75 : vector<16xf32> to vector<1x16xf32>
      tpu.vector_store %arg10[%swap3A_76, %swap3A_77], %swap3A_80 {strides = array<i32>} : memref<128x128xf32, #tpu.memory_space<vmem>>, vector<1x16xf32>,
      %scan3A_81 = arith.constant 0 : i32
      scf.yield %scan3A_81 : i32
    }
    %scan3A_6 = arith.constant 128 : i32
    %mul3A_7 = arith.constant 256 : i32
    %mul3A_8 = arith.muli %arg1, %mul3A_7 : i32
    %add3A_9 = arith.constant 0 : i32
    %add3A_10 = arith.addi %mul3A_8, %add3A_9 : i32
    "tpu.region"() ({
      %run_scoped3A = tpu.sem_alloc : memref<!tpu.dma_semaphore, #tpu.memory_space<semaphore_mem>>
      %dma_start3A = arith.constant 0 : i32
      %dma_start3A_25 = arith.constant 0 : i32
      %dma_start3A_26 = tpu.memref_slice %arg10[%dma_start3A, %dma_start3A_25] : memref<128x128xf32, #tpu.memory_space<vmem>> -> memref<128x128xf32, #tpu.memory_space<vmem>>
      %dma_start3A_27 = arith.constant 0 : i32
      %dma_start3A_28 = tpu.memref_slice %arg6[%add3A_10, %dma_start3A_27] : memref<4096x128xf32, #tpu.memory_space<vmem_shared>> -> memref<128x128xf32, #tpu.memory_space<vmem_shared>>
      %dma_start3A_29 = arith.constant 0 : i32
      %dma_start3A_30 = tpu.memref_slice %arg6[%add3A_10, %dma_start3A_29] : memref<4096x128xf32, #tpu.memory_space<vmem_shared>> -> memref<128x128xf32, #tpu.memory_space<vmem_shared>>
      %dma_start3A_31 = arith.constant 0 : i32
      %dma_start3A_32 = arith.constant 0 : i32
      %dma_start3A_33 = tpu.memref_slice %arg10[%dma_start3A_31, %dma_start3A_32] : memref<128x128xf32, #tpu.memory_space<vmem>> -> memref<128x128xf32, #tpu.memory_space<vmem>>
      tpu.enqueue_dma source(%dma_start3A_33 : memref<128x128xf32, #tpu.memory_space<vmem>>) target(%dma_start3A_30 : memref<128x128xf32, #tpu.memory_space<vmem_shared>>) target_semaphore(%run_scoped3A : memref<!tpu.dma_semaphore, #tpu.memory_space<semaphore_mem>>)
      %dma_wait3A = arith.constant 0 : i32
      %dma_wait3A_34 = arith.constant 0 : i32
      %dma_wait3A_35 = tpu.memref_slice %arg10[%dma_wait3A, %dma_wait3A_34] : memref<128x128xf32, #tpu.memory_space<vmem>> -> memref<128x128xf32, #tpu.memory_space<vmem>>
      %dma_wait3A_36 = arith.constant 0 : i32
      %dma_wait3A_37 = tpu.memref_slice %arg6[%add3A_10, %dma_wait3A_36] : memref<4096x128xf32, #tpu.memory_space<vmem_shared>> -> memref<128x128xf32, #tpu.memory_space<vmem_shared>>
      %dma_wait3A_38 = arith.constant 0 : i32
      %dma_wait3A_39 = tpu.memref_slice %arg6[%add3A_10, %dma_wait3A_38] : memref<4096x128xf32, #tpu.memory_space<vmem_shared>> -> memref<128x128xf32, #tpu.memory_space<vmem_shared>>
      %dma_wait3A_40 = arith.constant 0 : i32
      %dma_wait3A_41 = arith.constant 0 : i32
      %dma_wait3A_42 = tpu.memref_slice %arg10[%dma_wait3A_40, %dma_wait3A_41] : memref<128x128xf32, #tpu.memory_space<vmem>> -> memref<128x128xf32, #tpu.memory_space<vmem>>
      tpu.wait_dma2 semaphore(%run_scoped3A : memref<!tpu.dma_semaphore, #tpu.memory_space<semaphore_mem>>) src(%dma_wait3A_42 : memref<128x128xf32, #tpu.memory_space<vmem>>) dst(%dma_wait3A_39 : memref<128x128xf32, #tpu.memory_space<vmem_shared>>)
      tpu.yield
    }) : () -> ()
    %add3A_11 = arith.constant 128 : i32
    %add3A_12 = arith.addi %mul3A_8, %add3A_11 : i32
    "tpu.region"() ({
      %run_scoped3A = tpu.sem_alloc : memref<!tpu.dma_semaphore, #tpu.memory_space<semaphore_mem>>
      %dma_start3A = arith.constant 0 : i32
      %dma_start3A_25 = arith.constant 0 : i32
      %dma_start3A_26 = tpu.memref_slice %arg10[%dma_start3A, %dma_start3A_25] : memref<128x128xf32, #tpu.memory_space<vmem>> -> memref<128x128xf32, #tpu.memory_space<vmem>>
      %dma_start3A_27 = arith.constant 0 : i32
      %dma_start3A_28 = tpu.memref_slice %arg6[%add3A_12, %dma_start3A_27] : memref<4096x128xf32, #tpu.memory_space<vmem_shared>> -> memref<128x128xf32, #tpu.memory_space<vmem_shared>>
      %dma_start3A_29 = arith.constant 0 : i32
      %dma_start3A_30 = tpu.memref_slice %arg6[%add3A_12, %dma_start3A_29] : memref<4096x128xf32, #tpu.memory_space<vmem_shared>> -> memref<128x128xf32, #tpu.memory_space<vmem_shared>>
      %dma_start3A_31 = arith.constant 0 : i32
      %dma_start3A_32 = arith.constant 0 : i32
      %dma_start3A_33 = tpu.memref_slice %arg10[%dma_start3A_31, %dma_start3A_32] : memref<128x128xf32, #tpu.memory_space<vmem>> -> memref<128x128xf32, #tpu.memory_space<vmem>>
      tpu.enqueue_dma source(%dma_start3A_33 : memref<128x128xf32, #tpu.memory_space<vmem>>) target(%dma_start3A_30 : memref<128x128xf32, #tpu.memory_space<vmem_shared>>) target_semaphore(%run_scoped3A : memref<!tpu.dma_semaphore, #tpu.memory_space<semaphore_mem>>)
      %dma_wait3A = arith.constant 0 : i32
      %dma_wait3A_34 = arith.constant 0 : i32
      %dma_wait3A_35 = tpu.memref_slice %arg10[%dma_wait3A, %dma_wait3A_34] : memref<128x128xf32, #tpu.memory_space<vmem>> -> memref<128x128xf32, #tpu.memory_space<vmem>>
      %dma_wait3A_36 = arith.constant 0 : i32
      %dma_wait3A_37 = tpu.memref_slice %arg6[%add3A_12, %dma_wait3A_36] : memref<4096x128xf32, #tpu.memory_space<vmem_shared>> -> memref<128x128xf32, #tpu.memory_space<vmem_shared>>
      %dma_wait3A_38 = arith.constant 0 : i32
      %dma_wait3A_39 = tpu.memref_slice %arg6[%add3A_12, %dma_wait3A_38] : memref<4096x128xf32, #tpu.memory_space<vmem_shared>> -> memref<128x128xf32, #tpu.memory_space<vmem_shared>>
      %dma_wait3A_40 = arith.constant 0 : i32
      %dma_wait3A_41 = arith.constant 0 : i32
      %dma_wait3A_42 = tpu.memref_slice %arg10[%dma_wait3A_40, %dma_wait3A_41] : memref<128x128xf32, #tpu.memory_space<vmem>> -> memref<128x128xf32, #tpu.memory_space<vmem>>
      tpu.wait_dma2 semaphore(%run_scoped3A : memref<!tpu.dma_semaphore, #tpu.memory_space<semaphore_mem>>) src(%dma_wait3A_42 : memref<128x128xf32, #tpu.memory_space<vmem>>) dst(%dma_wait3A_39 : memref<128x128xf32, #tpu.memory_space<vmem_shared>>)
      tpu.yield
    }) : () -> ()
    %barrier3A = arith.constant 0 : index
    tpu.barrier barrier_id(%barrier3A)
    %scan3A_13 = arith.constant 0 : i32
    %scan3A_14 = arith.constant 0 : i32
    %scan3A_15 = arith.constant 2 : i32
    %scan3A_16 = arith.addi %scan3A_14, %scan3A_15 : i32
    %scan3A_17 = arith.constant 1 : i32
    %scan3A_18 = scf.for %scan3A_25 = %scan3A_14 to %scan3A_16 step %scan3A_17 iter_args(%scan3A_26 = %scan3A_13) -> (i32)  : i32 {
      %mul3A_27 = arith.constant 256 : i32
      %mul3A_28 = arith.muli %add3A, %mul3A_27 : i32
      %mul3A_29 = arith.constant 128 : i32
      %mul3A_30 = arith.muli %scan3A_25, %mul3A_29 : i32
      %add3A_31 = arith.addi %mul3A_28, %mul3A_30 : i32
      "tpu.region"() ({
        %run_scoped3A = tpu.sem_alloc : memref<!tpu.dma_semaphore, #tpu.memory_space<semaphore_mem>>
        %dma_start3A_44 = tpu.memref_slice %arg3[%add3A_31] : memref<8192xi32, #tpu.memory_space<hbm>> -> memref<128xi32, #tpu.memory_space<hbm>>
        %dma_start3A_45 = tpu.memref_slice %arg3[%add3A_31] : memref<8192xi32, #tpu.memory_space<hbm>> -> memref<128xi32, #tpu.memory_space<hbm>>
        tpu.enqueue_dma source(%dma_start3A_45 : memref<128xi32, #tpu.memory_space<hbm>>) target(%arg7 : memref<128xi32, #tpu.memory_space<vmem>>) target_semaphore(%run_scoped3A : memref<!tpu.dma_semaphore, #tpu.memory_space<semaphore_mem>>)
        %dma_wait3A_46 = tpu.memref_slice %arg3[%add3A_31] : memref<8192xi32, #tpu.memory_space<hbm>> -> memref<128xi32, #tpu.memory_space<hbm>>
        %dma_wait3A_47 = tpu.memref_slice %arg3[%add3A_31] : memref<8192xi32, #tpu.memory_space<hbm>> -> memref<128xi32, #tpu.memory_space<hbm>>
        tpu.wait_dma2 semaphore(%run_scoped3A : memref<!tpu.dma_semaphore, #tpu.memory_space<semaphore_mem>>) src(%dma_wait3A_47 : memref<128xi32, #tpu.memory_space<hbm>>) dst(%arg7 : memref<128xi32, #tpu.memory_space<vmem>>)
        tpu.yield
      }) : () -> ()
      "tpu.region"() ({
        %run_scoped3A = tpu.sem_alloc : memref<!tpu.dma_semaphore, #tpu.memory_space<semaphore_mem>>
        %dma_start3A_44 = tpu.memref_slice %arg4[%add3A_31] : memref<8192xi32, #tpu.memory_space<hbm>> -> memref<128xi32, #tpu.memory_space<hbm>>
        %dma_start3A_45 = tpu.memref_slice %arg4[%add3A_31] : memref<8192xi32, #tpu.memory_space<hbm>> -> memref<128xi32, #tpu.memory_space<hbm>>
        tpu.enqueue_dma source(%dma_start3A_45 : memref<128xi32, #tpu.memory_space<hbm>>) target(%arg8 : memref<128xi32, #tpu.memory_space<vmem>>) target_semaphore(%run_scoped3A : memref<!tpu.dma_semaphore, #tpu.memory_space<semaphore_mem>>)
        %dma_wait3A_46 = tpu.memref_slice %arg4[%add3A_31] : memref<8192xi32, #tpu.memory_space<hbm>> -> memref<128xi32, #tpu.memory_space<hbm>>
        %dma_wait3A_47 = tpu.memref_slice %arg4[%add3A_31] : memref<8192xi32, #tpu.memory_space<hbm>> -> memref<128xi32, #tpu.memory_space<hbm>>
        tpu.wait_dma2 semaphore(%run_scoped3A : memref<!tpu.dma_semaphore, #tpu.memory_space<semaphore_mem>>) src(%dma_wait3A_47 : memref<128xi32, #tpu.memory_space<hbm>>) dst(%arg8 : memref<128xi32, #tpu.memory_space<vmem>>)
        tpu.yield
      }) : () -> ()
      %dma_start3A = arith.constant 0 : i32
      %dma_start3A_32 = arith.constant 0 : i32
      %dma_start3A_33 = tpu.memref_slice %arg2[%dma_start3A, %dma_start3A_32] : memref<4096x128xf32, #tpu.memory_space<hbm>> -> memref<4096x128xf32, #tpu.memory_space<hbm>>
      tpu.enqueue_indirect_dma source(%dma_start3A_33 : memref<4096x128xf32, #tpu.memory_space<hbm>>) target(%arg9 : memref<128x128xf32, #tpu.memory_space<vmem>>) offsets(%arg7 : memref<128xi32, #tpu.memory_space<vmem>>) semaphore(%arg11 : memref<!tpu.dma_semaphore, #tpu.memory_space<semaphore_mem>>)
      %dma_wait3A = arith.constant 0 : i32
      %dma_wait3A_34 = arith.constant 0 : i32
      %dma_wait3A_35 = tpu.memref_slice %arg2[%dma_wait3A, %dma_wait3A_34] : memref<4096x128xf32, #tpu.memory_space<hbm>> -> memref<4096x128xf32, #tpu.memory_space<hbm>>
      tpu.wait_indirect_dma semaphore(%arg11 : memref<!tpu.dma_semaphore, #tpu.memory_space<semaphore_mem>>) src(%dma_wait3A_35 : memref<4096x128xf32, #tpu.memory_space<hbm>>) dst(%arg9 : memref<128x128xf32, #tpu.memory_space<vmem>>)
      %scan3A_36 = arith.constant 0 : i32
      %scan3A_37 = arith.constant 0 : i32
      %scan3A_38 = arith.constant 128 : i32
      %scan3A_39 = arith.addi %scan3A_37, %scan3A_38 : i32
      %scan3A_40 = arith.constant 1 : i32
      %scan3A_41 = scf.for %scan3A_44 = %scan3A_37 to %scan3A_39 step %scan3A_40 iter_args(%scan3A_45 = %scan3A_36) -> (i32)  : i32 {
        %get3A = arith.index_cast %scan3A_44 : i32 to index
        %get3A_46 = arith.constant 0 : index
        %get3A_47 = tpu.vector_load %arg9[%get3A, %get3A_46] {strides = array<i32>} : memref<128x128xf32, #tpu.memory_space<vmem>>, vector<1x16xf32>,
        %get3A_48 = vector.shape_cast %get3A_47 : vector<1x16xf32> to vector<16xf32>
        %max3A = arith.constant 0.000000e+00 : f32
        %max3A_49 = vector.broadcast %max3A : f32 to vector<16xf32>
        %max3A_50 = arith.maximumf %get3A_48, %max3A_49 : vector<16xf32>
        %swap3A = arith.index_cast %scan3A_44 : i32 to index
        %swap3A_51 = arith.constant 0 : index
        %swap3A_52 = tpu.vector_load %arg10[%swap3A, %swap3A_51] {strides = array<i32>} : memref<128x128xf32, #tpu.memory_space<vmem>>, vector<1x16xf32>,
        %swap3A_53 = vector.shape_cast %swap3A_52 : vector<1x16xf32> to vector<16xf32>
        %swap3A_54 = vector.shape_cast %max3A_50 : vector<16xf32> to vector<1x16xf32>
        tpu.vector_store %arg10[%swap3A, %swap3A_51], %swap3A_54 {strides = array<i32>} : memref<128x128xf32, #tpu.memory_space<vmem>>, vector<1x16xf32>,
        %get3A_55 = arith.index_cast %scan3A_44 : i32 to index
        %get3A_56 = arith.constant 16 : index
        %get3A_57 = tpu.vector_load %arg9[%get3A_55, %get3A_56] {strides = array<i32>} : memref<128x128xf32, #tpu.memory_space<vmem>>, vector<1x16xf32>,
        %get3A_58 = vector.shape_cast %get3A_57 : vector<1x16xf32> to vector<16xf32>
        %max3A_59 = arith.constant 0.000000e+00 : f32
        %max3A_60 = vector.broadcast %max3A_59 : f32 to vector<16xf32>
        %max3A_61 = arith.maximumf %get3A_58, %max3A_60 : vector<16xf32>
        %swap3A_62 = arith.index_cast %scan3A_44 : i32 to index
        %swap3A_63 = arith.constant 16 : index
        %swap3A_64 = tpu.vector_load %arg10[%swap3A_62, %swap3A_63] {strides = array<i32>} : memref<128x128xf32, #tpu.memory_space<vmem>>, vector<1x16xf32>,
        %swap3A_65 = vector.shape_cast %swap3A_64 : vector<1x16xf32> to vector<16xf32>
        %swap3A_66 = vector.shape_cast %max3A_61 : vector<16xf32> to vector<1x16xf32>
        tpu.vector_store %arg10[%swap3A_62, %swap3A_63], %swap3A_66 {strides = array<i32>} : memref<128x128xf32, #tpu.memory_space<vmem>>, vector<1x16xf32>,
        %get3A_67 = arith.index_cast %scan3A_44 : i32 to index
        %get3A_68 = arith.constant 32 : index
        %get3A_69 = tpu.vector_load %arg9[%get3A_67, %get3A_68] {strides = array<i32>} : memref<128x128xf32, #tpu.memory_space<vmem>>, vector<1x16xf32>,
        %get3A_70 = vector.shape_cast %get3A_69 : vector<1x16xf32> to vector<16xf32>
        %max3A_71 = arith.constant 0.000000e+00 : f32
        %max3A_72 = vector.broadcast %max3A_71 : f32 to vector<16xf32>
        %max3A_73 = arith.maximumf %get3A_70, %max3A_72 : vector<16xf32>
        %swap3A_74 = arith.index_cast %scan3A_44 : i32 to index
        %swap3A_75 = arith.constant 32 : index
        %swap3A_76 = tpu.vector_load %arg10[%swap3A_74, %swap3A_75] {strides = array<i32>} : memref<128x128xf32, #tpu.memory_space<vmem>>, vector<1x16xf32>,
        %swap3A_77 = vector.shape_cast %swap3A_76 : vector<1x16xf32> to vector<16xf32>
        %swap3A_78 = vector.shape_cast %max3A_73 : vector<16xf32> to vector<1x16xf32>
        tpu.vector_store %arg10[%swap3A_74, %swap3A_75], %swap3A_78 {strides = array<i32>} : memref<128x128xf32, #tpu.memory_space<vmem>>, vector<1x16xf32>,
        %get3A_79 = arith.index_cast %scan3A_44 : i32 to index
        %get3A_80 = arith.constant 48 : index
        %get3A_81 = tpu.vector_load %arg9[%get3A_79, %get3A_80] {strides = array<i32>} : memref<128x128xf32, #tpu.memory_space<vmem>>, vector<1x16xf32>,
        %get3A_82 = vector.shape_cast %get3A_81 : vector<1x16xf32> to vector<16xf32>
        %max3A_83 = arith.constant 0.000000e+00 : f32
        %max3A_84 = vector.broadcast %max3A_83 : f32 to vector<16xf32>
        %max3A_85 = arith.maximumf %get3A_82, %max3A_84 : vector<16xf32>
        %swap3A_86 = arith.index_cast %scan3A_44 : i32 to index
        %swap3A_87 = arith.constant 48 : index
        %swap3A_88 = tpu.vector_load %arg10[%swap3A_86, %swap3A_87] {strides = array<i32>} : memref<128x128xf32, #tpu.memory_space<vmem>>, vector<1x16xf32>,
        %swap3A_89 = vector.shape_cast %swap3A_88 : vector<1x16xf32> to vector<16xf32>
        %swap3A_90 = vector.shape_cast %max3A_85 : vector<16xf32> to vector<1x16xf32>
        tpu.vector_store %arg10[%swap3A_86, %swap3A_87], %swap3A_90 {strides = array<i32>} : memref<128x128xf32, #tpu.memory_space<vmem>>, vector<1x16xf32>,
        %get3A_91 = arith.index_cast %scan3A_44 : i32 to index
        %get3A_92 = arith.constant 64 : index
        %get3A_93 = tpu.vector_load %arg9[%get3A_91, %get3A_92] {strides = array<i32>} : memref<128x128xf32, #tpu.memory_space<vmem>>, vector<1x16xf32>,
        %get3A_94 = vector.shape_cast %get3A_93 : vector<1x16xf32> to vector<16xf32>
        %max3A_95 = arith.constant 0.000000e+00 : f32
        %max3A_96 = vector.broadcast %max3A_95 : f32 to vector<16xf32>
        %max3A_97 = arith.maximumf %get3A_94, %max3A_96 : vector<16xf32>
        %swap3A_98 = arith.index_cast %scan3A_44 : i32 to index
        %swap3A_99 = arith.constant 64 : index
        %swap3A_100 = tpu.vector_load %arg10[%swap3A_98, %swap3A_99] {strides = array<i32>} : memref<128x128xf32, #tpu.memory_space<vmem>>, vector<1x16xf32>,
        %swap3A_101 = vector.shape_cast %swap3A_100 : vector<1x16xf32> to vector<16xf32>
        %swap3A_102 = vector.shape_cast %max3A_97 : vector<16xf32> to vector<1x16xf32>
        tpu.vector_store %arg10[%swap3A_98, %swap3A_99], %swap3A_102 {strides = array<i32>} : memref<128x128xf32, #tpu.memory_space<vmem>>, vector<1x16xf32>,
        %get3A_103 = arith.index_cast %scan3A_44 : i32 to index
        %get3A_104 = arith.constant 80 : index
        %get3A_105 = tpu.vector_load %arg9[%get3A_103, %get3A_104] {strides = array<i32>} : memref<128x128xf32, #tpu.memory_space<vmem>>, vector<1x16xf32>,
        %get3A_106 = vector.shape_cast %get3A_105 : vector<1x16xf32> to vector<16xf32>
        %max3A_107 = arith.constant 0.000000e+00 : f32
        %max3A_108 = vector.broadcast %max3A_107 : f32 to vector<16xf32>
        %max3A_109 = arith.maximumf %get3A_106, %max3A_108 : vector<16xf32>
        %swap3A_110 = arith.index_cast %scan3A_44 : i32 to index
        %swap3A_111 = arith.constant 80 : index
        %swap3A_112 = tpu.vector_load %arg10[%swap3A_110, %swap3A_111] {strides = array<i32>} : memref<128x128xf32, #tpu.memory_space<vmem>>, vector<1x16xf32>,
        %swap3A_113 = vector.shape_cast %swap3A_112 : vector<1x16xf32> to vector<16xf32>
        %swap3A_114 = vector.shape_cast %max3A_109 : vector<16xf32> to vector<1x16xf32>
        tpu.vector_store %arg10[%swap3A_110, %swap3A_111], %swap3A_114 {strides = array<i32>} : memref<128x128xf32, #tpu.memory_space<vmem>>, vector<1x16xf32>,
        %get3A_115 = arith.index_cast %scan3A_44 : i32 to index
        %get3A_116 = arith.constant 96 : index
        %get3A_117 = tpu.vector_load %arg9[%get3A_115, %get3A_116] {strides = array<i32>} : memref<128x128xf32, #tpu.memory_space<vmem>>, vector<1x16xf32>,
        %get3A_118 = vector.shape_cast %get3A_117 : vector<1x16xf32> to vector<16xf32>
        %max3A_119 = arith.constant 0.000000e+00 : f32
        %max3A_120 = vector.broadcast %max3A_119 : f32 to vector<16xf32>
        %max3A_121 = arith.maximumf %get3A_118, %max3A_120 : vector<16xf32>
        %swap3A_122 = arith.index_cast %scan3A_44 : i32 to index
        %swap3A_123 = arith.constant 96 : index
        %swap3A_124 = tpu.vector_load %arg10[%swap3A_122, %swap3A_123] {strides = array<i32>} : memref<128x128xf32, #tpu.memory_space<vmem>>, vector<1x16xf32>,
        %swap3A_125 = vector.shape_cast %swap3A_124 : vector<1x16xf32> to vector<16xf32>
        %swap3A_126 = vector.shape_cast %max3A_121 : vector<16xf32> to vector<1x16xf32>
        tpu.vector_store %arg10[%swap3A_122, %swap3A_123], %swap3A_126 {strides = array<i32>} : memref<128x128xf32, #tpu.memory_space<vmem>>, vector<1x16xf32>,
        %get3A_127 = arith.index_cast %scan3A_44 : i32 to index
        %get3A_128 = arith.constant 112 : index
        %get3A_129 = tpu.vector_load %arg9[%get3A_127, %get3A_128] {strides = array<i32>} : memref<128x128xf32, #tpu.memory_space<vmem>>, vector<1x16xf32>,
        %get3A_130 = vector.shape_cast %get3A_129 : vector<1x16xf32> to vector<16xf32>
        %max3A_131 = arith.constant 0.000000e+00 : f32
        %max3A_132 = vector.broadcast %max3A_131 : f32 to vector<16xf32>
        %max3A_133 = arith.maximumf %get3A_130, %max3A_132 : vector<16xf32>
        %swap3A_134 = arith.index_cast %scan3A_44 : i32 to index
        %swap3A_135 = arith.constant 112 : index
        %swap3A_136 = tpu.vector_load %arg10[%swap3A_134, %swap3A_135] {strides = array<i32>} : memref<128x128xf32, #tpu.memory_space<vmem>>, vector<1x16xf32>,
        %swap3A_137 = vector.shape_cast %swap3A_136 : vector<1x16xf32> to vector<16xf32>
        %swap3A_138 = vector.shape_cast %max3A_133 : vector<16xf32> to vector<1x16xf32>
        tpu.vector_store %arg10[%swap3A_134, %swap3A_135], %swap3A_138 {strides = array<i32>} : memref<128x128xf32, #tpu.memory_space<vmem>>, vector<1x16xf32>,
        %scan3A_139 = arith.constant 0 : i32
        scf.yield %scan3A_139 : i32
      }
      %scan3A_42 = arith.constant 128 : i32
      "tpu.region"() ({
        %run_scoped3A = tpu.sem_alloc : memref<!tpu.dma_semaphore, #tpu.memory_space<semaphore_mem>>
        %dma_start3A_44 = arith.constant 0 : i32
        %dma_start3A_45 = arith.constant 0 : i32
        %dma_start3A_46 = tpu.memref_slice %arg6[%dma_start3A_44, %dma_start3A_45] : memref<4096x128xf32, #tpu.memory_space<vmem_shared>> -> memref<4096x128xf32, #tpu.memory_space<vmem_shared>>
        tpu.enqueue_indirect_dma source(%arg10 : memref<128x128xf32, #tpu.memory_space<vmem>>) target(%dma_start3A_46 : memref<4096x128xf32, #tpu.memory_space<vmem_shared>>) offsets(%arg8 : memref<128xi32, #tpu.memory_space<vmem>>) semaphore(%run_scoped3A : memref<!tpu.dma_semaphore, #tpu.memory_space<semaphore_mem>>) {add = true}
        %dma_wait3A_47 = arith.constant 0 : i32
        %dma_wait3A_48 = arith.constant 0 : i32
        %dma_wait3A_49 = tpu.memref_slice %arg6[%dma_wait3A_47, %dma_wait3A_48] : memref<4096x128xf32, #tpu.memory_space<vmem_shared>> -> memref<4096x128xf32, #tpu.memory_space<vmem_shared>>
        tpu.wait_indirect_dma semaphore(%run_scoped3A : memref<!tpu.dma_semaphore, #tpu.memory_space<semaphore_mem>>) src(%arg10 : memref<128x128xf32, #tpu.memory_space<vmem>>) dst(%dma_wait3A_49 : memref<4096x128xf32, #tpu.memory_space<vmem_shared>>)
        tpu.yield
      }) : () -> ()
      %scan3A_43 = arith.constant 0 : i32
      scf.yield %scan3A_43 : i32
    }
    %scan3A_19 = arith.constant 2 : i32
    %barrier3A_20 = arith.constant 0 : index
    tpu.barrier barrier_id(%barrier3A_20)
    %mul3A_21 = arith.constant 256 : i32
    %mul3A_22 = arith.muli %arg1, %mul3A_21 : i32
    %mul3A_23 = arith.constant 256 : i32
    %mul3A_24 = arith.muli %arg1, %mul3A_23 : i32
    "tpu.region"() ({
      %run_scoped3A = tpu.sem_alloc : memref<!tpu.dma_semaphore, #tpu.memory_space<semaphore_mem>>
      %dma_start3A = arith.constant 0 : i32
      %dma_start3A_25 = tpu.memref_slice %arg5[%arg0, %mul3A_24, %dma_start3A] : memref<2x4096x128xf32, #tpu.memory_space<hbm>> -> memref<1x256x128xf32, #tpu.memory_space<hbm>>
      %dma_start3A_26 = tpu.memref_squeeze %dma_start3A_25 : memref<1x256x128xf32, #tpu.memory_space<hbm>> -> memref<256x128xf32, #tpu.memory_space<hbm>>
      %dma_start3A_27 = arith.constant 0 : i32
      %dma_start3A_28 = tpu.memref_slice %arg6[%mul3A_22, %dma_start3A_27] : memref<4096x128xf32, #tpu.memory_space<vmem_shared>> -> memref<256x128xf32, #tpu.memory_space<vmem_shared>>
      tpu.enqueue_dma source(%dma_start3A_28 : memref<256x128xf32, #tpu.memory_space<vmem_shared>>) target(%dma_start3A_26 : memref<256x128xf32, #tpu.memory_space<hbm>>) target_semaphore(%run_scoped3A : memref<!tpu.dma_semaphore, #tpu.memory_space<semaphore_mem>>)
      %dma_wait3A = arith.constant 0 : i32
      %dma_wait3A_29 = tpu.memref_slice %arg5[%arg0, %mul3A_24, %dma_wait3A] : memref<2x4096x128xf32, #tpu.memory_space<hbm>> -> memref<1x256x128xf32, #tpu.memory_space<hbm>>
      %dma_wait3A_30 = tpu.memref_squeeze %dma_wait3A_29 : memref<1x256x128xf32, #tpu.memory_space<hbm>> -> memref<256x128xf32, #tpu.memory_space<hbm>>
      %dma_wait3A_31 = arith.constant 0 : i32
      %dma_wait3A_32 = tpu.memref_slice %arg6[%mul3A_22, %dma_wait3A_31] : memref<4096x128xf32, #tpu.memory_space<vmem_shared>> -> memref<256x128xf32, #tpu.memory_space<vmem_shared>>
      tpu.wait_dma2 semaphore(%run_scoped3A : memref<!tpu.dma_semaphore, #tpu.memory_space<semaphore_mem>>) src(%dma_wait3A_32 : memref<256x128xf32, #tpu.memory_space<vmem_shared>>) dst(%dma_wait3A_30 : memref<256x128xf32, #tpu.memory_space<hbm>>)
      tpu.yield
    }) : () -> ()
    return
  }
}

#map = affine_map<(d0, d1) -> (0, 0)>
#map1 = affine_map<(d0, d1) -> (0)>
#map2 = affine_map<(d0, d1) -> (0, 0, 0)>
module attributes {stable_mosaic.version = 14 : i64} {
  func.func @body(%arg0: i32, %arg1: i32, %arg2: memref<10000x128xf32, #tpu.memory_space<hbm>>, %arg3: memref<320000x128xf32, #tpu.memory_space<hbm>>, %arg4: memref<320000xi32, #tpu.memory_space<hbm>>, %arg5: memref<320000xi32, #tpu.memory_space<hbm>>, %arg6: memref<2x10000x128xf32, #tpu.memory_space<hbm>>, %arg7: memref<10000x128xf32, #tpu.memory_space<vmem_shared>>, %arg8: memref<80xi32, #tpu.memory_space<vmem>>, %arg9: memref<80xi32, #tpu.memory_space<vmem>>, %arg10: memref<80x128xf32, #tpu.memory_space<vmem>>, %arg11: memref<80x128xf32, #tpu.memory_space<vmem>>, %arg12: memref<80x128xf32, #tpu.memory_space<vmem>>, %arg13: memref<!tpu.dma_semaphore, #tpu.memory_space<semaphore_mem>>) attributes {dimension_semantics = [#tpu.dimension_semantics<core_parallel>, #tpu.dimension_semantics<subcore_parallel>], iteration_bounds = array<i64: 2, 16>, scalar_prefetch = 0 : i64, scratch_operands = 7 : i64, tpu.core_type = #tpu.core_type<sc_vector_subcore>, window_params = [{transform_indices = #map}, {transform_indices = #map}, {transform_indices = #map1}, {transform_indices = #map1}, {transform_indices = #map2}]} {
    %mul3A = arith.constant 16 : i32
    %mul3A_0 = arith.muli %arg0, %mul3A : i32
    %add3A = arith.addi %mul3A_0, %arg1 : i32
    %scan3A = arith.constant 0 : i32
    %scan3A_1 = arith.constant 0 : i32
    %scan3A_2 = arith.constant 80 : i32
    %scan3A_3 = arith.addi %scan3A_1, %scan3A_2 : i32
    %scan3A_4 = arith.constant 1 : i32
    %scan3A_5 = scf.for %scan3A_44 = %scan3A_1 to %scan3A_3 step %scan3A_4 iter_args(%scan3A_45 = %scan3A) -> (i32)  : i32 {
      %broadcast_in_dim3A = arith.constant 0.000000e+00 : f32
      %broadcast_in_dim3A_46 = vector.broadcast %broadcast_in_dim3A : f32 to vector<16xf32>
      %swap3A = arith.index_cast %scan3A_44 : i32 to index
      %swap3A_47 = arith.constant 0 : index
      %swap3A_48 = tpu.vector_load %arg12[%swap3A, %swap3A_47] {strides = array<i32>} : memref<80x128xf32, #tpu.memory_space<vmem>>, vector<1x16xf32>,
      %swap3A_49 = vector.shape_cast %swap3A_48 : vector<1x16xf32> to vector<16xf32>
      %swap3A_50 = vector.shape_cast %broadcast_in_dim3A_46 : vector<16xf32> to vector<1x16xf32>
      tpu.vector_store %arg12[%swap3A, %swap3A_47], %swap3A_50 {strides = array<i32>} : memref<80x128xf32, #tpu.memory_space<vmem>>, vector<1x16xf32>,
      %broadcast_in_dim3A_51 = arith.constant 0.000000e+00 : f32
      %broadcast_in_dim3A_52 = vector.broadcast %broadcast_in_dim3A_51 : f32 to vector<16xf32>
      %swap3A_53 = arith.index_cast %scan3A_44 : i32 to index
      %swap3A_54 = arith.constant 16 : index
      %swap3A_55 = tpu.vector_load %arg12[%swap3A_53, %swap3A_54] {strides = array<i32>} : memref<80x128xf32, #tpu.memory_space<vmem>>, vector<1x16xf32>,
      %swap3A_56 = vector.shape_cast %swap3A_55 : vector<1x16xf32> to vector<16xf32>
      %swap3A_57 = vector.shape_cast %broadcast_in_dim3A_52 : vector<16xf32> to vector<1x16xf32>
      tpu.vector_store %arg12[%swap3A_53, %swap3A_54], %swap3A_57 {strides = array<i32>} : memref<80x128xf32, #tpu.memory_space<vmem>>, vector<1x16xf32>,
      %broadcast_in_dim3A_58 = arith.constant 0.000000e+00 : f32
      %broadcast_in_dim3A_59 = vector.broadcast %broadcast_in_dim3A_58 : f32 to vector<16xf32>
      %swap3A_60 = arith.index_cast %scan3A_44 : i32 to index
      %swap3A_61 = arith.constant 32 : index
      %swap3A_62 = tpu.vector_load %arg12[%swap3A_60, %swap3A_61] {strides = array<i32>} : memref<80x128xf32, #tpu.memory_space<vmem>>, vector<1x16xf32>,
      %swap3A_63 = vector.shape_cast %swap3A_62 : vector<1x16xf32> to vector<16xf32>
      %swap3A_64 = vector.shape_cast %broadcast_in_dim3A_59 : vector<16xf32> to vector<1x16xf32>
      tpu.vector_store %arg12[%swap3A_60, %swap3A_61], %swap3A_64 {strides = array<i32>} : memref<80x128xf32, #tpu.memory_space<vmem>>, vector<1x16xf32>,
      %broadcast_in_dim3A_65 = arith.constant 0.000000e+00 : f32
      %broadcast_in_dim3A_66 = vector.broadcast %broadcast_in_dim3A_65 : f32 to vector<16xf32>
      %swap3A_67 = arith.index_cast %scan3A_44 : i32 to index
      %swap3A_68 = arith.constant 48 : index
      %swap3A_69 = tpu.vector_load %arg12[%swap3A_67, %swap3A_68] {strides = array<i32>} : memref<80x128xf32, #tpu.memory_space<vmem>>, vector<1x16xf32>,
      %swap3A_70 = vector.shape_cast %swap3A_69 : vector<1x16xf32> to vector<16xf32>
      %swap3A_71 = vector.shape_cast %broadcast_in_dim3A_66 : vector<16xf32> to vector<1x16xf32>
      tpu.vector_store %arg12[%swap3A_67, %swap3A_68], %swap3A_71 {strides = array<i32>} : memref<80x128xf32, #tpu.memory_space<vmem>>, vector<1x16xf32>,
      %broadcast_in_dim3A_72 = arith.constant 0.000000e+00 : f32
      %broadcast_in_dim3A_73 = vector.broadcast %broadcast_in_dim3A_72 : f32 to vector<16xf32>
      %swap3A_74 = arith.index_cast %scan3A_44 : i32 to index
      %swap3A_75 = arith.constant 64 : index
      %swap3A_76 = tpu.vector_load %arg12[%swap3A_74, %swap3A_75] {strides = array<i32>} : memref<80x128xf32, #tpu.memory_space<vmem>>, vector<1x16xf32>,
      %swap3A_77 = vector.shape_cast %swap3A_76 : vector<1x16xf32> to vector<16xf32>
      %swap3A_78 = vector.shape_cast %broadcast_in_dim3A_73 : vector<16xf32> to vector<1x16xf32>
      tpu.vector_store %arg12[%swap3A_74, %swap3A_75], %swap3A_78 {strides = array<i32>} : memref<80x128xf32, #tpu.memory_space<vmem>>, vector<1x16xf32>,
      %broadcast_in_dim3A_79 = arith.constant 0.000000e+00 : f32
      %broadcast_in_dim3A_80 = vector.broadcast %broadcast_in_dim3A_79 : f32 to vector<16xf32>
      %swap3A_81 = arith.index_cast %scan3A_44 : i32 to index
      %swap3A_82 = arith.constant 80 : index
      %swap3A_83 = tpu.vector_load %arg12[%swap3A_81, %swap3A_82] {strides = array<i32>} : memref<80x128xf32, #tpu.memory_space<vmem>>, vector<1x16xf32>,
      %swap3A_84 = vector.shape_cast %swap3A_83 : vector<1x16xf32> to vector<16xf32>
      %swap3A_85 = vector.shape_cast %broadcast_in_dim3A_80 : vector<16xf32> to vector<1x16xf32>
      tpu.vector_store %arg12[%swap3A_81, %swap3A_82], %swap3A_85 {strides = array<i32>} : memref<80x128xf32, #tpu.memory_space<vmem>>, vector<1x16xf32>,
      %broadcast_in_dim3A_86 = arith.constant 0.000000e+00 : f32
      %broadcast_in_dim3A_87 = vector.broadcast %broadcast_in_dim3A_86 : f32 to vector<16xf32>
      %swap3A_88 = arith.index_cast %scan3A_44 : i32 to index
      %swap3A_89 = arith.constant 96 : index
      %swap3A_90 = tpu.vector_load %arg12[%swap3A_88, %swap3A_89] {strides = array<i32>} : memref<80x128xf32, #tpu.memory_space<vmem>>, vector<1x16xf32>,
      %swap3A_91 = vector.shape_cast %swap3A_90 : vector<1x16xf32> to vector<16xf32>
      %swap3A_92 = vector.shape_cast %broadcast_in_dim3A_87 : vector<16xf32> to vector<1x16xf32>
      tpu.vector_store %arg12[%swap3A_88, %swap3A_89], %swap3A_92 {strides = array<i32>} : memref<80x128xf32, #tpu.memory_space<vmem>>, vector<1x16xf32>,
      %broadcast_in_dim3A_93 = arith.constant 0.000000e+00 : f32
      %broadcast_in_dim3A_94 = vector.broadcast %broadcast_in_dim3A_93 : f32 to vector<16xf32>
      %swap3A_95 = arith.index_cast %scan3A_44 : i32 to index
      %swap3A_96 = arith.constant 112 : index
      %swap3A_97 = tpu.vector_load %arg12[%swap3A_95, %swap3A_96] {strides = array<i32>} : memref<80x128xf32, #tpu.memory_space<vmem>>, vector<1x16xf32>,
      %swap3A_98 = vector.shape_cast %swap3A_97 : vector<1x16xf32> to vector<16xf32>
      %swap3A_99 = vector.shape_cast %broadcast_in_dim3A_94 : vector<16xf32> to vector<1x16xf32>
      tpu.vector_store %arg12[%swap3A_95, %swap3A_96], %swap3A_99 {strides = array<i32>} : memref<80x128xf32, #tpu.memory_space<vmem>>, vector<1x16xf32>,
      %scan3A_100 = arith.constant 0 : i32
      scf.yield %scan3A_100 : i32
    }
    %scan3A_6 = arith.constant 80 : i32
    %mul3A_7 = arith.constant 624 : i32
    %mul3A_8 = arith.muli %arg1, %mul3A_7 : i32
    %add3A_9 = arith.constant 0 : i32
    %add3A_10 = arith.addi %mul3A_8, %add3A_9 : i32
    "tpu.region"() ({
      %run_scoped3A = tpu.sem_alloc : memref<!tpu.dma_semaphore, #tpu.memory_space<semaphore_mem>>
      %dma_start3A = arith.constant 0 : i32
      %dma_start3A_44 = arith.constant 0 : i32
      %dma_start3A_45 = tpu.memref_slice %arg12[%dma_start3A, %dma_start3A_44] : memref<80x128xf32, #tpu.memory_space<vmem>> -> memref<80x128xf32, #tpu.memory_space<vmem>>
      %dma_start3A_46 = arith.constant 0 : i32
      %dma_start3A_47 = tpu.memref_slice %arg7[%add3A_10, %dma_start3A_46] : memref<10000x128xf32, #tpu.memory_space<vmem_shared>> -> memref<80x128xf32, #tpu.memory_space<vmem_shared>>
      %dma_start3A_48 = arith.constant 0 : i32
      %dma_start3A_49 = tpu.memref_slice %arg7[%add3A_10, %dma_start3A_48] : memref<10000x128xf32, #tpu.memory_space<vmem_shared>> -> memref<80x128xf32, #tpu.memory_space<vmem_shared>>
      %dma_start3A_50 = arith.constant 0 : i32
      %dma_start3A_51 = arith.constant 0 : i32
      %dma_start3A_52 = tpu.memref_slice %arg12[%dma_start3A_50, %dma_start3A_51] : memref<80x128xf32, #tpu.memory_space<vmem>> -> memref<80x128xf32, #tpu.memory_space<vmem>>
      tpu.enqueue_dma source(%dma_start3A_52 : memref<80x128xf32, #tpu.memory_space<vmem>>) target(%dma_start3A_49 : memref<80x128xf32, #tpu.memory_space<vmem_shared>>) target_semaphore(%run_scoped3A : memref<!tpu.dma_semaphore, #tpu.memory_space<semaphore_mem>>)
      %dma_wait3A = arith.constant 0 : i32
      %dma_wait3A_53 = arith.constant 0 : i32
      %dma_wait3A_54 = tpu.memref_slice %arg12[%dma_wait3A, %dma_wait3A_53] : memref<80x128xf32, #tpu.memory_space<vmem>> -> memref<80x128xf32, #tpu.memory_space<vmem>>
      %dma_wait3A_55 = arith.constant 0 : i32
      %dma_wait3A_56 = tpu.memref_slice %arg7[%add3A_10, %dma_wait3A_55] : memref<10000x128xf32, #tpu.memory_space<vmem_shared>> -> memref<80x128xf32, #tpu.memory_space<vmem_shared>>
      %dma_wait3A_57 = arith.constant 0 : i32
      %dma_wait3A_58 = tpu.memref_slice %arg7[%add3A_10, %dma_wait3A_57] : memref<10000x128xf32, #tpu.memory_space<vmem_shared>> -> memref<80x128xf32, #tpu.memory_space<vmem_shared>>
      %dma_wait3A_59 = arith.constant 0 : i32
      %dma_wait3A_60 = arith.constant 0 : i32
      %dma_wait3A_61 = tpu.memref_slice %arg12[%dma_wait3A_59, %dma_wait3A_60] : memref<80x128xf32, #tpu.memory_space<vmem>> -> memref<80x128xf32, #tpu.memory_space<vmem>>
      tpu.wait_dma2 semaphore(%run_scoped3A : memref<!tpu.dma_semaphore, #tpu.memory_space<semaphore_mem>>) src(%dma_wait3A_61 : memref<80x128xf32, #tpu.memory_space<vmem>>) dst(%dma_wait3A_58 : memref<80x128xf32, #tpu.memory_space<vmem_shared>>)
      tpu.yield
    }) : () -> ()
    %add3A_11 = arith.constant 80 : i32
    %add3A_12 = arith.addi %mul3A_8, %add3A_11 : i32
    "tpu.region"() ({
      %run_scoped3A = tpu.sem_alloc : memref<!tpu.dma_semaphore, #tpu.memory_space<semaphore_mem>>
      %dma_start3A = arith.constant 0 : i32
      %dma_start3A_44 = arith.constant 0 : i32
      %dma_start3A_45 = tpu.memref_slice %arg12[%dma_start3A, %dma_start3A_44] : memref<80x128xf32, #tpu.memory_space<vmem>> -> memref<80x128xf32, #tpu.memory_space<vmem>>
      %dma_start3A_46 = arith.constant 0 : i32
      %dma_start3A_47 = tpu.memref_slice %arg7[%add3A_12, %dma_start3A_46] : memref<10000x128xf32, #tpu.memory_space<vmem_shared>> -> memref<80x128xf32, #tpu.memory_space<vmem_shared>>
      %dma_start3A_48 = arith.constant 0 : i32
      %dma_start3A_49 = tpu.memref_slice %arg7[%add3A_12, %dma_start3A_48] : memref<10000x128xf32, #tpu.memory_space<vmem_shared>> -> memref<80x128xf32, #tpu.memory_space<vmem_shared>>
      %dma_start3A_50 = arith.constant 0 : i32
      %dma_start3A_51 = arith.constant 0 : i32
      %dma_start3A_52 = tpu.memref_slice %arg12[%dma_start3A_50, %dma_start3A_51] : memref<80x128xf32, #tpu.memory_space<vmem>> -> memref<80x128xf32, #tpu.memory_space<vmem>>
      tpu.enqueue_dma source(%dma_start3A_52 : memref<80x128xf32, #tpu.memory_space<vmem>>) target(%dma_start3A_49 : memref<80x128xf32, #tpu.memory_space<vmem_shared>>) target_semaphore(%run_scoped3A : memref<!tpu.dma_semaphore, #tpu.memory_space<semaphore_mem>>)
      %dma_wait3A = arith.constant 0 : i32
      %dma_wait3A_53 = arith.constant 0 : i32
      %dma_wait3A_54 = tpu.memref_slice %arg12[%dma_wait3A, %dma_wait3A_53] : memref<80x128xf32, #tpu.memory_space<vmem>> -> memref<80x128xf32, #tpu.memory_space<vmem>>
      %dma_wait3A_55 = arith.constant 0 : i32
      %dma_wait3A_56 = tpu.memref_slice %arg7[%add3A_12, %dma_wait3A_55] : memref<10000x128xf32, #tpu.memory_space<vmem_shared>> -> memref<80x128xf32, #tpu.memory_space<vmem_shared>>
      %dma_wait3A_57 = arith.constant 0 : i32
      %dma_wait3A_58 = tpu.memref_slice %arg7[%add3A_12, %dma_wait3A_57] : memref<10000x128xf32, #tpu.memory_space<vmem_shared>> -> memref<80x128xf32, #tpu.memory_space<vmem_shared>>
      %dma_wait3A_59 = arith.constant 0 : i32
      %dma_wait3A_60 = arith.constant 0 : i32
      %dma_wait3A_61 = tpu.memref_slice %arg12[%dma_wait3A_59, %dma_wait3A_60] : memref<80x128xf32, #tpu.memory_space<vmem>> -> memref<80x128xf32, #tpu.memory_space<vmem>>
      tpu.wait_dma2 semaphore(%run_scoped3A : memref<!tpu.dma_semaphore, #tpu.memory_space<semaphore_mem>>) src(%dma_wait3A_61 : memref<80x128xf32, #tpu.memory_space<vmem>>) dst(%dma_wait3A_58 : memref<80x128xf32, #tpu.memory_space<vmem_shared>>)
      tpu.yield
    }) : () -> ()
    %add3A_13 = arith.constant 160 : i32
    %add3A_14 = arith.addi %mul3A_8, %add3A_13 : i32
    "tpu.region"() ({
      %run_scoped3A = tpu.sem_alloc : memref<!tpu.dma_semaphore, #tpu.memory_space<semaphore_mem>>
      %dma_start3A = arith.constant 0 : i32
      %dma_start3A_44 = arith.constant 0 : i32
      %dma_start3A_45 = tpu.memref_slice %arg12[%dma_start3A, %dma_start3A_44] : memref<80x128xf32, #tpu.memory_space<vmem>> -> memref<80x128xf32, #tpu.memory_space<vmem>>
      %dma_start3A_46 = arith.constant 0 : i32
      %dma_start3A_47 = tpu.memref_slice %arg7[%add3A_14, %dma_start3A_46] : memref<10000x128xf32, #tpu.memory_space<vmem_shared>> -> memref<80x128xf32, #tpu.memory_space<vmem_shared>>
      %dma_start3A_48 = arith.constant 0 : i32
      %dma_start3A_49 = tpu.memref_slice %arg7[%add3A_14, %dma_start3A_48] : memref<10000x128xf32, #tpu.memory_space<vmem_shared>> -> memref<80x128xf32, #tpu.memory_space<vmem_shared>>
      %dma_start3A_50 = arith.constant 0 : i32
      %dma_start3A_51 = arith.constant 0 : i32
      %dma_start3A_52 = tpu.memref_slice %arg12[%dma_start3A_50, %dma_start3A_51] : memref<80x128xf32, #tpu.memory_space<vmem>> -> memref<80x128xf32, #tpu.memory_space<vmem>>
      tpu.enqueue_dma source(%dma_start3A_52 : memref<80x128xf32, #tpu.memory_space<vmem>>) target(%dma_start3A_49 : memref<80x128xf32, #tpu.memory_space<vmem_shared>>) target_semaphore(%run_scoped3A : memref<!tpu.dma_semaphore, #tpu.memory_space<semaphore_mem>>)
      %dma_wait3A = arith.constant 0 : i32
      %dma_wait3A_53 = arith.constant 0 : i32
      %dma_wait3A_54 = tpu.memref_slice %arg12[%dma_wait3A, %dma_wait3A_53] : memref<80x128xf32, #tpu.memory_space<vmem>> -> memref<80x128xf32, #tpu.memory_space<vmem>>
      %dma_wait3A_55 = arith.constant 0 : i32
      %dma_wait3A_56 = tpu.memref_slice %arg7[%add3A_14, %dma_wait3A_55] : memref<10000x128xf32, #tpu.memory_space<vmem_shared>> -> memref<80x128xf32, #tpu.memory_space<vmem_shared>>
      %dma_wait3A_57 = arith.constant 0 : i32
      %dma_wait3A_58 = tpu.memref_slice %arg7[%add3A_14, %dma_wait3A_57] : memref<10000x128xf32, #tpu.memory_space<vmem_shared>> -> memref<80x128xf32, #tpu.memory_space<vmem_shared>>
      %dma_wait3A_59 = arith.constant 0 : i32
      %dma_wait3A_60 = arith.constant 0 : i32
      %dma_wait3A_61 = tpu.memref_slice %arg12[%dma_wait3A_59, %dma_wait3A_60] : memref<80x128xf32, #tpu.memory_space<vmem>> -> memref<80x128xf32, #tpu.memory_space<vmem>>
      tpu.wait_dma2 semaphore(%run_scoped3A : memref<!tpu.dma_semaphore, #tpu.memory_space<semaphore_mem>>) src(%dma_wait3A_61 : memref<80x128xf32, #tpu.memory_space<vmem>>) dst(%dma_wait3A_58 : memref<80x128xf32, #tpu.memory_space<vmem_shared>>)
      tpu.yield
    }) : () -> ()
    %add3A_15 = arith.constant 240 : i32
    %add3A_16 = arith.addi %mul3A_8, %add3A_15 : i32
    "tpu.region"() ({
      %run_scoped3A = tpu.sem_alloc : memref<!tpu.dma_semaphore, #tpu.memory_space<semaphore_mem>>
      %dma_start3A = arith.constant 0 : i32
      %dma_start3A_44 = arith.constant 0 : i32
      %dma_start3A_45 = tpu.memref_slice %arg12[%dma_start3A, %dma_start3A_44] : memref<80x128xf32, #tpu.memory_space<vmem>> -> memref<80x128xf32, #tpu.memory_space<vmem>>
      %dma_start3A_46 = arith.constant 0 : i32
      %dma_start3A_47 = tpu.memref_slice %arg7[%add3A_16, %dma_start3A_46] : memref<10000x128xf32, #tpu.memory_space<vmem_shared>> -> memref<80x128xf32, #tpu.memory_space<vmem_shared>>
      %dma_start3A_48 = arith.constant 0 : i32
      %dma_start3A_49 = tpu.memref_slice %arg7[%add3A_16, %dma_start3A_48] : memref<10000x128xf32, #tpu.memory_space<vmem_shared>> -> memref<80x128xf32, #tpu.memory_space<vmem_shared>>
      %dma_start3A_50 = arith.constant 0 : i32
      %dma_start3A_51 = arith.constant 0 : i32
      %dma_start3A_52 = tpu.memref_slice %arg12[%dma_start3A_50, %dma_start3A_51] : memref<80x128xf32, #tpu.memory_space<vmem>> -> memref<80x128xf32, #tpu.memory_space<vmem>>
      tpu.enqueue_dma source(%dma_start3A_52 : memref<80x128xf32, #tpu.memory_space<vmem>>) target(%dma_start3A_49 : memref<80x128xf32, #tpu.memory_space<vmem_shared>>) target_semaphore(%run_scoped3A : memref<!tpu.dma_semaphore, #tpu.memory_space<semaphore_mem>>)
      %dma_wait3A = arith.constant 0 : i32
      %dma_wait3A_53 = arith.constant 0 : i32
      %dma_wait3A_54 = tpu.memref_slice %arg12[%dma_wait3A, %dma_wait3A_53] : memref<80x128xf32, #tpu.memory_space<vmem>> -> memref<80x128xf32, #tpu.memory_space<vmem>>
      %dma_wait3A_55 = arith.constant 0 : i32
      %dma_wait3A_56 = tpu.memref_slice %arg7[%add3A_16, %dma_wait3A_55] : memref<10000x128xf32, #tpu.memory_space<vmem_shared>> -> memref<80x128xf32, #tpu.memory_space<vmem_shared>>
      %dma_wait3A_57 = arith.constant 0 : i32
      %dma_wait3A_58 = tpu.memref_slice %arg7[%add3A_16, %dma_wait3A_57] : memref<10000x128xf32, #tpu.memory_space<vmem_shared>> -> memref<80x128xf32, #tpu.memory_space<vmem_shared>>
      %dma_wait3A_59 = arith.constant 0 : i32
      %dma_wait3A_60 = arith.constant 0 : i32
      %dma_wait3A_61 = tpu.memref_slice %arg12[%dma_wait3A_59, %dma_wait3A_60] : memref<80x128xf32, #tpu.memory_space<vmem>> -> memref<80x128xf32, #tpu.memory_space<vmem>>
      tpu.wait_dma2 semaphore(%run_scoped3A : memref<!tpu.dma_semaphore, #tpu.memory_space<semaphore_mem>>) src(%dma_wait3A_61 : memref<80x128xf32, #tpu.memory_space<vmem>>) dst(%dma_wait3A_58 : memref<80x128xf32, #tpu.memory_space<vmem_shared>>)
      tpu.yield
    }) : () -> ()
    %add3A_17 = arith.constant 320 : i32
    %add3A_18 = arith.addi %mul3A_8, %add3A_17 : i32
    "tpu.region"() ({
      %run_scoped3A = tpu.sem_alloc : memref<!tpu.dma_semaphore, #tpu.memory_space<semaphore_mem>>
      %dma_start3A = arith.constant 0 : i32
      %dma_start3A_44 = arith.constant 0 : i32
      %dma_start3A_45 = tpu.memref_slice %arg12[%dma_start3A, %dma_start3A_44] : memref<80x128xf32, #tpu.memory_space<vmem>> -> memref<80x128xf32, #tpu.memory_space<vmem>>
      %dma_start3A_46 = arith.constant 0 : i32
      %dma_start3A_47 = tpu.memref_slice %arg7[%add3A_18, %dma_start3A_46] : memref<10000x128xf32, #tpu.memory_space<vmem_shared>> -> memref<80x128xf32, #tpu.memory_space<vmem_shared>>
      %dma_start3A_48 = arith.constant 0 : i32
      %dma_start3A_49 = tpu.memref_slice %arg7[%add3A_18, %dma_start3A_48] : memref<10000x128xf32, #tpu.memory_space<vmem_shared>> -> memref<80x128xf32, #tpu.memory_space<vmem_shared>>
      %dma_start3A_50 = arith.constant 0 : i32
      %dma_start3A_51 = arith.constant 0 : i32
      %dma_start3A_52 = tpu.memref_slice %arg12[%dma_start3A_50, %dma_start3A_51] : memref<80x128xf32, #tpu.memory_space<vmem>> -> memref<80x128xf32, #tpu.memory_space<vmem>>
      tpu.enqueue_dma source(%dma_start3A_52 : memref<80x128xf32, #tpu.memory_space<vmem>>) target(%dma_start3A_49 : memref<80x128xf32, #tpu.memory_space<vmem_shared>>) target_semaphore(%run_scoped3A : memref<!tpu.dma_semaphore, #tpu.memory_space<semaphore_mem>>)
      %dma_wait3A = arith.constant 0 : i32
      %dma_wait3A_53 = arith.constant 0 : i32
      %dma_wait3A_54 = tpu.memref_slice %arg12[%dma_wait3A, %dma_wait3A_53] : memref<80x128xf32, #tpu.memory_space<vmem>> -> memref<80x128xf32, #tpu.memory_space<vmem>>
      %dma_wait3A_55 = arith.constant 0 : i32
      %dma_wait3A_56 = tpu.memref_slice %arg7[%add3A_18, %dma_wait3A_55] : memref<10000x128xf32, #tpu.memory_space<vmem_shared>> -> memref<80x128xf32, #tpu.memory_space<vmem_shared>>
      %dma_wait3A_57 = arith.constant 0 : i32
      %dma_wait3A_58 = tpu.memref_slice %arg7[%add3A_18, %dma_wait3A_57] : memref<10000x128xf32, #tpu.memory_space<vmem_shared>> -> memref<80x128xf32, #tpu.memory_space<vmem_shared>>
      %dma_wait3A_59 = arith.constant 0 : i32
      %dma_wait3A_60 = arith.constant 0 : i32
      %dma_wait3A_61 = tpu.memref_slice %arg12[%dma_wait3A_59, %dma_wait3A_60] : memref<80x128xf32, #tpu.memory_space<vmem>> -> memref<80x128xf32, #tpu.memory_space<vmem>>
      tpu.wait_dma2 semaphore(%run_scoped3A : memref<!tpu.dma_semaphore, #tpu.memory_space<semaphore_mem>>) src(%dma_wait3A_61 : memref<80x128xf32, #tpu.memory_space<vmem>>) dst(%dma_wait3A_58 : memref<80x128xf32, #tpu.memory_space<vmem_shared>>)
      tpu.yield
    }) : () -> ()
    %add3A_19 = arith.constant 400 : i32
    %add3A_20 = arith.addi %mul3A_8, %add3A_19 : i32
    "tpu.region"() ({
      %run_scoped3A = tpu.sem_alloc : memref<!tpu.dma_semaphore, #tpu.memory_space<semaphore_mem>>
      %dma_start3A = arith.constant 0 : i32
      %dma_start3A_44 = arith.constant 0 : i32
      %dma_start3A_45 = tpu.memref_slice %arg12[%dma_start3A, %dma_start3A_44] : memref<80x128xf32, #tpu.memory_space<vmem>> -> memref<80x128xf32, #tpu.memory_space<vmem>>
      %dma_start3A_46 = arith.constant 0 : i32
      %dma_start3A_47 = tpu.memref_slice %arg7[%add3A_20, %dma_start3A_46] : memref<10000x128xf32, #tpu.memory_space<vmem_shared>> -> memref<80x128xf32, #tpu.memory_space<vmem_shared>>
      %dma_start3A_48 = arith.constant 0 : i32
      %dma_start3A_49 = tpu.memref_slice %arg7[%add3A_20, %dma_start3A_48] : memref<10000x128xf32, #tpu.memory_space<vmem_shared>> -> memref<80x128xf32, #tpu.memory_space<vmem_shared>>
      %dma_start3A_50 = arith.constant 0 : i32
      %dma_start3A_51 = arith.constant 0 : i32
      %dma_start3A_52 = tpu.memref_slice %arg12[%dma_start3A_50, %dma_start3A_51] : memref<80x128xf32, #tpu.memory_space<vmem>> -> memref<80x128xf32, #tpu.memory_space<vmem>>
      tpu.enqueue_dma source(%dma_start3A_52 : memref<80x128xf32, #tpu.memory_space<vmem>>) target(%dma_start3A_49 : memref<80x128xf32, #tpu.memory_space<vmem_shared>>) target_semaphore(%run_scoped3A : memref<!tpu.dma_semaphore, #tpu.memory_space<semaphore_mem>>)
      %dma_wait3A = arith.constant 0 : i32
      %dma_wait3A_53 = arith.constant 0 : i32
      %dma_wait3A_54 = tpu.memref_slice %arg12[%dma_wait3A, %dma_wait3A_53] : memref<80x128xf32, #tpu.memory_space<vmem>> -> memref<80x128xf32, #tpu.memory_space<vmem>>
      %dma_wait3A_55 = arith.constant 0 : i32
      %dma_wait3A_56 = tpu.memref_slice %arg7[%add3A_20, %dma_wait3A_55] : memref<10000x128xf32, #tpu.memory_space<vmem_shared>> -> memref<80x128xf32, #tpu.memory_space<vmem_shared>>
      %dma_wait3A_57 = arith.constant 0 : i32
      %dma_wait3A_58 = tpu.memref_slice %arg7[%add3A_20, %dma_wait3A_57] : memref<10000x128xf32, #tpu.memory_space<vmem_shared>> -> memref<80x128xf32, #tpu.memory_space<vmem_shared>>
      %dma_wait3A_59 = arith.constant 0 : i32
      %dma_wait3A_60 = arith.constant 0 : i32
      %dma_wait3A_61 = tpu.memref_slice %arg12[%dma_wait3A_59, %dma_wait3A_60] : memref<80x128xf32, #tpu.memory_space<vmem>> -> memref<80x128xf32, #tpu.memory_space<vmem>>
      tpu.wait_dma2 semaphore(%run_scoped3A : memref<!tpu.dma_semaphore, #tpu.memory_space<semaphore_mem>>) src(%dma_wait3A_61 : memref<80x128xf32, #tpu.memory_space<vmem>>) dst(%dma_wait3A_58 : memref<80x128xf32, #tpu.memory_space<vmem_shared>>)
      tpu.yield
    }) : () -> ()
    %add3A_21 = arith.constant 480 : i32
    %add3A_22 = arith.addi %mul3A_8, %add3A_21 : i32
    "tpu.region"() ({
      %run_scoped3A = tpu.sem_alloc : memref<!tpu.dma_semaphore, #tpu.memory_space<semaphore_mem>>
      %dma_start3A = arith.constant 0 : i32
      %dma_start3A_44 = arith.constant 0 : i32
      %dma_start3A_45 = tpu.memref_slice %arg12[%dma_start3A, %dma_start3A_44] : memref<80x128xf32, #tpu.memory_space<vmem>> -> memref<80x128xf32, #tpu.memory_space<vmem>>
      %dma_start3A_46 = arith.constant 0 : i32
      %dma_start3A_47 = tpu.memref_slice %arg7[%add3A_22, %dma_start3A_46] : memref<10000x128xf32, #tpu.memory_space<vmem_shared>> -> memref<80x128xf32, #tpu.memory_space<vmem_shared>>
      %dma_start3A_48 = arith.constant 0 : i32
      %dma_start3A_49 = tpu.memref_slice %arg7[%add3A_22, %dma_start3A_48] : memref<10000x128xf32, #tpu.memory_space<vmem_shared>> -> memref<80x128xf32, #tpu.memory_space<vmem_shared>>
      %dma_start3A_50 = arith.constant 0 : i32
      %dma_start3A_51 = arith.constant 0 : i32
      %dma_start3A_52 = tpu.memref_slice %arg12[%dma_start3A_50, %dma_start3A_51] : memref<80x128xf32, #tpu.memory_space<vmem>> -> memref<80x128xf32, #tpu.memory_space<vmem>>
      tpu.enqueue_dma source(%dma_start3A_52 : memref<80x128xf32, #tpu.memory_space<vmem>>) target(%dma_start3A_49 : memref<80x128xf32, #tpu.memory_space<vmem_shared>>) target_semaphore(%run_scoped3A : memref<!tpu.dma_semaphore, #tpu.memory_space<semaphore_mem>>)
      %dma_wait3A = arith.constant 0 : i32
      %dma_wait3A_53 = arith.constant 0 : i32
      %dma_wait3A_54 = tpu.memref_slice %arg12[%dma_wait3A, %dma_wait3A_53] : memref<80x128xf32, #tpu.memory_space<vmem>> -> memref<80x128xf32, #tpu.memory_space<vmem>>
      %dma_wait3A_55 = arith.constant 0 : i32
      %dma_wait3A_56 = tpu.memref_slice %arg7[%add3A_22, %dma_wait3A_55] : memref<10000x128xf32, #tpu.memory_space<vmem_shared>> -> memref<80x128xf32, #tpu.memory_space<vmem_shared>>
      %dma_wait3A_57 = arith.constant 0 : i32
      %dma_wait3A_58 = tpu.memref_slice %arg7[%add3A_22, %dma_wait3A_57] : memref<10000x128xf32, #tpu.memory_space<vmem_shared>> -> memref<80x128xf32, #tpu.memory_space<vmem_shared>>
      %dma_wait3A_59 = arith.constant 0 : i32
      %dma_wait3A_60 = arith.constant 0 : i32
      %dma_wait3A_61 = tpu.memref_slice %arg12[%dma_wait3A_59, %dma_wait3A_60] : memref<80x128xf32, #tpu.memory_space<vmem>> -> memref<80x128xf32, #tpu.memory_space<vmem>>
      tpu.wait_dma2 semaphore(%run_scoped3A : memref<!tpu.dma_semaphore, #tpu.memory_space<semaphore_mem>>) src(%dma_wait3A_61 : memref<80x128xf32, #tpu.memory_space<vmem>>) dst(%dma_wait3A_58 : memref<80x128xf32, #tpu.memory_space<vmem_shared>>)
      tpu.yield
    }) : () -> ()
    %add3A_23 = arith.constant 560 : i32
    %add3A_24 = arith.addi %mul3A_8, %add3A_23 : i32
    "tpu.region"() ({
      %run_scoped3A = tpu.sem_alloc : memref<!tpu.dma_semaphore, #tpu.memory_space<semaphore_mem>>
      %dma_start3A = arith.constant 0 : i32
      %dma_start3A_44 = arith.constant 0 : i32
      %dma_start3A_45 = tpu.memref_slice %arg12[%dma_start3A, %dma_start3A_44] : memref<80x128xf32, #tpu.memory_space<vmem>> -> memref<64x128xf32, #tpu.memory_space<vmem>>
      %dma_start3A_46 = arith.constant 0 : i32
      %dma_start3A_47 = tpu.memref_slice %arg7[%add3A_24, %dma_start3A_46] : memref<10000x128xf32, #tpu.memory_space<vmem_shared>> -> memref<64x128xf32, #tpu.memory_space<vmem_shared>>
      %dma_start3A_48 = arith.constant 0 : i32
      %dma_start3A_49 = tpu.memref_slice %arg7[%add3A_24, %dma_start3A_48] : memref<10000x128xf32, #tpu.memory_space<vmem_shared>> -> memref<64x128xf32, #tpu.memory_space<vmem_shared>>
      %dma_start3A_50 = arith.constant 0 : i32
      %dma_start3A_51 = arith.constant 0 : i32
      %dma_start3A_52 = tpu.memref_slice %arg12[%dma_start3A_50, %dma_start3A_51] : memref<80x128xf32, #tpu.memory_space<vmem>> -> memref<64x128xf32, #tpu.memory_space<vmem>>
      tpu.enqueue_dma source(%dma_start3A_52 : memref<64x128xf32, #tpu.memory_space<vmem>>) target(%dma_start3A_49 : memref<64x128xf32, #tpu.memory_space<vmem_shared>>) target_semaphore(%run_scoped3A : memref<!tpu.dma_semaphore, #tpu.memory_space<semaphore_mem>>)
      %dma_wait3A = arith.constant 0 : i32
      %dma_wait3A_53 = arith.constant 0 : i32
      %dma_wait3A_54 = tpu.memref_slice %arg12[%dma_wait3A, %dma_wait3A_53] : memref<80x128xf32, #tpu.memory_space<vmem>> -> memref<64x128xf32, #tpu.memory_space<vmem>>
      %dma_wait3A_55 = arith.constant 0 : i32
      %dma_wait3A_56 = tpu.memref_slice %arg7[%add3A_24, %dma_wait3A_55] : memref<10000x128xf32, #tpu.memory_space<vmem_shared>> -> memref<64x128xf32, #tpu.memory_space<vmem_shared>>
      %dma_wait3A_57 = arith.constant 0 : i32
      %dma_wait3A_58 = tpu.memref_slice %arg7[%add3A_24, %dma_wait3A_57] : memref<10000x128xf32, #tpu.memory_space<vmem_shared>> -> memref<64x128xf32, #tpu.memory_space<vmem_shared>>
      %dma_wait3A_59 = arith.constant 0 : i32
      %dma_wait3A_60 = arith.constant 0 : i32
      %dma_wait3A_61 = tpu.memref_slice %arg12[%dma_wait3A_59, %dma_wait3A_60] : memref<80x128xf32, #tpu.memory_space<vmem>> -> memref<64x128xf32, #tpu.memory_space<vmem>>
      tpu.wait_dma2 semaphore(%run_scoped3A : memref<!tpu.dma_semaphore, #tpu.memory_space<semaphore_mem>>) src(%dma_wait3A_61 : memref<64x128xf32, #tpu.memory_space<vmem>>) dst(%dma_wait3A_58 : memref<64x128xf32, #tpu.memory_space<vmem_shared>>)
      tpu.yield
    }) : () -> ()
    %eq3A = arith.constant 15 : i32
    %eq3A_25 = arith.cmpi eq, %arg1, %eq3A : i32
    %convert_element_type3A = arith.extui %eq3A_25 : i1 to i32
    %cond3A = arith.constant 0 : i32
    %cond3A_26 = arith.cmpi ne, %convert_element_type3A, %cond3A : i32
    scf.if %cond3A_26 {
      "tpu.region"() ({
        %run_scoped3A = tpu.sem_alloc : memref<!tpu.dma_semaphore, #tpu.memory_space<semaphore_mem>>
        %dma_start3A = arith.constant 0 : i32
        %dma_start3A_44 = arith.constant 0 : i32
        %dma_start3A_45 = tpu.memref_slice %arg12[%dma_start3A, %dma_start3A_44] : memref<80x128xf32, #tpu.memory_space<vmem>> -> memref<16x128xf32, #tpu.memory_space<vmem>>
        %dma_start3A_46 = arith.constant 9984 : i32
        %dma_start3A_47 = arith.constant 0 : i32
        %dma_start3A_48 = tpu.memref_slice %arg7[%dma_start3A_46, %dma_start3A_47] : memref<10000x128xf32, #tpu.memory_space<vmem_shared>> -> memref<16x128xf32, #tpu.memory_space<vmem_shared>>
        %dma_start3A_49 = arith.constant 9984 : i32
        %dma_start3A_50 = arith.constant 0 : i32
        %dma_start3A_51 = tpu.memref_slice %arg7[%dma_start3A_49, %dma_start3A_50] : memref<10000x128xf32, #tpu.memory_space<vmem_shared>> -> memref<16x128xf32, #tpu.memory_space<vmem_shared>>
        %dma_start3A_52 = arith.constant 0 : i32
        %dma_start3A_53 = arith.constant 0 : i32
        %dma_start3A_54 = tpu.memref_slice %arg12[%dma_start3A_52, %dma_start3A_53] : memref<80x128xf32, #tpu.memory_space<vmem>> -> memref<16x128xf32, #tpu.memory_space<vmem>>
        tpu.enqueue_dma source(%dma_start3A_54 : memref<16x128xf32, #tpu.memory_space<vmem>>) target(%dma_start3A_51 : memref<16x128xf32, #tpu.memory_space<vmem_shared>>) target_semaphore(%run_scoped3A : memref<!tpu.dma_semaphore, #tpu.memory_space<semaphore_mem>>)
        %dma_wait3A = arith.constant 0 : i32
        %dma_wait3A_55 = arith.constant 0 : i32
        %dma_wait3A_56 = tpu.memref_slice %arg12[%dma_wait3A, %dma_wait3A_55] : memref<80x128xf32, #tpu.memory_space<vmem>> -> memref<16x128xf32, #tpu.memory_space<vmem>>
        %dma_wait3A_57 = arith.constant 9984 : i32
        %dma_wait3A_58 = arith.constant 0 : i32
        %dma_wait3A_59 = tpu.memref_slice %arg7[%dma_wait3A_57, %dma_wait3A_58] : memref<10000x128xf32, #tpu.memory_space<vmem_shared>> -> memref<16x128xf32, #tpu.memory_space<vmem_shared>>
        %dma_wait3A_60 = arith.constant 9984 : i32
        %dma_wait3A_61 = arith.constant 0 : i32
        %dma_wait3A_62 = tpu.memref_slice %arg7[%dma_wait3A_60, %dma_wait3A_61] : memref<10000x128xf32, #tpu.memory_space<vmem_shared>> -> memref<16x128xf32, #tpu.memory_space<vmem_shared>>
        %dma_wait3A_63 = arith.constant 0 : i32
        %dma_wait3A_64 = arith.constant 0 : i32
        %dma_wait3A_65 = tpu.memref_slice %arg12[%dma_wait3A_63, %dma_wait3A_64] : memref<80x128xf32, #tpu.memory_space<vmem>> -> memref<16x128xf32, #tpu.memory_space<vmem>>
        tpu.wait_dma2 semaphore(%run_scoped3A : memref<!tpu.dma_semaphore, #tpu.memory_space<semaphore_mem>>) src(%dma_wait3A_65 : memref<16x128xf32, #tpu.memory_space<vmem>>) dst(%dma_wait3A_62 : memref<16x128xf32, #tpu.memory_space<vmem_shared>>)
        tpu.yield
      }) : () -> ()
    } else {
    }
    %barrier3A = arith.constant 0 : index
    tpu.barrier barrier_id(%barrier3A)
    %scan3A_27 = arith.constant 0 : i32
    %scan3A_28 = arith.constant 0 : i32
    %scan3A_29 = arith.constant 125 : i32
    %scan3A_30 = arith.addi %scan3A_28, %scan3A_29 : i32
    %scan3A_31 = arith.constant 1 : i32
    %scan3A_32 = scf.for %scan3A_44 = %scan3A_28 to %scan3A_30 step %scan3A_31 iter_args(%scan3A_45 = %scan3A_27) -> (i32)  : i32 {
      %mul3A_46 = arith.constant 10000 : i32
      %mul3A_47 = arith.muli %add3A, %mul3A_46 : i32
      %mul3A_48 = arith.constant 80 : i32
      %mul3A_49 = arith.muli %scan3A_44, %mul3A_48 : i32
      %add3A_50 = arith.addi %mul3A_47, %mul3A_49 : i32
      "tpu.region"() ({
        %run_scoped3A = tpu.sem_alloc : memref<!tpu.dma_semaphore, #tpu.memory_space<semaphore_mem>>
        %dma_start3A_63 = tpu.memref_slice %arg4[%add3A_50] : memref<320000xi32, #tpu.memory_space<hbm>> -> memref<80xi32, #tpu.memory_space<hbm>>
        %dma_start3A_64 = tpu.memref_slice %arg4[%add3A_50] : memref<320000xi32, #tpu.memory_space<hbm>> -> memref<80xi32, #tpu.memory_space<hbm>>
        tpu.enqueue_dma source(%dma_start3A_64 : memref<80xi32, #tpu.memory_space<hbm>>) target(%arg8 : memref<80xi32, #tpu.memory_space<vmem>>) target_semaphore(%run_scoped3A : memref<!tpu.dma_semaphore, #tpu.memory_space<semaphore_mem>>)
        %dma_wait3A_65 = tpu.memref_slice %arg4[%add3A_50] : memref<320000xi32, #tpu.memory_space<hbm>> -> memref<80xi32, #tpu.memory_space<hbm>>
        %dma_wait3A_66 = tpu.memref_slice %arg4[%add3A_50] : memref<320000xi32, #tpu.memory_space<hbm>> -> memref<80xi32, #tpu.memory_space<hbm>>
        tpu.wait_dma2 semaphore(%run_scoped3A : memref<!tpu.dma_semaphore, #tpu.memory_space<semaphore_mem>>) src(%dma_wait3A_66 : memref<80xi32, #tpu.memory_space<hbm>>) dst(%arg8 : memref<80xi32, #tpu.memory_space<vmem>>)
        tpu.yield
      }) : () -> ()
      "tpu.region"() ({
        %run_scoped3A = tpu.sem_alloc : memref<!tpu.dma_semaphore, #tpu.memory_space<semaphore_mem>>
        %dma_start3A_63 = tpu.memref_slice %arg5[%add3A_50] : memref<320000xi32, #tpu.memory_space<hbm>> -> memref<80xi32, #tpu.memory_space<hbm>>
        %dma_start3A_64 = tpu.memref_slice %arg5[%add3A_50] : memref<320000xi32, #tpu.memory_space<hbm>> -> memref<80xi32, #tpu.memory_space<hbm>>
        tpu.enqueue_dma source(%dma_start3A_64 : memref<80xi32, #tpu.memory_space<hbm>>) target(%arg9 : memref<80xi32, #tpu.memory_space<vmem>>) target_semaphore(%run_scoped3A : memref<!tpu.dma_semaphore, #tpu.memory_space<semaphore_mem>>)
        %dma_wait3A_65 = tpu.memref_slice %arg5[%add3A_50] : memref<320000xi32, #tpu.memory_space<hbm>> -> memref<80xi32, #tpu.memory_space<hbm>>
        %dma_wait3A_66 = tpu.memref_slice %arg5[%add3A_50] : memref<320000xi32, #tpu.memory_space<hbm>> -> memref<80xi32, #tpu.memory_space<hbm>>
        tpu.wait_dma2 semaphore(%run_scoped3A : memref<!tpu.dma_semaphore, #tpu.memory_space<semaphore_mem>>) src(%dma_wait3A_66 : memref<80xi32, #tpu.memory_space<hbm>>) dst(%arg9 : memref<80xi32, #tpu.memory_space<vmem>>)
        tpu.yield
      }) : () -> ()
      %dma_start3A = arith.constant 0 : i32
      %dma_start3A_51 = arith.constant 0 : i32
      %dma_start3A_52 = tpu.memref_slice %arg2[%dma_start3A, %dma_start3A_51] : memref<10000x128xf32, #tpu.memory_space<hbm>> -> memref<10000x128xf32, #tpu.memory_space<hbm>>
      tpu.enqueue_indirect_dma source(%dma_start3A_52 : memref<10000x128xf32, #tpu.memory_space<hbm>>) target(%arg10 : memref<80x128xf32, #tpu.memory_space<vmem>>) offsets(%arg8 : memref<80xi32, #tpu.memory_space<vmem>>) semaphore(%arg13 : memref<!tpu.dma_semaphore, #tpu.memory_space<semaphore_mem>>)
      %dma_wait3A = arith.constant 0 : i32
      %dma_wait3A_53 = arith.constant 0 : i32
      %dma_wait3A_54 = tpu.memref_slice %arg2[%dma_wait3A, %dma_wait3A_53] : memref<10000x128xf32, #tpu.memory_space<hbm>> -> memref<10000x128xf32, #tpu.memory_space<hbm>>
      tpu.wait_indirect_dma semaphore(%arg13 : memref<!tpu.dma_semaphore, #tpu.memory_space<semaphore_mem>>) src(%dma_wait3A_54 : memref<10000x128xf32, #tpu.memory_space<hbm>>) dst(%arg10 : memref<80x128xf32, #tpu.memory_space<vmem>>)
      "tpu.region"() ({
        %run_scoped3A = tpu.sem_alloc : memref<!tpu.dma_semaphore, #tpu.memory_space<semaphore_mem>>
        %dma_start3A_63 = arith.constant 0 : i32
        %dma_start3A_64 = tpu.memref_slice %arg3[%add3A_50, %dma_start3A_63] : memref<320000x128xf32, #tpu.memory_space<hbm>> -> memref<80x128xf32, #tpu.memory_space<hbm>>
        %dma_start3A_65 = arith.constant 0 : i32
        %dma_start3A_66 = tpu.memref_slice %arg3[%add3A_50, %dma_start3A_65] : memref<320000x128xf32, #tpu.memory_space<hbm>> -> memref<80x128xf32, #tpu.memory_space<hbm>>
        tpu.enqueue_dma source(%dma_start3A_66 : memref<80x128xf32, #tpu.memory_space<hbm>>) target(%arg11 : memref<80x128xf32, #tpu.memory_space<vmem>>) target_semaphore(%run_scoped3A : memref<!tpu.dma_semaphore, #tpu.memory_space<semaphore_mem>>)
        %dma_wait3A_67 = arith.constant 0 : i32
        %dma_wait3A_68 = tpu.memref_slice %arg3[%add3A_50, %dma_wait3A_67] : memref<320000x128xf32, #tpu.memory_space<hbm>> -> memref<80x128xf32, #tpu.memory_space<hbm>>
        %dma_wait3A_69 = arith.constant 0 : i32
        %dma_wait3A_70 = tpu.memref_slice %arg3[%add3A_50, %dma_wait3A_69] : memref<320000x128xf32, #tpu.memory_space<hbm>> -> memref<80x128xf32, #tpu.memory_space<hbm>>
        tpu.wait_dma2 semaphore(%run_scoped3A : memref<!tpu.dma_semaphore, #tpu.memory_space<semaphore_mem>>) src(%dma_wait3A_70 : memref<80x128xf32, #tpu.memory_space<hbm>>) dst(%arg11 : memref<80x128xf32, #tpu.memory_space<vmem>>)
        tpu.yield
      }) : () -> ()
      %scan3A_55 = arith.constant 0 : i32
      %scan3A_56 = arith.constant 0 : i32
      %scan3A_57 = arith.constant 80 : i32
      %scan3A_58 = arith.addi %scan3A_56, %scan3A_57 : i32
      %scan3A_59 = arith.constant 1 : i32
      %scan3A_60 = scf.for %scan3A_63 = %scan3A_56 to %scan3A_58 step %scan3A_59 iter_args(%scan3A_64 = %scan3A_55) -> (i32)  : i32 {
        %get3A = arith.index_cast %scan3A_63 : i32 to index
        %get3A_65 = arith.constant 0 : index
        %get3A_66 = tpu.vector_load %arg10[%get3A, %get3A_65] {strides = array<i32>} : memref<80x128xf32, #tpu.memory_space<vmem>>, vector<1x16xf32>,
        %get3A_67 = vector.shape_cast %get3A_66 : vector<1x16xf32> to vector<16xf32>
        %get3A_68 = arith.index_cast %scan3A_63 : i32 to index
        %get3A_69 = arith.constant 0 : index
        %get3A_70 = tpu.vector_load %arg11[%get3A_68, %get3A_69] {strides = array<i32>} : memref<80x128xf32, #tpu.memory_space<vmem>>, vector<1x16xf32>,
        %get3A_71 = vector.shape_cast %get3A_70 : vector<1x16xf32> to vector<16xf32>
        %add3A_72 = arith.addf %get3A_67, %get3A_71 : vector<16xf32>
        %max3A = arith.constant 0.000000e+00 : f32
        %max3A_73 = vector.broadcast %max3A : f32 to vector<16xf32>
        %max3A_74 = arith.maximumf %add3A_72, %max3A_73 : vector<16xf32>
        %swap3A = arith.index_cast %scan3A_63 : i32 to index
        %swap3A_75 = arith.constant 0 : index
        %swap3A_76 = tpu.vector_load %arg12[%swap3A, %swap3A_75] {strides = array<i32>} : memref<80x128xf32, #tpu.memory_space<vmem>>, vector<1x16xf32>,
        %swap3A_77 = vector.shape_cast %swap3A_76 : vector<1x16xf32> to vector<16xf32>
        %swap3A_78 = vector.shape_cast %max3A_74 : vector<16xf32> to vector<1x16xf32>
        tpu.vector_store %arg12[%swap3A, %swap3A_75], %swap3A_78 {strides = array<i32>} : memref<80x128xf32, #tpu.memory_space<vmem>>, vector<1x16xf32>,
        %get3A_79 = arith.index_cast %scan3A_63 : i32 to index
        %get3A_80 = arith.constant 16 : index
        %get3A_81 = tpu.vector_load %arg10[%get3A_79, %get3A_80] {strides = array<i32>} : memref<80x128xf32, #tpu.memory_space<vmem>>, vector<1x16xf32>,
        %get3A_82 = vector.shape_cast %get3A_81 : vector<1x16xf32> to vector<16xf32>
        %get3A_83 = arith.index_cast %scan3A_63 : i32 to index
        %get3A_84 = arith.constant 16 : index
        %get3A_85 = tpu.vector_load %arg11[%get3A_83, %get3A_84] {strides = array<i32>} : memref<80x128xf32, #tpu.memory_space<vmem>>, vector<1x16xf32>,
        %get3A_86 = vector.shape_cast %get3A_85 : vector<1x16xf32> to vector<16xf32>
        %add3A_87 = arith.addf %get3A_82, %get3A_86 : vector<16xf32>
        %max3A_88 = arith.constant 0.000000e+00 : f32
        %max3A_89 = vector.broadcast %max3A_88 : f32 to vector<16xf32>
        %max3A_90 = arith.maximumf %add3A_87, %max3A_89 : vector<16xf32>
        %swap3A_91 = arith.index_cast %scan3A_63 : i32 to index
        %swap3A_92 = arith.constant 16 : index
        %swap3A_93 = tpu.vector_load %arg12[%swap3A_91, %swap3A_92] {strides = array<i32>} : memref<80x128xf32, #tpu.memory_space<vmem>>, vector<1x16xf32>,
        %swap3A_94 = vector.shape_cast %swap3A_93 : vector<1x16xf32> to vector<16xf32>
        %swap3A_95 = vector.shape_cast %max3A_90 : vector<16xf32> to vector<1x16xf32>
        tpu.vector_store %arg12[%swap3A_91, %swap3A_92], %swap3A_95 {strides = array<i32>} : memref<80x128xf32, #tpu.memory_space<vmem>>, vector<1x16xf32>,
        %get3A_96 = arith.index_cast %scan3A_63 : i32 to index
        %get3A_97 = arith.constant 32 : index
        %get3A_98 = tpu.vector_load %arg10[%get3A_96, %get3A_97] {strides = array<i32>} : memref<80x128xf32, #tpu.memory_space<vmem>>, vector<1x16xf32>,
        %get3A_99 = vector.shape_cast %get3A_98 : vector<1x16xf32> to vector<16xf32>
        %get3A_100 = arith.index_cast %scan3A_63 : i32 to index
        %get3A_101 = arith.constant 32 : index
        %get3A_102 = tpu.vector_load %arg11[%get3A_100, %get3A_101] {strides = array<i32>} : memref<80x128xf32, #tpu.memory_space<vmem>>, vector<1x16xf32>,
        %get3A_103 = vector.shape_cast %get3A_102 : vector<1x16xf32> to vector<16xf32>
        %add3A_104 = arith.addf %get3A_99, %get3A_103 : vector<16xf32>
        %max3A_105 = arith.constant 0.000000e+00 : f32
        %max3A_106 = vector.broadcast %max3A_105 : f32 to vector<16xf32>
        %max3A_107 = arith.maximumf %add3A_104, %max3A_106 : vector<16xf32>
        %swap3A_108 = arith.index_cast %scan3A_63 : i32 to index
        %swap3A_109 = arith.constant 32 : index
        %swap3A_110 = tpu.vector_load %arg12[%swap3A_108, %swap3A_109] {strides = array<i32>} : memref<80x128xf32, #tpu.memory_space<vmem>>, vector<1x16xf32>,
        %swap3A_111 = vector.shape_cast %swap3A_110 : vector<1x16xf32> to vector<16xf32>
        %swap3A_112 = vector.shape_cast %max3A_107 : vector<16xf32> to vector<1x16xf32>
        tpu.vector_store %arg12[%swap3A_108, %swap3A_109], %swap3A_112 {strides = array<i32>} : memref<80x128xf32, #tpu.memory_space<vmem>>, vector<1x16xf32>,
        %get3A_113 = arith.index_cast %scan3A_63 : i32 to index
        %get3A_114 = arith.constant 48 : index
        %get3A_115 = tpu.vector_load %arg10[%get3A_113, %get3A_114] {strides = array<i32>} : memref<80x128xf32, #tpu.memory_space<vmem>>, vector<1x16xf32>,
        %get3A_116 = vector.shape_cast %get3A_115 : vector<1x16xf32> to vector<16xf32>
        %get3A_117 = arith.index_cast %scan3A_63 : i32 to index
        %get3A_118 = arith.constant 48 : index
        %get3A_119 = tpu.vector_load %arg11[%get3A_117, %get3A_118] {strides = array<i32>} : memref<80x128xf32, #tpu.memory_space<vmem>>, vector<1x16xf32>,
        %get3A_120 = vector.shape_cast %get3A_119 : vector<1x16xf32> to vector<16xf32>
        %add3A_121 = arith.addf %get3A_116, %get3A_120 : vector<16xf32>
        %max3A_122 = arith.constant 0.000000e+00 : f32
        %max3A_123 = vector.broadcast %max3A_122 : f32 to vector<16xf32>
        %max3A_124 = arith.maximumf %add3A_121, %max3A_123 : vector<16xf32>
        %swap3A_125 = arith.index_cast %scan3A_63 : i32 to index
        %swap3A_126 = arith.constant 48 : index
        %swap3A_127 = tpu.vector_load %arg12[%swap3A_125, %swap3A_126] {strides = array<i32>} : memref<80x128xf32, #tpu.memory_space<vmem>>, vector<1x16xf32>,
        %swap3A_128 = vector.shape_cast %swap3A_127 : vector<1x16xf32> to vector<16xf32>
        %swap3A_129 = vector.shape_cast %max3A_124 : vector<16xf32> to vector<1x16xf32>
        tpu.vector_store %arg12[%swap3A_125, %swap3A_126], %swap3A_129 {strides = array<i32>} : memref<80x128xf32, #tpu.memory_space<vmem>>, vector<1x16xf32>,
        %get3A_130 = arith.index_cast %scan3A_63 : i32 to index
        %get3A_131 = arith.constant 64 : index
        %get3A_132 = tpu.vector_load %arg10[%get3A_130, %get3A_131] {strides = array<i32>} : memref<80x128xf32, #tpu.memory_space<vmem>>, vector<1x16xf32>,
        %get3A_133 = vector.shape_cast %get3A_132 : vector<1x16xf32> to vector<16xf32>
        %get3A_134 = arith.index_cast %scan3A_63 : i32 to index
        %get3A_135 = arith.constant 64 : index
        %get3A_136 = tpu.vector_load %arg11[%get3A_134, %get3A_135] {strides = array<i32>} : memref<80x128xf32, #tpu.memory_space<vmem>>, vector<1x16xf32>,
        %get3A_137 = vector.shape_cast %get3A_136 : vector<1x16xf32> to vector<16xf32>
        %add3A_138 = arith.addf %get3A_133, %get3A_137 : vector<16xf32>
        %max3A_139 = arith.constant 0.000000e+00 : f32
        %max3A_140 = vector.broadcast %max3A_139 : f32 to vector<16xf32>
        %max3A_141 = arith.maximumf %add3A_138, %max3A_140 : vector<16xf32>
        %swap3A_142 = arith.index_cast %scan3A_63 : i32 to index
        %swap3A_143 = arith.constant 64 : index
        %swap3A_144 = tpu.vector_load %arg12[%swap3A_142, %swap3A_143] {strides = array<i32>} : memref<80x128xf32, #tpu.memory_space<vmem>>, vector<1x16xf32>,
        %swap3A_145 = vector.shape_cast %swap3A_144 : vector<1x16xf32> to vector<16xf32>
        %swap3A_146 = vector.shape_cast %max3A_141 : vector<16xf32> to vector<1x16xf32>
        tpu.vector_store %arg12[%swap3A_142, %swap3A_143], %swap3A_146 {strides = array<i32>} : memref<80x128xf32, #tpu.memory_space<vmem>>, vector<1x16xf32>,
        %get3A_147 = arith.index_cast %scan3A_63 : i32 to index
        %get3A_148 = arith.constant 80 : index
        %get3A_149 = tpu.vector_load %arg10[%get3A_147, %get3A_148] {strides = array<i32>} : memref<80x128xf32, #tpu.memory_space<vmem>>, vector<1x16xf32>,
        %get3A_150 = vector.shape_cast %get3A_149 : vector<1x16xf32> to vector<16xf32>
        %get3A_151 = arith.index_cast %scan3A_63 : i32 to index
        %get3A_152 = arith.constant 80 : index
        %get3A_153 = tpu.vector_load %arg11[%get3A_151, %get3A_152] {strides = array<i32>} : memref<80x128xf32, #tpu.memory_space<vmem>>, vector<1x16xf32>,
        %get3A_154 = vector.shape_cast %get3A_153 : vector<1x16xf32> to vector<16xf32>
        %add3A_155 = arith.addf %get3A_150, %get3A_154 : vector<16xf32>
        %max3A_156 = arith.constant 0.000000e+00 : f32
        %max3A_157 = vector.broadcast %max3A_156 : f32 to vector<16xf32>
        %max3A_158 = arith.maximumf %add3A_155, %max3A_157 : vector<16xf32>
        %swap3A_159 = arith.index_cast %scan3A_63 : i32 to index
        %swap3A_160 = arith.constant 80 : index
        %swap3A_161 = tpu.vector_load %arg12[%swap3A_159, %swap3A_160] {strides = array<i32>} : memref<80x128xf32, #tpu.memory_space<vmem>>, vector<1x16xf32>,
        %swap3A_162 = vector.shape_cast %swap3A_161 : vector<1x16xf32> to vector<16xf32>
        %swap3A_163 = vector.shape_cast %max3A_158 : vector<16xf32> to vector<1x16xf32>
        tpu.vector_store %arg12[%swap3A_159, %swap3A_160], %swap3A_163 {strides = array<i32>} : memref<80x128xf32, #tpu.memory_space<vmem>>, vector<1x16xf32>,
        %get3A_164 = arith.index_cast %scan3A_63 : i32 to index
        %get3A_165 = arith.constant 96 : index
        %get3A_166 = tpu.vector_load %arg10[%get3A_164, %get3A_165] {strides = array<i32>} : memref<80x128xf32, #tpu.memory_space<vmem>>, vector<1x16xf32>,
        %get3A_167 = vector.shape_cast %get3A_166 : vector<1x16xf32> to vector<16xf32>
        %get3A_168 = arith.index_cast %scan3A_63 : i32 to index
        %get3A_169 = arith.constant 96 : index
        %get3A_170 = tpu.vector_load %arg11[%get3A_168, %get3A_169] {strides = array<i32>} : memref<80x128xf32, #tpu.memory_space<vmem>>, vector<1x16xf32>,
        %get3A_171 = vector.shape_cast %get3A_170 : vector<1x16xf32> to vector<16xf32>
        %add3A_172 = arith.addf %get3A_167, %get3A_171 : vector<16xf32>
        %max3A_173 = arith.constant 0.000000e+00 : f32
        %max3A_174 = vector.broadcast %max3A_173 : f32 to vector<16xf32>
        %max3A_175 = arith.maximumf %add3A_172, %max3A_174 : vector<16xf32>
        %swap3A_176 = arith.index_cast %scan3A_63 : i32 to index
        %swap3A_177 = arith.constant 96 : index
        %swap3A_178 = tpu.vector_load %arg12[%swap3A_176, %swap3A_177] {strides = array<i32>} : memref<80x128xf32, #tpu.memory_space<vmem>>, vector<1x16xf32>,
        %swap3A_179 = vector.shape_cast %swap3A_178 : vector<1x16xf32> to vector<16xf32>
        %swap3A_180 = vector.shape_cast %max3A_175 : vector<16xf32> to vector<1x16xf32>
        tpu.vector_store %arg12[%swap3A_176, %swap3A_177], %swap3A_180 {strides = array<i32>} : memref<80x128xf32, #tpu.memory_space<vmem>>, vector<1x16xf32>,
        %get3A_181 = arith.index_cast %scan3A_63 : i32 to index
        %get3A_182 = arith.constant 112 : index
        %get3A_183 = tpu.vector_load %arg10[%get3A_181, %get3A_182] {strides = array<i32>} : memref<80x128xf32, #tpu.memory_space<vmem>>, vector<1x16xf32>,
        %get3A_184 = vector.shape_cast %get3A_183 : vector<1x16xf32> to vector<16xf32>
        %get3A_185 = arith.index_cast %scan3A_63 : i32 to index
        %get3A_186 = arith.constant 112 : index
        %get3A_187 = tpu.vector_load %arg11[%get3A_185, %get3A_186] {strides = array<i32>} : memref<80x128xf32, #tpu.memory_space<vmem>>, vector<1x16xf32>,
        %get3A_188 = vector.shape_cast %get3A_187 : vector<1x16xf32> to vector<16xf32>
        %add3A_189 = arith.addf %get3A_184, %get3A_188 : vector<16xf32>
        %max3A_190 = arith.constant 0.000000e+00 : f32
        %max3A_191 = vector.broadcast %max3A_190 : f32 to vector<16xf32>
        %max3A_192 = arith.maximumf %add3A_189, %max3A_191 : vector<16xf32>
        %swap3A_193 = arith.index_cast %scan3A_63 : i32 to index
        %swap3A_194 = arith.constant 112 : index
        %swap3A_195 = tpu.vector_load %arg12[%swap3A_193, %swap3A_194] {strides = array<i32>} : memref<80x128xf32, #tpu.memory_space<vmem>>, vector<1x16xf32>,
        %swap3A_196 = vector.shape_cast %swap3A_195 : vector<1x16xf32> to vector<16xf32>
        %swap3A_197 = vector.shape_cast %max3A_192 : vector<16xf32> to vector<1x16xf32>
        tpu.vector_store %arg12[%swap3A_193, %swap3A_194], %swap3A_197 {strides = array<i32>} : memref<80x128xf32, #tpu.memory_space<vmem>>, vector<1x16xf32>,
        %scan3A_198 = arith.constant 0 : i32
        scf.yield %scan3A_198 : i32
      }
      %scan3A_61 = arith.constant 80 : i32
      "tpu.region"() ({
        %run_scoped3A = tpu.sem_alloc : memref<!tpu.dma_semaphore, #tpu.memory_space<semaphore_mem>>
        %dma_start3A_63 = arith.constant 0 : i32
        %dma_start3A_64 = arith.constant 0 : i32
        %dma_start3A_65 = tpu.memref_slice %arg7[%dma_start3A_63, %dma_start3A_64] : memref<10000x128xf32, #tpu.memory_space<vmem_shared>> -> memref<10000x128xf32, #tpu.memory_space<vmem_shared>>
        tpu.enqueue_indirect_dma source(%arg12 : memref<80x128xf32, #tpu.memory_space<vmem>>) target(%dma_start3A_65 : memref<10000x128xf32, #tpu.memory_space<vmem_shared>>) offsets(%arg9 : memref<80xi32, #tpu.memory_space<vmem>>) semaphore(%run_scoped3A : memref<!tpu.dma_semaphore, #tpu.memory_space<semaphore_mem>>) {add = true}
        %dma_wait3A_66 = arith.constant 0 : i32
        %dma_wait3A_67 = arith.constant 0 : i32
        %dma_wait3A_68 = tpu.memref_slice %arg7[%dma_wait3A_66, %dma_wait3A_67] : memref<10000x128xf32, #tpu.memory_space<vmem_shared>> -> memref<10000x128xf32, #tpu.memory_space<vmem_shared>>
        tpu.wait_indirect_dma semaphore(%run_scoped3A : memref<!tpu.dma_semaphore, #tpu.memory_space<semaphore_mem>>) src(%arg12 : memref<80x128xf32, #tpu.memory_space<vmem>>) dst(%dma_wait3A_68 : memref<10000x128xf32, #tpu.memory_space<vmem_shared>>)
        tpu.yield
      }) : () -> ()
      %scan3A_62 = arith.constant 0 : i32
      scf.yield %scan3A_62 : i32
    }
    %scan3A_33 = arith.constant 125 : i32
    %barrier3A_34 = arith.constant 0 : index
    tpu.barrier barrier_id(%barrier3A_34)
    %mul3A_35 = arith.constant 624 : i32
    %mul3A_36 = arith.muli %arg1, %mul3A_35 : i32
    %mul3A_37 = arith.constant 624 : i32
    %mul3A_38 = arith.muli %arg1, %mul3A_37 : i32
    "tpu.region"() ({
      %run_scoped3A = tpu.sem_alloc : memref<!tpu.dma_semaphore, #tpu.memory_space<semaphore_mem>>
      %dma_start3A = arith.constant 0 : i32
      %dma_start3A_44 = tpu.memref_slice %arg6[%arg0, %mul3A_38, %dma_start3A] : memref<2x10000x128xf32, #tpu.memory_space<hbm>> -> memref<1x624x128xf32, #tpu.memory_space<hbm>>
      %dma_start3A_45 = tpu.memref_squeeze %dma_start3A_44 : memref<1x624x128xf32, #tpu.memory_space<hbm>> -> memref<624x128xf32, #tpu.memory_space<hbm>>
      %dma_start3A_46 = arith.constant 0 : i32
      %dma_start3A_47 = tpu.memref_slice %arg7[%mul3A_36, %dma_start3A_46] : memref<10000x128xf32, #tpu.memory_space<vmem_shared>> -> memref<624x128xf32, #tpu.memory_space<vmem_shared>>
      tpu.enqueue_dma source(%dma_start3A_47 : memref<624x128xf32, #tpu.memory_space<vmem_shared>>) target(%dma_start3A_45 : memref<624x128xf32, #tpu.memory_space<hbm>>) target_semaphore(%run_scoped3A : memref<!tpu.dma_semaphore, #tpu.memory_space<semaphore_mem>>)
      %dma_wait3A = arith.constant 0 : i32
      %dma_wait3A_48 = tpu.memref_slice %arg6[%arg0, %mul3A_38, %dma_wait3A] : memref<2x10000x128xf32, #tpu.memory_space<hbm>> -> memref<1x624x128xf32, #tpu.memory_space<hbm>>
      %dma_wait3A_49 = tpu.memref_squeeze %dma_wait3A_48 : memref<1x624x128xf32, #tpu.memory_space<hbm>> -> memref<624x128xf32, #tpu.memory_space<hbm>>
      %dma_wait3A_50 = arith.constant 0 : i32
      %dma_wait3A_51 = tpu.memref_slice %arg7[%mul3A_36, %dma_wait3A_50] : memref<10000x128xf32, #tpu.memory_space<vmem_shared>> -> memref<624x128xf32, #tpu.memory_space<vmem_shared>>
      tpu.wait_dma2 semaphore(%run_scoped3A : memref<!tpu.dma_semaphore, #tpu.memory_space<semaphore_mem>>) src(%dma_wait3A_51 : memref<624x128xf32, #tpu.memory_space<vmem_shared>>) dst(%dma_wait3A_49 : memref<624x128xf32, #tpu.memory_space<hbm>>)
      tpu.yield
    }) : () -> ()
    %eq3A_39 = arith.constant 15 : i32
    %eq3A_40 = arith.cmpi eq, %arg1, %eq3A_39 : i32
    %convert_element_type3A_41 = arith.extui %eq3A_40 : i1 to i32
    %cond3A_42 = arith.constant 0 : i32
    %cond3A_43 = arith.cmpi ne, %convert_element_type3A_41, %cond3A_42 : i32
    scf.if %cond3A_43 {
      "tpu.region"() ({
        %run_scoped3A = tpu.sem_alloc : memref<!tpu.dma_semaphore, #tpu.memory_space<semaphore_mem>>
        %dma_start3A = arith.constant 9984 : i32
        %dma_start3A_44 = arith.constant 0 : i32
        %dma_start3A_45 = tpu.memref_slice %arg6[%arg0, %dma_start3A, %dma_start3A_44] : memref<2x10000x128xf32, #tpu.memory_space<hbm>> -> memref<1x16x128xf32, #tpu.memory_space<hbm>>
        %dma_start3A_46 = tpu.memref_squeeze %dma_start3A_45 : memref<1x16x128xf32, #tpu.memory_space<hbm>> -> memref<16x128xf32, #tpu.memory_space<hbm>>
        %dma_start3A_47 = arith.constant 9984 : i32
        %dma_start3A_48 = arith.constant 0 : i32
        %dma_start3A_49 = tpu.memref_slice %arg7[%dma_start3A_47, %dma_start3A_48] : memref<10000x128xf32, #tpu.memory_space<vmem_shared>> -> memref<16x128xf32, #tpu.memory_space<vmem_shared>>
        tpu.enqueue_dma source(%dma_start3A_49 : memref<16x128xf32, #tpu.memory_space<vmem_shared>>) target(%dma_start3A_46 : memref<16x128xf32, #tpu.memory_space<hbm>>) target_semaphore(%run_scoped3A : memref<!tpu.dma_semaphore, #tpu.memory_space<semaphore_mem>>)
        %dma_wait3A = arith.constant 9984 : i32
        %dma_wait3A_50 = arith.constant 0 : i32
        %dma_wait3A_51 = tpu.memref_slice %arg6[%arg0, %dma_wait3A, %dma_wait3A_50] : memref<2x10000x128xf32, #tpu.memory_space<hbm>> -> memref<1x16x128xf32, #tpu.memory_space<hbm>>
        %dma_wait3A_52 = tpu.memref_squeeze %dma_wait3A_51 : memref<1x16x128xf32, #tpu.memory_space<hbm>> -> memref<16x128xf32, #tpu.memory_space<hbm>>
        %dma_wait3A_53 = arith.constant 9984 : i32
        %dma_wait3A_54 = arith.constant 0 : i32
        %dma_wait3A_55 = tpu.memref_slice %arg7[%dma_wait3A_53, %dma_wait3A_54] : memref<10000x128xf32, #tpu.memory_space<vmem_shared>> -> memref<16x128xf32, #tpu.memory_space<vmem_shared>>
        tpu.wait_dma2 semaphore(%run_scoped3A : memref<!tpu.dma_semaphore, #tpu.memory_space<semaphore_mem>>) src(%dma_wait3A_55 : memref<16x128xf32, #tpu.memory_space<vmem_shared>>) dst(%dma_wait3A_52 : memref<16x128xf32, #tpu.memory_space<hbm>>)
        tpu.yield
      }) : () -> ()
    } else {
    }
    return
  }
}

#map = affine_map<(d0, d1) -> (0, 0)>
#map1 = affine_map<(d0, d1) -> (0)>
#map2 = affine_map<(d0, d1) -> (0, 0, 0)>
module attributes {stable_mosaic.version = 14 : i64} {
  func.func @body(%arg0: i32, %arg1: i32, %arg2: memref<10000x128xf32, #tpu.memory_space<hbm>>, %arg3: memref<320000x128xf32, #tpu.memory_space<hbm>>, %arg4: memref<320000xi32, #tpu.memory_space<hbm>>, %arg5: memref<320000xi32, #tpu.memory_space<hbm>>, %arg6: memref<2x10000x128xf32, #tpu.memory_space<hbm>>, %arg7: memref<10000x128xf32, #tpu.memory_space<vmem_shared>>, %arg8: memref<80xi32, #tpu.memory_space<vmem>>, %arg9: memref<80xi32, #tpu.memory_space<vmem>>, %arg10: memref<80x128xf32, #tpu.memory_space<vmem>>, %arg11: memref<80x128xf32, #tpu.memory_space<vmem>>, %arg12: memref<80x128xf32, #tpu.memory_space<vmem>>, %arg13: memref<!tpu.dma_semaphore, #tpu.memory_space<semaphore_mem>>) attributes {dimension_semantics = [#tpu.dimension_semantics<core_parallel>, #tpu.dimension_semantics<subcore_parallel>], iteration_bounds = array<i64: 2, 16>, scalar_prefetch = 0 : i64, scratch_operands = 7 : i64, tpu.core_type = #tpu.core_type<sc_vector_subcore>, window_params = [{transform_indices = #map}, {transform_indices = #map}, {transform_indices = #map1}, {transform_indices = #map1}, {transform_indices = #map2}]} {
    %mul3A = arith.constant 16 : i32
    %mul3A_0 = arith.muli %arg0, %mul3A : i32
    %add3A = arith.addi %mul3A_0, %arg1 : i32
    %scan3A = arith.constant 0 : i32
    %scan3A_1 = arith.constant 0 : i32
    %scan3A_2 = arith.constant 80 : i32
    %scan3A_3 = arith.addi %scan3A_1, %scan3A_2 : i32
    %scan3A_4 = arith.constant 1 : i32
    %scan3A_5 = scf.for %scan3A_44 = %scan3A_1 to %scan3A_3 step %scan3A_4 iter_args(%scan3A_45 = %scan3A) -> (i32)  : i32 {
      %broadcast_in_dim3A = arith.constant 0.000000e+00 : f32
      %broadcast_in_dim3A_46 = vector.broadcast %broadcast_in_dim3A : f32 to vector<16xf32>
      %swap3A = arith.index_cast %scan3A_44 : i32 to index
      %swap3A_47 = arith.constant 0 : index
      %swap3A_48 = tpu.vector_load %arg12[%swap3A, %swap3A_47] {strides = array<i32>} : memref<80x128xf32, #tpu.memory_space<vmem>>, vector<1x16xf32>,
      %swap3A_49 = vector.shape_cast %swap3A_48 : vector<1x16xf32> to vector<16xf32>
      %swap3A_50 = vector.shape_cast %broadcast_in_dim3A_46 : vector<16xf32> to vector<1x16xf32>
      tpu.vector_store %arg12[%swap3A, %swap3A_47], %swap3A_50 {strides = array<i32>} : memref<80x128xf32, #tpu.memory_space<vmem>>, vector<1x16xf32>,
      %broadcast_in_dim3A_51 = arith.constant 0.000000e+00 : f32
      %broadcast_in_dim3A_52 = vector.broadcast %broadcast_in_dim3A_51 : f32 to vector<16xf32>
      %swap3A_53 = arith.index_cast %scan3A_44 : i32 to index
      %swap3A_54 = arith.constant 16 : index
      %swap3A_55 = tpu.vector_load %arg12[%swap3A_53, %swap3A_54] {strides = array<i32>} : memref<80x128xf32, #tpu.memory_space<vmem>>, vector<1x16xf32>,
      %swap3A_56 = vector.shape_cast %swap3A_55 : vector<1x16xf32> to vector<16xf32>
      %swap3A_57 = vector.shape_cast %broadcast_in_dim3A_52 : vector<16xf32> to vector<1x16xf32>
      tpu.vector_store %arg12[%swap3A_53, %swap3A_54], %swap3A_57 {strides = array<i32>} : memref<80x128xf32, #tpu.memory_space<vmem>>, vector<1x16xf32>,
      %broadcast_in_dim3A_58 = arith.constant 0.000000e+00 : f32
      %broadcast_in_dim3A_59 = vector.broadcast %broadcast_in_dim3A_58 : f32 to vector<16xf32>
      %swap3A_60 = arith.index_cast %scan3A_44 : i32 to index
      %swap3A_61 = arith.constant 32 : index
      %swap3A_62 = tpu.vector_load %arg12[%swap3A_60, %swap3A_61] {strides = array<i32>} : memref<80x128xf32, #tpu.memory_space<vmem>>, vector<1x16xf32>,
      %swap3A_63 = vector.shape_cast %swap3A_62 : vector<1x16xf32> to vector<16xf32>
      %swap3A_64 = vector.shape_cast %broadcast_in_dim3A_59 : vector<16xf32> to vector<1x16xf32>
      tpu.vector_store %arg12[%swap3A_60, %swap3A_61], %swap3A_64 {strides = array<i32>} : memref<80x128xf32, #tpu.memory_space<vmem>>, vector<1x16xf32>,
      %broadcast_in_dim3A_65 = arith.constant 0.000000e+00 : f32
      %broadcast_in_dim3A_66 = vector.broadcast %broadcast_in_dim3A_65 : f32 to vector<16xf32>
      %swap3A_67 = arith.index_cast %scan3A_44 : i32 to index
      %swap3A_68 = arith.constant 48 : index
      %swap3A_69 = tpu.vector_load %arg12[%swap3A_67, %swap3A_68] {strides = array<i32>} : memref<80x128xf32, #tpu.memory_space<vmem>>, vector<1x16xf32>,
      %swap3A_70 = vector.shape_cast %swap3A_69 : vector<1x16xf32> to vector<16xf32>
      %swap3A_71 = vector.shape_cast %broadcast_in_dim3A_66 : vector<16xf32> to vector<1x16xf32>
      tpu.vector_store %arg12[%swap3A_67, %swap3A_68], %swap3A_71 {strides = array<i32>} : memref<80x128xf32, #tpu.memory_space<vmem>>, vector<1x16xf32>,
      %broadcast_in_dim3A_72 = arith.constant 0.000000e+00 : f32
      %broadcast_in_dim3A_73 = vector.broadcast %broadcast_in_dim3A_72 : f32 to vector<16xf32>
      %swap3A_74 = arith.index_cast %scan3A_44 : i32 to index
      %swap3A_75 = arith.constant 64 : index
      %swap3A_76 = tpu.vector_load %arg12[%swap3A_74, %swap3A_75] {strides = array<i32>} : memref<80x128xf32, #tpu.memory_space<vmem>>, vector<1x16xf32>,
      %swap3A_77 = vector.shape_cast %swap3A_76 : vector<1x16xf32> to vector<16xf32>
      %swap3A_78 = vector.shape_cast %broadcast_in_dim3A_73 : vector<16xf32> to vector<1x16xf32>
      tpu.vector_store %arg12[%swap3A_74, %swap3A_75], %swap3A_78 {strides = array<i32>} : memref<80x128xf32, #tpu.memory_space<vmem>>, vector<1x16xf32>,
      %broadcast_in_dim3A_79 = arith.constant 0.000000e+00 : f32
      %broadcast_in_dim3A_80 = vector.broadcast %broadcast_in_dim3A_79 : f32 to vector<16xf32>
      %swap3A_81 = arith.index_cast %scan3A_44 : i32 to index
      %swap3A_82 = arith.constant 80 : index
      %swap3A_83 = tpu.vector_load %arg12[%swap3A_81, %swap3A_82] {strides = array<i32>} : memref<80x128xf32, #tpu.memory_space<vmem>>, vector<1x16xf32>,
      %swap3A_84 = vector.shape_cast %swap3A_83 : vector<1x16xf32> to vector<16xf32>
      %swap3A_85 = vector.shape_cast %broadcast_in_dim3A_80 : vector<16xf32> to vector<1x16xf32>
      tpu.vector_store %arg12[%swap3A_81, %swap3A_82], %swap3A_85 {strides = array<i32>} : memref<80x128xf32, #tpu.memory_space<vmem>>, vector<1x16xf32>,
      %broadcast_in_dim3A_86 = arith.constant 0.000000e+00 : f32
      %broadcast_in_dim3A_87 = vector.broadcast %broadcast_in_dim3A_86 : f32 to vector<16xf32>
      %swap3A_88 = arith.index_cast %scan3A_44 : i32 to index
      %swap3A_89 = arith.constant 96 : index
      %swap3A_90 = tpu.vector_load %arg12[%swap3A_88, %swap3A_89] {strides = array<i32>} : memref<80x128xf32, #tpu.memory_space<vmem>>, vector<1x16xf32>,
      %swap3A_91 = vector.shape_cast %swap3A_90 : vector<1x16xf32> to vector<16xf32>
      %swap3A_92 = vector.shape_cast %broadcast_in_dim3A_87 : vector<16xf32> to vector<1x16xf32>
      tpu.vector_store %arg12[%swap3A_88, %swap3A_89], %swap3A_92 {strides = array<i32>} : memref<80x128xf32, #tpu.memory_space<vmem>>, vector<1x16xf32>,
      %broadcast_in_dim3A_93 = arith.constant 0.000000e+00 : f32
      %broadcast_in_dim3A_94 = vector.broadcast %broadcast_in_dim3A_93 : f32 to vector<16xf32>
      %swap3A_95 = arith.index_cast %scan3A_44 : i32 to index
      %swap3A_96 = arith.constant 112 : index
      %swap3A_97 = tpu.vector_load %arg12[%swap3A_95, %swap3A_96] {strides = array<i32>} : memref<80x128xf32, #tpu.memory_space<vmem>>, vector<1x16xf32>,
      %swap3A_98 = vector.shape_cast %swap3A_97 : vector<1x16xf32> to vector<16xf32>
      %swap3A_99 = vector.shape_cast %broadcast_in_dim3A_94 : vector<16xf32> to vector<1x16xf32>
      tpu.vector_store %arg12[%swap3A_95, %swap3A_96], %swap3A_99 {strides = array<i32>} : memref<80x128xf32, #tpu.memory_space<vmem>>, vector<1x16xf32>,
      %scan3A_100 = arith.constant 0 : i32
      scf.yield %scan3A_100 : i32
    }
    %scan3A_6 = arith.constant 80 : i32
    %mul3A_7 = arith.constant 624 : i32
    %mul3A_8 = arith.muli %arg1, %mul3A_7 : i32
    %add3A_9 = arith.constant 0 : i32
    %add3A_10 = arith.addi %mul3A_8, %add3A_9 : i32
    "tpu.region"() ({
      %run_scoped3A = tpu.sem_alloc : memref<!tpu.dma_semaphore, #tpu.memory_space<semaphore_mem>>
      %dma_start3A = arith.constant 0 : i32
      %dma_start3A_44 = arith.constant 0 : i32
      %dma_start3A_45 = tpu.memref_slice %arg12[%dma_start3A, %dma_start3A_44] : memref<80x128xf32, #tpu.memory_space<vmem>> -> memref<80x128xf32, #tpu.memory_space<vmem>>
      %dma_start3A_46 = arith.constant 0 : i32
      %dma_start3A_47 = tpu.memref_slice %arg7[%add3A_10, %dma_start3A_46] : memref<10000x128xf32, #tpu.memory_space<vmem_shared>> -> memref<80x128xf32, #tpu.memory_space<vmem_shared>>
      %dma_start3A_48 = arith.constant 0 : i32
      %dma_start3A_49 = tpu.memref_slice %arg7[%add3A_10, %dma_start3A_48] : memref<10000x128xf32, #tpu.memory_space<vmem_shared>> -> memref<80x128xf32, #tpu.memory_space<vmem_shared>>
      %dma_start3A_50 = arith.constant 0 : i32
      %dma_start3A_51 = arith.constant 0 : i32
      %dma_start3A_52 = tpu.memref_slice %arg12[%dma_start3A_50, %dma_start3A_51] : memref<80x128xf32, #tpu.memory_space<vmem>> -> memref<80x128xf32, #tpu.memory_space<vmem>>
      tpu.enqueue_dma source(%dma_start3A_52 : memref<80x128xf32, #tpu.memory_space<vmem>>) target(%dma_start3A_49 : memref<80x128xf32, #tpu.memory_space<vmem_shared>>) target_semaphore(%run_scoped3A : memref<!tpu.dma_semaphore, #tpu.memory_space<semaphore_mem>>)
      %dma_wait3A = arith.constant 0 : i32
      %dma_wait3A_53 = arith.constant 0 : i32
      %dma_wait3A_54 = tpu.memref_slice %arg12[%dma_wait3A, %dma_wait3A_53] : memref<80x128xf32, #tpu.memory_space<vmem>> -> memref<80x128xf32, #tpu.memory_space<vmem>>
      %dma_wait3A_55 = arith.constant 0 : i32
      %dma_wait3A_56 = tpu.memref_slice %arg7[%add3A_10, %dma_wait3A_55] : memref<10000x128xf32, #tpu.memory_space<vmem_shared>> -> memref<80x128xf32, #tpu.memory_space<vmem_shared>>
      %dma_wait3A_57 = arith.constant 0 : i32
      %dma_wait3A_58 = tpu.memref_slice %arg7[%add3A_10, %dma_wait3A_57] : memref<10000x128xf32, #tpu.memory_space<vmem_shared>> -> memref<80x128xf32, #tpu.memory_space<vmem_shared>>
      %dma_wait3A_59 = arith.constant 0 : i32
      %dma_wait3A_60 = arith.constant 0 : i32
      %dma_wait3A_61 = tpu.memref_slice %arg12[%dma_wait3A_59, %dma_wait3A_60] : memref<80x128xf32, #tpu.memory_space<vmem>> -> memref<80x128xf32, #tpu.memory_space<vmem>>
      tpu.wait_dma2 semaphore(%run_scoped3A : memref<!tpu.dma_semaphore, #tpu.memory_space<semaphore_mem>>) src(%dma_wait3A_61 : memref<80x128xf32, #tpu.memory_space<vmem>>) dst(%dma_wait3A_58 : memref<80x128xf32, #tpu.memory_space<vmem_shared>>)
      tpu.yield
    }) : () -> ()
    %add3A_11 = arith.constant 80 : i32
    %add3A_12 = arith.addi %mul3A_8, %add3A_11 : i32
    "tpu.region"() ({
      %run_scoped3A = tpu.sem_alloc : memref<!tpu.dma_semaphore, #tpu.memory_space<semaphore_mem>>
      %dma_start3A = arith.constant 0 : i32
      %dma_start3A_44 = arith.constant 0 : i32
      %dma_start3A_45 = tpu.memref_slice %arg12[%dma_start3A, %dma_start3A_44] : memref<80x128xf32, #tpu.memory_space<vmem>> -> memref<80x128xf32, #tpu.memory_space<vmem>>
      %dma_start3A_46 = arith.constant 0 : i32
      %dma_start3A_47 = tpu.memref_slice %arg7[%add3A_12, %dma_start3A_46] : memref<10000x128xf32, #tpu.memory_space<vmem_shared>> -> memref<80x128xf32, #tpu.memory_space<vmem_shared>>
      %dma_start3A_48 = arith.constant 0 : i32
      %dma_start3A_49 = tpu.memref_slice %arg7[%add3A_12, %dma_start3A_48] : memref<10000x128xf32, #tpu.memory_space<vmem_shared>> -> memref<80x128xf32, #tpu.memory_space<vmem_shared>>
      %dma_start3A_50 = arith.constant 0 : i32
      %dma_start3A_51 = arith.constant 0 : i32
      %dma_start3A_52 = tpu.memref_slice %arg12[%dma_start3A_50, %dma_start3A_51] : memref<80x128xf32, #tpu.memory_space<vmem>> -> memref<80x128xf32, #tpu.memory_space<vmem>>
      tpu.enqueue_dma source(%dma_start3A_52 : memref<80x128xf32, #tpu.memory_space<vmem>>) target(%dma_start3A_49 : memref<80x128xf32, #tpu.memory_space<vmem_shared>>) target_semaphore(%run_scoped3A : memref<!tpu.dma_semaphore, #tpu.memory_space<semaphore_mem>>)
      %dma_wait3A = arith.constant 0 : i32
      %dma_wait3A_53 = arith.constant 0 : i32
      %dma_wait3A_54 = tpu.memref_slice %arg12[%dma_wait3A, %dma_wait3A_53] : memref<80x128xf32, #tpu.memory_space<vmem>> -> memref<80x128xf32, #tpu.memory_space<vmem>>
      %dma_wait3A_55 = arith.constant 0 : i32
      %dma_wait3A_56 = tpu.memref_slice %arg7[%add3A_12, %dma_wait3A_55] : memref<10000x128xf32, #tpu.memory_space<vmem_shared>> -> memref<80x128xf32, #tpu.memory_space<vmem_shared>>
      %dma_wait3A_57 = arith.constant 0 : i32
      %dma_wait3A_58 = tpu.memref_slice %arg7[%add3A_12, %dma_wait3A_57] : memref<10000x128xf32, #tpu.memory_space<vmem_shared>> -> memref<80x128xf32, #tpu.memory_space<vmem_shared>>
      %dma_wait3A_59 = arith.constant 0 : i32
      %dma_wait3A_60 = arith.constant 0 : i32
      %dma_wait3A_61 = tpu.memref_slice %arg12[%dma_wait3A_59, %dma_wait3A_60] : memref<80x128xf32, #tpu.memory_space<vmem>> -> memref<80x128xf32, #tpu.memory_space<vmem>>
      tpu.wait_dma2 semaphore(%run_scoped3A : memref<!tpu.dma_semaphore, #tpu.memory_space<semaphore_mem>>) src(%dma_wait3A_61 : memref<80x128xf32, #tpu.memory_space<vmem>>) dst(%dma_wait3A_58 : memref<80x128xf32, #tpu.memory_space<vmem_shared>>)
      tpu.yield
    }) : () -> ()
    %add3A_13 = arith.constant 160 : i32
    %add3A_14 = arith.addi %mul3A_8, %add3A_13 : i32
    "tpu.region"() ({
      %run_scoped3A = tpu.sem_alloc : memref<!tpu.dma_semaphore, #tpu.memory_space<semaphore_mem>>
      %dma_start3A = arith.constant 0 : i32
      %dma_start3A_44 = arith.constant 0 : i32
      %dma_start3A_45 = tpu.memref_slice %arg12[%dma_start3A, %dma_start3A_44] : memref<80x128xf32, #tpu.memory_space<vmem>> -> memref<80x128xf32, #tpu.memory_space<vmem>>
      %dma_start3A_46 = arith.constant 0 : i32
      %dma_start3A_47 = tpu.memref_slice %arg7[%add3A_14, %dma_start3A_46] : memref<10000x128xf32, #tpu.memory_space<vmem_shared>> -> memref<80x128xf32, #tpu.memory_space<vmem_shared>>
      %dma_start3A_48 = arith.constant 0 : i32
      %dma_start3A_49 = tpu.memref_slice %arg7[%add3A_14, %dma_start3A_48] : memref<10000x128xf32, #tpu.memory_space<vmem_shared>> -> memref<80x128xf32, #tpu.memory_space<vmem_shared>>
      %dma_start3A_50 = arith.constant 0 : i32
      %dma_start3A_51 = arith.constant 0 : i32
      %dma_start3A_52 = tpu.memref_slice %arg12[%dma_start3A_50, %dma_start3A_51] : memref<80x128xf32, #tpu.memory_space<vmem>> -> memref<80x128xf32, #tpu.memory_space<vmem>>
      tpu.enqueue_dma source(%dma_start3A_52 : memref<80x128xf32, #tpu.memory_space<vmem>>) target(%dma_start3A_49 : memref<80x128xf32, #tpu.memory_space<vmem_shared>>) target_semaphore(%run_scoped3A : memref<!tpu.dma_semaphore, #tpu.memory_space<semaphore_mem>>)
      %dma_wait3A = arith.constant 0 : i32
      %dma_wait3A_53 = arith.constant 0 : i32
      %dma_wait3A_54 = tpu.memref_slice %arg12[%dma_wait3A, %dma_wait3A_53] : memref<80x128xf32, #tpu.memory_space<vmem>> -> memref<80x128xf32, #tpu.memory_space<vmem>>
      %dma_wait3A_55 = arith.constant 0 : i32
      %dma_wait3A_56 = tpu.memref_slice %arg7[%add3A_14, %dma_wait3A_55] : memref<10000x128xf32, #tpu.memory_space<vmem_shared>> -> memref<80x128xf32, #tpu.memory_space<vmem_shared>>
      %dma_wait3A_57 = arith.constant 0 : i32
      %dma_wait3A_58 = tpu.memref_slice %arg7[%add3A_14, %dma_wait3A_57] : memref<10000x128xf32, #tpu.memory_space<vmem_shared>> -> memref<80x128xf32, #tpu.memory_space<vmem_shared>>
      %dma_wait3A_59 = arith.constant 0 : i32
      %dma_wait3A_60 = arith.constant 0 : i32
      %dma_wait3A_61 = tpu.memref_slice %arg12[%dma_wait3A_59, %dma_wait3A_60] : memref<80x128xf32, #tpu.memory_space<vmem>> -> memref<80x128xf32, #tpu.memory_space<vmem>>
      tpu.wait_dma2 semaphore(%run_scoped3A : memref<!tpu.dma_semaphore, #tpu.memory_space<semaphore_mem>>) src(%dma_wait3A_61 : memref<80x128xf32, #tpu.memory_space<vmem>>) dst(%dma_wait3A_58 : memref<80x128xf32, #tpu.memory_space<vmem_shared>>)
      tpu.yield
    }) : () -> ()
    %add3A_15 = arith.constant 240 : i32
    %add3A_16 = arith.addi %mul3A_8, %add3A_15 : i32
    "tpu.region"() ({
      %run_scoped3A = tpu.sem_alloc : memref<!tpu.dma_semaphore, #tpu.memory_space<semaphore_mem>>
      %dma_start3A = arith.constant 0 : i32
      %dma_start3A_44 = arith.constant 0 : i32
      %dma_start3A_45 = tpu.memref_slice %arg12[%dma_start3A, %dma_start3A_44] : memref<80x128xf32, #tpu.memory_space<vmem>> -> memref<80x128xf32, #tpu.memory_space<vmem>>
      %dma_start3A_46 = arith.constant 0 : i32
      %dma_start3A_47 = tpu.memref_slice %arg7[%add3A_16, %dma_start3A_46] : memref<10000x128xf32, #tpu.memory_space<vmem_shared>> -> memref<80x128xf32, #tpu.memory_space<vmem_shared>>
      %dma_start3A_48 = arith.constant 0 : i32
      %dma_start3A_49 = tpu.memref_slice %arg7[%add3A_16, %dma_start3A_48] : memref<10000x128xf32, #tpu.memory_space<vmem_shared>> -> memref<80x128xf32, #tpu.memory_space<vmem_shared>>
      %dma_start3A_50 = arith.constant 0 : i32
      %dma_start3A_51 = arith.constant 0 : i32
      %dma_start3A_52 = tpu.memref_slice %arg12[%dma_start3A_50, %dma_start3A_51] : memref<80x128xf32, #tpu.memory_space<vmem>> -> memref<80x128xf32, #tpu.memory_space<vmem>>
      tpu.enqueue_dma source(%dma_start3A_52 : memref<80x128xf32, #tpu.memory_space<vmem>>) target(%dma_start3A_49 : memref<80x128xf32, #tpu.memory_space<vmem_shared>>) target_semaphore(%run_scoped3A : memref<!tpu.dma_semaphore, #tpu.memory_space<semaphore_mem>>)
      %dma_wait3A = arith.constant 0 : i32
      %dma_wait3A_53 = arith.constant 0 : i32
      %dma_wait3A_54 = tpu.memref_slice %arg12[%dma_wait3A, %dma_wait3A_53] : memref<80x128xf32, #tpu.memory_space<vmem>> -> memref<80x128xf32, #tpu.memory_space<vmem>>
      %dma_wait3A_55 = arith.constant 0 : i32
      %dma_wait3A_56 = tpu.memref_slice %arg7[%add3A_16, %dma_wait3A_55] : memref<10000x128xf32, #tpu.memory_space<vmem_shared>> -> memref<80x128xf32, #tpu.memory_space<vmem_shared>>
      %dma_wait3A_57 = arith.constant 0 : i32
      %dma_wait3A_58 = tpu.memref_slice %arg7[%add3A_16, %dma_wait3A_57] : memref<10000x128xf32, #tpu.memory_space<vmem_shared>> -> memref<80x128xf32, #tpu.memory_space<vmem_shared>>
      %dma_wait3A_59 = arith.constant 0 : i32
      %dma_wait3A_60 = arith.constant 0 : i32
      %dma_wait3A_61 = tpu.memref_slice %arg12[%dma_wait3A_59, %dma_wait3A_60] : memref<80x128xf32, #tpu.memory_space<vmem>> -> memref<80x128xf32, #tpu.memory_space<vmem>>
      tpu.wait_dma2 semaphore(%run_scoped3A : memref<!tpu.dma_semaphore, #tpu.memory_space<semaphore_mem>>) src(%dma_wait3A_61 : memref<80x128xf32, #tpu.memory_space<vmem>>) dst(%dma_wait3A_58 : memref<80x128xf32, #tpu.memory_space<vmem_shared>>)
      tpu.yield
    }) : () -> ()
    %add3A_17 = arith.constant 320 : i32
    %add3A_18 = arith.addi %mul3A_8, %add3A_17 : i32
    "tpu.region"() ({
      %run_scoped3A = tpu.sem_alloc : memref<!tpu.dma_semaphore, #tpu.memory_space<semaphore_mem>>
      %dma_start3A = arith.constant 0 : i32
      %dma_start3A_44 = arith.constant 0 : i32
      %dma_start3A_45 = tpu.memref_slice %arg12[%dma_start3A, %dma_start3A_44] : memref<80x128xf32, #tpu.memory_space<vmem>> -> memref<80x128xf32, #tpu.memory_space<vmem>>
      %dma_start3A_46 = arith.constant 0 : i32
      %dma_start3A_47 = tpu.memref_slice %arg7[%add3A_18, %dma_start3A_46] : memref<10000x128xf32, #tpu.memory_space<vmem_shared>> -> memref<80x128xf32, #tpu.memory_space<vmem_shared>>
      %dma_start3A_48 = arith.constant 0 : i32
      %dma_start3A_49 = tpu.memref_slice %arg7[%add3A_18, %dma_start3A_48] : memref<10000x128xf32, #tpu.memory_space<vmem_shared>> -> memref<80x128xf32, #tpu.memory_space<vmem_shared>>
      %dma_start3A_50 = arith.constant 0 : i32
      %dma_start3A_51 = arith.constant 0 : i32
      %dma_start3A_52 = tpu.memref_slice %arg12[%dma_start3A_50, %dma_start3A_51] : memref<80x128xf32, #tpu.memory_space<vmem>> -> memref<80x128xf32, #tpu.memory_space<vmem>>
      tpu.enqueue_dma source(%dma_start3A_52 : memref<80x128xf32, #tpu.memory_space<vmem>>) target(%dma_start3A_49 : memref<80x128xf32, #tpu.memory_space<vmem_shared>>) target_semaphore(%run_scoped3A : memref<!tpu.dma_semaphore, #tpu.memory_space<semaphore_mem>>)
      %dma_wait3A = arith.constant 0 : i32
      %dma_wait3A_53 = arith.constant 0 : i32
      %dma_wait3A_54 = tpu.memref_slice %arg12[%dma_wait3A, %dma_wait3A_53] : memref<80x128xf32, #tpu.memory_space<vmem>> -> memref<80x128xf32, #tpu.memory_space<vmem>>
      %dma_wait3A_55 = arith.constant 0 : i32
      %dma_wait3A_56 = tpu.memref_slice %arg7[%add3A_18, %dma_wait3A_55] : memref<10000x128xf32, #tpu.memory_space<vmem_shared>> -> memref<80x128xf32, #tpu.memory_space<vmem_shared>>
      %dma_wait3A_57 = arith.constant 0 : i32
      %dma_wait3A_58 = tpu.memref_slice %arg7[%add3A_18, %dma_wait3A_57] : memref<10000x128xf32, #tpu.memory_space<vmem_shared>> -> memref<80x128xf32, #tpu.memory_space<vmem_shared>>
      %dma_wait3A_59 = arith.constant 0 : i32
      %dma_wait3A_60 = arith.constant 0 : i32
      %dma_wait3A_61 = tpu.memref_slice %arg12[%dma_wait3A_59, %dma_wait3A_60] : memref<80x128xf32, #tpu.memory_space<vmem>> -> memref<80x128xf32, #tpu.memory_space<vmem>>
      tpu.wait_dma2 semaphore(%run_scoped3A : memref<!tpu.dma_semaphore, #tpu.memory_space<semaphore_mem>>) src(%dma_wait3A_61 : memref<80x128xf32, #tpu.memory_space<vmem>>) dst(%dma_wait3A_58 : memref<80x128xf32, #tpu.memory_space<vmem_shared>>)
      tpu.yield
    }) : () -> ()
    %add3A_19 = arith.constant 400 : i32
    %add3A_20 = arith.addi %mul3A_8, %add3A_19 : i32
    "tpu.region"() ({
      %run_scoped3A = tpu.sem_alloc : memref<!tpu.dma_semaphore, #tpu.memory_space<semaphore_mem>>
      %dma_start3A = arith.constant 0 : i32
      %dma_start3A_44 = arith.constant 0 : i32
      %dma_start3A_45 = tpu.memref_slice %arg12[%dma_start3A, %dma_start3A_44] : memref<80x128xf32, #tpu.memory_space<vmem>> -> memref<80x128xf32, #tpu.memory_space<vmem>>
      %dma_start3A_46 = arith.constant 0 : i32
      %dma_start3A_47 = tpu.memref_slice %arg7[%add3A_20, %dma_start3A_46] : memref<10000x128xf32, #tpu.memory_space<vmem_shared>> -> memref<80x128xf32, #tpu.memory_space<vmem_shared>>
      %dma_start3A_48 = arith.constant 0 : i32
      %dma_start3A_49 = tpu.memref_slice %arg7[%add3A_20, %dma_start3A_48] : memref<10000x128xf32, #tpu.memory_space<vmem_shared>> -> memref<80x128xf32, #tpu.memory_space<vmem_shared>>
      %dma_start3A_50 = arith.constant 0 : i32
      %dma_start3A_51 = arith.constant 0 : i32
      %dma_start3A_52 = tpu.memref_slice %arg12[%dma_start3A_50, %dma_start3A_51] : memref<80x128xf32, #tpu.memory_space<vmem>> -> memref<80x128xf32, #tpu.memory_space<vmem>>
      tpu.enqueue_dma source(%dma_start3A_52 : memref<80x128xf32, #tpu.memory_space<vmem>>) target(%dma_start3A_49 : memref<80x128xf32, #tpu.memory_space<vmem_shared>>) target_semaphore(%run_scoped3A : memref<!tpu.dma_semaphore, #tpu.memory_space<semaphore_mem>>)
      %dma_wait3A = arith.constant 0 : i32
      %dma_wait3A_53 = arith.constant 0 : i32
      %dma_wait3A_54 = tpu.memref_slice %arg12[%dma_wait3A, %dma_wait3A_53] : memref<80x128xf32, #tpu.memory_space<vmem>> -> memref<80x128xf32, #tpu.memory_space<vmem>>
      %dma_wait3A_55 = arith.constant 0 : i32
      %dma_wait3A_56 = tpu.memref_slice %arg7[%add3A_20, %dma_wait3A_55] : memref<10000x128xf32, #tpu.memory_space<vmem_shared>> -> memref<80x128xf32, #tpu.memory_space<vmem_shared>>
      %dma_wait3A_57 = arith.constant 0 : i32
      %dma_wait3A_58 = tpu.memref_slice %arg7[%add3A_20, %dma_wait3A_57] : memref<10000x128xf32, #tpu.memory_space<vmem_shared>> -> memref<80x128xf32, #tpu.memory_space<vmem_shared>>
      %dma_wait3A_59 = arith.constant 0 : i32
      %dma_wait3A_60 = arith.constant 0 : i32
      %dma_wait3A_61 = tpu.memref_slice %arg12[%dma_wait3A_59, %dma_wait3A_60] : memref<80x128xf32, #tpu.memory_space<vmem>> -> memref<80x128xf32, #tpu.memory_space<vmem>>
      tpu.wait_dma2 semaphore(%run_scoped3A : memref<!tpu.dma_semaphore, #tpu.memory_space<semaphore_mem>>) src(%dma_wait3A_61 : memref<80x128xf32, #tpu.memory_space<vmem>>) dst(%dma_wait3A_58 : memref<80x128xf32, #tpu.memory_space<vmem_shared>>)
      tpu.yield
    }) : () -> ()
    %add3A_21 = arith.constant 480 : i32
    %add3A_22 = arith.addi %mul3A_8, %add3A_21 : i32
    "tpu.region"() ({
      %run_scoped3A = tpu.sem_alloc : memref<!tpu.dma_semaphore, #tpu.memory_space<semaphore_mem>>
      %dma_start3A = arith.constant 0 : i32
      %dma_start3A_44 = arith.constant 0 : i32
      %dma_start3A_45 = tpu.memref_slice %arg12[%dma_start3A, %dma_start3A_44] : memref<80x128xf32, #tpu.memory_space<vmem>> -> memref<80x128xf32, #tpu.memory_space<vmem>>
      %dma_start3A_46 = arith.constant 0 : i32
      %dma_start3A_47 = tpu.memref_slice %arg7[%add3A_22, %dma_start3A_46] : memref<10000x128xf32, #tpu.memory_space<vmem_shared>> -> memref<80x128xf32, #tpu.memory_space<vmem_shared>>
      %dma_start3A_48 = arith.constant 0 : i32
      %dma_start3A_49 = tpu.memref_slice %arg7[%add3A_22, %dma_start3A_48] : memref<10000x128xf32, #tpu.memory_space<vmem_shared>> -> memref<80x128xf32, #tpu.memory_space<vmem_shared>>
      %dma_start3A_50 = arith.constant 0 : i32
      %dma_start3A_51 = arith.constant 0 : i32
      %dma_start3A_52 = tpu.memref_slice %arg12[%dma_start3A_50, %dma_start3A_51] : memref<80x128xf32, #tpu.memory_space<vmem>> -> memref<80x128xf32, #tpu.memory_space<vmem>>
      tpu.enqueue_dma source(%dma_start3A_52 : memref<80x128xf32, #tpu.memory_space<vmem>>) target(%dma_start3A_49 : memref<80x128xf32, #tpu.memory_space<vmem_shared>>) target_semaphore(%run_scoped3A : memref<!tpu.dma_semaphore, #tpu.memory_space<semaphore_mem>>)
      %dma_wait3A = arith.constant 0 : i32
      %dma_wait3A_53 = arith.constant 0 : i32
      %dma_wait3A_54 = tpu.memref_slice %arg12[%dma_wait3A, %dma_wait3A_53] : memref<80x128xf32, #tpu.memory_space<vmem>> -> memref<80x128xf32, #tpu.memory_space<vmem>>
      %dma_wait3A_55 = arith.constant 0 : i32
      %dma_wait3A_56 = tpu.memref_slice %arg7[%add3A_22, %dma_wait3A_55] : memref<10000x128xf32, #tpu.memory_space<vmem_shared>> -> memref<80x128xf32, #tpu.memory_space<vmem_shared>>
      %dma_wait3A_57 = arith.constant 0 : i32
      %dma_wait3A_58 = tpu.memref_slice %arg7[%add3A_22, %dma_wait3A_57] : memref<10000x128xf32, #tpu.memory_space<vmem_shared>> -> memref<80x128xf32, #tpu.memory_space<vmem_shared>>
      %dma_wait3A_59 = arith.constant 0 : i32
      %dma_wait3A_60 = arith.constant 0 : i32
      %dma_wait3A_61 = tpu.memref_slice %arg12[%dma_wait3A_59, %dma_wait3A_60] : memref<80x128xf32, #tpu.memory_space<vmem>> -> memref<80x128xf32, #tpu.memory_space<vmem>>
      tpu.wait_dma2 semaphore(%run_scoped3A : memref<!tpu.dma_semaphore, #tpu.memory_space<semaphore_mem>>) src(%dma_wait3A_61 : memref<80x128xf32, #tpu.memory_space<vmem>>) dst(%dma_wait3A_58 : memref<80x128xf32, #tpu.memory_space<vmem_shared>>)
      tpu.yield
    }) : () -> ()
    %add3A_23 = arith.constant 560 : i32
    %add3A_24 = arith.addi %mul3A_8, %add3A_23 : i32
    "tpu.region"() ({
      %run_scoped3A = tpu.sem_alloc : memref<!tpu.dma_semaphore, #tpu.memory_space<semaphore_mem>>
      %dma_start3A = arith.constant 0 : i32
      %dma_start3A_44 = arith.constant 0 : i32
      %dma_start3A_45 = tpu.memref_slice %arg12[%dma_start3A, %dma_start3A_44] : memref<80x128xf32, #tpu.memory_space<vmem>> -> memref<64x128xf32, #tpu.memory_space<vmem>>
      %dma_start3A_46 = arith.constant 0 : i32
      %dma_start3A_47 = tpu.memref_slice %arg7[%add3A_24, %dma_start3A_46] : memref<10000x128xf32, #tpu.memory_space<vmem_shared>> -> memref<64x128xf32, #tpu.memory_space<vmem_shared>>
      %dma_start3A_48 = arith.constant 0 : i32
      %dma_start3A_49 = tpu.memref_slice %arg7[%add3A_24, %dma_start3A_48] : memref<10000x128xf32, #tpu.memory_space<vmem_shared>> -> memref<64x128xf32, #tpu.memory_space<vmem_shared>>
      %dma_start3A_50 = arith.constant 0 : i32
      %dma_start3A_51 = arith.constant 0 : i32
      %dma_start3A_52 = tpu.memref_slice %arg12[%dma_start3A_50, %dma_start3A_51] : memref<80x128xf32, #tpu.memory_space<vmem>> -> memref<64x128xf32, #tpu.memory_space<vmem>>
      tpu.enqueue_dma source(%dma_start3A_52 : memref<64x128xf32, #tpu.memory_space<vmem>>) target(%dma_start3A_49 : memref<64x128xf32, #tpu.memory_space<vmem_shared>>) target_semaphore(%run_scoped3A : memref<!tpu.dma_semaphore, #tpu.memory_space<semaphore_mem>>)
      %dma_wait3A = arith.constant 0 : i32
      %dma_wait3A_53 = arith.constant 0 : i32
      %dma_wait3A_54 = tpu.memref_slice %arg12[%dma_wait3A, %dma_wait3A_53] : memref<80x128xf32, #tpu.memory_space<vmem>> -> memref<64x128xf32, #tpu.memory_space<vmem>>
      %dma_wait3A_55 = arith.constant 0 : i32
      %dma_wait3A_56 = tpu.memref_slice %arg7[%add3A_24, %dma_wait3A_55] : memref<10000x128xf32, #tpu.memory_space<vmem_shared>> -> memref<64x128xf32, #tpu.memory_space<vmem_shared>>
      %dma_wait3A_57 = arith.constant 0 : i32
      %dma_wait3A_58 = tpu.memref_slice %arg7[%add3A_24, %dma_wait3A_57] : memref<10000x128xf32, #tpu.memory_space<vmem_shared>> -> memref<64x128xf32, #tpu.memory_space<vmem_shared>>
      %dma_wait3A_59 = arith.constant 0 : i32
      %dma_wait3A_60 = arith.constant 0 : i32
      %dma_wait3A_61 = tpu.memref_slice %arg12[%dma_wait3A_59, %dma_wait3A_60] : memref<80x128xf32, #tpu.memory_space<vmem>> -> memref<64x128xf32, #tpu.memory_space<vmem>>
      tpu.wait_dma2 semaphore(%run_scoped3A : memref<!tpu.dma_semaphore, #tpu.memory_space<semaphore_mem>>) src(%dma_wait3A_61 : memref<64x128xf32, #tpu.memory_space<vmem>>) dst(%dma_wait3A_58 : memref<64x128xf32, #tpu.memory_space<vmem_shared>>)
      tpu.yield
    }) : () -> ()
    %eq3A = arith.constant 15 : i32
    %eq3A_25 = arith.cmpi eq, %arg1, %eq3A : i32
    %convert_element_type3A = arith.extui %eq3A_25 : i1 to i32
    %cond3A = arith.constant 0 : i32
    %cond3A_26 = arith.cmpi ne, %convert_element_type3A, %cond3A : i32
    scf.if %cond3A_26 {
      "tpu.region"() ({
        %run_scoped3A = tpu.sem_alloc : memref<!tpu.dma_semaphore, #tpu.memory_space<semaphore_mem>>
        %dma_start3A = arith.constant 0 : i32
        %dma_start3A_44 = arith.constant 0 : i32
        %dma_start3A_45 = tpu.memref_slice %arg12[%dma_start3A, %dma_start3A_44] : memref<80x128xf32, #tpu.memory_space<vmem>> -> memref<16x128xf32, #tpu.memory_space<vmem>>
        %dma_start3A_46 = arith.constant 9984 : i32
        %dma_start3A_47 = arith.constant 0 : i32
        %dma_start3A_48 = tpu.memref_slice %arg7[%dma_start3A_46, %dma_start3A_47] : memref<10000x128xf32, #tpu.memory_space<vmem_shared>> -> memref<16x128xf32, #tpu.memory_space<vmem_shared>>
        %dma_start3A_49 = arith.constant 9984 : i32
        %dma_start3A_50 = arith.constant 0 : i32
        %dma_start3A_51 = tpu.memref_slice %arg7[%dma_start3A_49, %dma_start3A_50] : memref<10000x128xf32, #tpu.memory_space<vmem_shared>> -> memref<16x128xf32, #tpu.memory_space<vmem_shared>>
        %dma_start3A_52 = arith.constant 0 : i32
        %dma_start3A_53 = arith.constant 0 : i32
        %dma_start3A_54 = tpu.memref_slice %arg12[%dma_start3A_52, %dma_start3A_53] : memref<80x128xf32, #tpu.memory_space<vmem>> -> memref<16x128xf32, #tpu.memory_space<vmem>>
        tpu.enqueue_dma source(%dma_start3A_54 : memref<16x128xf32, #tpu.memory_space<vmem>>) target(%dma_start3A_51 : memref<16x128xf32, #tpu.memory_space<vmem_shared>>) target_semaphore(%run_scoped3A : memref<!tpu.dma_semaphore, #tpu.memory_space<semaphore_mem>>)
        %dma_wait3A = arith.constant 0 : i32
        %dma_wait3A_55 = arith.constant 0 : i32
        %dma_wait3A_56 = tpu.memref_slice %arg12[%dma_wait3A, %dma_wait3A_55] : memref<80x128xf32, #tpu.memory_space<vmem>> -> memref<16x128xf32, #tpu.memory_space<vmem>>
        %dma_wait3A_57 = arith.constant 9984 : i32
        %dma_wait3A_58 = arith.constant 0 : i32
        %dma_wait3A_59 = tpu.memref_slice %arg7[%dma_wait3A_57, %dma_wait3A_58] : memref<10000x128xf32, #tpu.memory_space<vmem_shared>> -> memref<16x128xf32, #tpu.memory_space<vmem_shared>>
        %dma_wait3A_60 = arith.constant 9984 : i32
        %dma_wait3A_61 = arith.constant 0 : i32
        %dma_wait3A_62 = tpu.memref_slice %arg7[%dma_wait3A_60, %dma_wait3A_61] : memref<10000x128xf32, #tpu.memory_space<vmem_shared>> -> memref<16x128xf32, #tpu.memory_space<vmem_shared>>
        %dma_wait3A_63 = arith.constant 0 : i32
        %dma_wait3A_64 = arith.constant 0 : i32
        %dma_wait3A_65 = tpu.memref_slice %arg12[%dma_wait3A_63, %dma_wait3A_64] : memref<80x128xf32, #tpu.memory_space<vmem>> -> memref<16x128xf32, #tpu.memory_space<vmem>>
        tpu.wait_dma2 semaphore(%run_scoped3A : memref<!tpu.dma_semaphore, #tpu.memory_space<semaphore_mem>>) src(%dma_wait3A_65 : memref<16x128xf32, #tpu.memory_space<vmem>>) dst(%dma_wait3A_62 : memref<16x128xf32, #tpu.memory_space<vmem_shared>>)
        tpu.yield
      }) : () -> ()
    } else {
    }
    %barrier3A = arith.constant 0 : index
    tpu.barrier barrier_id(%barrier3A)
    %scan3A_27 = arith.constant 0 : i32
    %scan3A_28 = arith.constant 0 : i32
    %scan3A_29 = arith.constant 125 : i32
    %scan3A_30 = arith.addi %scan3A_28, %scan3A_29 : i32
    %scan3A_31 = arith.constant 1 : i32
    %scan3A_32 = scf.for %scan3A_44 = %scan3A_28 to %scan3A_30 step %scan3A_31 iter_args(%scan3A_45 = %scan3A_27) -> (i32)  : i32 {
      %mul3A_46 = arith.constant 10000 : i32
      %mul3A_47 = arith.muli %add3A, %mul3A_46 : i32
      %mul3A_48 = arith.constant 80 : i32
      %mul3A_49 = arith.muli %scan3A_44, %mul3A_48 : i32
      %add3A_50 = arith.addi %mul3A_47, %mul3A_49 : i32
      "tpu.region"() ({
        %run_scoped3A = tpu.sem_alloc : memref<!tpu.dma_semaphore, #tpu.memory_space<semaphore_mem>>
        %dma_start3A_63 = tpu.memref_slice %arg4[%add3A_50] : memref<320000xi32, #tpu.memory_space<hbm>> -> memref<80xi32, #tpu.memory_space<hbm>>
        %dma_start3A_64 = tpu.memref_slice %arg4[%add3A_50] : memref<320000xi32, #tpu.memory_space<hbm>> -> memref<80xi32, #tpu.memory_space<hbm>>
        tpu.enqueue_dma source(%dma_start3A_64 : memref<80xi32, #tpu.memory_space<hbm>>) target(%arg8 : memref<80xi32, #tpu.memory_space<vmem>>) target_semaphore(%run_scoped3A : memref<!tpu.dma_semaphore, #tpu.memory_space<semaphore_mem>>)
        %dma_wait3A_65 = tpu.memref_slice %arg4[%add3A_50] : memref<320000xi32, #tpu.memory_space<hbm>> -> memref<80xi32, #tpu.memory_space<hbm>>
        %dma_wait3A_66 = tpu.memref_slice %arg4[%add3A_50] : memref<320000xi32, #tpu.memory_space<hbm>> -> memref<80xi32, #tpu.memory_space<hbm>>
        tpu.wait_dma2 semaphore(%run_scoped3A : memref<!tpu.dma_semaphore, #tpu.memory_space<semaphore_mem>>) src(%dma_wait3A_66 : memref<80xi32, #tpu.memory_space<hbm>>) dst(%arg8 : memref<80xi32, #tpu.memory_space<vmem>>)
        tpu.yield
      }) : () -> ()
      "tpu.region"() ({
        %run_scoped3A = tpu.sem_alloc : memref<!tpu.dma_semaphore, #tpu.memory_space<semaphore_mem>>
        %dma_start3A_63 = tpu.memref_slice %arg5[%add3A_50] : memref<320000xi32, #tpu.memory_space<hbm>> -> memref<80xi32, #tpu.memory_space<hbm>>
        %dma_start3A_64 = tpu.memref_slice %arg5[%add3A_50] : memref<320000xi32, #tpu.memory_space<hbm>> -> memref<80xi32, #tpu.memory_space<hbm>>
        tpu.enqueue_dma source(%dma_start3A_64 : memref<80xi32, #tpu.memory_space<hbm>>) target(%arg9 : memref<80xi32, #tpu.memory_space<vmem>>) target_semaphore(%run_scoped3A : memref<!tpu.dma_semaphore, #tpu.memory_space<semaphore_mem>>)
        %dma_wait3A_65 = tpu.memref_slice %arg5[%add3A_50] : memref<320000xi32, #tpu.memory_space<hbm>> -> memref<80xi32, #tpu.memory_space<hbm>>
        %dma_wait3A_66 = tpu.memref_slice %arg5[%add3A_50] : memref<320000xi32, #tpu.memory_space<hbm>> -> memref<80xi32, #tpu.memory_space<hbm>>
        tpu.wait_dma2 semaphore(%run_scoped3A : memref<!tpu.dma_semaphore, #tpu.memory_space<semaphore_mem>>) src(%dma_wait3A_66 : memref<80xi32, #tpu.memory_space<hbm>>) dst(%arg9 : memref<80xi32, #tpu.memory_space<vmem>>)
        tpu.yield
      }) : () -> ()
      %dma_start3A = arith.constant 0 : i32
      %dma_start3A_51 = arith.constant 0 : i32
      %dma_start3A_52 = tpu.memref_slice %arg2[%dma_start3A, %dma_start3A_51] : memref<10000x128xf32, #tpu.memory_space<hbm>> -> memref<10000x128xf32, #tpu.memory_space<hbm>>
      tpu.enqueue_indirect_dma source(%dma_start3A_52 : memref<10000x128xf32, #tpu.memory_space<hbm>>) target(%arg10 : memref<80x128xf32, #tpu.memory_space<vmem>>) offsets(%arg8 : memref<80xi32, #tpu.memory_space<vmem>>) semaphore(%arg13 : memref<!tpu.dma_semaphore, #tpu.memory_space<semaphore_mem>>)
      %dma_wait3A = arith.constant 0 : i32
      %dma_wait3A_53 = arith.constant 0 : i32
      %dma_wait3A_54 = tpu.memref_slice %arg2[%dma_wait3A, %dma_wait3A_53] : memref<10000x128xf32, #tpu.memory_space<hbm>> -> memref<10000x128xf32, #tpu.memory_space<hbm>>
      tpu.wait_indirect_dma semaphore(%arg13 : memref<!tpu.dma_semaphore, #tpu.memory_space<semaphore_mem>>) src(%dma_wait3A_54 : memref<10000x128xf32, #tpu.memory_space<hbm>>) dst(%arg10 : memref<80x128xf32, #tpu.memory_space<vmem>>)
      "tpu.region"() ({
        %run_scoped3A = tpu.sem_alloc : memref<!tpu.dma_semaphore, #tpu.memory_space<semaphore_mem>>
        %dma_start3A_63 = arith.constant 0 : i32
        %dma_start3A_64 = tpu.memref_slice %arg3[%add3A_50, %dma_start3A_63] : memref<320000x128xf32, #tpu.memory_space<hbm>> -> memref<80x128xf32, #tpu.memory_space<hbm>>
        %dma_start3A_65 = arith.constant 0 : i32
        %dma_start3A_66 = tpu.memref_slice %arg3[%add3A_50, %dma_start3A_65] : memref<320000x128xf32, #tpu.memory_space<hbm>> -> memref<80x128xf32, #tpu.memory_space<hbm>>
        tpu.enqueue_dma source(%dma_start3A_66 : memref<80x128xf32, #tpu.memory_space<hbm>>) target(%arg11 : memref<80x128xf32, #tpu.memory_space<vmem>>) target_semaphore(%run_scoped3A : memref<!tpu.dma_semaphore, #tpu.memory_space<semaphore_mem>>)
        %dma_wait3A_67 = arith.constant 0 : i32
        %dma_wait3A_68 = tpu.memref_slice %arg3[%add3A_50, %dma_wait3A_67] : memref<320000x128xf32, #tpu.memory_space<hbm>> -> memref<80x128xf32, #tpu.memory_space<hbm>>
        %dma_wait3A_69 = arith.constant 0 : i32
        %dma_wait3A_70 = tpu.memref_slice %arg3[%add3A_50, %dma_wait3A_69] : memref<320000x128xf32, #tpu.memory_space<hbm>> -> memref<80x128xf32, #tpu.memory_space<hbm>>
        tpu.wait_dma2 semaphore(%run_scoped3A : memref<!tpu.dma_semaphore, #tpu.memory_space<semaphore_mem>>) src(%dma_wait3A_70 : memref<80x128xf32, #tpu.memory_space<hbm>>) dst(%arg11 : memref<80x128xf32, #tpu.memory_space<vmem>>)
        tpu.yield
      }) : () -> ()
      %scan3A_55 = arith.constant 0 : i32
      %scan3A_56 = arith.constant 0 : i32
      %scan3A_57 = arith.constant 80 : i32
      %scan3A_58 = arith.addi %scan3A_56, %scan3A_57 : i32
      %scan3A_59 = arith.constant 1 : i32
      %scan3A_60 = scf.for %scan3A_63 = %scan3A_56 to %scan3A_58 step %scan3A_59 iter_args(%scan3A_64 = %scan3A_55) -> (i32)  : i32 {
        %get3A = arith.index_cast %scan3A_63 : i32 to index
        %get3A_65 = arith.constant 0 : index
        %get3A_66 = tpu.vector_load %arg10[%get3A, %get3A_65] {strides = array<i32>} : memref<80x128xf32, #tpu.memory_space<vmem>>, vector<1x16xf32>,
        %get3A_67 = vector.shape_cast %get3A_66 : vector<1x16xf32> to vector<16xf32>
        %get3A_68 = arith.index_cast %scan3A_63 : i32 to index
        %get3A_69 = arith.constant 0 : index
        %get3A_70 = tpu.vector_load %arg11[%get3A_68, %get3A_69] {strides = array<i32>} : memref<80x128xf32, #tpu.memory_space<vmem>>, vector<1x16xf32>,
        %get3A_71 = vector.shape_cast %get3A_70 : vector<1x16xf32> to vector<16xf32>
        %add3A_72 = arith.addf %get3A_67, %get3A_71 : vector<16xf32>
        %max3A = arith.constant 0.000000e+00 : f32
        %max3A_73 = vector.broadcast %max3A : f32 to vector<16xf32>
        %max3A_74 = arith.maximumf %add3A_72, %max3A_73 : vector<16xf32>
        %swap3A = arith.index_cast %scan3A_63 : i32 to index
        %swap3A_75 = arith.constant 0 : index
        %swap3A_76 = tpu.vector_load %arg12[%swap3A, %swap3A_75] {strides = array<i32>} : memref<80x128xf32, #tpu.memory_space<vmem>>, vector<1x16xf32>,
        %swap3A_77 = vector.shape_cast %swap3A_76 : vector<1x16xf32> to vector<16xf32>
        %swap3A_78 = vector.shape_cast %max3A_74 : vector<16xf32> to vector<1x16xf32>
        tpu.vector_store %arg12[%swap3A, %swap3A_75], %swap3A_78 {strides = array<i32>} : memref<80x128xf32, #tpu.memory_space<vmem>>, vector<1x16xf32>,
        %get3A_79 = arith.index_cast %scan3A_63 : i32 to index
        %get3A_80 = arith.constant 16 : index
        %get3A_81 = tpu.vector_load %arg10[%get3A_79, %get3A_80] {strides = array<i32>} : memref<80x128xf32, #tpu.memory_space<vmem>>, vector<1x16xf32>,
        %get3A_82 = vector.shape_cast %get3A_81 : vector<1x16xf32> to vector<16xf32>
        %get3A_83 = arith.index_cast %scan3A_63 : i32 to index
        %get3A_84 = arith.constant 16 : index
        %get3A_85 = tpu.vector_load %arg11[%get3A_83, %get3A_84] {strides = array<i32>} : memref<80x128xf32, #tpu.memory_space<vmem>>, vector<1x16xf32>,
        %get3A_86 = vector.shape_cast %get3A_85 : vector<1x16xf32> to vector<16xf32>
        %add3A_87 = arith.addf %get3A_82, %get3A_86 : vector<16xf32>
        %max3A_88 = arith.constant 0.000000e+00 : f32
        %max3A_89 = vector.broadcast %max3A_88 : f32 to vector<16xf32>
        %max3A_90 = arith.maximumf %add3A_87, %max3A_89 : vector<16xf32>
        %swap3A_91 = arith.index_cast %scan3A_63 : i32 to index
        %swap3A_92 = arith.constant 16 : index
        %swap3A_93 = tpu.vector_load %arg12[%swap3A_91, %swap3A_92] {strides = array<i32>} : memref<80x128xf32, #tpu.memory_space<vmem>>, vector<1x16xf32>,
        %swap3A_94 = vector.shape_cast %swap3A_93 : vector<1x16xf32> to vector<16xf32>
        %swap3A_95 = vector.shape_cast %max3A_90 : vector<16xf32> to vector<1x16xf32>
        tpu.vector_store %arg12[%swap3A_91, %swap3A_92], %swap3A_95 {strides = array<i32>} : memref<80x128xf32, #tpu.memory_space<vmem>>, vector<1x16xf32>,
        %get3A_96 = arith.index_cast %scan3A_63 : i32 to index
        %get3A_97 = arith.constant 32 : index
        %get3A_98 = tpu.vector_load %arg10[%get3A_96, %get3A_97] {strides = array<i32>} : memref<80x128xf32, #tpu.memory_space<vmem>>, vector<1x16xf32>,
        %get3A_99 = vector.shape_cast %get3A_98 : vector<1x16xf32> to vector<16xf32>
        %get3A_100 = arith.index_cast %scan3A_63 : i32 to index
        %get3A_101 = arith.constant 32 : index
        %get3A_102 = tpu.vector_load %arg11[%get3A_100, %get3A_101] {strides = array<i32>} : memref<80x128xf32, #tpu.memory_space<vmem>>, vector<1x16xf32>,
        %get3A_103 = vector.shape_cast %get3A_102 : vector<1x16xf32> to vector<16xf32>
        %add3A_104 = arith.addf %get3A_99, %get3A_103 : vector<16xf32>
        %max3A_105 = arith.constant 0.000000e+00 : f32
        %max3A_106 = vector.broadcast %max3A_105 : f32 to vector<16xf32>
        %max3A_107 = arith.maximumf %add3A_104, %max3A_106 : vector<16xf32>
        %swap3A_108 = arith.index_cast %scan3A_63 : i32 to index
        %swap3A_109 = arith.constant 32 : index
        %swap3A_110 = tpu.vector_load %arg12[%swap3A_108, %swap3A_109] {strides = array<i32>} : memref<80x128xf32, #tpu.memory_space<vmem>>, vector<1x16xf32>,
        %swap3A_111 = vector.shape_cast %swap3A_110 : vector<1x16xf32> to vector<16xf32>
        %swap3A_112 = vector.shape_cast %max3A_107 : vector<16xf32> to vector<1x16xf32>
        tpu.vector_store %arg12[%swap3A_108, %swap3A_109], %swap3A_112 {strides = array<i32>} : memref<80x128xf32, #tpu.memory_space<vmem>>, vector<1x16xf32>,
        %get3A_113 = arith.index_cast %scan3A_63 : i32 to index
        %get3A_114 = arith.constant 48 : index
        %get3A_115 = tpu.vector_load %arg10[%get3A_113, %get3A_114] {strides = array<i32>} : memref<80x128xf32, #tpu.memory_space<vmem>>, vector<1x16xf32>,
        %get3A_116 = vector.shape_cast %get3A_115 : vector<1x16xf32> to vector<16xf32>
        %get3A_117 = arith.index_cast %scan3A_63 : i32 to index
        %get3A_118 = arith.constant 48 : index
        %get3A_119 = tpu.vector_load %arg11[%get3A_117, %get3A_118] {strides = array<i32>} : memref<80x128xf32, #tpu.memory_space<vmem>>, vector<1x16xf32>,
        %get3A_120 = vector.shape_cast %get3A_119 : vector<1x16xf32> to vector<16xf32>
        %add3A_121 = arith.addf %get3A_116, %get3A_120 : vector<16xf32>
        %max3A_122 = arith.constant 0.000000e+00 : f32
        %max3A_123 = vector.broadcast %max3A_122 : f32 to vector<16xf32>
        %max3A_124 = arith.maximumf %add3A_121, %max3A_123 : vector<16xf32>
        %swap3A_125 = arith.index_cast %scan3A_63 : i32 to index
        %swap3A_126 = arith.constant 48 : index
        %swap3A_127 = tpu.vector_load %arg12[%swap3A_125, %swap3A_126] {strides = array<i32>} : memref<80x128xf32, #tpu.memory_space<vmem>>, vector<1x16xf32>,
        %swap3A_128 = vector.shape_cast %swap3A_127 : vector<1x16xf32> to vector<16xf32>
        %swap3A_129 = vector.shape_cast %max3A_124 : vector<16xf32> to vector<1x16xf32>
        tpu.vector_store %arg12[%swap3A_125, %swap3A_126], %swap3A_129 {strides = array<i32>} : memref<80x128xf32, #tpu.memory_space<vmem>>, vector<1x16xf32>,
        %get3A_130 = arith.index_cast %scan3A_63 : i32 to index
        %get3A_131 = arith.constant 64 : index
        %get3A_132 = tpu.vector_load %arg10[%get3A_130, %get3A_131] {strides = array<i32>} : memref<80x128xf32, #tpu.memory_space<vmem>>, vector<1x16xf32>,
        %get3A_133 = vector.shape_cast %get3A_132 : vector<1x16xf32> to vector<16xf32>
        %get3A_134 = arith.index_cast %scan3A_63 : i32 to index
        %get3A_135 = arith.constant 64 : index
        %get3A_136 = tpu.vector_load %arg11[%get3A_134, %get3A_135] {strides = array<i32>} : memref<80x128xf32, #tpu.memory_space<vmem>>, vector<1x16xf32>,
        %get3A_137 = vector.shape_cast %get3A_136 : vector<1x16xf32> to vector<16xf32>
        %add3A_138 = arith.addf %get3A_133, %get3A_137 : vector<16xf32>
        %max3A_139 = arith.constant 0.000000e+00 : f32
        %max3A_140 = vector.broadcast %max3A_139 : f32 to vector<16xf32>
        %max3A_141 = arith.maximumf %add3A_138, %max3A_140 : vector<16xf32>
        %swap3A_142 = arith.index_cast %scan3A_63 : i32 to index
        %swap3A_143 = arith.constant 64 : index
        %swap3A_144 = tpu.vector_load %arg12[%swap3A_142, %swap3A_143] {strides = array<i32>} : memref<80x128xf32, #tpu.memory_space<vmem>>, vector<1x16xf32>,
        %swap3A_145 = vector.shape_cast %swap3A_144 : vector<1x16xf32> to vector<16xf32>
        %swap3A_146 = vector.shape_cast %max3A_141 : vector<16xf32> to vector<1x16xf32>
        tpu.vector_store %arg12[%swap3A_142, %swap3A_143], %swap3A_146 {strides = array<i32>} : memref<80x128xf32, #tpu.memory_space<vmem>>, vector<1x16xf32>,
        %get3A_147 = arith.index_cast %scan3A_63 : i32 to index
        %get3A_148 = arith.constant 80 : index
        %get3A_149 = tpu.vector_load %arg10[%get3A_147, %get3A_148] {strides = array<i32>} : memref<80x128xf32, #tpu.memory_space<vmem>>, vector<1x16xf32>,
        %get3A_150 = vector.shape_cast %get3A_149 : vector<1x16xf32> to vector<16xf32>
        %get3A_151 = arith.index_cast %scan3A_63 : i32 to index
        %get3A_152 = arith.constant 80 : index
        %get3A_153 = tpu.vector_load %arg11[%get3A_151, %get3A_152] {strides = array<i32>} : memref<80x128xf32, #tpu.memory_space<vmem>>, vector<1x16xf32>,
        %get3A_154 = vector.shape_cast %get3A_153 : vector<1x16xf32> to vector<16xf32>
        %add3A_155 = arith.addf %get3A_150, %get3A_154 : vector<16xf32>
        %max3A_156 = arith.constant 0.000000e+00 : f32
        %max3A_157 = vector.broadcast %max3A_156 : f32 to vector<16xf32>
        %max3A_158 = arith.maximumf %add3A_155, %max3A_157 : vector<16xf32>
        %swap3A_159 = arith.index_cast %scan3A_63 : i32 to index
        %swap3A_160 = arith.constant 80 : index
        %swap3A_161 = tpu.vector_load %arg12[%swap3A_159, %swap3A_160] {strides = array<i32>} : memref<80x128xf32, #tpu.memory_space<vmem>>, vector<1x16xf32>,
        %swap3A_162 = vector.shape_cast %swap3A_161 : vector<1x16xf32> to vector<16xf32>
        %swap3A_163 = vector.shape_cast %max3A_158 : vector<16xf32> to vector<1x16xf32>
        tpu.vector_store %arg12[%swap3A_159, %swap3A_160], %swap3A_163 {strides = array<i32>} : memref<80x128xf32, #tpu.memory_space<vmem>>, vector<1x16xf32>,
        %get3A_164 = arith.index_cast %scan3A_63 : i32 to index
        %get3A_165 = arith.constant 96 : index
        %get3A_166 = tpu.vector_load %arg10[%get3A_164, %get3A_165] {strides = array<i32>} : memref<80x128xf32, #tpu.memory_space<vmem>>, vector<1x16xf32>,
        %get3A_167 = vector.shape_cast %get3A_166 : vector<1x16xf32> to vector<16xf32>
        %get3A_168 = arith.index_cast %scan3A_63 : i32 to index
        %get3A_169 = arith.constant 96 : index
        %get3A_170 = tpu.vector_load %arg11[%get3A_168, %get3A_169] {strides = array<i32>} : memref<80x128xf32, #tpu.memory_space<vmem>>, vector<1x16xf32>,
        %get3A_171 = vector.shape_cast %get3A_170 : vector<1x16xf32> to vector<16xf32>
        %add3A_172 = arith.addf %get3A_167, %get3A_171 : vector<16xf32>
        %max3A_173 = arith.constant 0.000000e+00 : f32
        %max3A_174 = vector.broadcast %max3A_173 : f32 to vector<16xf32>
        %max3A_175 = arith.maximumf %add3A_172, %max3A_174 : vector<16xf32>
        %swap3A_176 = arith.index_cast %scan3A_63 : i32 to index
        %swap3A_177 = arith.constant 96 : index
        %swap3A_178 = tpu.vector_load %arg12[%swap3A_176, %swap3A_177] {strides = array<i32>} : memref<80x128xf32, #tpu.memory_space<vmem>>, vector<1x16xf32>,
        %swap3A_179 = vector.shape_cast %swap3A_178 : vector<1x16xf32> to vector<16xf32>
        %swap3A_180 = vector.shape_cast %max3A_175 : vector<16xf32> to vector<1x16xf32>
        tpu.vector_store %arg12[%swap3A_176, %swap3A_177], %swap3A_180 {strides = array<i32>} : memref<80x128xf32, #tpu.memory_space<vmem>>, vector<1x16xf32>,
        %get3A_181 = arith.index_cast %scan3A_63 : i32 to index
        %get3A_182 = arith.constant 112 : index
        %get3A_183 = tpu.vector_load %arg10[%get3A_181, %get3A_182] {strides = array<i32>} : memref<80x128xf32, #tpu.memory_space<vmem>>, vector<1x16xf32>,
        %get3A_184 = vector.shape_cast %get3A_183 : vector<1x16xf32> to vector<16xf32>
        %get3A_185 = arith.index_cast %scan3A_63 : i32 to index
        %get3A_186 = arith.constant 112 : index
        %get3A_187 = tpu.vector_load %arg11[%get3A_185, %get3A_186] {strides = array<i32>} : memref<80x128xf32, #tpu.memory_space<vmem>>, vector<1x16xf32>,
        %get3A_188 = vector.shape_cast %get3A_187 : vector<1x16xf32> to vector<16xf32>
        %add3A_189 = arith.addf %get3A_184, %get3A_188 : vector<16xf32>
        %max3A_190 = arith.constant 0.000000e+00 : f32
        %max3A_191 = vector.broadcast %max3A_190 : f32 to vector<16xf32>
        %max3A_192 = arith.maximumf %add3A_189, %max3A_191 : vector<16xf32>
        %swap3A_193 = arith.index_cast %scan3A_63 : i32 to index
        %swap3A_194 = arith.constant 112 : index
        %swap3A_195 = tpu.vector_load %arg12[%swap3A_193, %swap3A_194] {strides = array<i32>} : memref<80x128xf32, #tpu.memory_space<vmem>>, vector<1x16xf32>,
        %swap3A_196 = vector.shape_cast %swap3A_195 : vector<1x16xf32> to vector<16xf32>
        %swap3A_197 = vector.shape_cast %max3A_192 : vector<16xf32> to vector<1x16xf32>
        tpu.vector_store %arg12[%swap3A_193, %swap3A_194], %swap3A_197 {strides = array<i32>} : memref<80x128xf32, #tpu.memory_space<vmem>>, vector<1x16xf32>,
        %scan3A_198 = arith.constant 0 : i32
        scf.yield %scan3A_198 : i32
      }
      %scan3A_61 = arith.constant 80 : i32
      "tpu.region"() ({
        %run_scoped3A = tpu.sem_alloc : memref<!tpu.dma_semaphore, #tpu.memory_space<semaphore_mem>>
        %dma_start3A_63 = arith.constant 0 : i32
        %dma_start3A_64 = arith.constant 0 : i32
        %dma_start3A_65 = tpu.memref_slice %arg7[%dma_start3A_63, %dma_start3A_64] : memref<10000x128xf32, #tpu.memory_space<vmem_shared>> -> memref<10000x128xf32, #tpu.memory_space<vmem_shared>>
        tpu.enqueue_indirect_dma source(%arg12 : memref<80x128xf32, #tpu.memory_space<vmem>>) target(%dma_start3A_65 : memref<10000x128xf32, #tpu.memory_space<vmem_shared>>) offsets(%arg9 : memref<80xi32, #tpu.memory_space<vmem>>) semaphore(%run_scoped3A : memref<!tpu.dma_semaphore, #tpu.memory_space<semaphore_mem>>) {add = true}
        %dma_wait3A_66 = arith.constant 0 : i32
        %dma_wait3A_67 = arith.constant 0 : i32
        %dma_wait3A_68 = tpu.memref_slice %arg7[%dma_wait3A_66, %dma_wait3A_67] : memref<10000x128xf32, #tpu.memory_space<vmem_shared>> -> memref<10000x128xf32, #tpu.memory_space<vmem_shared>>
        tpu.wait_indirect_dma semaphore(%run_scoped3A : memref<!tpu.dma_semaphore, #tpu.memory_space<semaphore_mem>>) src(%arg12 : memref<80x128xf32, #tpu.memory_space<vmem>>) dst(%dma_wait3A_68 : memref<10000x128xf32, #tpu.memory_space<vmem_shared>>)
        tpu.yield
      }) : () -> ()
      %scan3A_62 = arith.constant 0 : i32
      scf.yield %scan3A_62 : i32
    }
    %scan3A_33 = arith.constant 125 : i32
    %barrier3A_34 = arith.constant 0 : index
    tpu.barrier barrier_id(%barrier3A_34)
    %mul3A_35 = arith.constant 624 : i32
    %mul3A_36 = arith.muli %arg1, %mul3A_35 : i32
    %mul3A_37 = arith.constant 624 : i32
    %mul3A_38 = arith.muli %arg1, %mul3A_37 : i32
    "tpu.region"() ({
      %run_scoped3A = tpu.sem_alloc : memref<!tpu.dma_semaphore, #tpu.memory_space<semaphore_mem>>
      %dma_start3A = arith.constant 0 : i32
      %dma_start3A_44 = tpu.memref_slice %arg6[%arg0, %mul3A_38, %dma_start3A] : memref<2x10000x128xf32, #tpu.memory_space<hbm>> -> memref<1x624x128xf32, #tpu.memory_space<hbm>>
      %dma_start3A_45 = tpu.memref_squeeze %dma_start3A_44 : memref<1x624x128xf32, #tpu.memory_space<hbm>> -> memref<624x128xf32, #tpu.memory_space<hbm>>
      %dma_start3A_46 = arith.constant 0 : i32
      %dma_start3A_47 = tpu.memref_slice %arg7[%mul3A_36, %dma_start3A_46] : memref<10000x128xf32, #tpu.memory_space<vmem_shared>> -> memref<624x128xf32, #tpu.memory_space<vmem_shared>>
      tpu.enqueue_dma source(%dma_start3A_47 : memref<624x128xf32, #tpu.memory_space<vmem_shared>>) target(%dma_start3A_45 : memref<624x128xf32, #tpu.memory_space<hbm>>) target_semaphore(%run_scoped3A : memref<!tpu.dma_semaphore, #tpu.memory_space<semaphore_mem>>)
      %dma_wait3A = arith.constant 0 : i32
      %dma_wait3A_48 = tpu.memref_slice %arg6[%arg0, %mul3A_38, %dma_wait3A] : memref<2x10000x128xf32, #tpu.memory_space<hbm>> -> memref<1x624x128xf32, #tpu.memory_space<hbm>>
      %dma_wait3A_49 = tpu.memref_squeeze %dma_wait3A_48 : memref<1x624x128xf32, #tpu.memory_space<hbm>> -> memref<624x128xf32, #tpu.memory_space<hbm>>
      %dma_wait3A_50 = arith.constant 0 : i32
      %dma_wait3A_51 = tpu.memref_slice %arg7[%mul3A_36, %dma_wait3A_50] : memref<10000x128xf32, #tpu.memory_space<vmem_shared>> -> memref<624x128xf32, #tpu.memory_space<vmem_shared>>
      tpu.wait_dma2 semaphore(%run_scoped3A : memref<!tpu.dma_semaphore, #tpu.memory_space<semaphore_mem>>) src(%dma_wait3A_51 : memref<624x128xf32, #tpu.memory_space<vmem_shared>>) dst(%dma_wait3A_49 : memref<624x128xf32, #tpu.memory_space<hbm>>)
      tpu.yield
    }) : () -> ()
    %eq3A_39 = arith.constant 15 : i32
    %eq3A_40 = arith.cmpi eq, %arg1, %eq3A_39 : i32
    %convert_element_type3A_41 = arith.extui %eq3A_40 : i1 to i32
    %cond3A_42 = arith.constant 0 : i32
    %cond3A_43 = arith.cmpi ne, %convert_element_type3A_41, %cond3A_42 : i32
    scf.if %cond3A_43 {
      "tpu.region"() ({
        %run_scoped3A = tpu.sem_alloc : memref<!tpu.dma_semaphore, #tpu.memory_space<semaphore_mem>>
        %dma_start3A = arith.constant 9984 : i32
        %dma_start3A_44 = arith.constant 0 : i32
        %dma_start3A_45 = tpu.memref_slice %arg6[%arg0, %dma_start3A, %dma_start3A_44] : memref<2x10000x128xf32, #tpu.memory_space<hbm>> -> memref<1x16x128xf32, #tpu.memory_space<hbm>>
        %dma_start3A_46 = tpu.memref_squeeze %dma_start3A_45 : memref<1x16x128xf32, #tpu.memory_space<hbm>> -> memref<16x128xf32, #tpu.memory_space<hbm>>
        %dma_start3A_47 = arith.constant 9984 : i32
        %dma_start3A_48 = arith.constant 0 : i32
        %dma_start3A_49 = tpu.memref_slice %arg7[%dma_start3A_47, %dma_start3A_48] : memref<10000x128xf32, #tpu.memory_space<vmem_shared>> -> memref<16x128xf32, #tpu.memory_space<vmem_shared>>
        tpu.enqueue_dma source(%dma_start3A_49 : memref<16x128xf32, #tpu.memory_space<vmem_shared>>) target(%dma_start3A_46 : memref<16x128xf32, #tpu.memory_space<hbm>>) target_semaphore(%run_scoped3A : memref<!tpu.dma_semaphore, #tpu.memory_space<semaphore_mem>>)
        %dma_wait3A = arith.constant 9984 : i32
        %dma_wait3A_50 = arith.constant 0 : i32
        %dma_wait3A_51 = tpu.memref_slice %arg6[%arg0, %dma_wait3A, %dma_wait3A_50] : memref<2x10000x128xf32, #tpu.memory_space<hbm>> -> memref<1x16x128xf32, #tpu.memory_space<hbm>>
        %dma_wait3A_52 = tpu.memref_squeeze %dma_wait3A_51 : memref<1x16x128xf32, #tpu.memory_space<hbm>> -> memref<16x128xf32, #tpu.memory_space<hbm>>
        %dma_wait3A_53 = arith.constant 9984 : i32
        %dma_wait3A_54 = arith.constant 0 : i32
        %dma_wait3A_55 = tpu.memref_slice %arg7[%dma_wait3A_53, %dma_wait3A_54] : memref<10000x128xf32, #tpu.memory_space<vmem_shared>> -> memref<16x128xf32, #tpu.memory_space<vmem_shared>>
        tpu.wait_dma2 semaphore(%run_scoped3A : memref<!tpu.dma_semaphore, #tpu.memory_space<semaphore_mem>>) src(%dma_wait3A_55 : memref<16x128xf32, #tpu.memory_space<vmem_shared>>) dst(%dma_wait3A_52 : memref<16x128xf32, #tpu.memory_space<hbm>>)
        tpu.yield
      }) : () -> ()
    } else {
    }
    return
  }
}

module attributes {stable_mosaic.version = 14 : i64} {
  func.func @body(%arg0: i32, %arg1: i32, %arg2: memref<4000x16xf32, #tpu.memory_space<vmem>>, %arg3: memref<1x16x128xf32, #tpu.memory_space<vmem>>, %arg4: memref<1x4000x128xf32, #tpu.memory_space<vmem>>) attributes {dimension_semantics = [#tpu.dimension_semantics<arbitrary>, #tpu.dimension_semantics<arbitrary>], iteration_bounds = array<i64: 3, 80>, scalar_prefetch = 0 : i64, scratch_operands = 0 : i64, tpu.core_type = #tpu.core_type<tc>, window_params = [{transform_indices = @transform_0, window_bounds = array<i64: 4000, 16>}, {transform_indices = @transform_1, window_bounds = array<i64: 1, 16, 128>}, {transform_indices = @transform_2, window_bounds = array<i64: 1, 4000, 128>}]} {
    %get3A = arith.constant 0 : index
    %get3A_0 = arith.constant 0 : index
    %get3A_1 = vector.load %arg2[%get3A, %get3A_0] : memref<4000x16xf32, #tpu.memory_space<vmem>>, vector<4000x16xf32>
    %get3A_2 = arith.constant 0 : index
    %get3A_3 = arith.constant 0 : index
    %get3A_4 = arith.constant 0 : index
    %get3A_5 = vector.load %arg3[%get3A_2, %get3A_3, %get3A_4] : memref<1x16x128xf32, #tpu.memory_space<vmem>>, vector<1x16x128xf32>
    %get3A_6 = vector.shape_cast %get3A_5 : vector<1x16x128xf32> to vector<16x128xf32>
    %dot_general3A = arith.constant dense<0.000000e+00> : vector<4000x128xf32>
    %dot_general3A_7 = tpu.matmul %get3A_1, %get3A_6, %dot_general3A {dimension_numbers = #tpu.dot_dimension_numbers<[1], [0], [0], [1], [0, 0, 1, 1], [], []>, transpose_lhs_hint = false} : vector<4000x16xf32>, vector<16x128xf32>, vector<4000x128xf32> -> vector<4000x128xf32>
    %swap3A = arith.constant 0 : index
    %swap3A_8 = arith.constant 0 : index
    %swap3A_9 = arith.constant 0 : index
    %swap3A_10 = vector.load %arg4[%swap3A, %swap3A_8, %swap3A_9] : memref<1x4000x128xf32, #tpu.memory_space<vmem>>, vector<1x4000x128xf32>
    %swap3A_11 = vector.shape_cast %swap3A_10 : vector<1x4000x128xf32> to vector<4000x128xf32>
    %swap3A_12 = vector.shape_cast %dot_general3A_7 : vector<4000x128xf32> to vector<1x4000x128xf32>
    tpu.vector_store %arg4[%swap3A, %swap3A_8, %swap3A_9], %swap3A_12 {strides = array<i32>} : memref<1x4000x128xf32, #tpu.memory_space<vmem>>, vector<1x4000x128xf32>,
    return
  }
  func.func @transform_0(%arg0: i32, %arg1: i32) -> (i32, i32) {
    %c0_i32 = arith.constant 0 : i32
    %c0_i32_0 = arith.constant 0 : i32
    return %arg1, %c0_i32 : i32, i32
  }
  func.func @transform_1(%arg0: i32, %arg1: i32) -> (i32, i32, i32) {
    %c0_i32 = arith.constant 0 : i32
    %c0_i32_0 = arith.constant 0 : i32
    %c0_i32_1 = arith.constant 0 : i32
    return %arg0, %c0_i32, %c0_i32_0 : i32, i32, i32
  }
  func.func @transform_2(%arg0: i32, %arg1: i32) -> (i32, i32, i32) {
    %c0_i32 = arith.constant 0 : i32
    %c0_i32_0 = arith.constant 0 : i32
    return %arg0, %arg1, %c0_i32 : i32, i32, i32
  }
}

module attributes {stable_mosaic.version = 14 : i64} {
  func.func @body(%arg0: i32, %arg1: memref<1000x128xf32, #tpu.memory_space<vmem>>, %arg2: memref<1000x128xf32, #tpu.memory_space<vmem>>, %arg3: memref<1000x128xf32, #tpu.memory_space<vmem>>, %arg4: memref<128x256xf32, #tpu.memory_space<vmem>>, %arg5: memref<1x256xf32, #tpu.memory_space<vmem>>, %arg6: memref<256x128xf32, #tpu.memory_space<vmem>>, %arg7: memref<1x128xf32, #tpu.memory_space<vmem>>, %arg8: memref<1000x128xf32, #tpu.memory_space<vmem>>) attributes {dimension_semantics = [#tpu.dimension_semantics<arbitrary>], iteration_bounds = array<i64: 10>, scalar_prefetch = 0 : i64, scratch_operands = 0 : i64, tpu.core_type = #tpu.core_type<tc>, window_params = [{transform_indices = @transform_0, window_bounds = array<i64: 1000, 128>}, {transform_indices = @transform_1, window_bounds = array<i64: 1000, 128>}, {transform_indices = @transform_2, window_bounds = array<i64: 1000, 128>}, {pipeline_mode = #tpu.pipeline_mode<synchronous>, transform_indices = @transform_3, window_bounds = array<i64: 128, 256>}, {pipeline_mode = #tpu.pipeline_mode<synchronous>, transform_indices = @transform_4, window_bounds = array<i64: 1, 256>}, {pipeline_mode = #tpu.pipeline_mode<synchronous>, transform_indices = @transform_5, window_bounds = array<i64: 256, 128>}, {pipeline_mode = #tpu.pipeline_mode<synchronous>, transform_indices = @transform_6, window_bounds = array<i64: 1, 128>}, {transform_indices = @transform_7, window_bounds = array<i64: 1000, 128>}]} {
    %get3A = arith.constant 0 : index
    %get3A_0 = arith.constant 0 : index
    %get3A_1 = vector.load %arg1[%get3A, %get3A_0] : memref<1000x128xf32, #tpu.memory_space<vmem>>, vector<1000x128xf32>
    %get3A_2 = arith.constant 0 : index
    %get3A_3 = arith.constant 0 : index
    %get3A_4 = vector.load %arg2[%get3A_2, %get3A_3] : memref<1000x128xf32, #tpu.memory_space<vmem>>, vector<1000x128xf32>
    %add3A = arith.addf %get3A_1, %get3A_4 : vector<1000x128xf32>
    %get3A_5 = arith.constant 0 : index
    %get3A_6 = arith.constant 0 : index
    %get3A_7 = vector.load %arg3[%get3A_5, %get3A_6] : memref<1000x128xf32, #tpu.memory_space<vmem>>, vector<1000x128xf32>
    %add3A_8 = arith.addf %add3A, %get3A_7 : vector<1000x128xf32>
    %get3A_9 = arith.constant 0 : index
    %get3A_10 = arith.constant 0 : index
    %get3A_11 = vector.load %arg4[%get3A_9, %get3A_10] : memref<128x256xf32, #tpu.memory_space<vmem>>, vector<128x256xf32>
    %dot_general3A = arith.constant dense<0.000000e+00> : vector<1000x256xf32>
    %dot_general3A_12 = tpu.matmul %add3A_8, %get3A_11, %dot_general3A {dimension_numbers = #tpu.dot_dimension_numbers<[1], [0], [0], [1], [0, 0, 1, 1], [], []>, transpose_lhs_hint = false} : vector<1000x128xf32>, vector<128x256xf32>, vector<1000x256xf32> -> vector<1000x256xf32>
    %get3A_13 = arith.constant 0 : index
    %get3A_14 = arith.constant 0 : index
    %get3A_15 = vector.load %arg5[%get3A_13, %get3A_14] : memref<1x256xf32, #tpu.memory_space<vmem>>, vector<1x256xf32>
    %add3A_16 = vector.broadcast %get3A_15 : vector<1x256xf32> to vector<1000x256xf32>
    %add3A_17 = arith.addf %dot_general3A_12, %add3A_16 : vector<1000x256xf32>
    %max3A = arith.constant 0.000000e+00 : f32
    %max3A_18 = vector.broadcast %max3A : f32 to vector<1000x256xf32>
    %max3A_19 = arith.maximumf %add3A_17, %max3A_18 : vector<1000x256xf32>
    %get3A_20 = arith.constant 0 : index
    %get3A_21 = arith.constant 0 : index
    %get3A_22 = vector.load %arg6[%get3A_20, %get3A_21] : memref<256x128xf32, #tpu.memory_space<vmem>>, vector<256x128xf32>
    %dot_general3A_23 = arith.constant dense<0.000000e+00> : vector<1000x128xf32>
    %dot_general3A_24 = tpu.matmul %max3A_19, %get3A_22, %dot_general3A_23 {dimension_numbers = #tpu.dot_dimension_numbers<[1], [0], [0], [1], [0, 0, 1, 1], [], []>, transpose_lhs_hint = false} : vector<1000x256xf32>, vector<256x128xf32>, vector<1000x128xf32> -> vector<1000x128xf32>
    %get3A_25 = arith.constant 0 : index
    %get3A_26 = arith.constant 0 : index
    %get3A_27 = vector.load %arg7[%get3A_25, %get3A_26] : memref<1x128xf32, #tpu.memory_space<vmem>>, vector<1x128xf32>
    %add3A_28 = vector.broadcast %get3A_27 : vector<1x128xf32> to vector<1000x128xf32>
    %add3A_29 = arith.addf %dot_general3A_24, %add3A_28 : vector<1000x128xf32>
    %max3A_30 = arith.constant 0.000000e+00 : f32
    %max3A_31 = vector.broadcast %max3A_30 : f32 to vector<1000x128xf32>
    %max3A_32 = arith.maximumf %add3A_29, %max3A_31 : vector<1000x128xf32>
    %swap3A = arith.constant 0 : index
    %swap3A_33 = arith.constant 0 : index
    %swap3A_34 = vector.load %arg8[%swap3A, %swap3A_33] : memref<1000x128xf32, #tpu.memory_space<vmem>>, vector<1000x128xf32>
    tpu.vector_store %arg8[%swap3A, %swap3A_33], %max3A_32 {strides = array<i32>} : memref<1000x128xf32, #tpu.memory_space<vmem>>, vector<1000x128xf32>,
    return
  }
  func.func @transform_0(%arg0: i32) -> (i32, i32) {
    %c0_i32 = arith.constant 0 : i32
    %c0_i32_0 = arith.constant 0 : i32
    return %arg0, %c0_i32 : i32, i32
  }
  func.func @transform_1(%arg0: i32) -> (i32, i32) {
    %c0_i32 = arith.constant 0 : i32
    %c0_i32_0 = arith.constant 0 : i32
    return %arg0, %c0_i32 : i32, i32
  }
  func.func @transform_2(%arg0: i32) -> (i32, i32) {
    %c0_i32 = arith.constant 0 : i32
    %c0_i32_0 = arith.constant 0 : i32
    return %arg0, %c0_i32 : i32, i32
  }
  func.func @transform_3(%arg0: i32) -> (i32, i32) {
    %c0_i32 = arith.constant 0 : i32
    %c0_i32_0 = arith.constant 0 : i32
    %c0_i32_1 = arith.constant 0 : i32
    return %c0_i32, %c0_i32_0 : i32, i32
  }
  func.func @transform_4(%arg0: i32) -> (i32, i32) {
    %c0_i32 = arith.constant 0 : i32
    %c0_i32_0 = arith.constant 0 : i32
    %c0_i32_1 = arith.constant 0 : i32
    return %c0_i32, %c0_i32_0 : i32, i32
  }
  func.func @transform_5(%arg0: i32) -> (i32, i32) {
    %c0_i32 = arith.constant 0 : i32
    %c0_i32_0 = arith.constant 0 : i32
    %c0_i32_1 = arith.constant 0 : i32
    return %c0_i32, %c0_i32_0 : i32, i32
  }
  func.func @transform_6(%arg0: i32) -> (i32, i32) {
    %c0_i32 = arith.constant 0 : i32
    %c0_i32_0 = arith.constant 0 : i32
    %c0_i32_1 = arith.constant 0 : i32
    return %c0_i32, %c0_i32_0 : i32, i32
  }
  func.func @transform_7(%arg0: i32) -> (i32, i32) {
    %c0_i32 = arith.constant 0 : i32
    %c0_i32_0 = arith.constant 0 : i32
    return %arg0, %c0_i32 : i32, i32
  }
}

module attributes {stable_mosaic.version = 14 : i64} {
  func.func @body(%arg0: i32, %arg1: memref<1024x128xf32, #tpu.memory_space<vmem>>, %arg2: memref<1024x128xf32, #tpu.memory_space<vmem>>, %arg3: memref<1024x128xf32, #tpu.memory_space<vmem>>, %arg4: memref<128x256xf32, #tpu.memory_space<vmem>>, %arg5: memref<1x256xf32, #tpu.memory_space<vmem>>, %arg6: memref<256x128xf32, #tpu.memory_space<vmem>>, %arg7: memref<1x128xf32, #tpu.memory_space<vmem>>, %arg8: memref<1024x128xf32, #tpu.memory_space<vmem>>) attributes {dimension_semantics = [#tpu.dimension_semantics<arbitrary>], iteration_bounds = array<i64: 4>, scalar_prefetch = 0 : i64, scratch_operands = 0 : i64, tpu.core_type = #tpu.core_type<tc>, window_params = [{transform_indices = @transform_0, window_bounds = array<i64: 1024, 128>}, {transform_indices = @transform_1, window_bounds = array<i64: 1024, 128>}, {transform_indices = @transform_2, window_bounds = array<i64: 1024, 128>}, {pipeline_mode = #tpu.pipeline_mode<synchronous>, transform_indices = @transform_3, window_bounds = array<i64: 128, 256>}, {pipeline_mode = #tpu.pipeline_mode<synchronous>, transform_indices = @transform_4, window_bounds = array<i64: 1, 256>}, {pipeline_mode = #tpu.pipeline_mode<synchronous>, transform_indices = @transform_5, window_bounds = array<i64: 256, 128>}, {pipeline_mode = #tpu.pipeline_mode<synchronous>, transform_indices = @transform_6, window_bounds = array<i64: 1, 128>}, {transform_indices = @transform_7, window_bounds = array<i64: 1024, 128>}]} {
    %get3A = arith.constant 0 : index
    %get3A_0 = arith.constant 0 : index
    %get3A_1 = vector.load %arg1[%get3A, %get3A_0] : memref<1024x128xf32, #tpu.memory_space<vmem>>, vector<1024x128xf32>
    %get3A_2 = arith.constant 0 : index
    %get3A_3 = arith.constant 0 : index
    %get3A_4 = vector.load %arg2[%get3A_2, %get3A_3] : memref<1024x128xf32, #tpu.memory_space<vmem>>, vector<1024x128xf32>
    %add3A = arith.addf %get3A_1, %get3A_4 : vector<1024x128xf32>
    %get3A_5 = arith.constant 0 : index
    %get3A_6 = arith.constant 0 : index
    %get3A_7 = vector.load %arg3[%get3A_5, %get3A_6] : memref<1024x128xf32, #tpu.memory_space<vmem>>, vector<1024x128xf32>
    %add3A_8 = arith.addf %add3A, %get3A_7 : vector<1024x128xf32>
    %get3A_9 = arith.constant 0 : index
    %get3A_10 = arith.constant 0 : index
    %get3A_11 = vector.load %arg4[%get3A_9, %get3A_10] : memref<128x256xf32, #tpu.memory_space<vmem>>, vector<128x256xf32>
    %dot_general3A = arith.constant dense<0.000000e+00> : vector<1024x256xf32>
    %dot_general3A_12 = tpu.matmul %add3A_8, %get3A_11, %dot_general3A {dimension_numbers = #tpu.dot_dimension_numbers<[1], [0], [0], [1], [0, 0, 1, 1], [], []>, transpose_lhs_hint = false} : vector<1024x128xf32>, vector<128x256xf32>, vector<1024x256xf32> -> vector<1024x256xf32>
    %get3A_13 = arith.constant 0 : index
    %get3A_14 = arith.constant 0 : index
    %get3A_15 = vector.load %arg5[%get3A_13, %get3A_14] : memref<1x256xf32, #tpu.memory_space<vmem>>, vector<1x256xf32>
    %add3A_16 = vector.broadcast %get3A_15 : vector<1x256xf32> to vector<1024x256xf32>
    %add3A_17 = arith.addf %dot_general3A_12, %add3A_16 : vector<1024x256xf32>
    %max3A = arith.constant 0.000000e+00 : f32
    %max3A_18 = vector.broadcast %max3A : f32 to vector<1024x256xf32>
    %max3A_19 = arith.maximumf %add3A_17, %max3A_18 : vector<1024x256xf32>
    %get3A_20 = arith.constant 0 : index
    %get3A_21 = arith.constant 0 : index
    %get3A_22 = vector.load %arg6[%get3A_20, %get3A_21] : memref<256x128xf32, #tpu.memory_space<vmem>>, vector<256x128xf32>
    %dot_general3A_23 = arith.constant dense<0.000000e+00> : vector<1024x128xf32>
    %dot_general3A_24 = tpu.matmul %max3A_19, %get3A_22, %dot_general3A_23 {dimension_numbers = #tpu.dot_dimension_numbers<[1], [0], [0], [1], [0, 0, 1, 1], [], []>, transpose_lhs_hint = false} : vector<1024x256xf32>, vector<256x128xf32>, vector<1024x128xf32> -> vector<1024x128xf32>
    %get3A_25 = arith.constant 0 : index
    %get3A_26 = arith.constant 0 : index
    %get3A_27 = vector.load %arg7[%get3A_25, %get3A_26] : memref<1x128xf32, #tpu.memory_space<vmem>>, vector<1x128xf32>
    %add3A_28 = vector.broadcast %get3A_27 : vector<1x128xf32> to vector<1024x128xf32>
    %add3A_29 = arith.addf %dot_general3A_24, %add3A_28 : vector<1024x128xf32>
    %max3A_30 = arith.constant 0.000000e+00 : f32
    %max3A_31 = vector.broadcast %max3A_30 : f32 to vector<1024x128xf32>
    %max3A_32 = arith.maximumf %add3A_29, %max3A_31 : vector<1024x128xf32>
    %swap3A = arith.constant 0 : index
    %swap3A_33 = arith.constant 0 : index
    %swap3A_34 = vector.load %arg8[%swap3A, %swap3A_33] : memref<1024x128xf32, #tpu.memory_space<vmem>>, vector<1024x128xf32>
    tpu.vector_store %arg8[%swap3A, %swap3A_33], %max3A_32 {strides = array<i32>} : memref<1024x128xf32, #tpu.memory_space<vmem>>, vector<1024x128xf32>,
    return
  }
  func.func @transform_0(%arg0: i32) -> (i32, i32) {
    %c0_i32 = arith.constant 0 : i32
    %c0_i32_0 = arith.constant 0 : i32
    return %arg0, %c0_i32 : i32, i32
  }
  func.func @transform_1(%arg0: i32) -> (i32, i32) {
    %c0_i32 = arith.constant 0 : i32
    %c0_i32_0 = arith.constant 0 : i32
    return %arg0, %c0_i32 : i32, i32
  }
  func.func @transform_2(%arg0: i32) -> (i32, i32) {
    %c0_i32 = arith.constant 0 : i32
    %c0_i32_0 = arith.constant 0 : i32
    return %arg0, %c0_i32 : i32, i32
  }
  func.func @transform_3(%arg0: i32) -> (i32, i32) {
    %c0_i32 = arith.constant 0 : i32
    %c0_i32_0 = arith.constant 0 : i32
    %c0_i32_1 = arith.constant 0 : i32
    return %c0_i32, %c0_i32_0 : i32, i32
  }
  func.func @transform_4(%arg0: i32) -> (i32, i32) {
    %c0_i32 = arith.constant 0 : i32
    %c0_i32_0 = arith.constant 0 : i32
    %c0_i32_1 = arith.constant 0 : i32
    return %c0_i32, %c0_i32_0 : i32, i32
  }
  func.func @transform_5(%arg0: i32) -> (i32, i32) {
    %c0_i32 = arith.constant 0 : i32
    %c0_i32_0 = arith.constant 0 : i32
    %c0_i32_1 = arith.constant 0 : i32
    return %c0_i32, %c0_i32_0 : i32, i32
  }
  func.func @transform_6(%arg0: i32) -> (i32, i32) {
    %c0_i32 = arith.constant 0 : i32
    %c0_i32_0 = arith.constant 0 : i32
    %c0_i32_1 = arith.constant 0 : i32
    return %c0_i32, %c0_i32_0 : i32, i32
  }
  func.func @transform_7(%arg0: i32) -> (i32, i32) {
    %c0_i32 = arith.constant 0 : i32
    %c0_i32_0 = arith.constant 0 : i32
    return %arg0, %c0_i32 : i32, i32
  }
}

module attributes {stable_mosaic.version = 14 : i64} {
  func.func @body(%arg0: i32, %arg1: memref<1024x128xf32, #tpu.memory_space<vmem>>, %arg2: memref<1024x128xf32, #tpu.memory_space<vmem>>, %arg3: memref<1024x128xf32, #tpu.memory_space<vmem>>, %arg4: memref<128x256xf32, #tpu.memory_space<vmem>>, %arg5: memref<1x256xf32, #tpu.memory_space<vmem>>, %arg6: memref<256x128xf32, #tpu.memory_space<vmem>>, %arg7: memref<1x128xf32, #tpu.memory_space<vmem>>, %arg8: memref<1x1x1024xi32, #tpu.memory_space<vmem>>, %arg9: memref<512x256xf32, #tpu.memory_space<vmem>>) attributes {dimension_semantics = [#tpu.dimension_semantics<arbitrary>], iteration_bounds = array<i64: 4>, scalar_prefetch = 0 : i64, scratch_operands = 0 : i64, tpu.core_type = #tpu.core_type<tc>, window_params = [{transform_indices = @transform_0, window_bounds = array<i64: 1024, 128>}, {transform_indices = @transform_1, window_bounds = array<i64: 1024, 128>}, {transform_indices = @transform_2, window_bounds = array<i64: 1024, 128>}, {pipeline_mode = #tpu.pipeline_mode<synchronous>, transform_indices = @transform_3, window_bounds = array<i64: 128, 256>}, {pipeline_mode = #tpu.pipeline_mode<synchronous>, transform_indices = @transform_4, window_bounds = array<i64: 1, 256>}, {pipeline_mode = #tpu.pipeline_mode<synchronous>, transform_indices = @transform_5, window_bounds = array<i64: 256, 128>}, {pipeline_mode = #tpu.pipeline_mode<synchronous>, transform_indices = @transform_6, window_bounds = array<i64: 1, 128>}, {transform_indices = @transform_7, window_bounds = array<i64: 1, 1, 1024>}, {pipeline_mode = #tpu.pipeline_mode<synchronous>, transform_indices = @transform_8, window_bounds = array<i64: 512, 256>}]} {
    %get3A = arith.constant 0 : index
    %get3A_0 = arith.constant 0 : index
    %get3A_1 = vector.load %arg1[%get3A, %get3A_0] : memref<1024x128xf32, #tpu.memory_space<vmem>>, vector<1024x128xf32>
    %get3A_2 = arith.constant 0 : index
    %get3A_3 = arith.constant 0 : index
    %get3A_4 = vector.load %arg2[%get3A_2, %get3A_3] : memref<1024x128xf32, #tpu.memory_space<vmem>>, vector<1024x128xf32>
    %add3A = arith.addf %get3A_1, %get3A_4 : vector<1024x128xf32>
    %get3A_5 = arith.constant 0 : index
    %get3A_6 = arith.constant 0 : index
    %get3A_7 = vector.load %arg3[%get3A_5, %get3A_6] : memref<1024x128xf32, #tpu.memory_space<vmem>>, vector<1024x128xf32>
    %add3A_8 = arith.addf %add3A, %get3A_7 : vector<1024x128xf32>
    %get3A_9 = arith.constant 0 : index
    %get3A_10 = arith.constant 0 : index
    %get3A_11 = vector.load %arg4[%get3A_9, %get3A_10] : memref<128x256xf32, #tpu.memory_space<vmem>>, vector<128x256xf32>
    %dot_general3A = arith.constant dense<0.000000e+00> : vector<1024x256xf32>
    %dot_general3A_12 = tpu.matmul %add3A_8, %get3A_11, %dot_general3A {dimension_numbers = #tpu.dot_dimension_numbers<[1], [0], [0], [1], [0, 0, 1, 1], [], []>, transpose_lhs_hint = false} : vector<1024x128xf32>, vector<128x256xf32>, vector<1024x256xf32> -> vector<1024x256xf32>
    %get3A_13 = arith.constant 0 : index
    %get3A_14 = arith.constant 0 : index
    %get3A_15 = vector.load %arg5[%get3A_13, %get3A_14] : memref<1x256xf32, #tpu.memory_space<vmem>>, vector<1x256xf32>
    %add3A_16 = vector.broadcast %get3A_15 : vector<1x256xf32> to vector<1024x256xf32>
    %add3A_17 = arith.addf %dot_general3A_12, %add3A_16 : vector<1024x256xf32>
    %max3A = arith.constant 0.000000e+00 : f32
    %max3A_18 = vector.broadcast %max3A : f32 to vector<1024x256xf32>
    %max3A_19 = arith.maximumf %add3A_17, %max3A_18 : vector<1024x256xf32>
    %get3A_20 = arith.constant 0 : index
    %get3A_21 = arith.constant 0 : index
    %get3A_22 = vector.load %arg6[%get3A_20, %get3A_21] : memref<256x128xf32, #tpu.memory_space<vmem>>, vector<256x128xf32>
    %dot_general3A_23 = arith.constant dense<0.000000e+00> : vector<1024x128xf32>
    %dot_general3A_24 = tpu.matmul %max3A_19, %get3A_22, %dot_general3A_23 {dimension_numbers = #tpu.dot_dimension_numbers<[1], [0], [0], [1], [0, 0, 1, 1], [], []>, transpose_lhs_hint = false} : vector<1024x256xf32>, vector<256x128xf32>, vector<1024x128xf32> -> vector<1024x128xf32>
    %get3A_25 = arith.constant 0 : index
    %get3A_26 = arith.constant 0 : index
    %get3A_27 = vector.load %arg7[%get3A_25, %get3A_26] : memref<1x128xf32, #tpu.memory_space<vmem>>, vector<1x128xf32>
    %add3A_28 = vector.broadcast %get3A_27 : vector<1x128xf32> to vector<1024x128xf32>
    %add3A_29 = arith.addf %dot_general3A_24, %add3A_28 : vector<1024x128xf32>
    %get3A_30 = arith.constant 0 : index
    %get3A_31 = arith.constant 0 : index
    %get3A_32 = arith.constant 0 : index
    %get3A_33 = vector.load %arg8[%get3A_30, %get3A_31, %get3A_32] : memref<1x1x1024xi32, #tpu.memory_space<vmem>>, vector<1x1x1024xi32>
    %get3A_34 = vector.shape_cast %get3A_33 : vector<1x1x1024xi32> to vector<1024xi32>
    %iota3A = tpu.iota {dimensions = array<i32: 0>} : vector<512x1024xi32>
    %broadcast_in_dim3A = vector.shape_cast %get3A_34 : vector<1024xi32> to vector<1x1024xi32>
    %eq3A = vector.broadcast %broadcast_in_dim3A : vector<1x1024xi32> to vector<512x1024xi32>
    %eq3A_35 = arith.cmpi eq, %iota3A, %eq3A : vector<512x1024xi32>
    %convert_element_type3A = arith.extui %eq3A_35 : vector<512x1024xi1> to vector<512x1024xi32>
    %convert_element_type3A_36 = arith.sitofp %convert_element_type3A : vector<512x1024xi32> to vector<512x1024xf32>
    %broadcast_in_dim3A_37 = arith.constant 1.000000e+00 : f32
    %broadcast_in_dim3A_38 = vector.broadcast %broadcast_in_dim3A_37 : f32 to vector<1024x128xf32>
    %concatenate3A = tpu.concatenate %add3A_29, %broadcast_in_dim3A_38 in 1 : vector<1024x128xf32>, vector<1024x128xf32> -> vector<1024x256xf32>
    %dot_general3A_39 = arith.constant dense<0.000000e+00> : vector<512x256xf32>
    %dot_general3A_40 = tpu.matmul %convert_element_type3A_36, %concatenate3A, %dot_general3A_39 {dimension_numbers = #tpu.dot_dimension_numbers<[1], [0], [0], [1], [0, 0, 1, 1], [], []>, transpose_lhs_hint = false} : vector<512x1024xf32>, vector<1024x256xf32>, vector<512x256xf32> -> vector<512x256xf32>
    %eq3A_41 = arith.constant 0 : i32
    %eq3A_42 = arith.cmpi eq, %arg0, %eq3A_41 : i32
    %convert_element_type3A_43 = arith.extui %eq3A_42 : i1 to i32
    %cond3A = arith.constant 0 : i32
    %cond3A_44 = arith.cmpi ne, %convert_element_type3A_43, %cond3A : i32
    scf.if %cond3A_44 {
      %broadcast_in_dim3A_51 = arith.constant 0.000000e+00 : f32
      %broadcast_in_dim3A_52 = vector.broadcast %broadcast_in_dim3A_51 : f32 to vector<512x256xf32>
      %swap3A_53 = arith.constant 0 : index
      %swap3A_54 = arith.constant 0 : index
      %swap3A_55 = vector.load %arg9[%swap3A_53, %swap3A_54] : memref<512x256xf32, #tpu.memory_space<vmem>>, vector<512x256xf32>
      tpu.vector_store %arg9[%swap3A_53, %swap3A_54], %broadcast_in_dim3A_52 {strides = array<i32>} : memref<512x256xf32, #tpu.memory_space<vmem>>, vector<512x256xf32>,
    } else {
    }
    %get3A_45 = arith.constant 0 : index
    %get3A_46 = arith.constant 0 : index
    %get3A_47 = vector.load %arg9[%get3A_45, %get3A_46] : memref<512x256xf32, #tpu.memory_space<vmem>>, vector<512x256xf32>
    %add3A_48 = arith.addf %get3A_47, %dot_general3A_40 : vector<512x256xf32>
    %swap3A = arith.constant 0 : index
    %swap3A_49 = arith.constant 0 : index
    %swap3A_50 = vector.load %arg9[%swap3A, %swap3A_49] : memref<512x256xf32, #tpu.memory_space<vmem>>, vector<512x256xf32>
    tpu.vector_store %arg9[%swap3A, %swap3A_49], %add3A_48 {strides = array<i32>} : memref<512x256xf32, #tpu.memory_space<vmem>>, vector<512x256xf32>,
    return
  }
  func.func @transform_0(%arg0: i32) -> (i32, i32) {
    %c0_i32 = arith.constant 0 : i32
    %c0_i32_0 = arith.constant 0 : i32
    return %arg0, %c0_i32 : i32, i32
  }
  func.func @transform_1(%arg0: i32) -> (i32, i32) {
    %c0_i32 = arith.constant 0 : i32
    %c0_i32_0 = arith.constant 0 : i32
    return %arg0, %c0_i32 : i32, i32
  }
  func.func @transform_2(%arg0: i32) -> (i32, i32) {
    %c0_i32 = arith.constant 0 : i32
    %c0_i32_0 = arith.constant 0 : i32
    return %arg0, %c0_i32 : i32, i32
  }
  func.func @transform_3(%arg0: i32) -> (i32, i32) {
    %c0_i32 = arith.constant 0 : i32
    %c0_i32_0 = arith.constant 0 : i32
    %c0_i32_1 = arith.constant 0 : i32
    return %c0_i32, %c0_i32_0 : i32, i32
  }
  func.func @transform_4(%arg0: i32) -> (i32, i32) {
    %c0_i32 = arith.constant 0 : i32
    %c0_i32_0 = arith.constant 0 : i32
    %c0_i32_1 = arith.constant 0 : i32
    return %c0_i32, %c0_i32_0 : i32, i32
  }
  func.func @transform_5(%arg0: i32) -> (i32, i32) {
    %c0_i32 = arith.constant 0 : i32
    %c0_i32_0 = arith.constant 0 : i32
    %c0_i32_1 = arith.constant 0 : i32
    return %c0_i32, %c0_i32_0 : i32, i32
  }
  func.func @transform_6(%arg0: i32) -> (i32, i32) {
    %c0_i32 = arith.constant 0 : i32
    %c0_i32_0 = arith.constant 0 : i32
    %c0_i32_1 = arith.constant 0 : i32
    return %c0_i32, %c0_i32_0 : i32, i32
  }
  func.func @transform_7(%arg0: i32) -> (i32, i32, i32) {
    %c0_i32 = arith.constant 0 : i32
    %c0_i32_0 = arith.constant 0 : i32
    %c0_i32_1 = arith.constant 0 : i32
    return %arg0, %c0_i32, %c0_i32_0 : i32, i32, i32
  }
  func.func @transform_8(%arg0: i32) -> (i32, i32) {
    %c0_i32 = arith.constant 0 : i32
    %c0_i32_0 = arith.constant 0 : i32
    %c0_i32_1 = arith.constant 0 : i32
    return %c0_i32, %c0_i32_0 : i32, i32
  }
}

module attributes {stable_mosaic.version = 14 : i64} {
  func.func @body(%arg0: i32, %arg1: memref<1000x128xf32, #tpu.memory_space<vmem>>, %arg2: memref<1000x128xf32, #tpu.memory_space<vmem>>, %arg3: memref<1000x128xf32, #tpu.memory_space<vmem>>, %arg4: memref<128x256xf32, #tpu.memory_space<vmem>>, %arg5: memref<1x256xf32, #tpu.memory_space<vmem>>, %arg6: memref<256x128xf32, #tpu.memory_space<vmem>>, %arg7: memref<1x128xf32, #tpu.memory_space<vmem>>, %arg8: memref<1x1x1000xi32, #tpu.memory_space<vmem>>, %arg9: memref<512x256xf32, #tpu.memory_space<vmem>>) attributes {dimension_semantics = [#tpu.dimension_semantics<arbitrary>], iteration_bounds = array<i64: 10>, scalar_prefetch = 0 : i64, scratch_operands = 0 : i64, tpu.core_type = #tpu.core_type<tc>, window_params = [{transform_indices = @transform_0, window_bounds = array<i64: 1000, 128>}, {transform_indices = @transform_1, window_bounds = array<i64: 1000, 128>}, {transform_indices = @transform_2, window_bounds = array<i64: 1000, 128>}, {pipeline_mode = #tpu.pipeline_mode<synchronous>, transform_indices = @transform_3, window_bounds = array<i64: 128, 256>}, {pipeline_mode = #tpu.pipeline_mode<synchronous>, transform_indices = @transform_4, window_bounds = array<i64: 1, 256>}, {pipeline_mode = #tpu.pipeline_mode<synchronous>, transform_indices = @transform_5, window_bounds = array<i64: 256, 128>}, {pipeline_mode = #tpu.pipeline_mode<synchronous>, transform_indices = @transform_6, window_bounds = array<i64: 1, 128>}, {transform_indices = @transform_7, window_bounds = array<i64: 1, 1, 1000>}, {pipeline_mode = #tpu.pipeline_mode<synchronous>, transform_indices = @transform_8, window_bounds = array<i64: 512, 256>}]} {
    %get3A = arith.constant 0 : index
    %get3A_0 = arith.constant 0 : index
    %get3A_1 = vector.load %arg1[%get3A, %get3A_0] : memref<1000x128xf32, #tpu.memory_space<vmem>>, vector<1000x128xf32>
    %get3A_2 = arith.constant 0 : index
    %get3A_3 = arith.constant 0 : index
    %get3A_4 = vector.load %arg2[%get3A_2, %get3A_3] : memref<1000x128xf32, #tpu.memory_space<vmem>>, vector<1000x128xf32>
    %add3A = arith.addf %get3A_1, %get3A_4 : vector<1000x128xf32>
    %get3A_5 = arith.constant 0 : index
    %get3A_6 = arith.constant 0 : index
    %get3A_7 = vector.load %arg3[%get3A_5, %get3A_6] : memref<1000x128xf32, #tpu.memory_space<vmem>>, vector<1000x128xf32>
    %add3A_8 = arith.addf %add3A, %get3A_7 : vector<1000x128xf32>
    %get3A_9 = arith.constant 0 : index
    %get3A_10 = arith.constant 0 : index
    %get3A_11 = vector.load %arg4[%get3A_9, %get3A_10] : memref<128x256xf32, #tpu.memory_space<vmem>>, vector<128x256xf32>
    %dot_general3A = arith.constant dense<0.000000e+00> : vector<1000x256xf32>
    %dot_general3A_12 = tpu.matmul %add3A_8, %get3A_11, %dot_general3A {dimension_numbers = #tpu.dot_dimension_numbers<[1], [0], [0], [1], [0, 0, 1, 1], [], []>, transpose_lhs_hint = false} : vector<1000x128xf32>, vector<128x256xf32>, vector<1000x256xf32> -> vector<1000x256xf32>
    %get3A_13 = arith.constant 0 : index
    %get3A_14 = arith.constant 0 : index
    %get3A_15 = vector.load %arg5[%get3A_13, %get3A_14] : memref<1x256xf32, #tpu.memory_space<vmem>>, vector<1x256xf32>
    %add3A_16 = vector.broadcast %get3A_15 : vector<1x256xf32> to vector<1000x256xf32>
    %add3A_17 = arith.addf %dot_general3A_12, %add3A_16 : vector<1000x256xf32>
    %max3A = arith.constant 0.000000e+00 : f32
    %max3A_18 = vector.broadcast %max3A : f32 to vector<1000x256xf32>
    %max3A_19 = arith.maximumf %add3A_17, %max3A_18 : vector<1000x256xf32>
    %get3A_20 = arith.constant 0 : index
    %get3A_21 = arith.constant 0 : index
    %get3A_22 = vector.load %arg6[%get3A_20, %get3A_21] : memref<256x128xf32, #tpu.memory_space<vmem>>, vector<256x128xf32>
    %dot_general3A_23 = arith.constant dense<0.000000e+00> : vector<1000x128xf32>
    %dot_general3A_24 = tpu.matmul %max3A_19, %get3A_22, %dot_general3A_23 {dimension_numbers = #tpu.dot_dimension_numbers<[1], [0], [0], [1], [0, 0, 1, 1], [], []>, transpose_lhs_hint = false} : vector<1000x256xf32>, vector<256x128xf32>, vector<1000x128xf32> -> vector<1000x128xf32>
    %get3A_25 = arith.constant 0 : index
    %get3A_26 = arith.constant 0 : index
    %get3A_27 = vector.load %arg7[%get3A_25, %get3A_26] : memref<1x128xf32, #tpu.memory_space<vmem>>, vector<1x128xf32>
    %add3A_28 = vector.broadcast %get3A_27 : vector<1x128xf32> to vector<1000x128xf32>
    %add3A_29 = arith.addf %dot_general3A_24, %add3A_28 : vector<1000x128xf32>
    %get3A_30 = arith.constant 0 : index
    %get3A_31 = arith.constant 0 : index
    %get3A_32 = arith.constant 0 : index
    %get3A_33 = vector.load %arg8[%get3A_30, %get3A_31, %get3A_32] : memref<1x1x1000xi32, #tpu.memory_space<vmem>>, vector<1x1x1000xi32>
    %get3A_34 = vector.shape_cast %get3A_33 : vector<1x1x1000xi32> to vector<1000xi32>
    %iota3A = tpu.iota {dimensions = array<i32: 0>} : vector<512x1000xi32>
    %broadcast_in_dim3A = vector.shape_cast %get3A_34 : vector<1000xi32> to vector<1x1000xi32>
    %eq3A = vector.broadcast %broadcast_in_dim3A : vector<1x1000xi32> to vector<512x1000xi32>
    %eq3A_35 = arith.cmpi eq, %iota3A, %eq3A : vector<512x1000xi32>
    %convert_element_type3A = arith.extui %eq3A_35 : vector<512x1000xi1> to vector<512x1000xi32>
    %convert_element_type3A_36 = arith.sitofp %convert_element_type3A : vector<512x1000xi32> to vector<512x1000xf32>
    %broadcast_in_dim3A_37 = arith.constant 1.000000e+00 : f32
    %broadcast_in_dim3A_38 = vector.broadcast %broadcast_in_dim3A_37 : f32 to vector<1000x128xf32>
    %concatenate3A = tpu.concatenate %add3A_29, %broadcast_in_dim3A_38 in 1 : vector<1000x128xf32>, vector<1000x128xf32> -> vector<1000x256xf32>
    %dot_general3A_39 = arith.constant dense<0.000000e+00> : vector<512x256xf32>
    %dot_general3A_40 = tpu.matmul %convert_element_type3A_36, %concatenate3A, %dot_general3A_39 {dimension_numbers = #tpu.dot_dimension_numbers<[1], [0], [0], [1], [0, 0, 1, 1], [], []>, transpose_lhs_hint = false} : vector<512x1000xf32>, vector<1000x256xf32>, vector<512x256xf32> -> vector<512x256xf32>
    %eq3A_41 = arith.constant 0 : i32
    %eq3A_42 = arith.cmpi eq, %arg0, %eq3A_41 : i32
    %convert_element_type3A_43 = arith.extui %eq3A_42 : i1 to i32
    %cond3A = arith.constant 0 : i32
    %cond3A_44 = arith.cmpi ne, %convert_element_type3A_43, %cond3A : i32
    scf.if %cond3A_44 {
      %broadcast_in_dim3A_51 = arith.constant 0.000000e+00 : f32
      %broadcast_in_dim3A_52 = vector.broadcast %broadcast_in_dim3A_51 : f32 to vector<512x256xf32>
      %swap3A_53 = arith.constant 0 : index
      %swap3A_54 = arith.constant 0 : index
      %swap3A_55 = vector.load %arg9[%swap3A_53, %swap3A_54] : memref<512x256xf32, #tpu.memory_space<vmem>>, vector<512x256xf32>
      tpu.vector_store %arg9[%swap3A_53, %swap3A_54], %broadcast_in_dim3A_52 {strides = array<i32>} : memref<512x256xf32, #tpu.memory_space<vmem>>, vector<512x256xf32>,
    } else {
    }
    %get3A_45 = arith.constant 0 : index
    %get3A_46 = arith.constant 0 : index
    %get3A_47 = vector.load %arg9[%get3A_45, %get3A_46] : memref<512x256xf32, #tpu.memory_space<vmem>>, vector<512x256xf32>
    %add3A_48 = arith.addf %get3A_47, %dot_general3A_40 : vector<512x256xf32>
    %swap3A = arith.constant 0 : index
    %swap3A_49 = arith.constant 0 : index
    %swap3A_50 = vector.load %arg9[%swap3A, %swap3A_49] : memref<512x256xf32, #tpu.memory_space<vmem>>, vector<512x256xf32>
    tpu.vector_store %arg9[%swap3A, %swap3A_49], %add3A_48 {strides = array<i32>} : memref<512x256xf32, #tpu.memory_space<vmem>>, vector<512x256xf32>,
    return
  }
  func.func @transform_0(%arg0: i32) -> (i32, i32) {
    %c0_i32 = arith.constant 0 : i32
    %c0_i32_0 = arith.constant 0 : i32
    return %arg0, %c0_i32 : i32, i32
  }
  func.func @transform_1(%arg0: i32) -> (i32, i32) {
    %c0_i32 = arith.constant 0 : i32
    %c0_i32_0 = arith.constant 0 : i32
    return %arg0, %c0_i32 : i32, i32
  }
  func.func @transform_2(%arg0: i32) -> (i32, i32) {
    %c0_i32 = arith.constant 0 : i32
    %c0_i32_0 = arith.constant 0 : i32
    return %arg0, %c0_i32 : i32, i32
  }
  func.func @transform_3(%arg0: i32) -> (i32, i32) {
    %c0_i32 = arith.constant 0 : i32
    %c0_i32_0 = arith.constant 0 : i32
    %c0_i32_1 = arith.constant 0 : i32
    return %c0_i32, %c0_i32_0 : i32, i32
  }
  func.func @transform_4(%arg0: i32) -> (i32, i32) {
    %c0_i32 = arith.constant 0 : i32
    %c0_i32_0 = arith.constant 0 : i32
    %c0_i32_1 = arith.constant 0 : i32
    return %c0_i32, %c0_i32_0 : i32, i32
  }
  func.func @transform_5(%arg0: i32) -> (i32, i32) {
    %c0_i32 = arith.constant 0 : i32
    %c0_i32_0 = arith.constant 0 : i32
    %c0_i32_1 = arith.constant 0 : i32
    return %c0_i32, %c0_i32_0 : i32, i32
  }
  func.func @transform_6(%arg0: i32) -> (i32, i32) {
    %c0_i32 = arith.constant 0 : i32
    %c0_i32_0 = arith.constant 0 : i32
    %c0_i32_1 = arith.constant 0 : i32
    return %c0_i32, %c0_i32_0 : i32, i32
  }
  func.func @transform_7(%arg0: i32) -> (i32, i32, i32) {
    %c0_i32 = arith.constant 0 : i32
    %c0_i32_0 = arith.constant 0 : i32
    %c0_i32_1 = arith.constant 0 : i32
    return %arg0, %c0_i32, %c0_i32_0 : i32, i32, i32
  }
  func.func @transform_8(%arg0: i32) -> (i32, i32) {
    %c0_i32 = arith.constant 0 : i32
    %c0_i32_0 = arith.constant 0 : i32
    %c0_i32_1 = arith.constant 0 : i32
    return %c0_i32, %c0_i32_0 : i32, i32
  }
}

module attributes {stable_mosaic.version = 14 : i64} {
  func.func @body(%arg0: memref<512x256xf32, #tpu.memory_space<vmem>>, %arg1: memref<512x256xf32, #tpu.memory_space<vmem>>, %arg2: memref<512x256xf32, #tpu.memory_space<vmem>>) attributes {dimension_semantics = [], scalar_prefetch = 0 : i64, scratch_operands = 0 : i64, tpu.core_type = #tpu.core_type<tc>} {
    %get3A = arith.constant 0 : index
    %get3A_0 = arith.constant 0 : index
    %get3A_1 = vector.load %arg0[%get3A, %get3A_0] : memref<512x256xf32, #tpu.memory_space<vmem>>, vector<512x128xf32>
    %get3A_2 = arith.constant 0 : index
    %get3A_3 = arith.constant 128 : index
    %get3A_4 = vector.load %arg0[%get3A_2, %get3A_3] : memref<512x256xf32, #tpu.memory_space<vmem>>, vector<512x128xf32>
    %max3A = arith.constant 1.000000e+00 : f32
    %max3A_5 = vector.broadcast %max3A : f32 to vector<512x128xf32>
    %max3A_6 = arith.maximumf %get3A_4, %max3A_5 : vector<512x128xf32>
    %div3A = arith.divf %get3A_1, %max3A_6 : vector<512x128xf32>
    %swap3A = arith.constant 0 : index
    %swap3A_7 = arith.constant 0 : index
    %swap3A_8 = vector.load %arg2[%swap3A, %swap3A_7] : memref<512x256xf32, #tpu.memory_space<vmem>>, vector<512x128xf32>
    tpu.vector_store %arg2[%swap3A, %swap3A_7], %div3A {strides = array<i32>} : memref<512x256xf32, #tpu.memory_space<vmem>>, vector<512x128xf32>,
    %get3A_9 = arith.constant 0 : index
    %get3A_10 = arith.constant 0 : index
    %get3A_11 = vector.load %arg1[%get3A_9, %get3A_10] : memref<512x256xf32, #tpu.memory_space<vmem>>, vector<512x128xf32>
    %get3A_12 = arith.constant 0 : index
    %get3A_13 = arith.constant 128 : index
    %get3A_14 = vector.load %arg1[%get3A_12, %get3A_13] : memref<512x256xf32, #tpu.memory_space<vmem>>, vector<512x128xf32>
    %max3A_15 = arith.constant 1.000000e+00 : f32
    %max3A_16 = vector.broadcast %max3A_15 : f32 to vector<512x128xf32>
    %max3A_17 = arith.maximumf %get3A_14, %max3A_16 : vector<512x128xf32>
    %div3A_18 = arith.divf %get3A_11, %max3A_17 : vector<512x128xf32>
    %swap3A_19 = arith.constant 0 : index
    %swap3A_20 = arith.constant 128 : index
    %swap3A_21 = vector.load %arg2[%swap3A_19, %swap3A_20] : memref<512x256xf32, #tpu.memory_space<vmem>>, vector<512x128xf32>
    tpu.vector_store %arg2[%swap3A_19, %swap3A_20], %div3A_18 {strides = array<i32>} : memref<512x256xf32, #tpu.memory_space<vmem>>, vector<512x128xf32>,
    return
  }
}

</mosaic_0001>

<sc_bundles>
// kernel: kernel.14.cloned.1.call-start
scs
__scs_entry_jumppad:
0x0: {  	(pc) =	sbr.rel $0x88, $3  }
0x1: {  	(tag) =	ssettag $0x0;
	lr =	simm.s32 $0x1  }
0x2: {  	[smem:$0x3F91] =	sst lr;
	_ =	strace $0xD0000000  }
0x3: {  	_ = 	snop  }
0x4: {  	_ = 	snop  }
0x5: {  	_ = 	snop  }
0x6: {  	_ = 	snop  }
0x7: {  	_ = 	snop  }
__scs_overlays_trampoline_lowered:
0x8: {  	[smem:$0x3FA0] =	sst s0  }
0x9: {  	[smem:$0x3FA1] =	sst s1  }
0xa: {  	[smem:$0x3FA2] =	sst s2  }
0xb: {  	[smem:$0x3FA3] =	sst s3  }
0xc: {  	[smem:$0x3FA4] =	sst s4  }
0xd: {  	[smem:$0x3FA5] =	sst s5  }
0xe: {  	[smem:$0x3FA6] =	sst s6  }
0xf: {  	[smem:$0x3FA7] =	sst s7  }
0x10: {  	[smem:$0x3FA8] =	sst s8  }
0x11: {  	[smem:$0x3FA9] =	sst s9;
	s0 =	simm.s32 @!p0 $0x0  }
0x12: {  	s1 =	sld [smem:$0x3F8F];
	s0 =	simm.s32 @p0 $0x1  }
0x13: {  	[smem:$0x3FAA] =	sst s0;
	s0 =	simm.s32 @!p1 $0x0  }
0x14: {  	s2 =	sld [smem:$0x3F8E];
	s0 =	simm.s32 @p1 $0x1  }
0x15: {  	[smem:$0x3FAB] =	sst s0;
	s0 =	simm.s32 @!p2 $0x0  }
0x16: {  	s3 =	sld [smem:$0x3FDB];
	s0 =	simm.s32 @p2 $0x1  }
0x17: {  	s4 =	simm.s32 $0x1BF5;
	[smem:$0x3FAD] =	sst s0  }
0x18: {  	s0 =	sld [smem:$0x3F90];
	_ =	swait.ge [sflag:s4], $0x0  }
0x19: {  	s7 =	sld [smem:$0x3F91]  }
0x1a: {  	s8 =	sadd.s32 $0xFFFFE003, lr  }
0x1b: {  	s9 =	sadd.s32 $0xFFFFFEF7, lr;
	s5 =	simm.s32 $0xFFFFFFFF;
	p2 =	slt.u32 s8, $0xFFFFF086  }
0x1c: {  	p1 =	slt.u32 s9, $0xF7A;
	s5 =	simm.s32 @!p2 $0x0  }
0x1d: {  	s5 =	simm.s32 @p1 $0x1;
	p0 =	seq.s32 s7, s2  }
0x1e: {  	s7 =	smul.u32 @!p0 $0xF7A, s2;
	p2 =	seq.s32 @!p0 s5, $0x0  }
0x1f: {  	s9 =	smul.u32 $0xF7A, s1;
	s8 =	simm.s32 @!p0 $0x1BF5;
	p2 =	por !p2, p0  }
0x20: {  	[sflag:s8] =	ssyncset.s32 @!p0 $0xFFFFF086;
	s6 =	sadd.s32 @!p0 s3, s7;
	s7 =	simm.s32 @!p0 $0x108  }
0x21: {  	s3 =	sadd.s32 s3, s9;
	s6 =	sadd.s32 @!p0 $0x88, s6;
	s7 =	simm.s32 @p2 $0x1082  }
0x22: {  	[simem:s7], [sflag:s8] =	dma.local @!p0 [hbm:s6], $0xF7A  }
0x23: {  	s9 =	sor.u32 $0xD0000000, s2;
	s6 =	simm.s32 $0x108;
	_ =	swait.ge @!p0 [sflag:s8], $0x0  }
0x24: {  	s3 =	sadd.s32 $0x88, s3;
	s6 =	simm.s32 @!p1 $0x1082;
	[sflag:s4] =	ssyncset.s32 $0xFFFFF086  }
0x25: {  	[simem:s6], [sflag:s4] =	dma.local [hbm:s3], $0xF7A  }
0x26: {  	[smem:$0x3F91] =	sst s1;
	(tag) =	ssettag s2;
	_ =	strace s9  }
0x27: {  	s1 =	sld [smem:$0x3FA1]  }
0x28: {  	s2 =	sld [smem:$0x3FA2]  }
0x29: {  	s4 =	sld [smem:$0x3FA4]  }
0x2a: {  	p0 =	seq.s32 s5, $0x0;
	s5 =	sld [smem:$0x3FA5]  }
0x2b: {  	s6 =	sld [smem:$0x3FA6]  }
0x2c: {  	s7 =	sld [smem:$0x3FA7]  }
0x2d: {  	s3 =	simm.s32 $0x108;
	s8 =	sld [smem:$0x3FA8]  }
0x2e: {  	s3 =	simm.s32 @!p0 $0x1082;
	s9 =	sld [smem:$0x3FA9]  }
0x2f: {  	lr =	sadd.s32 s0, s3;
	s0 =	sld [smem:$0x3FA0]  }
0x30: {  	s3 =	sld [smem:$0x3FA3]  }
0x31: {  	[smem:$0x3FAC] =	sst s10  }
0x32: {  	s10 =	sld [smem:$0x3FAA];
	_ =	sdelay $0x3  }
0x33: {  	p0 =	seq.s32 s10, $0x1;
	s10 =	sld [smem:$0x3FAC];
	_ =	sdelay $0x3  }
0x34: {  	[smem:$0x3FAC] =	sst s10  }
0x35: {  	s10 =	sld [smem:$0x3FAB];
	_ =	sdelay $0x3  }
0x36: {  	p1 =	seq.s32 s10, $0x1;
	s10 =	sld [smem:$0x3FAC];
	_ =	sdelay $0x3  }
0x37: {  	[smem:$0x3FAC] =	sst s10  }
0x38: {  	s10 =	sld [smem:$0x3FAD]  }
0x39: {  	_ = 	snop;
	(pc) =	sbr.ind lr, $3  }
0x3a: {  	_ = 	snop  }
0x3b: {  	_ = 	snop  }
0x3c: {  	p2 =	seq.s32 s10, $0x1;
	s10 =	sld [smem:$0x3FAC]  }
0x3d: {  	_ =	shalt  }
0x3e: {  	_ =	shalt  }
0x3f: {  	_ =	shalt  }
0x40: {  	_ =	shalt  }
0x41: {  	_ =	shalt  }
0x42: {  	_ =	shalt  }
0x43: {  	_ =	shalt  }
0x44: {  	_ =	shalt  }
0x45: {  	_ =	shalt  }
0x46: {  	_ =	shalt  }
0x47: {  	_ =	shalt  }
0x48: {  	_ =	shalt  }
0x49: {  	_ =	shalt  }
0x4a: {  	_ =	shalt  }
0x4b: {  	_ =	shalt  }
0x4c: {  	_ =	shalt  }
0x4d: {  	_ =	shalt  }
0x4e: {  	_ =	shalt  }
0x4f: {  	_ =	shalt  }
0x50: {  	_ =	shalt  }
0x51: {  	_ =	shalt  }
0x52: {  	_ =	shalt  }
0x53: {  	_ =	shalt  }
0x54: {  	_ =	shalt  }
0x55: {  	_ =	shalt  }
0x56: {  	_ =	shalt  }
0x57: {  	_ =	shalt  }
0x58: {  	_ =	shalt  }
0x59: {  	_ =	shalt  }
0x5a: {  	_ =	shalt  }
0x5b: {  	_ =	shalt  }
0x5c: {  	_ =	shalt  }
0x5d: {  	_ =	shalt  }
0x5e: {  	_ =	shalt  }
0x5f: {  	_ =	shalt  }
0x60: {  	_ =	shalt  }
0x61: {  	_ =	shalt  }
0x62: {  	_ =	shalt  }
0x63: {  	_ =	shalt  }
0x64: {  	_ =	shalt  }
0x65: {  	_ =	shalt  }
0x66: {  	_ =	shalt  }
0x67: {  	_ =	shalt  }
0x68: {  	_ =	shalt  }
0x69: {  	_ =	shalt  }
0x6a: {  	_ =	shalt  }
0x6b: {  	_ =	shalt  }
0x6c: {  	_ =	shalt  }
0x6d: {  	_ =	shalt  }
0x6e: {  	_ =	shalt  }
0x6f: {  	_ =	shalt  }
0x70: {  	_ =	shalt  }
0x71: {  	_ =	shalt  }
0x72: {  	_ =	shalt  }
0x73: {  	_ =	shalt  }
0x74: {  	_ =	shalt  }
0x75: {  	_ =	shalt  }
0x76: {  	_ =	shalt  }
0x77: {  	_ =	shalt  }
0x78: {  	_ =	shalt  }
0x79: {  	_ =	shalt  }
0x7a: {  	_ =	shalt  }
0x7b: {  	_ =	shalt  }
0x7c: {  	_ =	shalt  }
0x7d: {  	_ =	shalt  }
0x7e: {  	_ =	shalt  }
0x7f: {  	_ =	shalt  }
0x80: {  	_ =	shalt  }
0x81: {  	_ =	shalt  }
0x82: {  	_ =	shalt  }
0x83: {  	_ =	shalt  }
0x84: {  	_ =	shalt  }
0x85: {  	_ =	shalt  }
0x86: {  	_ =	shalt  }
0x87: {  	_ =	shalt  }
.Lfunc_end0:
.L_simem_size_0:
called_computation_lowered:
.L_overlay_start_0:
0x88: {  	s2 =	sld [smem:$0x3FD9]  }
0x89: {  	s3 =	sld [smem:$0x3FFE];
	_ =	sdelay $0x1  }
0x8a: {  	s1 =	srdreg.scid  }
0x8b: {  	s0 =	sand.u32 $0x1, s1  }
0x8c: {  	s17 =	sshll.u32 s0, $0xA;
	s2 =	sadd.s32 s3, s2  }
0x8d: {  	s2 =	sadd.s32 s2, s17  }
0x8e: {  	[smem:$0x3FB8] =	sst s2  }
0x8f: {  	_ = 	snop  }
0x90: {  	s2 =	sld [smem:$0x3FC9];
	(tm) =	ssettm $0x1  }
0x91: {  	s18 =	sld [smem:$0x3FFB];
	_ =	sdelay $0x3  }
0x92: {  	_ =	strace s18  }
0x93: {  	s3 =	sld [smem:$0x3FFC];
	_ =	sdelay $0x3  }
0x94: {  	_ =	strace s3  }
0x95: {  	s3 =	sld [smem:$0x3FFD];
	_ =	sdelay $0x3  }
0x96: {  	_ =	strace s3  }
0x97: {  	_ =	strace $0x8FFFFFFF  }
0x98: {  	s19 =	sld [smem:$0x3FDB];
	_ =	sdelay $0x1  }
0x99: {  	s4 =	simm.s32 $_scs_section_size  }
0x9a: {  	s5 =	simm.s32 $_size__tile_overlayer_lowered;
	s6 =	simm.s32 $_tile_overlayer_lowered  }
0x9b: {  	s22 =	simm.s32 $0x1BFF;
	s21 =	sshll.u32 s6, $0x1;
	s3 =	sadd.s32 s4, s19  }
0x9c: {  	s7 =	simm.s32 $0x0;
	s20 =	sshll.u32 s5, $0x1;
	s5 =	sadd.s32 s21, s3  }
0x9d: {  	[timem:s7], [sflag:s22] =	dma.local [hbm:s5], s20  }
0x9e: {  	_ =	swait.ge [sflag:s22], s20  }
0x9f: {  	s4 =	ssub.s32 $0x0, s20;
	[sflag:s22] =	ssyncset.done $0x0  }
0xa0: {  	[sflag:s22] =	ssyncadd.s32 s4;
	_ =	sdelay $0x1  }
0xa1: {  	s23 =	simm.s32 $0x1B8B  }
0xa2: {  	_ =	swait.ge [sflag:s23], $0x1  }
0xa3: {  	[sflag:s23] =	ssyncset.done $0x0  }
0xa4: {  	s25 =	simm.s32 $0x1B8E;
	s24 =	sld [smem:$0x3FFE];
	[sflag:s23] =	ssyncadd.s32 $0xFFFFFFFF  }
0xa5: {  	s26 =	simm.s32 $execute0_lowered;
	[smem:$0x3FD2] =	sst s25  }
0xa6: {  	s5 =	sshll.u32 s26, $0x1;
	_ =	strace $0x80000046;
	[dreg:$0x1] =	wrdreg $0xFFFFFFFF  }
0xa7: {  	s28 =	simm.s32 $_size_execute0_lowered;
	s3 =	sadd.s32 s3, s5;
	[dreg:$0x0] =	wrdreg $0x0  }
0xa8: {  	s5 =	sshll.u32 s28, $0x1;
	[dreg:$0x2] =	wrdreg s3  }
0xa9: {  	[dreg:$0x3] =	wrdreg s5  }
0xaa: {  	[dreg:$0x4] =	wrdreg $0xC0  }
0xab: {  	_ =	task [dreg:s7], $0x5FFFF  }
0xac: {  	[dreg:$0x1] =	wrdreg $0xFFFFFFFF  }
0xad: {  	[dreg:$0x0] =	wrdreg $0x60  }
0xae: {  	[dreg:$0x2] =	wrdreg s2  }
0xaf: {  	[dreg:$0x3] =	wrdreg s24  }
0xb0: {  	[dreg:$0x4] =	wrdreg $0x0  }
0xb1: {  	[dreg:$0x5] =	wrdreg $0x9  }
0xb2: {  	_ =	task.clear_ibuf [dreg:s7], $0x6FFFF;
	_ =	strace $0x90000046  }
0xb3: {  	s29 =	simm.s32 $0x9;
	_ =	strace $0x80000048  }
0xb4: {  	_ =	swait.ge [sflag:s29], $0x1  }
0xb5: {  	[sflag:s29] =	ssyncadd.s32 $0xFFFFFFFF  }
0xb6: {  	_ =	strace $0x90000048  }
0xb7: {  	_ =	sfence  }
0xb8: {  	s30 =	sld [smem:$0x0];
	_ =	sdelay $0x2  }
0xb9: {  	s31 =	sshll.u32 s1, $0xD;
	s1 =	sshrl.u32 s1, $0x2  }
0xba: {  	s3 =	sand.u32 $0x4000, s31;
	s1 =	sadd.s32 s1, s30  }
0xbb: {  	s0 =	sor.u32 s3, s0;
	s1 =	sshll.u32 s1, $0x11  }
0xbc: {  	s0 =	sor.u32 s1, s0  }
0xbd: {  	s0 =	sadd.s32 $0x8F2B, s0  }
0xbe: {  	[sflag:s0] =	ssyncadd.remote.s32 $0x1  }
0xbf: {  	_ =	sfence.sel $0xFFFF  }
0xc0: {  	[dreg:$0x0] =	wrdreg $0xFFFFFFFF;
	(pc) =	sbr.abs _section_cstart, $3  }
0xc1: {  	[dreg:$0x1] =	wrdreg $0xFFFFFFFF  }
0xc2: {  	_ =	task.clear_ibuf [dreg:s7], $0x2FFFF;
	_ =	strace $0x9FFFFFFF  }
0xc3: {  	(tm) =	ssettm $0x7FFFFFFF  }
tec
execute0_lowered:
.L_overlay_start_1:
0x0: {  	(tag) =	ssettag $0x1  }
0x1: {  	s1 =	rddreg [dreg:$0x0]  }
0x2: {  	s0 =	rddreg [dreg:$0x1]  }
0x3: {  	s2 =	rddreg [dreg:$0x2];
	s3 =	simm.s32 $0x0;
	s4 =	srdreg.scid  }
0x4: {  	s21 =	stileid.u32;
	s22 =	simm.s32 $0x2;
	s23 =	simm.s32 $0x13880  }
0x5: {  	s24 =	simm.s32 $0x13900;
	s25 =	simm.s32 $0x50;
	s26 =	simm.s32 $0x13980  }
0x6: {  	s28 =	simm.s32 $0x1;
	s29 =	simm.s32 $0x16180;
	s30 =	simm.s32 $0x0  }
0x7: {  	[smem:$0x7FF] =	sst s3;
	s5 =	sadd.s32 $0x7E00, s0;
	s6 =	sadd.s32 $0x4F3C00, s0  }
0x8: {  	s4 =	sand.u32 $0x1, s4;
	s8 =	smul.u32 $0x4E000, s21;
	s7 =	sadd.s32 $0x4E9E00, s0  }
0x9: {  	s0 =	sadd.s32 $0x4FDA00, s0;
	s18 =	smul.u32 $0x13800, s21;
	s16 =	sadd.s32 $0x138000, s2  }
0xa: {  	p0 =	sne.s32 s21, $0xF;
	_ =	strace $0x80000047;
	s9 =	ssub.s32 $0x2, s4  }
0xb: {  	s11 =	sshll.u32 s4, $0x4;
	s4 =	smul.u32 $0x138800, s4;
	s10 =	sshrl.u32 s9, $0x1  }
0xc: {  	s8 =	sshrl.u32 s8, $0x2;
	s17 =	sor.u32 s21, s11;
	s21 =	simm.s32 $0x18980  }
0xd: {  	s9 =	ssub.s32 s9, s10;
	s8 =	sadd.s32 s8, s2;
	s18 =	sadd.s32 s18, s4  }
0xe: {  	s4 =	sshrl.u32 s4, $0x3;
	s17 =	smul.u32 $0x2710, s17;
	s31 =	sadd.s32 $0x2800, s8  }
0xf: {  	s10 =	sadd.s32 $0x5000, s8;
	s11 =	sadd.s32 $0x7800, s8;
	s12 =	sadd.s32 $0xA000, s8  }
0x10: {  	s13 =	sadd.s32 $0xC800, s8;
	s14 =	sadd.s32 $0xF000, s8;
	s15 =	sadd.s32 $0x11800, s8  }
0x11: {  	s18 =	sshrl.u32 s18, $0x3;
	s4 =	sadd.s32 s0, s4;
	s20 =	smax.u32 s9, $0x1  }
0x12: {  	v0 =	vimm.f32 $0.0e+00;
	[dreg:$0x4] =	wrdreg s31;
	s18 =	sadd.s32 s0, s18;
	s19 =	sadd.s32 $0x27000, s4  }
.LBB2_1:
0x13: {  	s0 =	simm.s32 $0x0;
	s4 =	simm.s32 $0x200  }
.LBB2_2:
0x14: {  	p1 =	sne.s32 s4, $0x9E00;
	[tilespmem:s0+$0x189F0] =	vst v0  }
0x15: {  	[tilespmem:s0+$0x18980] =	vst v0  }
0x16: {  	[tilespmem:s0+$0x18990] =	vst v0  }
.Ltmp0:
0x17: {  	[tilespmem:s0+$0x189A0] =	vst v0;
	(pc) =	sbr.rel @p1 .LBB2_2-.Ltmp0, $4  }
0x18: {  	[tilespmem:s0+$0x189B0] =	vst v0  }
0x19: {  	[tilespmem:s0+$0x189C0] =	vst v0  }
0x1a: {  	[tilespmem:s0+$0x189D0] =	vst v0  }
0x1b: {  	[tilespmem:s0+$0x189E0] =	vst v0;
	s0 =	sshra.s32 s4, $0x2;
	s4 =	sadd.s32 $0x200, s4  }
0x1c: {  	[tilespmem:s0+$0x189F0] =	vst v0  }
0x1d: {  	[tilespmem:s0+$0x18980] =	vst v0  }
0x1e: {  	[tilespmem:s0+$0x18990] =	vst v0  }
0x1f: {  	[tilespmem:s0+$0x189A0] =	vst v0  }
0x20: {  	[tilespmem:s0+$0x189B0] =	vst v0  }
0x21: {  	[tilespmem:s0+$0x189C0] =	vst v0  }
0x22: {  	[tilespmem:s0+$0x189D0] =	vst v0  }
0x23: {  	[tilespmem:s0+$0x189E0] =	vst v0  }
0x24: {  	[spmem:s8] =	stream.linear.scatter [tilespmem:s21], [sflag:$0x2], $0x2800, $0x38;
	[tilespmem:$0x1B180] =	vst v63  }
0x25: {  	_ =	swait.ge [sflag:s22], $0x2800  }
0x26: {  	[sflag:s22] =	ssyncset.done $0x0  }
0x27: {  	s9 =	rddreg [dreg:$0x4];
	[sflag:s22] =	ssyncadd.s32 $0xFFFFD800  }
0x28: {  	[spmem:s9] =	stream.linear.scatter [tilespmem:s21], [sflag:$0x2], $0x2800, $0x38;
	[tilespmem:$0x1B180] =	vst v63  }
0x29: {  	_ =	swait.ge [sflag:s22], $0x2800  }
0x2a: {  	[sflag:s22] =	ssyncset.done $0x0  }
0x2b: {  	[sflag:s22] =	ssyncadd.s32 $0xFFFFD800  }
0x2c: {  	[spmem:s10] =	stream.linear.scatter [tilespmem:s21], [sflag:$0x2], $0x2800, $0x38;
	[tilespmem:$0x1B180] =	vst v63  }
0x2d: {  	_ =	swait.ge [sflag:s22], $0x2800  }
0x2e: {  	[sflag:s22] =	ssyncset.done $0x0  }
0x2f: {  	[sflag:s22] =	ssyncadd.s32 $0xFFFFD800  }
0x30: {  	[spmem:s11] =	stream.linear.scatter [tilespmem:s21], [sflag:$0x2], $0x2800, $0x38;
	[tilespmem:$0x1B180] =	vst v63  }
0x31: {  	_ =	swait.ge [sflag:s22], $0x2800  }
0x32: {  	[sflag:s22] =	ssyncset.done $0x0  }
0x33: {  	[sflag:s22] =	ssyncadd.s32 $0xFFFFD800  }
0x34: {  	[spmem:s12] =	stream.linear.scatter [tilespmem:s21], [sflag:$0x2], $0x2800, $0x38;
	[tilespmem:$0x1B180] =	vst v63  }
0x35: {  	_ =	swait.ge [sflag:s22], $0x2800  }
0x36: {  	[sflag:s22] =	ssyncset.done $0x0  }
0x37: {  	[sflag:s22] =	ssyncadd.s32 $0xFFFFD800  }
0x38: {  	[spmem:s13] =	stream.linear.scatter [tilespmem:s21], [sflag:$0x2], $0x2800, $0x38;
	[tilespmem:$0x1B180] =	vst v63  }
0x39: {  	_ =	swait.ge [sflag:s22], $0x2800  }
0x3a: {  	[sflag:s22] =	ssyncset.done $0x0  }
0x3b: {  	[sflag:s22] =	ssyncadd.s32 $0xFFFFD800  }
0x3c: {  	[spmem:s14] =	stream.linear.scatter [tilespmem:s21], [sflag:$0x2], $0x2800, $0x38;
	[tilespmem:$0x1B180] =	vst v63  }
0x3d: {  	_ =	swait.ge [sflag:s22], $0x2800  }
0x3e: {  	[sflag:s22] =	ssyncset.done $0x0  }
0x3f: {  	[sflag:s22] =	ssyncadd.s32 $0xFFFFD800  }
0x40: {  	[spmem:s15] =	stream.linear.scatter [tilespmem:s21], [sflag:$0x2], $0x2000, $0x38;
	[tilespmem:$0x1B180] =	vst v63  }
0x41: {  	_ =	swait.ge [sflag:s22], $0x2000  }
0x42: {  	[sflag:s22] =	ssyncset.done $0x0  }
0x43: {  	s0 =	simm.s32 @!p0 $0x18980;
	[sflag:s22] =	ssyncadd.s32 $0xFFFFE000  }
0x44: {  	[spmem:s16] =	stream.linear.scatter @!p0 [tilespmem:s0], [sflag:$0x2], $0x800, $0x38;
	[tilespmem:$0x1B180] =	vst v63  }
0x45: {  	s0 =	simm.s32 @!p0 $0x2  }
0x46: {  	_ =	swait.ge @!p0 [sflag:s0], $0x800  }
0x47: {  	[sflag:s0] =	ssyncset.done @!p0 $0x0  }
0x48: {  	[sflag:s0] =	ssyncadd.s32 @!p0 $0xFFFFF800  }
0x49: {  	s31 =	simm.s32 $0x0;
	[bflag:$0x0] =	sbarrier.arrive $0xFFFF  }
.LBB2_4:
0x4a: {  	s0 =	smul.u32 $0x50, s31;
	_ =	sdelay $0x1  }
0x4b: {  	s0 =	sadd.s32 s17, s0  }
0x4c: {  	s4 =	sshrl.u32 s0, $0x3  }
0x4d: {  	s9 =	sadd.s32 s6, s4  }
0x4e: {  	[tilespmem:s23], [sflag:$0x2] =	stream.linear.gather [hbm4b:s9+s30], $0x50, $0x38;
	[tilespmem:$0x1B180] =	vst v63  }
0x4f: {  	_ =	swait.ge [sflag:s22], $0x50  }
0x50: {  	[sflag:s22] =	ssyncset.done $0x0  }
0x51: {  	s4 =	sadd.s32 s7, s4;
	[sflag:s22] =	ssyncadd.s32 $0xFFFFFFB0  }
0x52: {  	[tilespmem:s24], [sflag:$0x2] =	stream.linear.gather [hbm4b:s4+s30], $0x50, $0x38;
	[tilespmem:$0x1B180] =	vst v63  }
0x53: {  	_ =	swait.ge [sflag:s22], $0x50  }
0x54: {  	[sflag:s22] =	ssyncset.done $0x0  }
0x55: {  	[sflag:s22] =	ssyncadd.s32 $0xFFFFFFB0  }
0x56: {  	[tilespmem:s26], [sflag:$0x1] =	stream.indirect.gather [hbm4b:s1+s25], $0x80, s23, s25, $0xb8;
	[tilespmem:$0x1B180] =	vst v63  }
0x57: {  	_ =	swait.ge [sflag:s28], $0x2800  }
0x58: {  	s0 =	sshll.u32 s0, $0x4;
	[sflag:s28] =	ssyncset.done $0x0  }
0x59: {  	s0 =	sadd.s32 s5, s0;
	[sflag:s28] =	ssyncadd.s32 $0xFFFFD800  }
0x5a: {  	[tilespmem:s29], [sflag:$0x2] =	stream.linear.gather [hbm4b:s0+s30], $0x2800, $0x38;
	[tilespmem:$0x1B180] =	vst v63  }
0x5b: {  	_ =	swait.ge [sflag:s22], $0x2800  }
0x5c: {  	[sflag:s22] =	ssyncset.done $0x0  }
0x5d: {  	s0 =	simm.s32 $0x0;
	[sflag:s22] =	ssyncadd.s32 $0xFFFFD800  }
0x5e: {  	v1 =	vld [tilespmem:s0+$0x139F0]  }
0x5f: {  	v2 =	vld [tilespmem:s0+$0x161F0]  }
0x60: {  	v3 =	vld [tilespmem:s0+$0x13980]  }
0x61: {  	v4 =	vld [tilespmem:s0+$0x16180]  }
0x62: {  	v5 =	vld [tilespmem:s0+$0x13990]  }
0x63: {  	v6 =	vld [tilespmem:s0+$0x16190]  }
0x64: {  	v7 =	vld [tilespmem:s0+$0x139A0]  }
0x65: {  	v1 =	vadd.f32 v2, v1;
	v2 =	vld [tilespmem:s0+$0x161A0]  }
0x66: {  	v8 =	vld [tilespmem:s0+$0x139B0]  }
0x67: {  	v9 =	vld [tilespmem:s0+$0x161B0];
	v3 =	vadd.f32 v4, v3  }
0x68: {  	v10 =	vld [tilespmem:s0+$0x139C0];
	v1 =	vmax.f32 v1, $0.0e+00  }
0x69: {  	[tilespmem:s0+$0x189F0] =	vst v1;
	v1 =	vmax.f32 v3, $0.0e+00;
	v3 =	vadd.f32 v6, v5;
	v6 =	vld [tilespmem:s0+$0x161C0]  }
0x6a: {  	v4 =	vld [tilespmem:s0+$0x161D0];
	v2 =	vadd.f32 v2, v7  }
0x6b: {  	[tilespmem:s0+$0x18980] =	vst v1;
	v1 =	vld [tilespmem:s0+$0x139D0];
	v3 =	vmax.f32 v3, $0.0e+00  }
0x6c: {  	v5 =	vld [tilespmem:s0+$0x161E0];
	v7 =	vadd.f32 v9, v8;
	[tilespmem:s0+$0x18990] =	vst v3;
	v3 =	vmax.f32 v2, $0.0e+00  }
0x6d: {  	s4 =	simm.s32 $0x80;
	v2 =	vld [tilespmem:s0+$0x139E0];
	[tilespmem:s0+$0x189A0] =	vst v3  }
0x6e: {  	s9 =	simm.s32 $0x400;
	v7 =	vmax.f32 v7, $0.0e+00;
	v6 =	vadd.f32 v6, v10;
	v3 =	vld [tilespmem:s4+$0x139F0]  }
.LBB2_5:
0x6f: {  	p1 =	sne.s32 s9, $0x9E00;
	v8 =	vld [tilespmem:s4+$0x161F0];
	[tilespmem:s0+$0x189B0] =	vst v7  }
0x70: {  	v7 =	vld [tilespmem:s4+$0x13980];
	v6 =	vmax.f32 v6, $0.0e+00;
	v1 =	vadd.f32 v4, v1  }
0x71: {  	v4 =	vld [tilespmem:s4+$0x16180];
	[tilespmem:s0+$0x189C0] =	vst v6  }
0x72: {  	v6 =	vld [tilespmem:s4+$0x13990];
	v1 =	vmax.f32 v1, $0.0e+00;
	v2 =	vadd.f32 v5, v2  }
0x73: {  	v5 =	vld [tilespmem:s4+$0x16190];
	[tilespmem:s0+$0x189D0] =	vst v1  }
0x74: {  	v1 =	vld [tilespmem:s4+$0x139A0];
	v3 =	vadd.f32 v8, v3;
	v2 =	vmax.f32 v2, $0.0e+00  }
0x75: {  	v8 =	vld [tilespmem:s4+$0x161A0];
	[tilespmem:s0+$0x189E0] =	vst v2;
	s0 =	smov.u32 s4  }
0x76: {  	v2 =	vadd.f32 v4, v7;
	v7 =	vld [tilespmem:s0+$0x139B0];
	v3 =	vmax.f32 v3, $0.0e+00  }
0x77: {  	v9 =	vld [tilespmem:s0+$0x161B0];
	[tilespmem:s0+$0x189F0] =	vst v3  }
0x78: {  	v2 =	vmax.f32 v2, $0.0e+00;
	v3 =	vadd.f32 v5, v6;
	v6 =	vld [tilespmem:s0+$0x139C0]  }
0x79: {  	[tilespmem:s0+$0x18980] =	vst v2;
	v10 =	vld [tilespmem:s0+$0x161C0]  }
.Ltmp1:
0x7a: {  	v2 =	vmax.f32 v3, $0.0e+00;
	v3 =	vadd.f32 v8, v1;
	v1 =	vld [tilespmem:s0+$0x139D0];
	(pc) =	sbr.rel @p1 .LBB2_5-.Ltmp1, $4  }
0x7b: {  	[tilespmem:s0+$0x18990] =	vst v2;
	v4 =	vld [tilespmem:s0+$0x161D0]  }
0x7c: {  	v3 =	vmax.f32 v3, $0.0e+00;
	v7 =	vadd.f32 v9, v7;
	v2 =	vld [tilespmem:s0+$0x139E0]  }
0x7d: {  	s4 =	sshra.s32 s9, $0x2;
	[tilespmem:s0+$0x189A0] =	vst v3;
	v5 =	vld [tilespmem:s0+$0x161E0]  }
0x7e: {  	s9 =	sadd.s32 $0x200, s9;
	v3 =	vld [tilespmem:s4+$0x139F0];
	v7 =	vmax.f32 v7, $0.0e+00;
	v6 =	vadd.f32 v10, v6  }
0x7f: {  	v8 =	vld [tilespmem:s4+$0x161F0];
	[tilespmem:s0+$0x189B0] =	vst v7  }
0x80: {  	v7 =	vld [tilespmem:s4+$0x13980];
	v6 =	vmax.f32 v6, $0.0e+00;
	v1 =	vadd.f32 v4, v1  }
0x81: {  	v9 =	vld [tilespmem:s4+$0x16180];
	[tilespmem:s0+$0x189C0] =	vst v6  }
0x82: {  	v57 =	vld [tilespmem:s4+$0x13990];
	v1 =	vmax.f32 v1, $0.0e+00;
	v2 =	vadd.f32 v5, v2  }
0x83: {  	v6 =	vld [tilespmem:s4+$0x16190];
	[tilespmem:s0+$0x189D0] =	vst v1  }
0x84: {  	v1 =	vld [tilespmem:s4+$0x139A0];
	v2 =	vmax.f32 v2, $0.0e+00  }
0x85: {  	v58 =	vld [tilespmem:s4+$0x161A0];
	[tilespmem:s0+$0x189E0] =	vst v2  }
0x86: {  	v2 =	vld [tilespmem:s4+$0x139B0]  }
0x87: {  	v3 =	vadd.f32 v8, v3;
	v59 =	vld [tilespmem:s4+$0x161B0]  }
0x88: {  	v7 =	vadd.f32 v9, v7;
	v60 =	vld [tilespmem:s4+$0x139C0]  }
0x89: {  	v3 =	vmax.f32 v3, $0.0e+00;
	v61 =	vld [tilespmem:s4+$0x139D0]  }
0x8a: {  	v62 =	vld [tilespmem:s4+$0x161D0];
	[tilespmem:s4+$0x189F0] =	vst v3;
	v3 =	vmax.f32 v7, $0.0e+00;
	v1 =	vadd.f32 v58, v1  }
0x8b: {  	[tilespmem:s4+$0x18980] =	vst v3;
	v3 =	vld [tilespmem:s4+$0x161C0]  }
0x8c: {  	v63 =	vld [tilespmem:s4+$0x139E0];
	v1 =	vmax.f32 v1, $0.0e+00  }
0x8d: {  	[tilespmem:s4+$0x189A0] =	vst v1;
	v1 =	vld [tilespmem:s4+$0x161E0]  }
0x8e: {  	v4 =	vadd.f32 v6, v57  }
0x8f: {  	v2 =	vadd.f32 v59, v2  }
0x90: {  	v4 =	vmax.f32 v4, $0.0e+00;
	v3 =	vadd.f32 v3, v60  }
0x91: {  	[tilespmem:s4+$0x18990] =	vst v4;
	v4 =	vadd.f32 v62, v61;
	v2 =	vmax.f32 v2, $0.0e+00  }
0x92: {  	[tilespmem:s4+$0x189B0] =	vst v2;
	v2 =	vmax.f32 v3, $0.0e+00;
	v1 =	vadd.f32 v1, v63  }
0x93: {  	s31 =	sadd.s32 $0x1, s31;
	[tilespmem:s4+$0x189C0] =	vst v2;
	v2 =	vmax.f32 v4, $0.0e+00  }
0x94: {  	p1 =	sne.s32 s31, $0x7D;
	[tilespmem:s4+$0x189D0] =	vst v2;
	v1 =	vmax.f32 v1, $0.0e+00  }
.Ltmp2:
0x95: {  	[tilespmem:s4+$0x189E0] =	vst v1;
	(pc) =	sbr.rel @p1 .LBB2_4-.Ltmp2, $4  }
0x96: {  	[spmem:s2] =	stream.indirect.scatter.add.f32 [tilespmem:s21], [sflag:$0x2], $0x80, s24, s25, $0xb8;
	[tilespmem:$0x1B180] =	vst v63  }
0x97: {  	_ =	swait.ge [sflag:s22], $0x2800  }
0x98: {  	[sflag:s22] =	ssyncset.done $0x0  }
0x99: {  	[sflag:s22] =	ssyncadd.s32 $0xFFFFD800  }
0x9a: {  	s0 =	stileid.u32  }
0x9b: {  	s0 =	sshll.u32 s0, $0x6  }
0x9c: {  	[bflag:$0x0] =	sbarrier.arrive $0xFFFF;
	s4 =	sshrl.u32 s8, $0x3;
	s0 =	sor.u32 $0x1C02, s0  }
0x9d: {  	[hbm:s18], [sflag:s0] =	dma.local [spmem:s4], $0x2700  }
0x9e: {  	_ =	swait.ge [sflag:s22], $0x2700  }
0x9f: {  	s3 =	sadd.s32 $0x1, s3;
	[sflag:s22] =	ssyncset.done $0x0  }
0xa0: {  	p1 =	sne.s32 s3, s20;
	s4 =	sshrl.u32 @!p0 s16, $0x3;
	[sflag:s22] =	ssyncadd.s32 $0xFFFFD900  }
0xa1: {  	[hbm:s19], [sflag:s0] =	dma.local @!p0 [spmem:s4], $0x100  }
.Ltmp3:
0xa2: {  	_ = 	snop;
	(pc) =	sbr.rel @p1 .LBB2_1-.Ltmp3, $4  }
0xa3: {  	s0 =	simm.s32 @!p0 $0x2  }
0xa4: {  	_ =	swait.ge @!p0 [sflag:s0], $0x100  }
0xa5: {  	[sflag:s0] =	ssyncset.done @!p0 $0x0  }
0xa6: {  	[sflag:s0] =	ssyncadd.s32 @!p0 $0xFFFFFF00  }
0xa7: {  	_ =	sfence.sel $0x180000  }
0xa8: {  	[bflag:$0x0] =	sbarrier.arrive $0xFFFF  }
0xa9: {  	_ =	strace $0x90000047  }
0xaa: {  	s0 =	stileid.u32;
	[bflag:$0x2] =	sbarrier.arrive $0xFFFF  }
0xab: {  	p0 =	sne.s32 s0, $0x0;
	s0 =	rddreg [dreg:$0x3]  }
0xac: {  	s0 =	sadd.s32 @!p0 $0x100000, s0  }
0xad: {  	[sflag:s0] =	ssyncadd.tile.s32 @!p0 $0x1;
	_ =	shalt  }
.Lfunc_end2:
_tile_overlayer_lowered:
.L_overlay_start_2:
0xae: {  	(tag) =	ssettag $0x2  }
0xaf: {  	s0 =	rddreg [dreg:$0x0];
	s2 =	stileid.u32  }
0xb0: {  	s1 =	rddreg [dreg:$0x1];
	p0 =	sne.s32 s2, $0x0  }
0xb1: {  	s3 =	rddreg [dreg:$0x2];
	[bflag:$0x3] =	sbarrier.arrive $0xFFFF;
	s2 =	simm.s32 @!p0 $0x1C02  }
0xb2: {  	[timem:s3], [sflag:s2] =	dma.local @!p0 [hbm:s0], s1  }
0xb3: {  	s0 =	simm.s32 @!p0 $0x2  }
0xb4: {  	_ =	swait.ge @!p0 [sflag:s0], s1  }
0xb5: {  	s1 =	ssub.s32 @!p0 $0x0, s1;
	[sflag:s0] =	ssyncset.done @!p0 $0x0  }
0xb6: {  	[sflag:s0] =	ssyncadd.s32 @!p0 s1  }
0xb7: {  	[bflag:$0x3] =	sbarrier.arrive $0xFFFF  }
0xb8: {  	_ =	shalt  }

// kernel: kernel.17.cloned.1.call-start
scs
__scs_entry_jumppad:
0x0: {  	(pc) =	sbr.rel $0x88, $3  }
0x1: {  	(tag) =	ssettag $0x0;
	lr =	simm.s32 $0x1  }
0x2: {  	[smem:$0x3F91] =	sst lr;
	_ =	strace $0xD0000000  }
0x3: {  	_ = 	snop  }
0x4: {  	_ = 	snop  }
0x5: {  	_ = 	snop  }
0x6: {  	_ = 	snop  }
0x7: {  	_ = 	snop  }
__scs_overlays_trampoline_lowered:
0x8: {  	[smem:$0x3FA0] =	sst s0  }
0x9: {  	[smem:$0x3FA1] =	sst s1  }
0xa: {  	[smem:$0x3FA2] =	sst s2  }
0xb: {  	[smem:$0x3FA3] =	sst s3  }
0xc: {  	[smem:$0x3FA4] =	sst s4  }
0xd: {  	[smem:$0x3FA5] =	sst s5  }
0xe: {  	[smem:$0x3FA6] =	sst s6  }
0xf: {  	[smem:$0x3FA7] =	sst s7  }
0x10: {  	[smem:$0x3FA8] =	sst s8  }
0x11: {  	[smem:$0x3FA9] =	sst s9;
	s0 =	simm.s32 @!p0 $0x0  }
0x12: {  	s1 =	sld [smem:$0x3F8F];
	s0 =	simm.s32 @p0 $0x1  }
0x13: {  	[smem:$0x3FAA] =	sst s0;
	s0 =	simm.s32 @!p1 $0x0  }
0x14: {  	s2 =	sld [smem:$0x3F8E];
	s0 =	simm.s32 @p1 $0x1  }
0x15: {  	[smem:$0x3FAB] =	sst s0;
	s0 =	simm.s32 @!p2 $0x0  }
0x16: {  	s3 =	sld [smem:$0x3FDB];
	s0 =	simm.s32 @p2 $0x1  }
0x17: {  	s4 =	simm.s32 $0x1BF5;
	[smem:$0x3FAD] =	sst s0  }
0x18: {  	s0 =	sld [smem:$0x3F90];
	_ =	swait.ge [sflag:s4], $0x0  }
0x19: {  	s7 =	sld [smem:$0x3F91]  }
0x1a: {  	s8 =	sadd.s32 $0xFFFFE003, lr  }
0x1b: {  	s9 =	sadd.s32 $0xFFFFFEF7, lr;
	s5 =	simm.s32 $0xFFFFFFFF;
	p2 =	slt.u32 s8, $0xFFFFF086  }
0x1c: {  	p1 =	slt.u32 s9, $0xF7A;
	s5 =	simm.s32 @!p2 $0x0  }
0x1d: {  	s5 =	simm.s32 @p1 $0x1;
	p0 =	seq.s32 s7, s2  }
0x1e: {  	s7 =	smul.u32 @!p0 $0xF7A, s2;
	p2 =	seq.s32 @!p0 s5, $0x0  }
0x1f: {  	s9 =	smul.u32 $0xF7A, s1;
	s8 =	simm.s32 @!p0 $0x1BF5;
	p2 =	por !p2, p0  }
0x20: {  	[sflag:s8] =	ssyncset.s32 @!p0 $0xFFFFF086;
	s6 =	sadd.s32 @!p0 s3, s7;
	s7 =	simm.s32 @!p0 $0x108  }
0x21: {  	s3 =	sadd.s32 s3, s9;
	s6 =	sadd.s32 @!p0 $0x88, s6;
	s7 =	simm.s32 @p2 $0x1082  }
0x22: {  	[simem:s7], [sflag:s8] =	dma.local @!p0 [hbm:s6], $0xF7A  }
0x23: {  	s9 =	sor.u32 $0xD0000000, s2;
	s6 =	simm.s32 $0x108;
	_ =	swait.ge @!p0 [sflag:s8], $0x0  }
0x24: {  	s3 =	sadd.s32 $0x88, s3;
	s6 =	simm.s32 @!p1 $0x1082;
	[sflag:s4] =	ssyncset.s32 $0xFFFFF086  }
0x25: {  	[simem:s6], [sflag:s4] =	dma.local [hbm:s3], $0xF7A  }
0x26: {  	[smem:$0x3F91] =	sst s1;
	(tag) =	ssettag s2;
	_ =	strace s9  }
0x27: {  	s1 =	sld [smem:$0x3FA1]  }
0x28: {  	s2 =	sld [smem:$0x3FA2]  }
0x29: {  	s4 =	sld [smem:$0x3FA4]  }
0x2a: {  	p0 =	seq.s32 s5, $0x0;
	s5 =	sld [smem:$0x3FA5]  }
0x2b: {  	s6 =	sld [smem:$0x3FA6]  }
0x2c: {  	s7 =	sld [smem:$0x3FA7]  }
0x2d: {  	s3 =	simm.s32 $0x108;
	s8 =	sld [smem:$0x3FA8]  }
0x2e: {  	s3 =	simm.s32 @!p0 $0x1082;
	s9 =	sld [smem:$0x3FA9]  }
0x2f: {  	lr =	sadd.s32 s0, s3;
	s0 =	sld [smem:$0x3FA0]  }
0x30: {  	s3 =	sld [smem:$0x3FA3]  }
0x31: {  	[smem:$0x3FAC] =	sst s10  }
0x32: {  	s10 =	sld [smem:$0x3FAA];
	_ =	sdelay $0x3  }
0x33: {  	p0 =	seq.s32 s10, $0x1;
	s10 =	sld [smem:$0x3FAC];
	_ =	sdelay $0x3  }
0x34: {  	[smem:$0x3FAC] =	sst s10  }
0x35: {  	s10 =	sld [smem:$0x3FAB];
	_ =	sdelay $0x3  }
0x36: {  	p1 =	seq.s32 s10, $0x1;
	s10 =	sld [smem:$0x3FAC];
	_ =	sdelay $0x3  }
0x37: {  	[smem:$0x3FAC] =	sst s10  }
0x38: {  	s10 =	sld [smem:$0x3FAD]  }
0x39: {  	_ = 	snop;
	(pc) =	sbr.ind lr, $3  }
0x3a: {  	_ = 	snop  }
0x3b: {  	_ = 	snop  }
0x3c: {  	p2 =	seq.s32 s10, $0x1;
	s10 =	sld [smem:$0x3FAC]  }
0x3d: {  	_ =	shalt  }
0x3e: {  	_ =	shalt  }
0x3f: {  	_ =	shalt  }
0x40: {  	_ =	shalt  }
0x41: {  	_ =	shalt  }
0x42: {  	_ =	shalt  }
0x43: {  	_ =	shalt  }
0x44: {  	_ =	shalt  }
0x45: {  	_ =	shalt  }
0x46: {  	_ =	shalt  }
0x47: {  	_ =	shalt  }
0x48: {  	_ =	shalt  }
0x49: {  	_ =	shalt  }
0x4a: {  	_ =	shalt  }
0x4b: {  	_ =	shalt  }
0x4c: {  	_ =	shalt  }
0x4d: {  	_ =	shalt  }
0x4e: {  	_ =	shalt  }
0x4f: {  	_ =	shalt  }
0x50: {  	_ =	shalt  }
0x51: {  	_ =	shalt  }
0x52: {  	_ =	shalt  }
0x53: {  	_ =	shalt  }
0x54: {  	_ =	shalt  }
0x55: {  	_ =	shalt  }
0x56: {  	_ =	shalt  }
0x57: {  	_ =	shalt  }
0x58: {  	_ =	shalt  }
0x59: {  	_ =	shalt  }
0x5a: {  	_ =	shalt  }
0x5b: {  	_ =	shalt  }
0x5c: {  	_ =	shalt  }
0x5d: {  	_ =	shalt  }
0x5e: {  	_ =	shalt  }
0x5f: {  	_ =	shalt  }
0x60: {  	_ =	shalt  }
0x61: {  	_ =	shalt  }
0x62: {  	_ =	shalt  }
0x63: {  	_ =	shalt  }
0x64: {  	_ =	shalt  }
0x65: {  	_ =	shalt  }
0x66: {  	_ =	shalt  }
0x67: {  	_ =	shalt  }
0x68: {  	_ =	shalt  }
0x69: {  	_ =	shalt  }
0x6a: {  	_ =	shalt  }
0x6b: {  	_ =	shalt  }
0x6c: {  	_ =	shalt  }
0x6d: {  	_ =	shalt  }
0x6e: {  	_ =	shalt  }
0x6f: {  	_ =	shalt  }
0x70: {  	_ =	shalt  }
0x71: {  	_ =	shalt  }
0x72: {  	_ =	shalt  }
0x73: {  	_ =	shalt  }
0x74: {  	_ =	shalt  }
0x75: {  	_ =	shalt  }
0x76: {  	_ =	shalt  }
0x77: {  	_ =	shalt  }
0x78: {  	_ =	shalt  }
0x79: {  	_ =	shalt  }
0x7a: {  	_ =	shalt  }
0x7b: {  	_ =	shalt  }
0x7c: {  	_ =	shalt  }
0x7d: {  	_ =	shalt  }
0x7e: {  	_ =	shalt  }
0x7f: {  	_ =	shalt  }
0x80: {  	_ =	shalt  }
0x81: {  	_ =	shalt  }
0x82: {  	_ =	shalt  }
0x83: {  	_ =	shalt  }
0x84: {  	_ =	shalt  }
0x85: {  	_ =	shalt  }
0x86: {  	_ =	shalt  }
0x87: {  	_ =	shalt  }
.Lfunc_end0:
.L_simem_size_0:
called_computation.1_lowered:
.L_overlay_start_0:
0x88: {  	s2 =	sld [smem:$0x3FD9]  }
0x89: {  	s3 =	sld [smem:$0x3FFE];
	_ =	sdelay $0x1  }
0x8a: {  	s1 =	srdreg.scid  }
0x8b: {  	s0 =	sand.u32 $0x1, s1  }
0x8c: {  	s17 =	sshll.u32 s0, $0xA;
	s2 =	sadd.s32 s3, s2  }
0x8d: {  	s2 =	sadd.s32 s2, s17  }
0x8e: {  	[smem:$0x3FB8] =	sst s2  }
0x8f: {  	_ = 	snop  }
0x90: {  	(tm) =	ssettm $0x1  }
0x91: {  	s18 =	sld [smem:$0x3FFB];
	_ =	sdelay $0x3  }
0x92: {  	_ =	strace s18  }
0x93: {  	s2 =	sld [smem:$0x3FFC];
	_ =	sdelay $0x3  }
0x94: {  	_ =	strace s2  }
0x95: {  	s2 =	sld [smem:$0x3FFD];
	_ =	sdelay $0x3  }
0x96: {  	_ =	strace s2  }
0x97: {  	_ =	strace $0x8FFFFFFF  }
0x98: {  	s19 =	sld [smem:$0x3FDB];
	_ =	sdelay $0x1  }
0x99: {  	s20 =	simm.s32 $_scs_section_size  }
0x9a: {  	s4 =	simm.s32 $_size__tile_overlayer_lowered;
	s5 =	simm.s32 $_tile_overlayer_lowered  }
0x9b: {  	s6 =	simm.s32 $0x1BFF;
	s21 =	sshll.u32 s5, $0x1;
	s3 =	sadd.s32 s20, s19  }
0x9c: {  	s22 =	simm.s32 $0x0;
	s4 =	sshll.u32 s4, $0x1;
	s5 =	sadd.s32 s21, s3  }
0x9d: {  	[timem:s22], [sflag:s6] =	dma.local [hbm:s5], s4  }
0x9e: {  	_ =	swait.ge [sflag:s6], s4  }
0x9f: {  	s4 =	ssub.s32 $0x0, s4;
	[sflag:s6] =	ssyncset.done $0x0  }
0xa0: {  	[sflag:s6] =	ssyncadd.s32 s4;
	_ =	sdelay $0x1  }
0xa1: {  	s23 =	simm.s32 $0x1B8B  }
0xa2: {  	_ =	swait.ge [sflag:s23], $0x1  }
0xa3: {  	[sflag:s23] =	ssyncset.done $0x0  }
0xa4: {  	[sflag:s23] =	ssyncadd.s32 $0xFFFFFFFF  }
0xa5: {  	s4 =	sld [smem:$0x0]  }
0xa6: {  	s5 =	sand.u32 $0xFFFFFFFE, s1  }
0xa7: {  	p0 =	sne.s32 s1, s5  }
0xa8: {  	s5 =	sshll.u32 @p0 s5, $0xE  }
0xa9: {  	s5 =	sadd.s32 @p0 $0x11B8D, s5;
	s6 =	sshll.u32 @p0 s4, $0x11  }
0xaa: {  	s5 =	sor.u32 @p0 s6, s5  }
0xab: {  	[sflag:s5] =	ssyncadd.remote.s32 @p0 $0x1;
	_ =	sdelay $0x1  }
0xac: {  	s5 =	simm.s32 @p0 $0x1B8D  }
0xad: {  	_ =	swait.eq @p0 [sflag:s5], $0x1  }
0xae: {  	[sflag:s5] =	ssyncadd.s32 @p0 $0xFFFFFFFF  }
0xaf: {  	s6 =	sshll.u32 @!p0 s1, $0xE  }
0xb0: {  	s6 =	sor.u32 @!p0 $0x4000, s6;
	s5 =	simm.s32 @!p0 $0x1B8D  }
0xb1: {  	s4 =	sshll.u32 @!p0 s4, $0x11;
	s6 =	sadd.s32 @!p0 $0x11B8D, s6;
	_ =	swait.eq @!p0 [sflag:s5], $0x1  }
0xb2: {  	s4 =	sor.u32 @!p0 s4, s6;
	[sflag:s5] =	ssyncadd.s32 @!p0 $0xFFFFFFFF  }
0xb3: {  	s25 =	simm.s32 $0x1B8E;
	s24 =	sld [smem:$0x3FFE];
	[sflag:s4] =	ssyncadd.remote.s32 @!p0 $0x1  }
0xb4: {  	s26 =	simm.s32 $execute0_lowered;
	[smem:$0x3FD2] =	sst s25  }
0xb5: {  	s5 =	sshll.u32 s26, $0x1;
	_ =	strace $0x8000004C;
	[dreg:$0x1] =	wrdreg $0xFFFFFFFF  }
0xb6: {  	s28 =	simm.s32 $_size_execute0_lowered;
	s3 =	sadd.s32 s3, s5;
	[dreg:$0x0] =	wrdreg $0x0  }
0xb7: {  	s5 =	sshll.u32 s28, $0x1;
	[dreg:$0x2] =	wrdreg s3  }
0xb8: {  	[dreg:$0x3] =	wrdreg s5  }
0xb9: {  	[dreg:$0x4] =	wrdreg $0xC0  }
0xba: {  	_ =	task [dreg:s22], $0x5FFFF  }
0xbb: {  	[dreg:$0x1] =	wrdreg $0xFFFFFFFF  }
0xbc: {  	[dreg:$0x0] =	wrdreg $0x60  }
0xbd: {  	[dreg:$0x2] =	wrdreg s24  }
0xbe: {  	[dreg:$0x3] =	wrdreg $0x0  }
0xbf: {  	[dreg:$0x4] =	wrdreg $0x9  }
0xc0: {  	_ =	task.clear_ibuf [dreg:s22], $0x5FFFF;
	_ =	strace $0x9000004C  }
0xc1: {  	s29 =	simm.s32 $0x9;
	_ =	strace $0x8000004E  }
0xc2: {  	_ =	swait.ge [sflag:s29], $0x1  }
0xc3: {  	[sflag:s29] =	ssyncadd.s32 $0xFFFFFFFF  }
0xc4: {  	_ =	strace $0x9000004E  }
0xc5: {  	_ =	sfence  }
0xc6: {  	s30 =	sld [smem:$0x0];
	_ =	sdelay $0x2  }
0xc7: {  	s31 =	sshll.u32 s1, $0xD;
	s1 =	sshrl.u32 s1, $0x2  }
0xc8: {  	s4 =	sand.u32 $0x4000, s31;
	s1 =	sadd.s32 s1, s30  }
0xc9: {  	s0 =	sor.u32 s4, s0;
	s1 =	sshll.u32 s1, $0x11  }
0xca: {  	s0 =	sor.u32 s1, s0  }
0xcb: {  	s0 =	sadd.s32 $0x8F2B, s0  }
0xcc: {  	[sflag:s0] =	ssyncadd.remote.s32 $0x1  }
0xcd: {  	_ =	sfence.sel $0xFFFF  }
0xce: {  	[dreg:$0x0] =	wrdreg $0xFFFFFFFF;
	(pc) =	sbr.abs _section_cstart, $3  }
0xcf: {  	[dreg:$0x1] =	wrdreg $0xFFFFFFFF  }
0xd0: {  	_ =	task.clear_ibuf [dreg:s22], $0x2FFFF;
	_ =	strace $0x9FFFFFFF  }
0xd1: {  	(tm) =	ssettm $0x7FFFFFFF  }
tec
execute0_lowered:
.L_overlay_start_1:
0x0: {  	(tag) =	ssettag $0x1  }
0x1: {  	s0 =	rddreg [dreg:$0x0]  }
0x2: {  	s1 =	rddreg [dreg:$0x1]  }
0x3: {  	s2 =	simm.s32 $0x0;
	s3 =	srdreg.scid;
	s21 =	stileid.u32  }
0x4: {  	s22 =	simm.s32 $0x2;
	s23 =	simm.s32 $0x13880;
	s24 =	simm.s32 $0x13900  }
0x5: {  	s25 =	simm.s32 $0x50;
	s26 =	simm.s32 $0x13980;
	s28 =	simm.s32 $0x1  }
0x6: {  	s29 =	simm.s32 $0x16180;
	[smem:$0x7FF] =	sst s2;
	s4 =	sadd.s32 $0x4FDA00, s0  }
0x7: {  	s30 =	simm.s32 $0x0;
	s5 =	sadd.s32 $0x138FE00, s0;
	s6 =	sadd.s32 $0x4F3C00, s0  }
0x8: {  	s3 =	sand.u32 $0x1, s3;
	s8 =	smul.u32 $0x4E000, s21;
	s7 =	sadd.s32 $0x4E9E00, s0  }
0x9: {  	s0 =	sadd.s32 $0x7E00, s0;
	s18 =	smul.u32 $0x13800, s21;
	s16 =	sadd.s32 $0x138000, s1  }
0xa: {  	p0 =	sne.s32 s21, $0xF;
	_ =	strace $0x8000004D;
	s9 =	ssub.s32 $0x2, s3  }
0xb: {  	s11 =	sshll.u32 s3, $0x4;
	s3 =	smul.u32 $0x138800, s3;
	s10 =	sshrl.u32 s9, $0x1  }
0xc: {  	s8 =	sshrl.u32 s8, $0x2;
	s17 =	sor.u32 s21, s11;
	s21 =	simm.s32 $0x18980  }
0xd: {  	s9 =	ssub.s32 s9, s10;
	s8 =	sadd.s32 s8, s1;
	s18 =	sadd.s32 s18, s3  }
0xe: {  	s3 =	sshrl.u32 s3, $0x3;
	s17 =	smul.u32 $0x2710, s17;
	s31 =	sadd.s32 $0x2800, s8  }
0xf: {  	s10 =	sadd.s32 $0x5000, s8;
	s11 =	sadd.s32 $0x7800, s8;
	s12 =	sadd.s32 $0xA000, s8  }
0x10: {  	s13 =	sadd.s32 $0xC800, s8;
	s14 =	sadd.s32 $0xF000, s8;
	s15 =	sadd.s32 $0x11800, s8  }
0x11: {  	s18 =	sshrl.u32 s18, $0x3;
	s3 =	sadd.s32 s0, s3;
	s20 =	smax.u32 s9, $0x1  }
0x12: {  	v0 =	vimm.f32 $0.0e+00;
	[dreg:$0x3] =	wrdreg s31;
	s18 =	sadd.s32 s0, s18;
	s19 =	sadd.s32 $0x27000, s3  }
.LBB2_1:
0x13: {  	s0 =	simm.s32 $0x0;
	s3 =	simm.s32 $0x200  }
.LBB2_2:
0x14: {  	p1 =	sne.s32 s3, $0x9E00;
	[tilespmem:s0+$0x189F0] =	vst v0  }
0x15: {  	[tilespmem:s0+$0x18980] =	vst v0  }
0x16: {  	[tilespmem:s0+$0x18990] =	vst v0  }
.Ltmp0:
0x17: {  	[tilespmem:s0+$0x189A0] =	vst v0;
	(pc) =	sbr.rel @p1 .LBB2_2-.Ltmp0, $4  }
0x18: {  	[tilespmem:s0+$0x189B0] =	vst v0  }
0x19: {  	[tilespmem:s0+$0x189C0] =	vst v0  }
0x1a: {  	[tilespmem:s0+$0x189D0] =	vst v0  }
0x1b: {  	[tilespmem:s0+$0x189E0] =	vst v0;
	s0 =	sshra.s32 s3, $0x2;
	s3 =	sadd.s32 $0x200, s3  }
0x1c: {  	[tilespmem:s0+$0x189F0] =	vst v0  }
0x1d: {  	[tilespmem:s0+$0x18980] =	vst v0  }
0x1e: {  	[tilespmem:s0+$0x18990] =	vst v0  }
0x1f: {  	[tilespmem:s0+$0x189A0] =	vst v0  }
0x20: {  	[tilespmem:s0+$0x189B0] =	vst v0  }
0x21: {  	[tilespmem:s0+$0x189C0] =	vst v0  }
0x22: {  	[tilespmem:s0+$0x189D0] =	vst v0  }
0x23: {  	[tilespmem:s0+$0x189E0] =	vst v0  }
0x24: {  	[spmem:s8] =	stream.linear.scatter [tilespmem:s21], [sflag:$0x2], $0x2800, $0x38;
	[tilespmem:$0x1B180] =	vst v63  }
0x25: {  	_ =	swait.ge [sflag:s22], $0x2800  }
0x26: {  	[sflag:s22] =	ssyncset.done $0x0  }
0x27: {  	s9 =	rddreg [dreg:$0x3];
	[sflag:s22] =	ssyncadd.s32 $0xFFFFD800  }
0x28: {  	[spmem:s9] =	stream.linear.scatter [tilespmem:s21], [sflag:$0x2], $0x2800, $0x38;
	[tilespmem:$0x1B180] =	vst v63  }
0x29: {  	_ =	swait.ge [sflag:s22], $0x2800  }
0x2a: {  	[sflag:s22] =	ssyncset.done $0x0  }
0x2b: {  	[sflag:s22] =	ssyncadd.s32 $0xFFFFD800  }
0x2c: {  	[spmem:s10] =	stream.linear.scatter [tilespmem:s21], [sflag:$0x2], $0x2800, $0x38;
	[tilespmem:$0x1B180] =	vst v63  }
0x2d: {  	_ =	swait.ge [sflag:s22], $0x2800  }
0x2e: {  	[sflag:s22] =	ssyncset.done $0x0  }
0x2f: {  	[sflag:s22] =	ssyncadd.s32 $0xFFFFD800  }
0x30: {  	[spmem:s11] =	stream.linear.scatter [tilespmem:s21], [sflag:$0x2], $0x2800, $0x38;
	[tilespmem:$0x1B180] =	vst v63  }
0x31: {  	_ =	swait.ge [sflag:s22], $0x2800  }
0x32: {  	[sflag:s22] =	ssyncset.done $0x0  }
0x33: {  	[sflag:s22] =	ssyncadd.s32 $0xFFFFD800  }
0x34: {  	[spmem:s12] =	stream.linear.scatter [tilespmem:s21], [sflag:$0x2], $0x2800, $0x38;
	[tilespmem:$0x1B180] =	vst v63  }
0x35: {  	_ =	swait.ge [sflag:s22], $0x2800  }
0x36: {  	[sflag:s22] =	ssyncset.done $0x0  }
0x37: {  	[sflag:s22] =	ssyncadd.s32 $0xFFFFD800  }
0x38: {  	[spmem:s13] =	stream.linear.scatter [tilespmem:s21], [sflag:$0x2], $0x2800, $0x38;
	[tilespmem:$0x1B180] =	vst v63  }
0x39: {  	_ =	swait.ge [sflag:s22], $0x2800  }
0x3a: {  	[sflag:s22] =	ssyncset.done $0x0  }
0x3b: {  	[sflag:s22] =	ssyncadd.s32 $0xFFFFD800  }
0x3c: {  	[spmem:s14] =	stream.linear.scatter [tilespmem:s21], [sflag:$0x2], $0x2800, $0x38;
	[tilespmem:$0x1B180] =	vst v63  }
0x3d: {  	_ =	swait.ge [sflag:s22], $0x2800  }
0x3e: {  	[sflag:s22] =	ssyncset.done $0x0  }
0x3f: {  	[sflag:s22] =	ssyncadd.s32 $0xFFFFD800  }
0x40: {  	[spmem:s15] =	stream.linear.scatter [tilespmem:s21], [sflag:$0x2], $0x2000, $0x38;
	[tilespmem:$0x1B180] =	vst v63  }
0x41: {  	_ =	swait.ge [sflag:s22], $0x2000  }
0x42: {  	[sflag:s22] =	ssyncset.done $0x0  }
0x43: {  	s0 =	simm.s32 @!p0 $0x18980;
	[sflag:s22] =	ssyncadd.s32 $0xFFFFE000  }
0x44: {  	[spmem:s16] =	stream.linear.scatter @!p0 [tilespmem:s0], [sflag:$0x2], $0x800, $0x38;
	[tilespmem:$0x1B180] =	vst v63  }
0x45: {  	s0 =	simm.s32 @!p0 $0x2  }
0x46: {  	_ =	swait.ge @!p0 [sflag:s0], $0x800  }
0x47: {  	[sflag:s0] =	ssyncset.done @!p0 $0x0  }
0x48: {  	[sflag:s0] =	ssyncadd.s32 @!p0 $0xFFFFF800  }
0x49: {  	s31 =	simm.s32 $0x0;
	[bflag:$0x0] =	sbarrier.arrive $0xFFFF  }
.LBB2_4:
0x4a: {  	s0 =	smul.u32 $0x50, s31;
	_ =	sdelay $0x1  }
0x4b: {  	s0 =	sadd.s32 s17, s0  }
0x4c: {  	s3 =	sshrl.u32 s0, $0x3  }
0x4d: {  	s9 =	sadd.s32 s6, s3  }
0x4e: {  	[tilespmem:s23], [sflag:$0x2] =	stream.linear.gather [hbm4b:s9+s30], $0x50, $0x38;
	[tilespmem:$0x1B180] =	vst v63  }
0x4f: {  	_ =	swait.ge [sflag:s22], $0x50  }
0x50: {  	[sflag:s22] =	ssyncset.done $0x0  }
0x51: {  	s3 =	sadd.s32 s7, s3;
	[sflag:s22] =	ssyncadd.s32 $0xFFFFFFB0  }
0x52: {  	[tilespmem:s24], [sflag:$0x2] =	stream.linear.gather [hbm4b:s3+s30], $0x50, $0x38;
	[tilespmem:$0x1B180] =	vst v63  }
0x53: {  	_ =	swait.ge [sflag:s22], $0x50  }
0x54: {  	[sflag:s22] =	ssyncset.done $0x0  }
0x55: {  	[sflag:s22] =	ssyncadd.s32 $0xFFFFFFB0  }
0x56: {  	[tilespmem:s26], [sflag:$0x1] =	stream.indirect.gather [hbm4b:s4+s25], $0x80, s23, s25, $0xb8;
	[tilespmem:$0x1B180] =	vst v63  }
0x57: {  	_ =	swait.ge [sflag:s28], $0x2800  }
0x58: {  	s0 =	sshll.u32 s0, $0x4;
	[sflag:s28] =	ssyncset.done $0x0  }
0x59: {  	s0 =	sadd.s32 s5, s0;
	[sflag:s28] =	ssyncadd.s32 $0xFFFFD800  }
0x5a: {  	[tilespmem:s29], [sflag:$0x2] =	stream.linear.gather [hbm4b:s0+s30], $0x2800, $0x38;
	[tilespmem:$0x1B180] =	vst v63  }
0x5b: {  	_ =	swait.ge [sflag:s22], $0x2800  }
0x5c: {  	[sflag:s22] =	ssyncset.done $0x0  }
0x5d: {  	s0 =	simm.s32 $0x0;
	[sflag:s22] =	ssyncadd.s32 $0xFFFFD800  }
0x5e: {  	v1 =	vld [tilespmem:s0+$0x139F0]  }
0x5f: {  	v2 =	vld [tilespmem:s0+$0x161F0]  }
0x60: {  	v3 =	vld [tilespmem:s0+$0x13980]  }
0x61: {  	v4 =	vld [tilespmem:s0+$0x16180]  }
0x62: {  	v5 =	vld [tilespmem:s0+$0x13990]  }
0x63: {  	v6 =	vld [tilespmem:s0+$0x16190]  }
0x64: {  	v7 =	vld [tilespmem:s0+$0x139A0]  }
0x65: {  	v1 =	vadd.f32 v2, v1;
	v2 =	vld [tilespmem:s0+$0x161A0]  }
0x66: {  	v8 =	vld [tilespmem:s0+$0x139B0]  }
0x67: {  	v9 =	vld [tilespmem:s0+$0x161B0];
	v3 =	vadd.f32 v4, v3  }
0x68: {  	v10 =	vld [tilespmem:s0+$0x139C0];
	v1 =	vmax.f32 v1, $0.0e+00  }
0x69: {  	[tilespmem:s0+$0x189F0] =	vst v1;
	v1 =	vmax.f32 v3, $0.0e+00;
	v3 =	vadd.f32 v6, v5;
	v6 =	vld [tilespmem:s0+$0x161C0]  }
0x6a: {  	v4 =	vld [tilespmem:s0+$0x161D0];
	v2 =	vadd.f32 v2, v7  }
0x6b: {  	[tilespmem:s0+$0x18980] =	vst v1;
	v1 =	vld [tilespmem:s0+$0x139D0];
	v3 =	vmax.f32 v3, $0.0e+00  }
0x6c: {  	v5 =	vld [tilespmem:s0+$0x161E0];
	v7 =	vadd.f32 v9, v8;
	[tilespmem:s0+$0x18990] =	vst v3;
	v3 =	vmax.f32 v2, $0.0e+00  }
0x6d: {  	s3 =	simm.s32 $0x80;
	v2 =	vld [tilespmem:s0+$0x139E0];
	[tilespmem:s0+$0x189A0] =	vst v3  }
0x6e: {  	s9 =	simm.s32 $0x400;
	v7 =	vmax.f32 v7, $0.0e+00;
	v6 =	vadd.f32 v6, v10;
	v3 =	vld [tilespmem:s3+$0x139F0]  }
.LBB2_5:
0x6f: {  	p1 =	sne.s32 s9, $0x9E00;
	v8 =	vld [tilespmem:s3+$0x161F0];
	[tilespmem:s0+$0x189B0] =	vst v7  }
0x70: {  	v7 =	vld [tilespmem:s3+$0x13980];
	v6 =	vmax.f32 v6, $0.0e+00;
	v1 =	vadd.f32 v4, v1  }
0x71: {  	v4 =	vld [tilespmem:s3+$0x16180];
	[tilespmem:s0+$0x189C0] =	vst v6  }
0x72: {  	v6 =	vld [tilespmem:s3+$0x13990];
	v1 =	vmax.f32 v1, $0.0e+00;
	v2 =	vadd.f32 v5, v2  }
0x73: {  	v5 =	vld [tilespmem:s3+$0x16190];
	[tilespmem:s0+$0x189D0] =	vst v1  }
0x74: {  	v1 =	vld [tilespmem:s3+$0x139A0];
	v3 =	vadd.f32 v8, v3;
	v2 =	vmax.f32 v2, $0.0e+00  }
0x75: {  	v8 =	vld [tilespmem:s3+$0x161A0];
	[tilespmem:s0+$0x189E0] =	vst v2;
	s0 =	smov.u32 s3  }
0x76: {  	v2 =	vadd.f32 v4, v7;
	v7 =	vld [tilespmem:s0+$0x139B0];
	v3 =	vmax.f32 v3, $0.0e+00  }
0x77: {  	v9 =	vld [tilespmem:s0+$0x161B0];
	[tilespmem:s0+$0x189F0] =	vst v3  }
0x78: {  	v2 =	vmax.f32 v2, $0.0e+00;
	v3 =	vadd.f32 v5, v6;
	v6 =	vld [tilespmem:s0+$0x139C0]  }
0x79: {  	[tilespmem:s0+$0x18980] =	vst v2;
	v10 =	vld [tilespmem:s0+$0x161C0]  }
.Ltmp1:
0x7a: {  	v2 =	vmax.f32 v3, $0.0e+00;
	v3 =	vadd.f32 v8, v1;
	v1 =	vld [tilespmem:s0+$0x139D0];
	(pc) =	sbr.rel @p1 .LBB2_5-.Ltmp1, $4  }
0x7b: {  	[tilespmem:s0+$0x18990] =	vst v2;
	v4 =	vld [tilespmem:s0+$0x161D0]  }
0x7c: {  	v3 =	vmax.f32 v3, $0.0e+00;
	v7 =	vadd.f32 v9, v7;
	v2 =	vld [tilespmem:s0+$0x139E0]  }
0x7d: {  	s3 =	sshra.s32 s9, $0x2;
	[tilespmem:s0+$0x189A0] =	vst v3;
	v5 =	vld [tilespmem:s0+$0x161E0]  }
0x7e: {  	s9 =	sadd.s32 $0x200, s9;
	v3 =	vld [tilespmem:s3+$0x139F0];
	v7 =	vmax.f32 v7, $0.0e+00;
	v6 =	vadd.f32 v10, v6  }
0x7f: {  	v8 =	vld [tilespmem:s3+$0x161F0];
	[tilespmem:s0+$0x189B0] =	vst v7  }
0x80: {  	v7 =	vld [tilespmem:s3+$0x13980];
	v6 =	vmax.f32 v6, $0.0e+00;
	v1 =	vadd.f32 v4, v1  }
0x81: {  	v9 =	vld [tilespmem:s3+$0x16180];
	[tilespmem:s0+$0x189C0] =	vst v6  }
0x82: {  	v57 =	vld [tilespmem:s3+$0x13990];
	v1 =	vmax.f32 v1, $0.0e+00;
	v2 =	vadd.f32 v5, v2  }
0x83: {  	v6 =	vld [tilespmem:s3+$0x16190];
	[tilespmem:s0+$0x189D0] =	vst v1  }
0x84: {  	v1 =	vld [tilespmem:s3+$0x139A0];
	v2 =	vmax.f32 v2, $0.0e+00  }
0x85: {  	v58 =	vld [tilespmem:s3+$0x161A0];
	[tilespmem:s0+$0x189E0] =	vst v2  }
0x86: {  	v2 =	vld [tilespmem:s3+$0x139B0]  }
0x87: {  	v3 =	vadd.f32 v8, v3;
	v59 =	vld [tilespmem:s3+$0x161B0]  }
0x88: {  	v7 =	vadd.f32 v9, v7;
	v60 =	vld [tilespmem:s3+$0x139C0]  }
0x89: {  	v3 =	vmax.f32 v3, $0.0e+00;
	v61 =	vld [tilespmem:s3+$0x139D0]  }
0x8a: {  	v62 =	vld [tilespmem:s3+$0x161D0];
	[tilespmem:s3+$0x189F0] =	vst v3;
	v3 =	vmax.f32 v7, $0.0e+00;
	v1 =	vadd.f32 v58, v1  }
0x8b: {  	[tilespmem:s3+$0x18980] =	vst v3;
	v3 =	vld [tilespmem:s3+$0x161C0]  }
0x8c: {  	v63 =	vld [tilespmem:s3+$0x139E0];
	v1 =	vmax.f32 v1, $0.0e+00  }
0x8d: {  	[tilespmem:s3+$0x189A0] =	vst v1;
	v1 =	vld [tilespmem:s3+$0x161E0]  }
0x8e: {  	v4 =	vadd.f32 v6, v57  }
0x8f: {  	v2 =	vadd.f32 v59, v2  }
0x90: {  	v4 =	vmax.f32 v4, $0.0e+00;
	v3 =	vadd.f32 v3, v60  }
0x91: {  	[tilespmem:s3+$0x18990] =	vst v4;
	v4 =	vadd.f32 v62, v61;
	v2 =	vmax.f32 v2, $0.0e+00  }
0x92: {  	[tilespmem:s3+$0x189B0] =	vst v2;
	v2 =	vmax.f32 v3, $0.0e+00;
	v1 =	vadd.f32 v1, v63  }
0x93: {  	s31 =	sadd.s32 $0x1, s31;
	[tilespmem:s3+$0x189C0] =	vst v2;
	v2 =	vmax.f32 v4, $0.0e+00  }
0x94: {  	p1 =	sne.s32 s31, $0x7D;
	[tilespmem:s3+$0x189D0] =	vst v2;
	v1 =	vmax.f32 v1, $0.0e+00  }
.Ltmp2:
0x95: {  	[tilespmem:s3+$0x189E0] =	vst v1;
	(pc) =	sbr.rel @p1 .LBB2_4-.Ltmp2, $4  }
0x96: {  	[spmem:s1] =	stream.indirect.scatter.add.f32 [tilespmem:s21], [sflag:$0x2], $0x80, s24, s25, $0xb8;
	[tilespmem:$0x1B180] =	vst v63  }
0x97: {  	_ =	swait.ge [sflag:s22], $0x2800  }
0x98: {  	[sflag:s22] =	ssyncset.done $0x0  }
0x99: {  	[sflag:s22] =	ssyncadd.s32 $0xFFFFD800  }
0x9a: {  	s0 =	stileid.u32  }
0x9b: {  	s0 =	sshll.u32 s0, $0x6  }
0x9c: {  	[bflag:$0x0] =	sbarrier.arrive $0xFFFF;
	s3 =	sshrl.u32 s8, $0x3;
	s0 =	sor.u32 $0x1C02, s0  }
0x9d: {  	[hbm:s18], [sflag:s0] =	dma.local [spmem:s3], $0x2700  }
0x9e: {  	_ =	swait.ge [sflag:s22], $0x2700  }
0x9f: {  	s2 =	sadd.s32 $0x1, s2;
	[sflag:s22] =	ssyncset.done $0x0  }
0xa0: {  	p1 =	sne.s32 s2, s20;
	s3 =	sshrl.u32 @!p0 s16, $0x3;
	[sflag:s22] =	ssyncadd.s32 $0xFFFFD900  }
0xa1: {  	[hbm:s19], [sflag:s0] =	dma.local @!p0 [spmem:s3], $0x100  }
.Ltmp3:
0xa2: {  	_ = 	snop;
	(pc) =	sbr.rel @p1 .LBB2_1-.Ltmp3, $4  }
0xa3: {  	s0 =	simm.s32 @!p0 $0x2  }
0xa4: {  	_ =	swait.ge @!p0 [sflag:s0], $0x100  }
0xa5: {  	[sflag:s0] =	ssyncset.done @!p0 $0x0  }
0xa6: {  	[sflag:s0] =	ssyncadd.s32 @!p0 $0xFFFFFF00  }
0xa7: {  	_ =	sfence.sel $0x180000  }
0xa8: {  	[bflag:$0x0] =	sbarrier.arrive $0xFFFF  }
0xa9: {  	_ =	strace $0x9000004D  }
0xaa: {  	s0 =	stileid.u32;
	[bflag:$0x2] =	sbarrier.arrive $0xFFFF  }
0xab: {  	p0 =	sne.s32 s0, $0x0;
	s0 =	rddreg [dreg:$0x2]  }
0xac: {  	s0 =	sadd.s32 @!p0 $0x100000, s0  }
0xad: {  	[sflag:s0] =	ssyncadd.tile.s32 @!p0 $0x1;
	_ =	shalt  }
.Lfunc_end2:
_tile_overlayer_lowered:
.L_overlay_start_2:
0xae: {  	(tag) =	ssettag $0x2  }
0xaf: {  	s0 =	rddreg [dreg:$0x0];
	s2 =	stileid.u32  }
0xb0: {  	s1 =	rddreg [dreg:$0x1];
	p0 =	sne.s32 s2, $0x0  }
0xb1: {  	s3 =	rddreg [dreg:$0x2];
	[bflag:$0x3] =	sbarrier.arrive $0xFFFF;
	s2 =	simm.s32 @!p0 $0x1C02  }
0xb2: {  	[timem:s3], [sflag:s2] =	dma.local @!p0 [hbm:s0], s1  }
0xb3: {  	s0 =	simm.s32 @!p0 $0x2  }
0xb4: {  	_ =	swait.ge @!p0 [sflag:s0], s1  }
0xb5: {  	s1 =	ssub.s32 @!p0 $0x0, s1;
	[sflag:s0] =	ssyncset.done @!p0 $0x0  }
0xb6: {  	[sflag:s0] =	ssyncadd.s32 @!p0 s1  }
0xb7: {  	[bflag:$0x3] =	sbarrier.arrive $0xFFFF  }
0xb8: {  	_ =	shalt  }

// kernel: kernel.20.cloned.1.call-start
scs
__scs_entry_jumppad:
0x0: {  	(pc) =	sbr.rel $0x88, $3  }
0x1: {  	(tag) =	ssettag $0x0;
	lr =	simm.s32 $0x1  }
0x2: {  	[smem:$0x3F91] =	sst lr;
	_ =	strace $0xD0000000  }
0x3: {  	_ = 	snop  }
0x4: {  	_ = 	snop  }
0x5: {  	_ = 	snop  }
0x6: {  	_ = 	snop  }
0x7: {  	_ = 	snop  }
__scs_overlays_trampoline_lowered:
0x8: {  	[smem:$0x3FA0] =	sst s0  }
0x9: {  	[smem:$0x3FA1] =	sst s1  }
0xa: {  	[smem:$0x3FA2] =	sst s2  }
0xb: {  	[smem:$0x3FA3] =	sst s3  }
0xc: {  	[smem:$0x3FA4] =	sst s4  }
0xd: {  	[smem:$0x3FA5] =	sst s5  }
0xe: {  	[smem:$0x3FA6] =	sst s6  }
0xf: {  	[smem:$0x3FA7] =	sst s7  }
0x10: {  	[smem:$0x3FA8] =	sst s8  }
0x11: {  	[smem:$0x3FA9] =	sst s9;
	s0 =	simm.s32 @!p0 $0x0  }
0x12: {  	s1 =	sld [smem:$0x3F8F];
	s0 =	simm.s32 @p0 $0x1  }
0x13: {  	[smem:$0x3FAA] =	sst s0;
	s0 =	simm.s32 @!p1 $0x0  }
0x14: {  	s2 =	sld [smem:$0x3F8E];
	s0 =	simm.s32 @p1 $0x1  }
0x15: {  	[smem:$0x3FAB] =	sst s0;
	s0 =	simm.s32 @!p2 $0x0  }
0x16: {  	s3 =	sld [smem:$0x3FDB];
	s0 =	simm.s32 @p2 $0x1  }
0x17: {  	s4 =	simm.s32 $0x1BF5;
	[smem:$0x3FAD] =	sst s0  }
0x18: {  	s0 =	sld [smem:$0x3F90];
	_ =	swait.ge [sflag:s4], $0x0  }
0x19: {  	s7 =	sld [smem:$0x3F91]  }
0x1a: {  	s8 =	sadd.s32 $0xFFFFE003, lr  }
0x1b: {  	s9 =	sadd.s32 $0xFFFFFEF7, lr;
	s5 =	simm.s32 $0xFFFFFFFF;
	p2 =	slt.u32 s8, $0xFFFFF086  }
0x1c: {  	p1 =	slt.u32 s9, $0xF7A;
	s5 =	simm.s32 @!p2 $0x0  }
0x1d: {  	s5 =	simm.s32 @p1 $0x1;
	p0 =	seq.s32 s7, s2  }
0x1e: {  	s7 =	smul.u32 @!p0 $0xF7A, s2;
	p2 =	seq.s32 @!p0 s5, $0x0  }
0x1f: {  	s9 =	smul.u32 $0xF7A, s1;
	s8 =	simm.s32 @!p0 $0x1BF5;
	p2 =	por !p2, p0  }
0x20: {  	[sflag:s8] =	ssyncset.s32 @!p0 $0xFFFFF086;
	s6 =	sadd.s32 @!p0 s3, s7;
	s7 =	simm.s32 @!p0 $0x108  }
0x21: {  	s3 =	sadd.s32 s3, s9;
	s6 =	sadd.s32 @!p0 $0x88, s6;
	s7 =	simm.s32 @p2 $0x1082  }
0x22: {  	[simem:s7], [sflag:s8] =	dma.local @!p0 [hbm:s6], $0xF7A  }
0x23: {  	s9 =	sor.u32 $0xD0000000, s2;
	s6 =	simm.s32 $0x108;
	_ =	swait.ge @!p0 [sflag:s8], $0x0  }
0x24: {  	s3 =	sadd.s32 $0x88, s3;
	s6 =	simm.s32 @!p1 $0x1082;
	[sflag:s4] =	ssyncset.s32 $0xFFFFF086  }
0x25: {  	[simem:s6], [sflag:s4] =	dma.local [hbm:s3], $0xF7A  }
0x26: {  	[smem:$0x3F91] =	sst s1;
	(tag) =	ssettag s2;
	_ =	strace s9  }
0x27: {  	s1 =	sld [smem:$0x3FA1]  }
0x28: {  	s2 =	sld [smem:$0x3FA2]  }
0x29: {  	s4 =	sld [smem:$0x3FA4]  }
0x2a: {  	p0 =	seq.s32 s5, $0x0;
	s5 =	sld [smem:$0x3FA5]  }
0x2b: {  	s6 =	sld [smem:$0x3FA6]  }
0x2c: {  	s7 =	sld [smem:$0x3FA7]  }
0x2d: {  	s3 =	simm.s32 $0x108;
	s8 =	sld [smem:$0x3FA8]  }
0x2e: {  	s3 =	simm.s32 @!p0 $0x1082;
	s9 =	sld [smem:$0x3FA9]  }
0x2f: {  	lr =	sadd.s32 s0, s3;
	s0 =	sld [smem:$0x3FA0]  }
0x30: {  	s3 =	sld [smem:$0x3FA3]  }
0x31: {  	[smem:$0x3FAC] =	sst s10  }
0x32: {  	s10 =	sld [smem:$0x3FAA];
	_ =	sdelay $0x3  }
0x33: {  	p0 =	seq.s32 s10, $0x1;
	s10 =	sld [smem:$0x3FAC];
	_ =	sdelay $0x3  }
0x34: {  	[smem:$0x3FAC] =	sst s10  }
0x35: {  	s10 =	sld [smem:$0x3FAB];
	_ =	sdelay $0x3  }
0x36: {  	p1 =	seq.s32 s10, $0x1;
	s10 =	sld [smem:$0x3FAC];
	_ =	sdelay $0x3  }
0x37: {  	[smem:$0x3FAC] =	sst s10  }
0x38: {  	s10 =	sld [smem:$0x3FAD]  }
0x39: {  	_ = 	snop;
	(pc) =	sbr.ind lr, $3  }
0x3a: {  	_ = 	snop  }
0x3b: {  	_ = 	snop  }
0x3c: {  	p2 =	seq.s32 s10, $0x1;
	s10 =	sld [smem:$0x3FAC]  }
0x3d: {  	_ =	shalt  }
0x3e: {  	_ =	shalt  }
0x3f: {  	_ =	shalt  }
0x40: {  	_ =	shalt  }
0x41: {  	_ =	shalt  }
0x42: {  	_ =	shalt  }
0x43: {  	_ =	shalt  }
0x44: {  	_ =	shalt  }
0x45: {  	_ =	shalt  }
0x46: {  	_ =	shalt  }
0x47: {  	_ =	shalt  }
0x48: {  	_ =	shalt  }
0x49: {  	_ =	shalt  }
0x4a: {  	_ =	shalt  }
0x4b: {  	_ =	shalt  }
0x4c: {  	_ =	shalt  }
0x4d: {  	_ =	shalt  }
0x4e: {  	_ =	shalt  }
0x4f: {  	_ =	shalt  }
0x50: {  	_ =	shalt  }
0x51: {  	_ =	shalt  }
0x52: {  	_ =	shalt  }
0x53: {  	_ =	shalt  }
0x54: {  	_ =	shalt  }
0x55: {  	_ =	shalt  }
0x56: {  	_ =	shalt  }
0x57: {  	_ =	shalt  }
0x58: {  	_ =	shalt  }
0x59: {  	_ =	shalt  }
0x5a: {  	_ =	shalt  }
0x5b: {  	_ =	shalt  }
0x5c: {  	_ =	shalt  }
0x5d: {  	_ =	shalt  }
0x5e: {  	_ =	shalt  }
0x5f: {  	_ =	shalt  }
0x60: {  	_ =	shalt  }
0x61: {  	_ =	shalt  }
0x62: {  	_ =	shalt  }
0x63: {  	_ =	shalt  }
0x64: {  	_ =	shalt  }
0x65: {  	_ =	shalt  }
0x66: {  	_ =	shalt  }
0x67: {  	_ =	shalt  }
0x68: {  	_ =	shalt  }
0x69: {  	_ =	shalt  }
0x6a: {  	_ =	shalt  }
0x6b: {  	_ =	shalt  }
0x6c: {  	_ =	shalt  }
0x6d: {  	_ =	shalt  }
0x6e: {  	_ =	shalt  }
0x6f: {  	_ =	shalt  }
0x70: {  	_ =	shalt  }
0x71: {  	_ =	shalt  }
0x72: {  	_ =	shalt  }
0x73: {  	_ =	shalt  }
0x74: {  	_ =	shalt  }
0x75: {  	_ =	shalt  }
0x76: {  	_ =	shalt  }
0x77: {  	_ =	shalt  }
0x78: {  	_ =	shalt  }
0x79: {  	_ =	shalt  }
0x7a: {  	_ =	shalt  }
0x7b: {  	_ =	shalt  }
0x7c: {  	_ =	shalt  }
0x7d: {  	_ =	shalt  }
0x7e: {  	_ =	shalt  }
0x7f: {  	_ =	shalt  }
0x80: {  	_ =	shalt  }
0x81: {  	_ =	shalt  }
0x82: {  	_ =	shalt  }
0x83: {  	_ =	shalt  }
0x84: {  	_ =	shalt  }
0x85: {  	_ =	shalt  }
0x86: {  	_ =	shalt  }
0x87: {  	_ =	shalt  }
.Lfunc_end0:
.L_simem_size_0:
called_computation.2_lowered:
.L_overlay_start_0:
0x88: {  	s2 =	sld [smem:$0x3FD9]  }
0x89: {  	s3 =	sld [smem:$0x3FFE];
	_ =	sdelay $0x1  }
0x8a: {  	s1 =	srdreg.scid  }
0x8b: {  	s0 =	sand.u32 $0x1, s1  }
0x8c: {  	s17 =	sshll.u32 s0, $0xA;
	s2 =	sadd.s32 s3, s2  }
0x8d: {  	s2 =	sadd.s32 s2, s17  }
0x8e: {  	[smem:$0x3FB8] =	sst s2  }
0x8f: {  	_ = 	snop  }
0x90: {  	(tm) =	ssettm $0x1  }
0x91: {  	s18 =	sld [smem:$0x3FFB];
	_ =	sdelay $0x3  }
0x92: {  	_ =	strace s18  }
0x93: {  	s2 =	sld [smem:$0x3FFC];
	_ =	sdelay $0x3  }
0x94: {  	_ =	strace s2  }
0x95: {  	s2 =	sld [smem:$0x3FFD];
	_ =	sdelay $0x3  }
0x96: {  	_ =	strace s2  }
0x97: {  	_ =	strace $0x8FFFFFFF  }
0x98: {  	s19 =	sld [smem:$0x3FDB];
	_ =	sdelay $0x1  }
0x99: {  	s20 =	simm.s32 $_scs_section_size  }
0x9a: {  	s4 =	simm.s32 $_size__tile_overlayer_lowered;
	s5 =	simm.s32 $_tile_overlayer_lowered  }
0x9b: {  	s6 =	simm.s32 $0x1BFF;
	s21 =	sshll.u32 s5, $0x1;
	s3 =	sadd.s32 s20, s19  }
0x9c: {  	s22 =	simm.s32 $0x0;
	s4 =	sshll.u32 s4, $0x1;
	s5 =	sadd.s32 s21, s3  }
0x9d: {  	[timem:s22], [sflag:s6] =	dma.local [hbm:s5], s4  }
0x9e: {  	_ =	swait.ge [sflag:s6], s4  }
0x9f: {  	s4 =	ssub.s32 $0x0, s4;
	[sflag:s6] =	ssyncset.done $0x0  }
0xa0: {  	[sflag:s6] =	ssyncadd.s32 s4;
	_ =	sdelay $0x1  }
0xa1: {  	s23 =	simm.s32 $0x1B8B  }
0xa2: {  	_ =	swait.ge [sflag:s23], $0x1  }
0xa3: {  	[sflag:s23] =	ssyncset.done $0x0  }
0xa4: {  	[sflag:s23] =	ssyncadd.s32 $0xFFFFFFFF  }
0xa5: {  	s4 =	sld [smem:$0x0]  }
0xa6: {  	s5 =	sand.u32 $0xFFFFFFFE, s1  }
0xa7: {  	p0 =	sne.s32 s1, s5  }
0xa8: {  	s5 =	sshll.u32 @p0 s5, $0xE  }
0xa9: {  	s5 =	sadd.s32 @p0 $0x11B8D, s5;
	s6 =	sshll.u32 @p0 s4, $0x11  }
0xaa: {  	s5 =	sor.u32 @p0 s6, s5  }
0xab: {  	[sflag:s5] =	ssyncadd.remote.s32 @p0 $0x1;
	_ =	sdelay $0x1  }
0xac: {  	s5 =	simm.s32 @p0 $0x1B8D  }
0xad: {  	_ =	swait.eq @p0 [sflag:s5], $0x1  }
0xae: {  	[sflag:s5] =	ssyncadd.s32 @p0 $0xFFFFFFFF  }
0xaf: {  	s6 =	sshll.u32 @!p0 s1, $0xE  }
0xb0: {  	s6 =	sor.u32 @!p0 $0x4000, s6;
	s5 =	simm.s32 @!p0 $0x1B8D  }
0xb1: {  	s4 =	sshll.u32 @!p0 s4, $0x11;
	s6 =	sadd.s32 @!p0 $0x11B8D, s6;
	_ =	swait.eq @!p0 [sflag:s5], $0x1  }
0xb2: {  	s4 =	sor.u32 @!p0 s4, s6;
	[sflag:s5] =	ssyncadd.s32 @!p0 $0xFFFFFFFF  }
0xb3: {  	s25 =	simm.s32 $0x1B8E;
	s24 =	sld [smem:$0x3FFE];
	[sflag:s4] =	ssyncadd.remote.s32 @!p0 $0x1  }
0xb4: {  	s26 =	simm.s32 $execute0_lowered;
	[smem:$0x3FD2] =	sst s25  }
0xb5: {  	s5 =	sshll.u32 s26, $0x1;
	_ =	strace $0x80000052;
	[dreg:$0x1] =	wrdreg $0xFFFFFFFF  }
0xb6: {  	s28 =	simm.s32 $_size_execute0_lowered;
	s3 =	sadd.s32 s3, s5;
	[dreg:$0x0] =	wrdreg $0x0  }
0xb7: {  	s5 =	sshll.u32 s28, $0x1;
	[dreg:$0x2] =	wrdreg s3  }
0xb8: {  	[dreg:$0x3] =	wrdreg s5  }
0xb9: {  	[dreg:$0x4] =	wrdreg $0xC0  }
0xba: {  	_ =	task [dreg:s22], $0x5FFFF  }
0xbb: {  	[dreg:$0x1] =	wrdreg $0xFFFFFFFF  }
0xbc: {  	[dreg:$0x0] =	wrdreg $0x60  }
0xbd: {  	[dreg:$0x2] =	wrdreg s24  }
0xbe: {  	[dreg:$0x3] =	wrdreg $0x0  }
0xbf: {  	[dreg:$0x4] =	wrdreg $0x9  }
0xc0: {  	_ =	task.clear_ibuf [dreg:s22], $0x5FFFF;
	_ =	strace $0x90000052  }
0xc1: {  	s29 =	simm.s32 $0x9;
	_ =	strace $0x80000054  }
0xc2: {  	_ =	swait.ge [sflag:s29], $0x1  }
0xc3: {  	[sflag:s29] =	ssyncadd.s32 $0xFFFFFFFF  }
0xc4: {  	_ =	strace $0x90000054  }
0xc5: {  	_ =	sfence  }
0xc6: {  	s30 =	sld [smem:$0x0];
	_ =	sdelay $0x2  }
0xc7: {  	s31 =	sshll.u32 s1, $0xD;
	s1 =	sshrl.u32 s1, $0x2  }
0xc8: {  	s4 =	sand.u32 $0x4000, s31;
	s1 =	sadd.s32 s1, s30  }
0xc9: {  	s0 =	sor.u32 s4, s0;
	s1 =	sshll.u32 s1, $0x11  }
0xca: {  	s0 =	sor.u32 s1, s0  }
0xcb: {  	s0 =	sadd.s32 $0x8F2B, s0  }
0xcc: {  	[sflag:s0] =	ssyncadd.remote.s32 $0x1  }
0xcd: {  	_ =	sfence.sel $0xFFFF  }
0xce: {  	[dreg:$0x0] =	wrdreg $0xFFFFFFFF;
	(pc) =	sbr.abs _section_cstart, $3  }
0xcf: {  	[dreg:$0x1] =	wrdreg $0xFFFFFFFF  }
0xd0: {  	_ =	task.clear_ibuf [dreg:s22], $0x2FFFF;
	_ =	strace $0x9FFFFFFF  }
0xd1: {  	(tm) =	ssettm $0x7FFFFFFF  }
tec
execute0_lowered:
.L_overlay_start_1:
0x0: {  	(tag) =	ssettag $0x1  }
0x1: {  	s0 =	rddreg [dreg:$0x0]  }
0x2: {  	s1 =	rddreg [dreg:$0x1]  }
0x3: {  	s2 =	simm.s32 $0x0;
	s3 =	srdreg.scid;
	s21 =	stileid.u32  }
0x4: {  	s22 =	simm.s32 $0x2;
	s23 =	simm.s32 $0x13880;
	s24 =	simm.s32 $0x13900  }
0x5: {  	s25 =	simm.s32 $0x50;
	s26 =	simm.s32 $0x13980;
	s28 =	simm.s32 $0x1  }
0x6: {  	s29 =	simm.s32 $0x16180;
	[smem:$0x7FF] =	sst s2;
	s4 =	sadd.s32 $0x4FDA00, s0  }
0x7: {  	s30 =	simm.s32 $0x0;
	s5 =	sadd.s32 $0x1871E00, s0;
	s6 =	sadd.s32 $0x4F3C00, s0  }
0x8: {  	s3 =	sand.u32 $0x1, s3;
	s8 =	smul.u32 $0x4E000, s21;
	s7 =	sadd.s32 $0x4E9E00, s0  }
0x9: {  	s0 =	sadd.s32 $0x7E00, s0;
	s18 =	smul.u32 $0x13800, s21;
	s16 =	sadd.s32 $0x138000, s1  }
0xa: {  	p0 =	sne.s32 s21, $0xF;
	_ =	strace $0x80000053;
	s9 =	ssub.s32 $0x2, s3  }
0xb: {  	s11 =	sshll.u32 s3, $0x4;
	s3 =	smul.u32 $0x138800, s3;
	s10 =	sshrl.u32 s9, $0x1  }
0xc: {  	s8 =	sshrl.u32 s8, $0x2;
	s17 =	sor.u32 s21, s11;
	s21 =	simm.s32 $0x18980  }
0xd: {  	s9 =	ssub.s32 s9, s10;
	s8 =	sadd.s32 s8, s1;
	s18 =	sadd.s32 s18, s3  }
0xe: {  	s3 =	sshrl.u32 s3, $0x3;
	s17 =	smul.u32 $0x2710, s17;
	s31 =	sadd.s32 $0x2800, s8  }
0xf: {  	s10 =	sadd.s32 $0x5000, s8;
	s11 =	sadd.s32 $0x7800, s8;
	s12 =	sadd.s32 $0xA000, s8  }
0x10: {  	s13 =	sadd.s32 $0xC800, s8;
	s14 =	sadd.s32 $0xF000, s8;
	s15 =	sadd.s32 $0x11800, s8  }
0x11: {  	s18 =	sshrl.u32 s18, $0x3;
	s3 =	sadd.s32 s0, s3;
	s20 =	smax.u32 s9, $0x1  }
0x12: {  	v0 =	vimm.f32 $0.0e+00;
	[dreg:$0x3] =	wrdreg s31;
	s18 =	sadd.s32 s0, s18;
	s19 =	sadd.s32 $0x27000, s3  }
.LBB2_1:
0x13: {  	s0 =	simm.s32 $0x0;
	s3 =	simm.s32 $0x200  }
.LBB2_2:
0x14: {  	p1 =	sne.s32 s3, $0x9E00;
	[tilespmem:s0+$0x189F0] =	vst v0  }
0x15: {  	[tilespmem:s0+$0x18980] =	vst v0  }
0x16: {  	[tilespmem:s0+$0x18990] =	vst v0  }
.Ltmp0:
0x17: {  	[tilespmem:s0+$0x189A0] =	vst v0;
	(pc) =	sbr.rel @p1 .LBB2_2-.Ltmp0, $4  }
0x18: {  	[tilespmem:s0+$0x189B0] =	vst v0  }
0x19: {  	[tilespmem:s0+$0x189C0] =	vst v0  }
0x1a: {  	[tilespmem:s0+$0x189D0] =	vst v0  }
0x1b: {  	[tilespmem:s0+$0x189E0] =	vst v0;
	s0 =	sshra.s32 s3, $0x2;
	s3 =	sadd.s32 $0x200, s3  }
0x1c: {  	[tilespmem:s0+$0x189F0] =	vst v0  }
0x1d: {  	[tilespmem:s0+$0x18980] =	vst v0  }
0x1e: {  	[tilespmem:s0+$0x18990] =	vst v0  }
0x1f: {  	[tilespmem:s0+$0x189A0] =	vst v0  }
0x20: {  	[tilespmem:s0+$0x189B0] =	vst v0  }
0x21: {  	[tilespmem:s0+$0x189C0] =	vst v0  }
0x22: {  	[tilespmem:s0+$0x189D0] =	vst v0  }
0x23: {  	[tilespmem:s0+$0x189E0] =	vst v0  }
0x24: {  	[spmem:s8] =	stream.linear.scatter [tilespmem:s21], [sflag:$0x2], $0x2800, $0x38;
	[tilespmem:$0x1B180] =	vst v63  }
0x25: {  	_ =	swait.ge [sflag:s22], $0x2800  }
0x26: {  	[sflag:s22] =	ssyncset.done $0x0  }
0x27: {  	s9 =	rddreg [dreg:$0x3];
	[sflag:s22] =	ssyncadd.s32 $0xFFFFD800  }
0x28: {  	[spmem:s9] =	stream.linear.scatter [tilespmem:s21], [sflag:$0x2], $0x2800, $0x38;
	[tilespmem:$0x1B180] =	vst v63  }
0x29: {  	_ =	swait.ge [sflag:s22], $0x2800  }
0x2a: {  	[sflag:s22] =	ssyncset.done $0x0  }
0x2b: {  	[sflag:s22] =	ssyncadd.s32 $0xFFFFD800  }
0x2c: {  	[spmem:s10] =	stream.linear.scatter [tilespmem:s21], [sflag:$0x2], $0x2800, $0x38;
	[tilespmem:$0x1B180] =	vst v63  }
0x2d: {  	_ =	swait.ge [sflag:s22], $0x2800  }
0x2e: {  	[sflag:s22] =	ssyncset.done $0x0  }
0x2f: {  	[sflag:s22] =	ssyncadd.s32 $0xFFFFD800  }
0x30: {  	[spmem:s11] =	stream.linear.scatter [tilespmem:s21], [sflag:$0x2], $0x2800, $0x38;
	[tilespmem:$0x1B180] =	vst v63  }
0x31: {  	_ =	swait.ge [sflag:s22], $0x2800  }
0x32: {  	[sflag:s22] =	ssyncset.done $0x0  }
0x33: {  	[sflag:s22] =	ssyncadd.s32 $0xFFFFD800  }
0x34: {  	[spmem:s12] =	stream.linear.scatter [tilespmem:s21], [sflag:$0x2], $0x2800, $0x38;
	[tilespmem:$0x1B180] =	vst v63  }
0x35: {  	_ =	swait.ge [sflag:s22], $0x2800  }
0x36: {  	[sflag:s22] =	ssyncset.done $0x0  }
0x37: {  	[sflag:s22] =	ssyncadd.s32 $0xFFFFD800  }
0x38: {  	[spmem:s13] =	stream.linear.scatter [tilespmem:s21], [sflag:$0x2], $0x2800, $0x38;
	[tilespmem:$0x1B180] =	vst v63  }
0x39: {  	_ =	swait.ge [sflag:s22], $0x2800  }
0x3a: {  	[sflag:s22] =	ssyncset.done $0x0  }
0x3b: {  	[sflag:s22] =	ssyncadd.s32 $0xFFFFD800  }
0x3c: {  	[spmem:s14] =	stream.linear.scatter [tilespmem:s21], [sflag:$0x2], $0x2800, $0x38;
	[tilespmem:$0x1B180] =	vst v63  }
0x3d: {  	_ =	swait.ge [sflag:s22], $0x2800  }
0x3e: {  	[sflag:s22] =	ssyncset.done $0x0  }
0x3f: {  	[sflag:s22] =	ssyncadd.s32 $0xFFFFD800  }
0x40: {  	[spmem:s15] =	stream.linear.scatter [tilespmem:s21], [sflag:$0x2], $0x2000, $0x38;
	[tilespmem:$0x1B180] =	vst v63  }
0x41: {  	_ =	swait.ge [sflag:s22], $0x2000  }
0x42: {  	[sflag:s22] =	ssyncset.done $0x0  }
0x43: {  	s0 =	simm.s32 @!p0 $0x18980;
	[sflag:s22] =	ssyncadd.s32 $0xFFFFE000  }
0x44: {  	[spmem:s16] =	stream.linear.scatter @!p0 [tilespmem:s0], [sflag:$0x2], $0x800, $0x38;
	[tilespmem:$0x1B180] =	vst v63  }
0x45: {  	s0 =	simm.s32 @!p0 $0x2  }
0x46: {  	_ =	swait.ge @!p0 [sflag:s0], $0x800  }
0x47: {  	[sflag:s0] =	ssyncset.done @!p0 $0x0  }
0x48: {  	[sflag:s0] =	ssyncadd.s32 @!p0 $0xFFFFF800  }
0x49: {  	s31 =	simm.s32 $0x0;
	[bflag:$0x0] =	sbarrier.arrive $0xFFFF  }
.LBB2_4:
0x4a: {  	s0 =	smul.u32 $0x50, s31;
	_ =	sdelay $0x1  }
0x4b: {  	s0 =	sadd.s32 s17, s0  }
0x4c: {  	s3 =	sshrl.u32 s0, $0x3  }
0x4d: {  	s9 =	sadd.s32 s6, s3  }
0x4e: {  	[tilespmem:s23], [sflag:$0x2] =	stream.linear.gather [hbm4b:s9+s30], $0x50, $0x38;
	[tilespmem:$0x1B180] =	vst v63  }
0x4f: {  	_ =	swait.ge [sflag:s22], $0x50  }
0x50: {  	[sflag:s22] =	ssyncset.done $0x0  }
0x51: {  	s3 =	sadd.s32 s7, s3;
	[sflag:s22] =	ssyncadd.s32 $0xFFFFFFB0  }
0x52: {  	[tilespmem:s24], [sflag:$0x2] =	stream.linear.gather [hbm4b:s3+s30], $0x50, $0x38;
	[tilespmem:$0x1B180] =	vst v63  }
0x53: {  	_ =	swait.ge [sflag:s22], $0x50  }
0x54: {  	[sflag:s22] =	ssyncset.done $0x0  }
0x55: {  	[sflag:s22] =	ssyncadd.s32 $0xFFFFFFB0  }
0x56: {  	[tilespmem:s26], [sflag:$0x1] =	stream.indirect.gather [hbm4b:s4+s25], $0x80, s23, s25, $0xb8;
	[tilespmem:$0x1B180] =	vst v63  }
0x57: {  	_ =	swait.ge [sflag:s28], $0x2800  }
0x58: {  	s0 =	sshll.u32 s0, $0x4;
	[sflag:s28] =	ssyncset.done $0x0  }
0x59: {  	s0 =	sadd.s32 s5, s0;
	[sflag:s28] =	ssyncadd.s32 $0xFFFFD800  }
0x5a: {  	[tilespmem:s29], [sflag:$0x2] =	stream.linear.gather [hbm4b:s0+s30], $0x2800, $0x38;
	[tilespmem:$0x1B180] =	vst v63  }
0x5b: {  	_ =	swait.ge [sflag:s22], $0x2800  }
0x5c: {  	[sflag:s22] =	ssyncset.done $0x0  }
0x5d: {  	s0 =	simm.s32 $0x0;
	[sflag:s22] =	ssyncadd.s32 $0xFFFFD800  }
0x5e: {  	v1 =	vld [tilespmem:s0+$0x139F0]  }
0x5f: {  	v2 =	vld [tilespmem:s0+$0x161F0]  }
0x60: {  	v3 =	vld [tilespmem:s0+$0x13980]  }
0x61: {  	v4 =	vld [tilespmem:s0+$0x16180]  }
0x62: {  	v5 =	vld [tilespmem:s0+$0x13990]  }
0x63: {  	v6 =	vld [tilespmem:s0+$0x16190]  }
0x64: {  	v7 =	vld [tilespmem:s0+$0x139A0]  }
0x65: {  	v1 =	vadd.f32 v2, v1;
	v2 =	vld [tilespmem:s0+$0x161A0]  }
0x66: {  	v8 =	vld [tilespmem:s0+$0x139B0]  }
0x67: {  	v9 =	vld [tilespmem:s0+$0x161B0];
	v3 =	vadd.f32 v4, v3  }
0x68: {  	v10 =	vld [tilespmem:s0+$0x139C0];
	v1 =	vmax.f32 v1, $0.0e+00  }
0x69: {  	[tilespmem:s0+$0x189F0] =	vst v1;
	v1 =	vmax.f32 v3, $0.0e+00;
	v3 =	vadd.f32 v6, v5;
	v6 =	vld [tilespmem:s0+$0x161C0]  }
0x6a: {  	v4 =	vld [tilespmem:s0+$0x161D0];
	v2 =	vadd.f32 v2, v7  }
0x6b: {  	[tilespmem:s0+$0x18980] =	vst v1;
	v1 =	vld [tilespmem:s0+$0x139D0];
	v3 =	vmax.f32 v3, $0.0e+00  }
0x6c: {  	v5 =	vld [tilespmem:s0+$0x161E0];
	v7 =	vadd.f32 v9, v8;
	[tilespmem:s0+$0x18990] =	vst v3;
	v3 =	vmax.f32 v2, $0.0e+00  }
0x6d: {  	s3 =	simm.s32 $0x80;
	v2 =	vld [tilespmem:s0+$0x139E0];
	[tilespmem:s0+$0x189A0] =	vst v3  }
0x6e: {  	s9 =	simm.s32 $0x400;
	v7 =	vmax.f32 v7, $0.0e+00;
	v6 =	vadd.f32 v6, v10;
	v3 =	vld [tilespmem:s3+$0x139F0]  }
.LBB2_5:
0x6f: {  	p1 =	sne.s32 s9, $0x9E00;
	v8 =	vld [tilespmem:s3+$0x161F0];
	[tilespmem:s0+$0x189B0] =	vst v7  }
0x70: {  	v7 =	vld [tilespmem:s3+$0x13980];
	v6 =	vmax.f32 v6, $0.0e+00;
	v1 =	vadd.f32 v4, v1  }
0x71: {  	v4 =	vld [tilespmem:s3+$0x16180];
	[tilespmem:s0+$0x189C0] =	vst v6  }
0x72: {  	v6 =	vld [tilespmem:s3+$0x13990];
	v1 =	vmax.f32 v1, $0.0e+00;
	v2 =	vadd.f32 v5, v2  }
0x73: {  	v5 =	vld [tilespmem:s3+$0x16190];
	[tilespmem:s0+$0x189D0] =	vst v1  }
0x74: {  	v1 =	vld [tilespmem:s3+$0x139A0];
	v3 =	vadd.f32 v8, v3;
	v2 =	vmax.f32 v2, $0.0e+00  }
0x75: {  	v8 =	vld [tilespmem:s3+$0x161A0];
	[tilespmem:s0+$0x189E0] =	vst v2;
	s0 =	smov.u32 s3  }
0x76: {  	v2 =	vadd.f32 v4, v7;
	v7 =	vld [tilespmem:s0+$0x139B0];
	v3 =	vmax.f32 v3, $0.0e+00  }
0x77: {  	v9 =	vld [tilespmem:s0+$0x161B0];
	[tilespmem:s0+$0x189F0] =	vst v3  }
0x78: {  	v2 =	vmax.f32 v2, $0.0e+00;
	v3 =	vadd.f32 v5, v6;
	v6 =	vld [tilespmem:s0+$0x139C0]  }
0x79: {  	[tilespmem:s0+$0x18980] =	vst v2;
	v10 =	vld [tilespmem:s0+$0x161C0]  }
.Ltmp1:
0x7a: {  	v2 =	vmax.f32 v3, $0.0e+00;
	v3 =	vadd.f32 v8, v1;
	v1 =	vld [tilespmem:s0+$0x139D0];
	(pc) =	sbr.rel @p1 .LBB2_5-.Ltmp1, $4  }
0x7b: {  	[tilespmem:s0+$0x18990] =	vst v2;
	v4 =	vld [tilespmem:s0+$0x161D0]  }
0x7c: {  	v3 =	vmax.f32 v3, $0.0e+00;
	v7 =	vadd.f32 v9, v7;
	v2 =	vld [tilespmem:s0+$0x139E0]  }
0x7d: {  	s3 =	sshra.s32 s9, $0x2;
	[tilespmem:s0+$0x189A0] =	vst v3;
	v5 =	vld [tilespmem:s0+$0x161E0]  }
0x7e: {  	s9 =	sadd.s32 $0x200, s9;
	v3 =	vld [tilespmem:s3+$0x139F0];
	v7 =	vmax.f32 v7, $0.0e+00;
	v6 =	vadd.f32 v10, v6  }
0x7f: {  	v8 =	vld [tilespmem:s3+$0x161F0];
	[tilespmem:s0+$0x189B0] =	vst v7  }
0x80: {  	v7 =	vld [tilespmem:s3+$0x13980];
	v6 =	vmax.f32 v6, $0.0e+00;
	v1 =	vadd.f32 v4, v1  }
0x81: {  	v9 =	vld [tilespmem:s3+$0x16180];
	[tilespmem:s0+$0x189C0] =	vst v6  }
0x82: {  	v57 =	vld [tilespmem:s3+$0x13990];
	v1 =	vmax.f32 v1, $0.0e+00;
	v2 =	vadd.f32 v5, v2  }
0x83: {  	v6 =	vld [tilespmem:s3+$0x16190];
	[tilespmem:s0+$0x189D0] =	vst v1  }
0x84: {  	v1 =	vld [tilespmem:s3+$0x139A0];
	v2 =	vmax.f32 v2, $0.0e+00  }
0x85: {  	v58 =	vld [tilespmem:s3+$0x161A0];
	[tilespmem:s0+$0x189E0] =	vst v2  }
0x86: {  	v2 =	vld [tilespmem:s3+$0x139B0]  }
0x87: {  	v3 =	vadd.f32 v8, v3;
	v59 =	vld [tilespmem:s3+$0x161B0]  }
0x88: {  	v7 =	vadd.f32 v9, v7;
	v60 =	vld [tilespmem:s3+$0x139C0]  }
0x89: {  	v3 =	vmax.f32 v3, $0.0e+00;
	v61 =	vld [tilespmem:s3+$0x139D0]  }
0x8a: {  	v62 =	vld [tilespmem:s3+$0x161D0];
	[tilespmem:s3+$0x189F0] =	vst v3;
	v3 =	vmax.f32 v7, $0.0e+00;
	v1 =	vadd.f32 v58, v1  }
0x8b: {  	[tilespmem:s3+$0x18980] =	vst v3;
	v3 =	vld [tilespmem:s3+$0x161C0]  }
0x8c: {  	v63 =	vld [tilespmem:s3+$0x139E0];
	v1 =	vmax.f32 v1, $0.0e+00  }
0x8d: {  	[tilespmem:s3+$0x189A0] =	vst v1;
	v1 =	vld [tilespmem:s3+$0x161E0]  }
0x8e: {  	v4 =	vadd.f32 v6, v57  }
0x8f: {  	v2 =	vadd.f32 v59, v2  }
0x90: {  	v4 =	vmax.f32 v4, $0.0e+00;
	v3 =	vadd.f32 v3, v60  }
0x91: {  	[tilespmem:s3+$0x18990] =	vst v4;
	v4 =	vadd.f32 v62, v61;
	v2 =	vmax.f32 v2, $0.0e+00  }
0x92: {  	[tilespmem:s3+$0x189B0] =	vst v2;
	v2 =	vmax.f32 v3, $0.0e+00;
	v1 =	vadd.f32 v1, v63  }
0x93: {  	s31 =	sadd.s32 $0x1, s31;
	[tilespmem:s3+$0x189C0] =	vst v2;
	v2 =	vmax.f32 v4, $0.0e+00  }
0x94: {  	p1 =	sne.s32 s31, $0x7D;
	[tilespmem:s3+$0x189D0] =	vst v2;
	v1 =	vmax.f32 v1, $0.0e+00  }
.Ltmp2:
0x95: {  	[tilespmem:s3+$0x189E0] =	vst v1;
	(pc) =	sbr.rel @p1 .LBB2_4-.Ltmp2, $4  }
0x96: {  	[spmem:s1] =	stream.indirect.scatter.add.f32 [tilespmem:s21], [sflag:$0x2], $0x80, s24, s25, $0xb8;
	[tilespmem:$0x1B180] =	vst v63  }
0x97: {  	_ =	swait.ge [sflag:s22], $0x2800  }
0x98: {  	[sflag:s22] =	ssyncset.done $0x0  }
0x99: {  	[sflag:s22] =	ssyncadd.s32 $0xFFFFD800  }
0x9a: {  	s0 =	stileid.u32  }
0x9b: {  	s0 =	sshll.u32 s0, $0x6  }
0x9c: {  	[bflag:$0x0] =	sbarrier.arrive $0xFFFF;
	s3 =	sshrl.u32 s8, $0x3;
	s0 =	sor.u32 $0x1C02, s0  }
0x9d: {  	[hbm:s18], [sflag:s0] =	dma.local [spmem:s3], $0x2700  }
0x9e: {  	_ =	swait.ge [sflag:s22], $0x2700  }
0x9f: {  	s2 =	sadd.s32 $0x1, s2;
	[sflag:s22] =	ssyncset.done $0x0  }
0xa0: {  	p1 =	sne.s32 s2, s20;
	s3 =	sshrl.u32 @!p0 s16, $0x3;
	[sflag:s22] =	ssyncadd.s32 $0xFFFFD900  }
0xa1: {  	[hbm:s19], [sflag:s0] =	dma.local @!p0 [spmem:s3], $0x100  }
.Ltmp3:
0xa2: {  	_ = 	snop;
	(pc) =	sbr.rel @p1 .LBB2_1-.Ltmp3, $4  }
0xa3: {  	s0 =	simm.s32 @!p0 $0x2  }
0xa4: {  	_ =	swait.ge @!p0 [sflag:s0], $0x100  }
0xa5: {  	[sflag:s0] =	ssyncset.done @!p0 $0x0  }
0xa6: {  	[sflag:s0] =	ssyncadd.s32 @!p0 $0xFFFFFF00  }
0xa7: {  	_ =	sfence.sel $0x180000  }
0xa8: {  	[bflag:$0x0] =	sbarrier.arrive $0xFFFF  }
0xa9: {  	_ =	strace $0x90000053  }
0xaa: {  	s0 =	stileid.u32;
	[bflag:$0x2] =	sbarrier.arrive $0xFFFF  }
0xab: {  	p0 =	sne.s32 s0, $0x0;
	s0 =	rddreg [dreg:$0x2]  }
0xac: {  	s0 =	sadd.s32 @!p0 $0x100000, s0  }
0xad: {  	[sflag:s0] =	ssyncadd.tile.s32 @!p0 $0x1;
	_ =	shalt  }
.Lfunc_end2:
_tile_overlayer_lowered:
.L_overlay_start_2:
0xae: {  	(tag) =	ssettag $0x2  }
0xaf: {  	s0 =	rddreg [dreg:$0x0];
	s2 =	stileid.u32  }
0xb0: {  	s1 =	rddreg [dreg:$0x1];
	p0 =	sne.s32 s2, $0x0  }
0xb1: {  	s3 =	rddreg [dreg:$0x2];
	[bflag:$0x3] =	sbarrier.arrive $0xFFFF;
	s2 =	simm.s32 @!p0 $0x1C02  }
0xb2: {  	[timem:s3], [sflag:s2] =	dma.local @!p0 [hbm:s0], s1  }
0xb3: {  	s0 =	simm.s32 @!p0 $0x2  }
0xb4: {  	_ =	swait.ge @!p0 [sflag:s0], s1  }
0xb5: {  	s1 =	ssub.s32 @!p0 $0x0, s1;
	[sflag:s0] =	ssyncset.done @!p0 $0x0  }
0xb6: {  	[sflag:s0] =	ssyncadd.s32 @!p0 s1  }
0xb7: {  	[bflag:$0x3] =	sbarrier.arrive $0xFFFF  }
0xb8: {  	_ =	shalt  }

// kernel: kernel.23.cloned.1.call-start
scs
__scs_entry_jumppad:
0x0: {  	(pc) =	sbr.rel $0x88, $3  }
0x1: {  	(tag) =	ssettag $0x0;
	lr =	simm.s32 $0x1  }
0x2: {  	[smem:$0x3F91] =	sst lr;
	_ =	strace $0xD0000000  }
0x3: {  	_ = 	snop  }
0x4: {  	_ = 	snop  }
0x5: {  	_ = 	snop  }
0x6: {  	_ = 	snop  }
0x7: {  	_ = 	snop  }
__scs_overlays_trampoline_lowered:
0x8: {  	[smem:$0x3FA0] =	sst s0  }
0x9: {  	[smem:$0x3FA1] =	sst s1  }
0xa: {  	[smem:$0x3FA2] =	sst s2  }
0xb: {  	[smem:$0x3FA3] =	sst s3  }
0xc: {  	[smem:$0x3FA4] =	sst s4  }
0xd: {  	[smem:$0x3FA5] =	sst s5  }
0xe: {  	[smem:$0x3FA6] =	sst s6  }
0xf: {  	[smem:$0x3FA7] =	sst s7  }
0x10: {  	[smem:$0x3FA8] =	sst s8  }
0x11: {  	[smem:$0x3FA9] =	sst s9;
	s0 =	simm.s32 @!p0 $0x0  }
0x12: {  	s1 =	sld [smem:$0x3F8F];
	s0 =	simm.s32 @p0 $0x1  }
0x13: {  	[smem:$0x3FAA] =	sst s0;
	s0 =	simm.s32 @!p1 $0x0  }
0x14: {  	s2 =	sld [smem:$0x3F8E];
	s0 =	simm.s32 @p1 $0x1  }
0x15: {  	[smem:$0x3FAB] =	sst s0;
	s0 =	simm.s32 @!p2 $0x0  }
0x16: {  	s3 =	sld [smem:$0x3FDB];
	s0 =	simm.s32 @p2 $0x1  }
0x17: {  	s4 =	simm.s32 $0x1BF5;
	[smem:$0x3FAD] =	sst s0  }
0x18: {  	s0 =	sld [smem:$0x3F90];
	_ =	swait.ge [sflag:s4], $0x0  }
0x19: {  	s7 =	sld [smem:$0x3F91]  }
0x1a: {  	s8 =	sadd.s32 $0xFFFFE003, lr  }
0x1b: {  	s9 =	sadd.s32 $0xFFFFFEF7, lr;
	s5 =	simm.s32 $0xFFFFFFFF;
	p2 =	slt.u32 s8, $0xFFFFF086  }
0x1c: {  	p1 =	slt.u32 s9, $0xF7A;
	s5 =	simm.s32 @!p2 $0x0  }
0x1d: {  	s5 =	simm.s32 @p1 $0x1;
	p0 =	seq.s32 s7, s2  }
0x1e: {  	s7 =	smul.u32 @!p0 $0xF7A, s2;
	p2 =	seq.s32 @!p0 s5, $0x0  }
0x1f: {  	s9 =	smul.u32 $0xF7A, s1;
	s8 =	simm.s32 @!p0 $0x1BF5;
	p2 =	por !p2, p0  }
0x20: {  	[sflag:s8] =	ssyncset.s32 @!p0 $0xFFFFF086;
	s6 =	sadd.s32 @!p0 s3, s7;
	s7 =	simm.s32 @!p0 $0x108  }
0x21: {  	s3 =	sadd.s32 s3, s9;
	s6 =	sadd.s32 @!p0 $0x88, s6;
	s7 =	simm.s32 @p2 $0x1082  }
0x22: {  	[simem:s7], [sflag:s8] =	dma.local @!p0 [hbm:s6], $0xF7A  }
0x23: {  	s9 =	sor.u32 $0xD0000000, s2;
	s6 =	simm.s32 $0x108;
	_ =	swait.ge @!p0 [sflag:s8], $0x0  }
0x24: {  	s3 =	sadd.s32 $0x88, s3;
	s6 =	simm.s32 @!p1 $0x1082;
	[sflag:s4] =	ssyncset.s32 $0xFFFFF086  }
0x25: {  	[simem:s6], [sflag:s4] =	dma.local [hbm:s3], $0xF7A  }
0x26: {  	[smem:$0x3F91] =	sst s1;
	(tag) =	ssettag s2;
	_ =	strace s9  }
0x27: {  	s1 =	sld [smem:$0x3FA1]  }
0x28: {  	s2 =	sld [smem:$0x3FA2]  }
0x29: {  	s4 =	sld [smem:$0x3FA4]  }
0x2a: {  	p0 =	seq.s32 s5, $0x0;
	s5 =	sld [smem:$0x3FA5]  }
0x2b: {  	s6 =	sld [smem:$0x3FA6]  }
0x2c: {  	s7 =	sld [smem:$0x3FA7]  }
0x2d: {  	s3 =	simm.s32 $0x108;
	s8 =	sld [smem:$0x3FA8]  }
0x2e: {  	s3 =	simm.s32 @!p0 $0x1082;
	s9 =	sld [smem:$0x3FA9]  }
0x2f: {  	lr =	sadd.s32 s0, s3;
	s0 =	sld [smem:$0x3FA0]  }
0x30: {  	s3 =	sld [smem:$0x3FA3]  }
0x31: {  	[smem:$0x3FAC] =	sst s10  }
0x32: {  	s10 =	sld [smem:$0x3FAA];
	_ =	sdelay $0x3  }
0x33: {  	p0 =	seq.s32 s10, $0x1;
	s10 =	sld [smem:$0x3FAC];
	_ =	sdelay $0x3  }
0x34: {  	[smem:$0x3FAC] =	sst s10  }
0x35: {  	s10 =	sld [smem:$0x3FAB];
	_ =	sdelay $0x3  }
0x36: {  	p1 =	seq.s32 s10, $0x1;
	s10 =	sld [smem:$0x3FAC];
	_ =	sdelay $0x3  }
0x37: {  	[smem:$0x3FAC] =	sst s10  }
0x38: {  	s10 =	sld [smem:$0x3FAD]  }
0x39: {  	_ = 	snop;
	(pc) =	sbr.ind lr, $3  }
0x3a: {  	_ = 	snop  }
0x3b: {  	_ = 	snop  }
0x3c: {  	p2 =	seq.s32 s10, $0x1;
	s10 =	sld [smem:$0x3FAC]  }
0x3d: {  	_ =	shalt  }
0x3e: {  	_ =	shalt  }
0x3f: {  	_ =	shalt  }
0x40: {  	_ =	shalt  }
0x41: {  	_ =	shalt  }
0x42: {  	_ =	shalt  }
0x43: {  	_ =	shalt  }
0x44: {  	_ =	shalt  }
0x45: {  	_ =	shalt  }
0x46: {  	_ =	shalt  }
0x47: {  	_ =	shalt  }
0x48: {  	_ =	shalt  }
0x49: {  	_ =	shalt  }
0x4a: {  	_ =	shalt  }
0x4b: {  	_ =	shalt  }
0x4c: {  	_ =	shalt  }
0x4d: {  	_ =	shalt  }
0x4e: {  	_ =	shalt  }
0x4f: {  	_ =	shalt  }
0x50: {  	_ =	shalt  }
0x51: {  	_ =	shalt  }
0x52: {  	_ =	shalt  }
0x53: {  	_ =	shalt  }
0x54: {  	_ =	shalt  }
0x55: {  	_ =	shalt  }
0x56: {  	_ =	shalt  }
0x57: {  	_ =	shalt  }
0x58: {  	_ =	shalt  }
0x59: {  	_ =	shalt  }
0x5a: {  	_ =	shalt  }
0x5b: {  	_ =	shalt  }
0x5c: {  	_ =	shalt  }
0x5d: {  	_ =	shalt  }
0x5e: {  	_ =	shalt  }
0x5f: {  	_ =	shalt  }
0x60: {  	_ =	shalt  }
0x61: {  	_ =	shalt  }
0x62: {  	_ =	shalt  }
0x63: {  	_ =	shalt  }
0x64: {  	_ =	shalt  }
0x65: {  	_ =	shalt  }
0x66: {  	_ =	shalt  }
0x67: {  	_ =	shalt  }
0x68: {  	_ =	shalt  }
0x69: {  	_ =	shalt  }
0x6a: {  	_ =	shalt  }
0x6b: {  	_ =	shalt  }
0x6c: {  	_ =	shalt  }
0x6d: {  	_ =	shalt  }
0x6e: {  	_ =	shalt  }
0x6f: {  	_ =	shalt  }
0x70: {  	_ =	shalt  }
0x71: {  	_ =	shalt  }
0x72: {  	_ =	shalt  }
0x73: {  	_ =	shalt  }
0x74: {  	_ =	shalt  }
0x75: {  	_ =	shalt  }
0x76: {  	_ =	shalt  }
0x77: {  	_ =	shalt  }
0x78: {  	_ =	shalt  }
0x79: {  	_ =	shalt  }
0x7a: {  	_ =	shalt  }
0x7b: {  	_ =	shalt  }
0x7c: {  	_ =	shalt  }
0x7d: {  	_ =	shalt  }
0x7e: {  	_ =	shalt  }
0x7f: {  	_ =	shalt  }
0x80: {  	_ =	shalt  }
0x81: {  	_ =	shalt  }
0x82: {  	_ =	shalt  }
0x83: {  	_ =	shalt  }
0x84: {  	_ =	shalt  }
0x85: {  	_ =	shalt  }
0x86: {  	_ =	shalt  }
0x87: {  	_ =	shalt  }
.Lfunc_end0:
.L_simem_size_0:
called_computation.3_lowered:
.L_overlay_start_0:
0x88: {  	s2 =	sld [smem:$0x3FD9]  }
0x89: {  	s3 =	sld [smem:$0x3FFE];
	_ =	sdelay $0x1  }
0x8a: {  	s1 =	srdreg.scid  }
0x8b: {  	s0 =	sand.u32 $0x1, s1  }
0x8c: {  	s17 =	sshll.u32 s0, $0xA;
	s2 =	sadd.s32 s3, s2  }
0x8d: {  	s2 =	sadd.s32 s2, s17  }
0x8e: {  	[smem:$0x3FB8] =	sst s2  }
0x8f: {  	_ = 	snop  }
0x90: {  	s18 =	sld [smem:$0x3FC5];
	(tm) =	ssettm $0x1  }
0x91: {  	s19 =	sld [smem:$0x3FFB];
	_ =	sdelay $0x3  }
0x92: {  	_ =	strace s19  }
0x93: {  	s2 =	sld [smem:$0x3FFC];
	_ =	sdelay $0x3  }
0x94: {  	_ =	strace s2  }
0x95: {  	s2 =	sld [smem:$0x3FFD];
	_ =	sdelay $0x3  }
0x96: {  	_ =	strace s2  }
0x97: {  	_ =	strace $0x8FFFFFFF  }
0x98: {  	s20 =	sld [smem:$0x3FDB];
	_ =	sdelay $0x1  }
0x99: {  	s4 =	simm.s32 $_scs_section_size  }
0x9a: {  	s5 =	simm.s32 $_size__tile_overlayer_lowered;
	s6 =	simm.s32 $_tile_overlayer_lowered  }
0x9b: {  	s7 =	simm.s32 $0x1BFF;
	s21 =	sshll.u32 s6, $0x1;
	s4 =	sadd.s32 s4, s20  }
0x9c: {  	s22 =	simm.s32 $0x0;
	s5 =	sshll.u32 s5, $0x1;
	s6 =	sadd.s32 s21, s4  }
0x9d: {  	[timem:s22], [sflag:s7] =	dma.local [hbm:s6], s5  }
0x9e: {  	_ =	swait.ge [sflag:s7], s5  }
0x9f: {  	s5 =	ssub.s32 $0x0, s5;
	[sflag:s7] =	ssyncset.done $0x0  }
0xa0: {  	[sflag:s7] =	ssyncadd.s32 s5;
	_ =	sdelay $0x1  }
0xa1: {  	s23 =	simm.s32 $0x1B8B  }
0xa2: {  	_ =	swait.ge [sflag:s23], $0x1  }
0xa3: {  	[sflag:s23] =	ssyncset.done $0x0  }
0xa4: {  	[sflag:s23] =	ssyncadd.s32 $0xFFFFFFFF  }
0xa5: {  	s5 =	sld [smem:$0x0]  }
0xa6: {  	s6 =	sand.u32 $0xFFFFFFFE, s1  }
0xa7: {  	p0 =	sne.s32 s1, s6  }
0xa8: {  	s6 =	sshll.u32 @p0 s6, $0xE  }
0xa9: {  	s6 =	sadd.s32 @p0 $0x11B8D, s6;
	s7 =	sshll.u32 @p0 s5, $0x11  }
0xaa: {  	s6 =	sor.u32 @p0 s7, s6  }
0xab: {  	[sflag:s6] =	ssyncadd.remote.s32 @p0 $0x1;
	_ =	sdelay $0x1  }
0xac: {  	s6 =	simm.s32 @p0 $0x1B8D  }
0xad: {  	_ =	swait.eq @p0 [sflag:s6], $0x1  }
0xae: {  	[sflag:s6] =	ssyncadd.s32 @p0 $0xFFFFFFFF  }
0xaf: {  	s7 =	sshll.u32 @!p0 s1, $0xE  }
0xb0: {  	s7 =	sor.u32 @!p0 $0x4000, s7;
	s6 =	simm.s32 @!p0 $0x1B8D  }
0xb1: {  	s5 =	sshll.u32 @!p0 s5, $0x11;
	s7 =	sadd.s32 @!p0 $0x11B8D, s7;
	_ =	swait.eq @!p0 [sflag:s6], $0x1  }
0xb2: {  	s5 =	sor.u32 @!p0 s5, s7;
	[sflag:s6] =	ssyncadd.s32 @!p0 $0xFFFFFFFF  }
0xb3: {  	s25 =	simm.s32 $0x1B8E;
	s24 =	sld [smem:$0x3FFE];
	[sflag:s5] =	ssyncadd.remote.s32 @!p0 $0x1  }
0xb4: {  	s26 =	simm.s32 $execute0_lowered;
	[smem:$0x3FD2] =	sst s25  }
0xb5: {  	s6 =	sshll.u32 s26, $0x1;
	_ =	strace $0x80000049;
	[dreg:$0x1] =	wrdreg $0xFFFFFFFF  }
0xb6: {  	s28 =	simm.s32 $_size_execute0_lowered;
	s4 =	sadd.s32 s4, s6;
	[dreg:$0x0] =	wrdreg $0x0  }
0xb7: {  	s6 =	sshll.u32 s28, $0x1;
	[dreg:$0x2] =	wrdreg s4  }
0xb8: {  	[dreg:$0x3] =	wrdreg s6  }
0xb9: {  	[dreg:$0x4] =	wrdreg $0xC0  }
0xba: {  	_ =	task [dreg:s22], $0x5FFFF  }
0xbb: {  	[dreg:$0x1] =	wrdreg $0xFFFFFFFF  }
0xbc: {  	[dreg:$0x0] =	wrdreg $0x60  }
0xbd: {  	[dreg:$0x2] =	wrdreg s18  }
0xbe: {  	[dreg:$0x3] =	wrdreg s24  }
0xbf: {  	[dreg:$0x4] =	wrdreg $0x0  }
0xc0: {  	[dreg:$0x5] =	wrdreg $0xA  }
0xc1: {  	_ =	task.clear_ibuf [dreg:s22], $0x6FFFF;
	_ =	strace $0x90000049  }
0xc2: {  	s29 =	simm.s32 $0xA;
	_ =	strace $0x8000004B  }
0xc3: {  	_ =	swait.ge [sflag:s29], $0x1  }
0xc4: {  	[sflag:s29] =	ssyncadd.s32 $0xFFFFFFFF  }
0xc5: {  	_ =	strace $0x9000004B  }
0xc6: {  	_ =	sfence  }
0xc7: {  	s30 =	sld [smem:$0x0];
	_ =	sdelay $0x2  }
0xc8: {  	s31 =	sshll.u32 s1, $0xD;
	s1 =	sshrl.u32 s1, $0x2  }
0xc9: {  	s4 =	sand.u32 $0x4000, s31;
	s1 =	sadd.s32 s1, s30  }
0xca: {  	s0 =	sor.u32 s4, s0;
	s1 =	sshll.u32 s1, $0x11  }
0xcb: {  	s0 =	sor.u32 s1, s0  }
0xcc: {  	s0 =	sadd.s32 $0x8F2B, s0  }
0xcd: {  	[sflag:s0] =	ssyncadd.remote.s32 $0x1  }
0xce: {  	_ =	sfence.sel $0xFFFF  }
0xcf: {  	[dreg:$0x0] =	wrdreg $0xFFFFFFFF;
	(pc) =	sbr.abs _section_cstart, $3  }
0xd0: {  	[dreg:$0x1] =	wrdreg $0xFFFFFFFF  }
0xd1: {  	_ =	task.clear_ibuf [dreg:s22], $0x2FFFF;
	_ =	strace $0x9FFFFFFF  }
0xd2: {  	(tm) =	ssettm $0x7FFFFFFF  }
0xd3: {  	_ =	shalt  }
tec
execute0_lowered:
.L_overlay_start_1:
0x0: {  	(tag) =	ssettag $0x1  }
0x1: {  	s1 =	rddreg [dreg:$0x0]  }
0x2: {  	s7 =	rddreg [dreg:$0x1]  }
0x3: {  	s2 =	rddreg [dreg:$0x2]  }
0x4: {  	s0 =	rddreg [dreg:$0x3]  }
0x5: {  	s3 =	simm.s32 $0x0;
	s4 =	srdreg.scid;
	s14 =	simm.s32 $0x8000  }
0x6: {  	s15 =	simm.s32 $0x8080;
	s16 =	simm.s32 $0x80;
	s17 =	simm.s32 $0x8100  }
0x7: {  	s18 =	simm.s32 $0x1;
	[smem:$0x7FF] =	sst s3;
	s5 =	sadd.s32 $0x54C000, s7  }
0x8: {  	s8 =	sand.u32 $0x1, s4;
	s6 =	sadd.s32 $0x54BC00, s7;
	s4 =	stileid.u32  }
0x9: {  	_ =	strace $0x8000004A;
	s9 =	ssub.s32 $0x2, s8;
	s10 =	sshll.u32 s4, $0xC  }
0xa: {  	s12 =	sshll.u32 s4, $0xF;
	s30 =	sshll.u32 s8, $0x9;
	s31 =	sshll.u32 s4, $0x5  }
0xb: {  	s13 =	sshll.u32 s8, $0x10;
	s19 =	sshll.u32 s4, $0x6;
	s11 =	sshrl.u32 s9, $0x1  }
0xc: {  	s10 =	sadd.s32 s10, s7;
	s7 =	sadd.s32 s12, s2;
	s12 =	simm.s32 $0xC100  }
0xd: {  	s19 =	sor.u32 $0x1C02, s19;
	s11 =	ssub.s32 s9, s11;
	s8 =	sadd.s32 $0x4000, s7  }
0xe: {  	s9 =	sor.u32 s31, s30;
	s10 =	sadd.s32 s13, s10;
	s13 =	simm.s32 $0x2  }
0xf: {  	v0 =	vimm.f32 $0.0e+00;
	s20 =	sshrl.u32 s7, $0x3;
	s10 =	sadd.s32 $0x54C400, s10;
	s11 =	smax.u32 s11, $0x1  }
.LBB2_1:
0x10: {  	s21 =	simm.s32 $0x0;
	s22 =	simm.s32 $0x200  }
.LBB2_2:
0x11: {  	p0 =	sne.s32 s22, $0xFE00;
	[tilespmem:s21+$0xC170] =	vst v0  }
0x12: {  	[tilespmem:s21+$0xC100] =	vst v0  }
0x13: {  	[tilespmem:s21+$0xC110] =	vst v0  }
.Ltmp0:
0x14: {  	[tilespmem:s21+$0xC120] =	vst v0;
	(pc) =	sbr.rel @p0 .LBB2_2-.Ltmp0, $4  }
0x15: {  	[tilespmem:s21+$0xC130] =	vst v0  }
0x16: {  	[tilespmem:s21+$0xC140] =	vst v0  }
0x17: {  	[tilespmem:s21+$0xC150] =	vst v0  }
0x18: {  	[tilespmem:s21+$0xC160] =	vst v0;
	s21 =	sshra.s32 s22, $0x2;
	s22 =	sadd.s32 $0x200, s22  }
0x19: {  	[tilespmem:s21+$0xC170] =	vst v0  }
0x1a: {  	[tilespmem:s21+$0xC100] =	vst v0  }
0x1b: {  	[tilespmem:s21+$0xC110] =	vst v0  }
0x1c: {  	[tilespmem:s21+$0xC120] =	vst v0  }
0x1d: {  	[tilespmem:s21+$0xC130] =	vst v0  }
0x1e: {  	[tilespmem:s21+$0xC140] =	vst v0  }
0x1f: {  	[tilespmem:s21+$0xC150] =	vst v0  }
0x20: {  	[tilespmem:s21+$0xC160] =	vst v0  }
0x21: {  	[spmem:s7] =	stream.linear.scatter [tilespmem:s12], [sflag:$0x2], $0x4000, $0x38;
	[tilespmem:$0x10100] =	vst v63  }
0x22: {  	_ =	swait.ge [sflag:s13], $0x4000  }
0x23: {  	[sflag:s13] =	ssyncset.done $0x0  }
0x24: {  	[sflag:s13] =	ssyncadd.s32 $0xFFFFC000  }
0x25: {  	[spmem:s8] =	stream.linear.scatter [tilespmem:s12], [sflag:$0x2], $0x4000, $0x38;
	[tilespmem:$0x10100] =	vst v63  }
0x26: {  	_ =	swait.ge [sflag:s13], $0x4000  }
0x27: {  	[sflag:s13] =	ssyncset.done $0x0  }
0x28: {  	s21 =	simm.s32 $0x0;
	[sflag:s13] =	ssyncadd.s32 $0xFFFFC000  }
0x29: {  	p1 =	por $0x1, $0x1;
	s22 =	simm.s32 $0x0;
	[bflag:$0x0] =	sbarrier.arrive $0xFFFF  }
.LBB2_4:
0x2a: {  	s22 =	sor.u32 s9, s22  }
0x2b: {  	s23 =	sadd.s32 s5, s22  }
0x2c: {  	[tilespmem:s14], [sflag:$0x2] =	stream.linear.gather [hbm4b:s23+s21], $0x80, $0x38;
	[tilespmem:$0x10100] =	vst v63  }
0x2d: {  	_ =	swait.ge [sflag:s13], $0x80  }
0x2e: {  	[sflag:s13] =	ssyncset.done $0x0  }
0x2f: {  	s22 =	sadd.s32 s6, s22;
	[sflag:s13] =	ssyncadd.s32 $0xFFFFFF80  }
0x30: {  	[tilespmem:s15], [sflag:$0x2] =	stream.linear.gather [hbm4b:s22+s21], $0x80, $0x38;
	[tilespmem:$0x10100] =	vst v63  }
0x31: {  	_ =	swait.ge [sflag:s13], $0x80  }
0x32: {  	[sflag:s13] =	ssyncset.done $0x0  }
0x33: {  	[sflag:s13] =	ssyncadd.s32 $0xFFFFFF80  }
0x34: {  	[tilespmem:s17], [sflag:$0x1] =	stream.indirect.gather [hbm4b:s1+s16], $0x80, s14, s16, $0xb8;
	[tilespmem:$0x10100] =	vst v63  }
0x35: {  	_ =	swait.ge [sflag:s18], $0x4000  }
0x36: {  	[sflag:s18] =	ssyncset.done $0x0  }
0x37: {  	s22 =	simm.s32 $0x0;
	[sflag:s18] =	ssyncadd.s32 $0xFFFFC000  }
0x38: {  	v2 =	vld [tilespmem:s22+$0x8170]  }
0x39: {  	v5 =	vld [tilespmem:s22+$0x8100]  }
0x3a: {  	v6 =	vld [tilespmem:s22+$0x8110]  }
0x3b: {  	v4 =	vld [tilespmem:s22+$0x8120]  }
0x3c: {  	v3 =	vld [tilespmem:s22+$0x8130]  }
0x3d: {  	v1 =	vld [tilespmem:s22+$0x8140];
	v7 =	vmax.f32 v2, $0.0e+00  }
0x3e: {  	v2 =	vld [tilespmem:s22+$0x8150];
	v5 =	vmax.f32 v5, $0.0e+00;
	[tilespmem:s22+$0xC170] =	vst v7  }
0x3f: {  	p0 =	por p1, p1;
	s24 =	simm.s32 $0x400;
	s23 =	simm.s32 $0x80;
	v6 =	vmax.f32 v6, $0.0e+00;
	[tilespmem:s22+$0xC100] =	vst v5;
	v5 =	vld [tilespmem:s22+$0x8160]  }
.LBB2_5:
0x40: {  	p1 =	sne.s32 s24, $0xFE00;
	v7 =	vld [tilespmem:s23+$0x8170];
	[tilespmem:s22+$0xC110] =	vst v6;
	v4 =	vmax.f32 v4, $0.0e+00  }
0x41: {  	v6 =	vld [tilespmem:s23+$0x8100];
	[tilespmem:s22+$0xC120] =	vst v4;
	v3 =	vmax.f32 v3, $0.0e+00  }
0x42: {  	v8 =	vld [tilespmem:s23+$0x8110];
	[tilespmem:s22+$0xC130] =	vst v3;
	v1 =	vmax.f32 v1, $0.0e+00  }
.Ltmp1:
0x43: {  	v4 =	vld [tilespmem:s23+$0x8120];
	[tilespmem:s22+$0xC140] =	vst v1;
	v1 =	vmax.f32 v2, $0.0e+00;
	(pc) =	sbr.rel @p1 .LBB2_5-.Ltmp1, $4  }
0x44: {  	v3 =	vld [tilespmem:s23+$0x8130];
	[tilespmem:s22+$0xC150] =	vst v1;
	v2 =	vmax.f32 v5, $0.0e+00  }
0x45: {  	v1 =	vld [tilespmem:s23+$0x8140];
	v5 =	vmax.f32 v7, $0.0e+00;
	[tilespmem:s22+$0xC160] =	vst v2;
	s22 =	smov.u32 s23  }
0x46: {  	v6 =	vmax.f32 v6, $0.0e+00;
	v2 =	vld [tilespmem:s22+$0x8150];
	[tilespmem:s22+$0xC170] =	vst v5  }
0x47: {  	s23 =	sshra.s32 s24, $0x2;
	s24 =	sadd.s32 $0x200, s24;
	[tilespmem:s22+$0xC100] =	vst v6;
	v6 =	vmax.f32 v8, $0.0e+00;
	v5 =	vld [tilespmem:s22+$0x8160]  }
0x48: {  	v7 =	vld [tilespmem:s23+$0x8170];
	[tilespmem:s22+$0xC110] =	vst v6;
	v4 =	vmax.f32 v4, $0.0e+00  }
0x49: {  	v6 =	vld [tilespmem:s23+$0x8100];
	[tilespmem:s22+$0xC120] =	vst v4;
	v3 =	vmax.f32 v3, $0.0e+00  }
0x4a: {  	v4 =	vld [tilespmem:s23+$0x8110];
	[tilespmem:s22+$0xC130] =	vst v3;
	v1 =	vmax.f32 v1, $0.0e+00  }
0x4b: {  	v3 =	vld [tilespmem:s23+$0x8120];
	[tilespmem:s22+$0xC140] =	vst v1;
	v1 =	vmax.f32 v2, $0.0e+00  }
0x4c: {  	v2 =	vld [tilespmem:s23+$0x8130];
	[tilespmem:s22+$0xC150] =	vst v1;
	v1 =	vmax.f32 v5, $0.0e+00  }
0x4d: {  	v61 =	vld [tilespmem:s23+$0x8140];
	[tilespmem:s22+$0xC160] =	vst v1;
	v1 =	vmax.f32 v7, $0.0e+00  }
0x4e: {  	v62 =	vld [tilespmem:s23+$0x8150];
	v6 =	vmax.f32 v6, $0.0e+00;
	[tilespmem:s23+$0xC170] =	vst v1  }
0x4f: {  	v63 =	vld [tilespmem:s23+$0x8160];
	[tilespmem:s23+$0xC100] =	vst v6;
	v1 =	vmax.f32 v4, $0.0e+00  }
0x50: {  	[tilespmem:s23+$0xC110] =	vst v1;
	v1 =	vmax.f32 v3, $0.0e+00  }
0x51: {  	[tilespmem:s23+$0xC120] =	vst v1;
	v1 =	vmax.f32 v2, $0.0e+00  }
0x52: {  	[tilespmem:s23+$0xC130] =	vst v1;
	v1 =	vmax.f32 v61, $0.0e+00  }
0x53: {  	[tilespmem:s23+$0xC140] =	vst v1;
	v1 =	vmax.f32 v62, $0.0e+00  }
0x54: {  	[tilespmem:s23+$0xC150] =	vst v1;
	v1 =	vmax.f32 v63, $0.0e+00  }
.Ltmp2:
0x55: {  	[tilespmem:s23+$0xC160] =	vst v1;
	(pc) =	sbr.rel @p0 .LBB2_4-.Ltmp2, $4  }
0x56: {  	[spmem:s2] =	stream.indirect.scatter.add.f32 [tilespmem:s12], [sflag:$0x2], $0x80, s15, s16, $0xb8;
	[tilespmem:$0x10100] =	vst v63  }
0x57: {  	_ =	swait.ge [sflag:s13], $0x4000  }
0x58: {  	[sflag:s13] =	ssyncset.done $0x0  }
0x59: {  	p1 =	por $0x0, $0x0;
	s22 =	simm.s32 $0x10;
	[sflag:s13] =	ssyncadd.s32 $0xFFFFC000  }
0x5a: {  	s3 =	sadd.s32 $0x1, s3  }
0x5b: {  	p0 =	sne.s32 s3, s11  }
.Ltmp3:
0x5c: {  	[bflag:$0x0] =	sbarrier.arrive $0xFFFF;
	(pc) =	sbr.rel @p0 .LBB2_1-.Ltmp3, $4  }
0x5d: {  	[hbm:s10], [sflag:s19] =	dma.local [spmem:s20], $0x1000  }
0x5e: {  	_ =	swait.ge [sflag:s13], $0x1000  }
0x5f: {  	[sflag:s13] =	ssyncset.done $0x0  }
0x60: {  	[sflag:s13] =	ssyncadd.s32 $0xFFFFF000  }
0x61: {  	_ =	sfence.sel $0x180000  }
0x62: {  	[bflag:$0x0] =	sbarrier.arrive $0xFFFF  }
0x63: {  	p0 =	sne.s32 s4, $0x0;
	_ =	strace $0x9000004A  }
0x64: {  	s0 =	sadd.s32 @!p0 $0x100000, s0;
	[bflag:$0x2] =	sbarrier.arrive $0xFFFF  }
0x65: {  	[sflag:s0] =	ssyncadd.tile.s32 @!p0 $0x1;
	_ =	shalt  }
.Lfunc_end2:
_tile_overlayer_lowered:
.L_overlay_start_2:
0x66: {  	(tag) =	ssettag $0x2  }
0x67: {  	s0 =	rddreg [dreg:$0x0];
	s2 =	stileid.u32  }
0x68: {  	s1 =	rddreg [dreg:$0x1];
	p0 =	sne.s32 s2, $0x0  }
0x69: {  	s3 =	rddreg [dreg:$0x2];
	[bflag:$0x3] =	sbarrier.arrive $0xFFFF;
	s2 =	simm.s32 @!p0 $0x1C02  }
0x6a: {  	[timem:s3], [sflag:s2] =	dma.local @!p0 [hbm:s0], s1  }
0x6b: {  	s0 =	simm.s32 @!p0 $0x2  }
0x6c: {  	_ =	swait.ge @!p0 [sflag:s0], s1  }
0x6d: {  	s1 =	ssub.s32 @!p0 $0x0, s1;
	[sflag:s0] =	ssyncset.done @!p0 $0x0  }
0x6e: {  	[sflag:s0] =	ssyncadd.s32 @!p0 s1  }
0x6f: {  	[bflag:$0x3] =	sbarrier.arrive $0xFFFF  }
0x70: {  	_ =	shalt  }

// kernel: kernel.26.cloned.1.call-start
scs
__scs_entry_jumppad:
0x0: {  	(pc) =	sbr.rel $0x88, $3  }
0x1: {  	(tag) =	ssettag $0x0;
	lr =	simm.s32 $0x1  }
0x2: {  	[smem:$0x3F91] =	sst lr;
	_ =	strace $0xD0000000  }
0x3: {  	_ = 	snop  }
0x4: {  	_ = 	snop  }
0x5: {  	_ = 	snop  }
0x6: {  	_ = 	snop  }
0x7: {  	_ = 	snop  }
__scs_overlays_trampoline_lowered:
0x8: {  	[smem:$0x3FA0] =	sst s0  }
0x9: {  	[smem:$0x3FA1] =	sst s1  }
0xa: {  	[smem:$0x3FA2] =	sst s2  }
0xb: {  	[smem:$0x3FA3] =	sst s3  }
0xc: {  	[smem:$0x3FA4] =	sst s4  }
0xd: {  	[smem:$0x3FA5] =	sst s5  }
0xe: {  	[smem:$0x3FA6] =	sst s6  }
0xf: {  	[smem:$0x3FA7] =	sst s7  }
0x10: {  	[smem:$0x3FA8] =	sst s8  }
0x11: {  	[smem:$0x3FA9] =	sst s9;
	s0 =	simm.s32 @!p0 $0x0  }
0x12: {  	s1 =	sld [smem:$0x3F8F];
	s0 =	simm.s32 @p0 $0x1  }
0x13: {  	[smem:$0x3FAA] =	sst s0;
	s0 =	simm.s32 @!p1 $0x0  }
0x14: {  	s2 =	sld [smem:$0x3F8E];
	s0 =	simm.s32 @p1 $0x1  }
0x15: {  	[smem:$0x3FAB] =	sst s0;
	s0 =	simm.s32 @!p2 $0x0  }
0x16: {  	s3 =	sld [smem:$0x3FDB];
	s0 =	simm.s32 @p2 $0x1  }
0x17: {  	s4 =	simm.s32 $0x1BF5;
	[smem:$0x3FAD] =	sst s0  }
0x18: {  	s0 =	sld [smem:$0x3F90];
	_ =	swait.ge [sflag:s4], $0x0  }
0x19: {  	s7 =	sld [smem:$0x3F91]  }
0x1a: {  	s8 =	sadd.s32 $0xFFFFE003, lr  }
0x1b: {  	s9 =	sadd.s32 $0xFFFFFEF7, lr;
	s5 =	simm.s32 $0xFFFFFFFF;
	p2 =	slt.u32 s8, $0xFFFFF086  }
0x1c: {  	p1 =	slt.u32 s9, $0xF7A;
	s5 =	simm.s32 @!p2 $0x0  }
0x1d: {  	s5 =	simm.s32 @p1 $0x1;
	p0 =	seq.s32 s7, s2  }
0x1e: {  	s7 =	smul.u32 @!p0 $0xF7A, s2;
	p2 =	seq.s32 @!p0 s5, $0x0  }
0x1f: {  	s9 =	smul.u32 $0xF7A, s1;
	s8 =	simm.s32 @!p0 $0x1BF5;
	p2 =	por !p2, p0  }
0x20: {  	[sflag:s8] =	ssyncset.s32 @!p0 $0xFFFFF086;
	s6 =	sadd.s32 @!p0 s3, s7;
	s7 =	simm.s32 @!p0 $0x108  }
0x21: {  	s3 =	sadd.s32 s3, s9;
	s6 =	sadd.s32 @!p0 $0x88, s6;
	s7 =	simm.s32 @p2 $0x1082  }
0x22: {  	[simem:s7], [sflag:s8] =	dma.local @!p0 [hbm:s6], $0xF7A  }
0x23: {  	s9 =	sor.u32 $0xD0000000, s2;
	s6 =	simm.s32 $0x108;
	_ =	swait.ge @!p0 [sflag:s8], $0x0  }
0x24: {  	s3 =	sadd.s32 $0x88, s3;
	s6 =	simm.s32 @!p1 $0x1082;
	[sflag:s4] =	ssyncset.s32 $0xFFFFF086  }
0x25: {  	[simem:s6], [sflag:s4] =	dma.local [hbm:s3], $0xF7A  }
0x26: {  	[smem:$0x3F91] =	sst s1;
	(tag) =	ssettag s2;
	_ =	strace s9  }
0x27: {  	s1 =	sld [smem:$0x3FA1]  }
0x28: {  	s2 =	sld [smem:$0x3FA2]  }
0x29: {  	s4 =	sld [smem:$0x3FA4]  }
0x2a: {  	p0 =	seq.s32 s5, $0x0;
	s5 =	sld [smem:$0x3FA5]  }
0x2b: {  	s6 =	sld [smem:$0x3FA6]  }
0x2c: {  	s7 =	sld [smem:$0x3FA7]  }
0x2d: {  	s3 =	simm.s32 $0x108;
	s8 =	sld [smem:$0x3FA8]  }
0x2e: {  	s3 =	simm.s32 @!p0 $0x1082;
	s9 =	sld [smem:$0x3FA9]  }
0x2f: {  	lr =	sadd.s32 s0, s3;
	s0 =	sld [smem:$0x3FA0]  }
0x30: {  	s3 =	sld [smem:$0x3FA3]  }
0x31: {  	[smem:$0x3FAC] =	sst s10  }
0x32: {  	s10 =	sld [smem:$0x3FAA];
	_ =	sdelay $0x3  }
0x33: {  	p0 =	seq.s32 s10, $0x1;
	s10 =	sld [smem:$0x3FAC];
	_ =	sdelay $0x3  }
0x34: {  	[smem:$0x3FAC] =	sst s10  }
0x35: {  	s10 =	sld [smem:$0x3FAB];
	_ =	sdelay $0x3  }
0x36: {  	p1 =	seq.s32 s10, $0x1;
	s10 =	sld [smem:$0x3FAC];
	_ =	sdelay $0x3  }
0x37: {  	[smem:$0x3FAC] =	sst s10  }
0x38: {  	s10 =	sld [smem:$0x3FAD]  }
0x39: {  	_ = 	snop;
	(pc) =	sbr.ind lr, $3  }
0x3a: {  	_ = 	snop  }
0x3b: {  	_ = 	snop  }
0x3c: {  	p2 =	seq.s32 s10, $0x1;
	s10 =	sld [smem:$0x3FAC]  }
0x3d: {  	_ =	shalt  }
0x3e: {  	_ =	shalt  }
0x3f: {  	_ =	shalt  }
0x40: {  	_ =	shalt  }
0x41: {  	_ =	shalt  }
0x42: {  	_ =	shalt  }
0x43: {  	_ =	shalt  }
0x44: {  	_ =	shalt  }
0x45: {  	_ =	shalt  }
0x46: {  	_ =	shalt  }
0x47: {  	_ =	shalt  }
0x48: {  	_ =	shalt  }
0x49: {  	_ =	shalt  }
0x4a: {  	_ =	shalt  }
0x4b: {  	_ =	shalt  }
0x4c: {  	_ =	shalt  }
0x4d: {  	_ =	shalt  }
0x4e: {  	_ =	shalt  }
0x4f: {  	_ =	shalt  }
0x50: {  	_ =	shalt  }
0x51: {  	_ =	shalt  }
0x52: {  	_ =	shalt  }
0x53: {  	_ =	shalt  }
0x54: {  	_ =	shalt  }
0x55: {  	_ =	shalt  }
0x56: {  	_ =	shalt  }
0x57: {  	_ =	shalt  }
0x58: {  	_ =	shalt  }
0x59: {  	_ =	shalt  }
0x5a: {  	_ =	shalt  }
0x5b: {  	_ =	shalt  }
0x5c: {  	_ =	shalt  }
0x5d: {  	_ =	shalt  }
0x5e: {  	_ =	shalt  }
0x5f: {  	_ =	shalt  }
0x60: {  	_ =	shalt  }
0x61: {  	_ =	shalt  }
0x62: {  	_ =	shalt  }
0x63: {  	_ =	shalt  }
0x64: {  	_ =	shalt  }
0x65: {  	_ =	shalt  }
0x66: {  	_ =	shalt  }
0x67: {  	_ =	shalt  }
0x68: {  	_ =	shalt  }
0x69: {  	_ =	shalt  }
0x6a: {  	_ =	shalt  }
0x6b: {  	_ =	shalt  }
0x6c: {  	_ =	shalt  }
0x6d: {  	_ =	shalt  }
0x6e: {  	_ =	shalt  }
0x6f: {  	_ =	shalt  }
0x70: {  	_ =	shalt  }
0x71: {  	_ =	shalt  }
0x72: {  	_ =	shalt  }
0x73: {  	_ =	shalt  }
0x74: {  	_ =	shalt  }
0x75: {  	_ =	shalt  }
0x76: {  	_ =	shalt  }
0x77: {  	_ =	shalt  }
0x78: {  	_ =	shalt  }
0x79: {  	_ =	shalt  }
0x7a: {  	_ =	shalt  }
0x7b: {  	_ =	shalt  }
0x7c: {  	_ =	shalt  }
0x7d: {  	_ =	shalt  }
0x7e: {  	_ =	shalt  }
0x7f: {  	_ =	shalt  }
0x80: {  	_ =	shalt  }
0x81: {  	_ =	shalt  }
0x82: {  	_ =	shalt  }
0x83: {  	_ =	shalt  }
0x84: {  	_ =	shalt  }
0x85: {  	_ =	shalt  }
0x86: {  	_ =	shalt  }
0x87: {  	_ =	shalt  }
.Lfunc_end0:
.L_simem_size_0:
called_computation.4_lowered:
.L_overlay_start_0:
0x88: {  	s2 =	sld [smem:$0x3FD9]  }
0x89: {  	s3 =	sld [smem:$0x3FFE];
	_ =	sdelay $0x1  }
0x8a: {  	s1 =	srdreg.scid  }
0x8b: {  	s0 =	sand.u32 $0x1, s1  }
0x8c: {  	s17 =	sshll.u32 s0, $0xA;
	s2 =	sadd.s32 s3, s2  }
0x8d: {  	s2 =	sadd.s32 s2, s17  }
0x8e: {  	[smem:$0x3FB8] =	sst s2  }
0x8f: {  	_ = 	snop  }
0x90: {  	(tm) =	ssettm $0x1  }
0x91: {  	s18 =	sld [smem:$0x3FFB];
	_ =	sdelay $0x3  }
0x92: {  	_ =	strace s18  }
0x93: {  	s2 =	sld [smem:$0x3FFC];
	_ =	sdelay $0x3  }
0x94: {  	_ =	strace s2  }
0x95: {  	s2 =	sld [smem:$0x3FFD];
	_ =	sdelay $0x3  }
0x96: {  	_ =	strace s2  }
0x97: {  	_ =	strace $0x8FFFFFFF  }
0x98: {  	s19 =	sld [smem:$0x3FDB];
	_ =	sdelay $0x1  }
0x99: {  	s20 =	simm.s32 $_scs_section_size  }
0x9a: {  	s4 =	simm.s32 $_size__tile_overlayer_lowered;
	s5 =	simm.s32 $_tile_overlayer_lowered  }
0x9b: {  	s6 =	simm.s32 $0x1BFF;
	s21 =	sshll.u32 s5, $0x1;
	s3 =	sadd.s32 s20, s19  }
0x9c: {  	s22 =	simm.s32 $0x0;
	s4 =	sshll.u32 s4, $0x1;
	s5 =	sadd.s32 s21, s3  }
0x9d: {  	[timem:s22], [sflag:s6] =	dma.local [hbm:s5], s4  }
0x9e: {  	_ =	swait.ge [sflag:s6], s4  }
0x9f: {  	s4 =	ssub.s32 $0x0, s4;
	[sflag:s6] =	ssyncset.done $0x0  }
0xa0: {  	[sflag:s6] =	ssyncadd.s32 s4;
	_ =	sdelay $0x1  }
0xa1: {  	s23 =	simm.s32 $0x1B8B  }
0xa2: {  	_ =	swait.ge [sflag:s23], $0x1  }
0xa3: {  	[sflag:s23] =	ssyncset.done $0x0  }
0xa4: {  	[sflag:s23] =	ssyncadd.s32 $0xFFFFFFFF  }
0xa5: {  	s4 =	sld [smem:$0x0]  }
0xa6: {  	s5 =	sand.u32 $0xFFFFFFFE, s1  }
0xa7: {  	p0 =	sne.s32 s1, s5  }
0xa8: {  	s5 =	sshll.u32 @p0 s5, $0xE  }
0xa9: {  	s5 =	sadd.s32 @p0 $0x11B8D, s5;
	s6 =	sshll.u32 @p0 s4, $0x11  }
0xaa: {  	s5 =	sor.u32 @p0 s6, s5  }
0xab: {  	[sflag:s5] =	ssyncadd.remote.s32 @p0 $0x1;
	_ =	sdelay $0x1  }
0xac: {  	s5 =	simm.s32 @p0 $0x1B8D  }
0xad: {  	_ =	swait.eq @p0 [sflag:s5], $0x1  }
0xae: {  	[sflag:s5] =	ssyncadd.s32 @p0 $0xFFFFFFFF  }
0xaf: {  	s6 =	sshll.u32 @!p0 s1, $0xE  }
0xb0: {  	s6 =	sor.u32 @!p0 $0x4000, s6;
	s5 =	simm.s32 @!p0 $0x1B8D  }
0xb1: {  	s4 =	sshll.u32 @!p0 s4, $0x11;
	s6 =	sadd.s32 @!p0 $0x11B8D, s6;
	_ =	swait.eq @!p0 [sflag:s5], $0x1  }
0xb2: {  	s4 =	sor.u32 @!p0 s4, s6;
	[sflag:s5] =	ssyncadd.s32 @!p0 $0xFFFFFFFF  }
0xb3: {  	s25 =	simm.s32 $0x1B8E;
	s24 =	sld [smem:$0x3FFE];
	[sflag:s4] =	ssyncadd.remote.s32 @!p0 $0x1  }
0xb4: {  	s26 =	simm.s32 $execute0_lowered;
	[smem:$0x3FD2] =	sst s25  }
0xb5: {  	s5 =	sshll.u32 s26, $0x1;
	_ =	strace $0x8000004F;
	[dreg:$0x1] =	wrdreg $0xFFFFFFFF  }
0xb6: {  	s28 =	simm.s32 $_size_execute0_lowered;
	s3 =	sadd.s32 s3, s5;
	[dreg:$0x0] =	wrdreg $0x0  }
0xb7: {  	s5 =	sshll.u32 s28, $0x1;
	[dreg:$0x2] =	wrdreg s3  }
0xb8: {  	[dreg:$0x3] =	wrdreg s5  }
0xb9: {  	[dreg:$0x4] =	wrdreg $0xC0  }
0xba: {  	_ =	task [dreg:s22], $0x5FFFF  }
0xbb: {  	[dreg:$0x1] =	wrdreg $0xFFFFFFFF  }
0xbc: {  	[dreg:$0x0] =	wrdreg $0x60  }
0xbd: {  	[dreg:$0x2] =	wrdreg s24  }
0xbe: {  	[dreg:$0x3] =	wrdreg $0x0  }
0xbf: {  	[dreg:$0x4] =	wrdreg $0xA  }
0xc0: {  	_ =	task.clear_ibuf [dreg:s22], $0x5FFFF;
	_ =	strace $0x9000004F  }
0xc1: {  	s29 =	simm.s32 $0xA;
	_ =	strace $0x80000051  }
0xc2: {  	_ =	swait.ge [sflag:s29], $0x1  }
0xc3: {  	[sflag:s29] =	ssyncadd.s32 $0xFFFFFFFF  }
0xc4: {  	_ =	strace $0x90000051  }
0xc5: {  	_ =	sfence  }
0xc6: {  	s30 =	sld [smem:$0x0];
	_ =	sdelay $0x2  }
0xc7: {  	s31 =	sshll.u32 s1, $0xD;
	s1 =	sshrl.u32 s1, $0x2  }
0xc8: {  	s4 =	sand.u32 $0x4000, s31;
	s1 =	sadd.s32 s1, s30  }
0xc9: {  	s0 =	sor.u32 s4, s0;
	s1 =	sshll.u32 s1, $0x11  }
0xca: {  	s0 =	sor.u32 s1, s0  }
0xcb: {  	s0 =	sadd.s32 $0x8F2B, s0  }
0xcc: {  	[sflag:s0] =	ssyncadd.remote.s32 $0x1  }
0xcd: {  	_ =	sfence.sel $0xFFFF  }
0xce: {  	[dreg:$0x0] =	wrdreg $0xFFFFFFFF;
	(pc) =	sbr.abs _section_cstart, $3  }
0xcf: {  	[dreg:$0x1] =	wrdreg $0xFFFFFFFF  }
0xd0: {  	_ =	task.clear_ibuf [dreg:s22], $0x2FFFF;
	_ =	strace $0x9FFFFFFF  }
0xd1: {  	(tm) =	ssettm $0x7FFFFFFF  }
tec
execute0_lowered:
.L_overlay_start_1:
0x0: {  	(tag) =	ssettag $0x1  }
0x1: {  	s7 =	rddreg [dreg:$0x0]  }
0x2: {  	s1 =	rddreg [dreg:$0x1]  }
0x3: {  	s0 =	rddreg [dreg:$0x2];
	s2 =	simm.s32 $0x0  }
0x4: {  	s3 =	srdreg.scid;
	s14 =	simm.s32 $0x8000;
	s15 =	simm.s32 $0x8080  }
0x5: {  	s16 =	simm.s32 $0x80;
	s17 =	simm.s32 $0x8100;
	s18 =	simm.s32 $0x1  }
0x6: {  	[smem:$0x7FF] =	sst s2;
	s4 =	sadd.s32 $0x54C400, s7;
	s5 =	sadd.s32 $0x54C000, s7  }
0x7: {  	s8 =	sand.u32 $0x1, s3;
	s6 =	sadd.s32 $0x54BC00, s7;
	s3 =	stileid.u32  }
0x8: {  	_ =	strace $0x80000050;
	s9 =	ssub.s32 $0x2, s8;
	s10 =	sshll.u32 s3, $0xC  }
0x9: {  	s12 =	sshll.u32 s3, $0xF;
	s30 =	sshll.u32 s8, $0x9;
	s31 =	sshll.u32 s3, $0x5  }
0xa: {  	s13 =	sshll.u32 s8, $0x10;
	s19 =	sshll.u32 s3, $0x6;
	s11 =	sshrl.u32 s9, $0x1  }
0xb: {  	s10 =	sadd.s32 s10, s7;
	s7 =	sadd.s32 s12, s1;
	s12 =	simm.s32 $0xC100  }
0xc: {  	s19 =	sor.u32 $0x1C02, s19;
	s11 =	ssub.s32 s9, s11;
	s8 =	sadd.s32 $0x4000, s7  }
0xd: {  	s9 =	sor.u32 s31, s30;
	s10 =	sadd.s32 s13, s10;
	s13 =	simm.s32 $0x2  }
0xe: {  	v0 =	vimm.f32 $0.0e+00;
	s20 =	sshrl.u32 s7, $0x3;
	s10 =	sadd.s32 $0x527000, s10;
	s11 =	smax.u32 s11, $0x1  }
.LBB2_1:
0xf: {  	s21 =	simm.s32 $0x0;
	s22 =	simm.s32 $0x200  }
.LBB2_2:
0x10: {  	p0 =	sne.s32 s22, $0xFE00;
	[tilespmem:s21+$0xC170] =	vst v0  }
0x11: {  	[tilespmem:s21+$0xC100] =	vst v0  }
0x12: {  	[tilespmem:s21+$0xC110] =	vst v0  }
.Ltmp0:
0x13: {  	[tilespmem:s21+$0xC120] =	vst v0;
	(pc) =	sbr.rel @p0 .LBB2_2-.Ltmp0, $4  }
0x14: {  	[tilespmem:s21+$0xC130] =	vst v0  }
0x15: {  	[tilespmem:s21+$0xC140] =	vst v0  }
0x16: {  	[tilespmem:s21+$0xC150] =	vst v0  }
0x17: {  	[tilespmem:s21+$0xC160] =	vst v0;
	s21 =	sshra.s32 s22, $0x2;
	s22 =	sadd.s32 $0x200, s22  }
0x18: {  	[tilespmem:s21+$0xC170] =	vst v0  }
0x19: {  	[tilespmem:s21+$0xC100] =	vst v0  }
0x1a: {  	[tilespmem:s21+$0xC110] =	vst v0  }
0x1b: {  	[tilespmem:s21+$0xC120] =	vst v0  }
0x1c: {  	[tilespmem:s21+$0xC130] =	vst v0  }
0x1d: {  	[tilespmem:s21+$0xC140] =	vst v0  }
0x1e: {  	[tilespmem:s21+$0xC150] =	vst v0  }
0x1f: {  	[tilespmem:s21+$0xC160] =	vst v0  }
0x20: {  	[spmem:s7] =	stream.linear.scatter [tilespmem:s12], [sflag:$0x2], $0x4000, $0x38;
	[tilespmem:$0x10100] =	vst v63  }
0x21: {  	_ =	swait.ge [sflag:s13], $0x4000  }
0x22: {  	[sflag:s13] =	ssyncset.done $0x0  }
0x23: {  	[sflag:s13] =	ssyncadd.s32 $0xFFFFC000  }
0x24: {  	[spmem:s8] =	stream.linear.scatter [tilespmem:s12], [sflag:$0x2], $0x4000, $0x38;
	[tilespmem:$0x10100] =	vst v63  }
0x25: {  	_ =	swait.ge [sflag:s13], $0x4000  }
0x26: {  	[sflag:s13] =	ssyncset.done $0x0  }
0x27: {  	s21 =	simm.s32 $0x0;
	[sflag:s13] =	ssyncadd.s32 $0xFFFFC000  }
0x28: {  	p1 =	por $0x1, $0x1;
	s22 =	simm.s32 $0x0;
	[bflag:$0x0] =	sbarrier.arrive $0xFFFF  }
.LBB2_4:
0x29: {  	s22 =	sor.u32 s9, s22  }
0x2a: {  	s23 =	sadd.s32 s5, s22  }
0x2b: {  	[tilespmem:s14], [sflag:$0x2] =	stream.linear.gather [hbm4b:s23+s21], $0x80, $0x38;
	[tilespmem:$0x10100] =	vst v63  }
0x2c: {  	_ =	swait.ge [sflag:s13], $0x80  }
0x2d: {  	[sflag:s13] =	ssyncset.done $0x0  }
0x2e: {  	s22 =	sadd.s32 s6, s22;
	[sflag:s13] =	ssyncadd.s32 $0xFFFFFF80  }
0x2f: {  	[tilespmem:s15], [sflag:$0x2] =	stream.linear.gather [hbm4b:s22+s21], $0x80, $0x38;
	[tilespmem:$0x10100] =	vst v63  }
0x30: {  	_ =	swait.ge [sflag:s13], $0x80  }
0x31: {  	[sflag:s13] =	ssyncset.done $0x0  }
0x32: {  	[sflag:s13] =	ssyncadd.s32 $0xFFFFFF80  }
0x33: {  	[tilespmem:s17], [sflag:$0x1] =	stream.indirect.gather [hbm4b:s4+s16], $0x80, s14, s16, $0xb8;
	[tilespmem:$0x10100] =	vst v63  }
0x34: {  	_ =	swait.ge [sflag:s18], $0x4000  }
0x35: {  	[sflag:s18] =	ssyncset.done $0x0  }
0x36: {  	s22 =	simm.s32 $0x0;
	[sflag:s18] =	ssyncadd.s32 $0xFFFFC000  }
0x37: {  	v2 =	vld [tilespmem:s22+$0x8170]  }
0x38: {  	v5 =	vld [tilespmem:s22+$0x8100]  }
0x39: {  	v6 =	vld [tilespmem:s22+$0x8110]  }
0x3a: {  	v4 =	vld [tilespmem:s22+$0x8120]  }
0x3b: {  	v3 =	vld [tilespmem:s22+$0x8130]  }
0x3c: {  	v1 =	vld [tilespmem:s22+$0x8140];
	v7 =	vmax.f32 v2, $0.0e+00  }
0x3d: {  	v2 =	vld [tilespmem:s22+$0x8150];
	v5 =	vmax.f32 v5, $0.0e+00;
	[tilespmem:s22+$0xC170] =	vst v7  }
0x3e: {  	p0 =	por p1, p1;
	s24 =	simm.s32 $0x400;
	s23 =	simm.s32 $0x80;
	v6 =	vmax.f32 v6, $0.0e+00;
	[tilespmem:s22+$0xC100] =	vst v5;
	v5 =	vld [tilespmem:s22+$0x8160]  }
.LBB2_5:
0x3f: {  	p1 =	sne.s32 s24, $0xFE00;
	v7 =	vld [tilespmem:s23+$0x8170];
	[tilespmem:s22+$0xC110] =	vst v6;
	v4 =	vmax.f32 v4, $0.0e+00  }
0x40: {  	v6 =	vld [tilespmem:s23+$0x8100];
	[tilespmem:s22+$0xC120] =	vst v4;
	v3 =	vmax.f32 v3, $0.0e+00  }
0x41: {  	v8 =	vld [tilespmem:s23+$0x8110];
	[tilespmem:s22+$0xC130] =	vst v3;
	v1 =	vmax.f32 v1, $0.0e+00  }
.Ltmp1:
0x42: {  	v4 =	vld [tilespmem:s23+$0x8120];
	[tilespmem:s22+$0xC140] =	vst v1;
	v1 =	vmax.f32 v2, $0.0e+00;
	(pc) =	sbr.rel @p1 .LBB2_5-.Ltmp1, $4  }
0x43: {  	v3 =	vld [tilespmem:s23+$0x8130];
	[tilespmem:s22+$0xC150] =	vst v1;
	v2 =	vmax.f32 v5, $0.0e+00  }
0x44: {  	v1 =	vld [tilespmem:s23+$0x8140];
	v5 =	vmax.f32 v7, $0.0e+00;
	[tilespmem:s22+$0xC160] =	vst v2;
	s22 =	smov.u32 s23  }
0x45: {  	v6 =	vmax.f32 v6, $0.0e+00;
	v2 =	vld [tilespmem:s22+$0x8150];
	[tilespmem:s22+$0xC170] =	vst v5  }
0x46: {  	s23 =	sshra.s32 s24, $0x2;
	s24 =	sadd.s32 $0x200, s24;
	[tilespmem:s22+$0xC100] =	vst v6;
	v6 =	vmax.f32 v8, $0.0e+00;
	v5 =	vld [tilespmem:s22+$0x8160]  }
0x47: {  	v7 =	vld [tilespmem:s23+$0x8170];
	[tilespmem:s22+$0xC110] =	vst v6;
	v4 =	vmax.f32 v4, $0.0e+00  }
0x48: {  	v6 =	vld [tilespmem:s23+$0x8100];
	[tilespmem:s22+$0xC120] =	vst v4;
	v3 =	vmax.f32 v3, $0.0e+00  }
0x49: {  	v4 =	vld [tilespmem:s23+$0x8110];
	[tilespmem:s22+$0xC130] =	vst v3;
	v1 =	vmax.f32 v1, $0.0e+00  }
0x4a: {  	v3 =	vld [tilespmem:s23+$0x8120];
	[tilespmem:s22+$0xC140] =	vst v1;
	v1 =	vmax.f32 v2, $0.0e+00  }
0x4b: {  	v2 =	vld [tilespmem:s23+$0x8130];
	[tilespmem:s22+$0xC150] =	vst v1;
	v1 =	vmax.f32 v5, $0.0e+00  }
0x4c: {  	v61 =	vld [tilespmem:s23+$0x8140];
	[tilespmem:s22+$0xC160] =	vst v1;
	v1 =	vmax.f32 v7, $0.0e+00  }
0x4d: {  	v62 =	vld [tilespmem:s23+$0x8150];
	v6 =	vmax.f32 v6, $0.0e+00;
	[tilespmem:s23+$0xC170] =	vst v1  }
0x4e: {  	v63 =	vld [tilespmem:s23+$0x8160];
	[tilespmem:s23+$0xC100] =	vst v6;
	v1 =	vmax.f32 v4, $0.0e+00  }
0x4f: {  	[tilespmem:s23+$0xC110] =	vst v1;
	v1 =	vmax.f32 v3, $0.0e+00  }
0x50: {  	[tilespmem:s23+$0xC120] =	vst v1;
	v1 =	vmax.f32 v2, $0.0e+00  }
0x51: {  	[tilespmem:s23+$0xC130] =	vst v1;
	v1 =	vmax.f32 v61, $0.0e+00  }
0x52: {  	[tilespmem:s23+$0xC140] =	vst v1;
	v1 =	vmax.f32 v62, $0.0e+00  }
0x53: {  	[tilespmem:s23+$0xC150] =	vst v1;
	v1 =	vmax.f32 v63, $0.0e+00  }
.Ltmp2:
0x54: {  	[tilespmem:s23+$0xC160] =	vst v1;
	(pc) =	sbr.rel @p0 .LBB2_4-.Ltmp2, $4  }
0x55: {  	[spmem:s1] =	stream.indirect.scatter.add.f32 [tilespmem:s12], [sflag:$0x2], $0x80, s15, s16, $0xb8;
	[tilespmem:$0x10100] =	vst v63  }
0x56: {  	_ =	swait.ge [sflag:s13], $0x4000  }
0x57: {  	[sflag:s13] =	ssyncset.done $0x0  }
0x58: {  	p1 =	por $0x0, $0x0;
	s22 =	simm.s32 $0x10;
	[sflag:s13] =	ssyncadd.s32 $0xFFFFC000  }
0x59: {  	s2 =	sadd.s32 $0x1, s2  }
0x5a: {  	p0 =	sne.s32 s2, s11  }
.Ltmp3:
0x5b: {  	[bflag:$0x0] =	sbarrier.arrive $0xFFFF;
	(pc) =	sbr.rel @p0 .LBB2_1-.Ltmp3, $4  }
0x5c: {  	[hbm:s10], [sflag:s19] =	dma.local [spmem:s20], $0x1000  }
0x5d: {  	_ =	swait.ge [sflag:s13], $0x1000  }
0x5e: {  	[sflag:s13] =	ssyncset.done $0x0  }
0x5f: {  	[sflag:s13] =	ssyncadd.s32 $0xFFFFF000  }
0x60: {  	_ =	sfence.sel $0x180000  }
0x61: {  	[bflag:$0x0] =	sbarrier.arrive $0xFFFF  }
0x62: {  	p0 =	sne.s32 s3, $0x0;
	_ =	strace $0x90000050  }
0x63: {  	s0 =	sadd.s32 @!p0 $0x100000, s0;
	[bflag:$0x2] =	sbarrier.arrive $0xFFFF  }
0x64: {  	[sflag:s0] =	ssyncadd.tile.s32 @!p0 $0x1;
	_ =	shalt  }
.Lfunc_end2:
_tile_overlayer_lowered:
.L_overlay_start_2:
0x65: {  	(tag) =	ssettag $0x2  }
0x66: {  	s0 =	rddreg [dreg:$0x0];
	s2 =	stileid.u32  }
0x67: {  	s1 =	rddreg [dreg:$0x1];
	p0 =	sne.s32 s2, $0x0  }
0x68: {  	s3 =	rddreg [dreg:$0x2];
	[bflag:$0x3] =	sbarrier.arrive $0xFFFF;
	s2 =	simm.s32 @!p0 $0x1C02  }
0x69: {  	[timem:s3], [sflag:s2] =	dma.local @!p0 [hbm:s0], s1  }
0x6a: {  	s0 =	simm.s32 @!p0 $0x2  }
0x6b: {  	_ =	swait.ge @!p0 [sflag:s0], s1  }
0x6c: {  	s1 =	ssub.s32 @!p0 $0x0, s1;
	[sflag:s0] =	ssyncset.done @!p0 $0x0  }
0x6d: {  	[sflag:s0] =	ssyncadd.s32 @!p0 s1  }
0x6e: {  	[bflag:$0x3] =	sbarrier.arrive $0xFFFF  }
0x6f: {  	_ =	shalt  }

</sc_bundles>
